<compile_context>
chip_gen: v7x
topology: tpu7x:2x2x1
jax: 0.10.2.dev20260603
libtpu: 0.0.44.dev20260713+nightly
codegen_flags: <defaults>
</compile_context>

<pallas_src>
import jax
import jax.numpy as jnp
from jax import lax
from jax.experimental import pallas as pl
from jax.experimental.pallas import tpu as pltpu
from jax.experimental.pallas import tpu_sc as plsc

_CENTER_VARIANCE = 0.1
_SIZE_VARIANCE = 0.2
_IOU_THRESHOLD = 0.45
_SCORE_THRESHOLD = 0.01
_TOPK = 100

_B = 8
_N = 20000
_NP = 20480
_C = 80
_PAIRS = _B * _C
_KPAD = 112
_LANES = 16



_A = 2048


def _softmax_decode_body(cls_ref, box_ref, scores_ref, boxes_ref):
    i = pl.program_id(1)
    valid = (i * _A + lax.broadcasted_iota(jnp.int32, (_A, 1), 0)) < _N

    s = jnp.where(valid, cls_ref[0], 0.0)
    scores_ref[0] = s.T
    bxs = jnp.where(valid, box_ref[0], 0.0)
    boxes_ref[0] = bxs.T


def _softmax_decode(fg_scores, boxes):
    grid = (_B, _NP // _A)
    return pl.pallas_call(
        _softmax_decode_body,
        grid=grid,
        in_specs=[
            pl.BlockSpec((1, _A, _C), lambda b, i: (b, i, 0)),
            pl.BlockSpec((1, _A, 4), lambda b, i: (b, i, 0)),
        ],
        out_specs=[
            pl.BlockSpec((1, _C, _A), lambda b, i: (b, 0, i)),
            pl.BlockSpec((1, 4, _A), lambda b, i: (b, 0, i)),
        ],
        out_shape=[
            jax.ShapeDtypeStruct((_B, _C, _NP), jnp.float32),
            jax.ShapeDtypeStruct((_B, 4, _NP), jnp.float32),
        ],
    )(fg_scores, boxes)



_NCHUNK = _NP // _LANES
_HBITS1 = 11
_HBITS2 = 11
_HBITS3 = 10
_PAIRS_PER_TILE = _PAIRS // 32


def _sc_topk_body(scores_hbm, boxes_hbm, svals_hbm, sboxes_hbm,
                  scores_v, boxes_v, hist_v, cand_v, cand_i, eq_i,
                  outv_v, outi_v, outb_v):
    wid = lax.axis_index("s") * 2 + lax.axis_index("c")
    b = wid // 4
    cbase = (wid % 4) * _PAIRS_PER_TILE

    lanes = jax.lax.iota(jnp.int32, 16)
    ones_i = jnp.ones((16,), jnp.int32)
    zeros_i = jnp.zeros((16,), jnp.int32)
    neg_inf = jnp.full((16,), -jnp.inf, jnp.float32)
    lane0 = lanes == 0
    big_i = jnp.int32(2 ** 30)

    pltpu.sync_copy(boxes_hbm.at[b], boxes_v)

    def hist_clear(nbuck):
        def clr(j, _):
            hist_v[pl.ds(j * 16, 16)] = zeros_i
            return 0
        lax.fori_loop(0, nbuck // 16, clr, 0, unroll=8)

    def hist_pass(shift, nbuck, pshift, pval, use_prefix):
        def body(j, _):
            v = scores_v[pl.ds(j * 16, 16)]
            u = lax.bitcast_convert_type(v, jnp.int32)
            bk = jnp.bitwise_and(lax.shift_right_logical(u, shift),
                                 jnp.int32(nbuck - 1))
            if use_prefix:
                msk = lax.shift_right_logical(u, pshift) == pval
                plsc.addupdate_scatter(hist_v, [bk], ones_i, mask=msk)
            else:
                plsc.addupdate_scatter(hist_v, [bk], ones_i)
            return 0
        lax.fori_loop(0, _NCHUNK, body, 0, unroll=4)

    def hist_scan(nbuck, remaining):
        nv = nbuck // 16

        def body(jj, carry):
            best, rcb, cum = carry
            j = nv - 1 - jj
            h = hist_v[pl.ds(j * 16, 16)]
            cs = plsc.cumsum(lax.rev(h, (0,)))
            rc = lax.rev(cs, (0,)) + cum
            msk = rc >= remaining
            cand = jnp.where(msk, j * 16 + lanes, -1)
            best = jnp.maximum(best, jnp.max(cand))
            rcc = jnp.where(msk, rc, big_i)
            rcb = jnp.minimum(rcb, jnp.min(rcc))
            return best, rcb, cum + jnp.max(cs)

        best, rcb, _ = lax.fori_loop(
            0, nv, body, (jnp.int32(-1), big_i, jnp.int32(0)), unroll=4)
        hsel = jnp.max(plsc.load_gather(hist_v, [jnp.full((16,), best)]))
        return best, rcb, hsel

    def one_pair(t, _):
        p = b * _C + cbase + t
        pltpu.sync_copy(scores_hbm.at[p], scores_v)

        hist_clear(1 << _HBITS1)
        hist_pass(21, 1 << _HBITS1, 0, 0, False)
        b1, rc1, h1 = hist_scan(1 << _HBITS1, jnp.int32(_TOPK))
        rem2 = jnp.int32(_TOPK) - (rc1 - h1)

        hist_clear(1 << _HBITS2)
        hist_pass(10, 1 << _HBITS2, 21, b1, True)
        b2, rc2, h2 = hist_scan(1 << _HBITS2, rem2)
        rem3 = rem2 - (rc2 - h2)
        pref2 = jnp.bitwise_or(lax.shift_left(b1, 11), b2)

        hist_clear(1 << _HBITS3)
        hist_pass(0, 1 << _HBITS3, 10, pref2, True)
        b3, rc3, h3 = hist_scan(1 << _HBITS3, rem3)
        needed_eq = rem3 - (rc3 - h3)
        tbits = jnp.bitwise_or(lax.shift_left(pref2, 10), b3)

        def init_cand(j, _):
            cand_v[pl.ds(j * 16, 16)] = neg_inf
            return 0
        lax.fori_loop(0, 8, init_cand, 0, unroll=8)

        def collect(j, carry):
            cg, ce = carry
            v = scores_v[pl.ds(j * 16, 16)]
            u = lax.bitcast_convert_type(v, jnp.int32)
            gidx = j * 16 + lanes
            mgt = u > tbits
            posg = plsc.cumsum(jnp.where(mgt, 1, 0))
            dstg = cg + posg - 1
            plsc.store_scatter(cand_v, [dstg], v, mask=mgt)
            plsc.store_scatter(cand_i, [dstg], gidx, mask=mgt)
            cg = cg + jnp.max(plsc.all_reduce_population_count(mgt))
            meq = u == tbits
            pose = plsc.cumsum(jnp.where(meq, 1, 0))
            meq = meq & (ce + pose <= needed_eq)
            plsc.store_scatter(eq_i, [ce + pose - 1], gidx, mask=meq)
            ce = ce + jnp.max(plsc.all_reduce_population_count(meq))
            return cg, ce

        cg, ce = lax.fori_loop(0, _NCHUNK, collect,
                               (jnp.int32(0), jnp.int32(0)), unroll=4)

        tval = lax.bitcast_convert_type(
            jnp.full((16,), 0, jnp.int32) + tbits, jnp.float32)

        def put_eq(j, _):
            li = eq_i[pl.ds(j * 16, 16)]
            msk = (j * 16 + lanes) < needed_eq
            dst = cg + j * 16 + lanes
            plsc.store_scatter(cand_i, [dst], li, mask=msk)
            plsc.store_scatter(cand_v, [dst], tval, mask=msk)
            return 0
        lax.fori_loop(0, 7, put_eq, 0)

        def sel(i, _):
            mv = cand_v[pl.ds(0, 16)]
            for j in range(1, 7):
                mv = jnp.maximum(mv, cand_v[pl.ds(j * 16, 16)])
            mx = jnp.max(mv)
            bpos = big_i
            for j in range(7):
                vv = cand_v[pl.ds(j * 16, 16)]
                bpos = jnp.minimum(
                    bpos, jnp.min(jnp.where(vv == mx, j * 16 + lanes, big_i)))
            bidx = jnp.max(plsc.load_gather(cand_i, [jnp.full((16,), bpos)]))
            plsc.store_scatter(outv_v, [jnp.full((16,), i)],
                               jnp.full((16,), 0.0) + mx, mask=lane0)
            plsc.store_scatter(outi_v, [jnp.full((16,), i)],
                               zeros_i + bidx, mask=lane0)
            plsc.store_scatter(cand_v, [jnp.full((16,), bpos)], neg_inf,
                               mask=lane0)
            return 0
        lax.fori_loop(0, _TOPK, sel, 0)

        plsc.store_scatter(outv_v, [jnp.int32(_TOPK) + lanes],
                           jnp.zeros((16,), jnp.float32), mask=lanes < 12)
        plsc.store_scatter(outi_v, [jnp.int32(_TOPK) + lanes],
                           zeros_i, mask=lanes < 12)

        for j in range(7):
            idxv = outi_v[pl.ds(j * 16, 16)]
            for pln in range(4):
                g = plsc.load_gather(boxes_v, [jnp.full((16,), pln), idxv])
                outb_v[pln, pl.ds(j * 16, 16)] = g

        pltpu.sync_copy(outv_v, svals_hbm.at[p])
        pltpu.sync_copy(outb_v, sboxes_hbm.at[p])
        return 0

    lax.fori_loop(0, _PAIRS_PER_TILE, one_pair, 0)


def _sc_topk(scores_t, boxes_t):
    mesh = plsc.VectorSubcoreMesh(core_axis_name="c", subcore_axis_name="s",
                                  num_cores=2, num_subcores=16)
    f = pl.kernel(
        _sc_topk_body,
        out_type=[
            jax.ShapeDtypeStruct((_PAIRS, _KPAD), jnp.float32),
            jax.ShapeDtypeStruct((_PAIRS, 4, _KPAD), jnp.float32),
        ],
        mesh=mesh,
        compiler_params=pltpu.CompilerParams(needs_layout_passes=False),
        scratch_types=[
            pltpu.VMEM((_NP,), jnp.float32),
            pltpu.VMEM((4, _NP), jnp.float32),
            pltpu.VMEM((1 << _HBITS1,), jnp.int32),
            pltpu.VMEM((_KPAD + 16,), jnp.float32),
            pltpu.VMEM((_KPAD + 16,), jnp.int32),
            pltpu.VMEM((_KPAD + 16,), jnp.int32),
            pltpu.VMEM((_KPAD,), jnp.float32),
            pltpu.VMEM((_KPAD,), jnp.int32),
            pltpu.VMEM((4, _KPAD), jnp.float32),
        ],
    )
    return f(scores_t, boxes_t)



_G = 8


def _nms_body(svals_ref, sboxes_ref, dets_ref, iou_s):
    vals = svals_ref[...]
    x1 = sboxes_ref[:, 0, :]
    y1 = sboxes_ref[:, 1, :]
    x2 = sboxes_ref[:, 2, :]
    y2 = sboxes_ref[:, 3, :]

    for g in range(_G):
        ax1, ay1 = x1[g][:, None], y1[g][:, None]
        ax2, ay2 = x2[g][:, None], y2[g][:, None]
        bx1, by1 = x1[g][None, :], y1[g][None, :]
        bx2, by2 = x2[g][None, :], y2[g][None, :]
        iw = jnp.clip(jnp.minimum(ax2, bx2) - jnp.maximum(ax1, bx1), 0.0)
        ih = jnp.clip(jnp.minimum(ay2, by2) - jnp.maximum(ay1, by1), 0.0)
        inter = iw * ih
        aa = jnp.clip(ax2 - ax1, 0.0) * jnp.clip(ay2 - ay1, 0.0)
        ab = jnp.clip(bx2 - bx1, 0.0) * jnp.clip(by2 - by1, 0.0)
        iou = inter / (aa + ab - inter + 1e-9)
        iou_s[:, g, :] = iou

    lanei = lax.broadcasted_iota(jnp.int32, (_G, _KPAD), 1)

    def body(i, keep):
        row = iou_s[i]
        keep_i = jnp.sum(jnp.where(lanei == i, keep, 0.0), axis=1,
                         keepdims=True)
        sup = (row > _IOU_THRESHOLD) & (lanei > i) & (keep_i > 0.0)
        return jnp.where(sup, 0.0, keep)

    keep = lax.fori_loop(0, _TOPK, body, jnp.ones((_G, _KPAD), jnp.float32))
    m = keep * (vals > _SCORE_THRESHOLD)
    dets_ref[:, 0, :] = x1 * m
    dets_ref[:, 1, :] = y1 * m
    dets_ref[:, 2, :] = x2 * m
    dets_ref[:, 3, :] = y2 * m
    dets_ref[:, 4, :] = vals * m


def _nms(svals, sboxes):
    grid = (_PAIRS // _G,)
    return pl.pallas_call(
        _nms_body,
        grid=grid,
        in_specs=[
            pl.BlockSpec((_G, _KPAD), lambda i: (i, 0)),
            pl.BlockSpec((_G, 4, _KPAD), lambda i: (i, 0, 0)),
        ],
        out_specs=pl.BlockSpec((_G, 5, _KPAD), lambda i: (i, 0, 0)),
        out_shape=jax.ShapeDtypeStruct((_PAIRS, 5, _KPAD), jnp.float32),
        scratch_shapes=[pltpu.VMEM((_KPAD, _G, _KPAD), jnp.float32)],
    )(svals, sboxes)



def kernel(cls_logits, bbox_pred, priors):
    fg_scores = jax.nn.softmax(cls_logits, axis=2)[..., 1:]
    centers = (bbox_pred[..., :2] * _CENTER_VARIANCE * priors[..., 2:]
               + priors[..., :2])
    sizes = jnp.exp(bbox_pred[..., 2:] * _SIZE_VARIANCE) * priors[..., 2:]
    boxes = jnp.concatenate([centers - sizes / 2.0, centers + sizes / 2.0],
                            axis=-1)
    scores_t, boxes_t = _softmax_decode(fg_scores, boxes)
    svals, sboxes = _sc_topk(scores_t.reshape(_PAIRS, _NP), boxes_t)
    dets = _nms(svals, sboxes)
    return dets[:, :, :_TOPK].transpose(0, 2, 1).reshape(_B, _C, _TOPK, 5)

# --- scband reference (transcript-rebuilt; emitter-appended) ---
"""Pipeline reference for scband-ssdbox-head-16947940950123 (READ-ONLY COPY).

The authoritative reference and input builder live on the scoring server;
editing this copy changes nothing except your own understanding.
"""

import jax, jax.numpy as jnp
import numpy as np
from jax import lax

CENTER_VARIANCE = 0.1
SIZE_VARIANCE = 0.2
IOU_THRESHOLD = 0.45
SCORE_THRESHOLD = 0.01
TOPK = 100


def setup_inputs(seed: int = 0) -> dict:
    key = jax.random.key(seed)
    k1, k2, k3, k4 = jax.random.split(key, 4)
    cls_logits = jax.random.normal(k1, (8, 20000, 81), dtype=jnp.float32)
    bbox_pred = jax.random.normal(k2, (8, 20000, 4), dtype=jnp.float32)
    cxcy = jax.random.uniform(k3, (20000, 2), dtype=jnp.float32)
    wh = jax.random.uniform(k4, (20000, 2), dtype=jnp.float32) * 0.3 + 0.02
    priors = jnp.concatenate([cxcy, wh], axis=-1)
    return {"cls_logits": cls_logits, "bbox_pred": bbox_pred, "priors": priors}


def convert_locations_to_boxes(locations, priors):
    # priors in center form [cx, cy, w, h]
    centers = locations[..., :2] * CENTER_VARIANCE * priors[..., 2:] + priors[..., :2]
    sizes = jnp.exp(locations[..., 2:] * SIZE_VARIANCE) * priors[..., 2:]
    return jnp.concatenate([centers, sizes], axis=-1)


def center_form_to_corner_form(boxes):
    return jnp.concatenate([boxes[..., :2] - boxes[..., 2:] / 2.0,
                            boxes[..., :2] + boxes[..., 2:] / 2.0], axis=-1)


def pairwise_iou(a, b):
    lt = jnp.maximum(a[:, None, :2], b[None, :, :2])
    rb = jnp.minimum(a[:, None, 2:], b[None, :, 2:])
    wh = jnp.clip(rb - lt, 0.0)
    inter = wh[..., 0] * wh[..., 1]
    area_a = jnp.clip(a[:, 2] - a[:, 0], 0.0) * jnp.clip(a[:, 3] - a[:, 1], 0.0)
    area_b = jnp.clip(b[:, 2] - b[:, 0], 0.0) * jnp.clip(b[:, 3] - b[:, 1], 0.0)
    return inter / (area_a[:, None] + area_b[None, :] - inter + 1e-9)


def _nms_keep(iou_mat, n):
    idx = jnp.arange(n)

    def body(i, keep):
        sup = (iou_mat[i] > IOU_THRESHOLD) & (idx > i) & keep[i]
        return keep & (~sup)

    return lax.fori_loop(0, n, body, jnp.ones((n,), dtype=bool))


def _per_class(boxes_img, scores_c):
    vals, idx = lax.top_k(scores_c, TOPK)
    bsel = boxes_img[idx]
    iou_mat = pairwise_iou(bsel, bsel)
    keep = _nms_keep(iou_mat, TOPK)
    valid = keep & (vals > SCORE_THRESHOLD)
    m = valid.astype(jnp.float32)
    return jnp.concatenate([bsel * m[:, None], (vals * m)[:, None]], axis=-1)


def reference(cls_logits, bbox_pred, priors):
    # SSDBoxHead._forward_test (inference path)
    scores = jax.nn.softmax(cls_logits, axis=2)              # [B, N, C]
    boxes = convert_locations_to_boxes(bbox_pred, priors)    # [B, N, 4] center form
    boxes = center_form_to_corner_form(boxes)                # [B, N, 4] corner form
    fg_scores = scores[..., 1:]                              # drop background class

    def per_image(b_img, s_img):
        # s_img: [N, C-1] -> per class NMS
        return jax.vmap(lambda sc: _per_class(b_img, sc))(s_img.T)  # [C-1, K, 5]

    detections = jax.vmap(per_image)(boxes, fg_scores)       # [B, C-1, K, 5]
    return detections

if __name__ == "__main__":
    import jax
    _d = setup_inputs()
    print(jax.jit(kernel)(*tuple(_d.values())))

</pallas_src>

<mosaic_0001>
#map = affine_map<(d0, d1) -> (0, 0)>
#map1 = affine_map<(d0, d1) -> (0, 0, 0)>
module attributes {stable_mosaic.version = 14 : i64} {
  func.func @_sc_topk_body(%arg0: i32, %arg1: i32, %arg2: memref<640x20480xf32, #tpu.memory_space<hbm>>, %arg3: memref<8x4x20480xf32, #tpu.memory_space<hbm>>, %arg4: memref<640x112xf32, #tpu.memory_space<hbm>>, %arg5: memref<640x4x112xf32, #tpu.memory_space<hbm>>, %arg6: memref<20480xf32, #tpu.memory_space<vmem>>, %arg7: memref<4x20480xf32, #tpu.memory_space<vmem>>, %arg8: memref<2048xi32, #tpu.memory_space<vmem>>, %arg9: memref<128xf32, #tpu.memory_space<vmem>>, %arg10: memref<128xi32, #tpu.memory_space<vmem>>, %arg11: memref<128xi32, #tpu.memory_space<vmem>>, %arg12: memref<112xf32, #tpu.memory_space<vmem>>, %arg13: memref<112xi32, #tpu.memory_space<vmem>>, %arg14: memref<4x112xf32, #tpu.memory_space<vmem>>) attributes {dimension_semantics = [#tpu.dimension_semantics<core_parallel>, #tpu.dimension_semantics<subcore_parallel>], iteration_bounds = array<i64: 2, 16>, scalar_prefetch = 0 : i64, scratch_operands = 9 : i64, tpu.core_type = #tpu.core_type<sc_vector_subcore>, window_params = [{transform_indices = #map}, {transform_indices = #map1}, {transform_indices = #map}, {transform_indices = #map1}]} {
    %mul3A = arith.constant 2 : i32
    %mul3A_0 = arith.muli %arg1, %mul3A : i32
    %add3A = arith.addi %mul3A_0, %arg0 : i32
    %jit3A = arith.constant 4 : i32
    %div3A = arith.divsi %add3A, %jit3A : i32
    %sign3A = arith.constant 0 : i32
    %sign3A_1 = arith.cmpi sgt, %add3A, %sign3A : i32
    %sign3A_2 = arith.extui %sign3A_1 : i1 to i32
    %sign3A_3 = arith.constant 0 : i32
    %sign3A_4 = arith.cmpi slt, %add3A, %sign3A_3 : i32
    %sign3A_5 = arith.extui %sign3A_4 : i1 to i32
    %sign3A_6 = arith.subi %sign3A_2, %sign3A_5 : i32
    %sign3A_7 = arith.constant 0 : i32
    %sign3A_8 = arith.cmpi sgt, %jit3A, %sign3A_7 : i32
    %sign3A_9 = arith.extui %sign3A_8 : i1 to i32
    %sign3A_10 = arith.constant 0 : i32
    %sign3A_11 = arith.cmpi slt, %jit3A, %sign3A_10 : i32
    %sign3A_12 = arith.extui %sign3A_11 : i1 to i32
    %sign3A_13 = arith.subi %sign3A_9, %sign3A_12 : i32
    %ne3A = arith.cmpi ne, %sign3A_6, %sign3A_13 : i32
    %rem3A = arith.remsi %add3A, %jit3A : i32
    %ne3A_14 = arith.constant 0 : i32
    %ne3A_15 = arith.cmpi ne, %rem3A, %ne3A_14 : i32
    %and3A = arith.andi %ne3A, %ne3A_15 : i1
    %sub3A = arith.constant 1 : i32
    %sub3A_16 = arith.subi %div3A, %sub3A : i32
    %select_n3A = arith.select %and3A, %sub3A_16, %div3A : i32
    %jit3A_17 = arith.constant 4 : i32
    %eq3A = arith.constant 0 : i32
    %eq3A_18 = arith.cmpi eq, %jit3A_17, %eq3A : i32
    %jit3A_19 = arith.constant 1 : i32
    %select_n3A_20 = arith.select %eq3A_18, %jit3A_19, %jit3A_17 : i32
    %rem3A_21 = arith.remsi %add3A, %select_n3A_20 : i32
    %ne3A_22 = arith.constant 0 : i32
    %ne3A_23 = arith.cmpi ne, %rem3A_21, %ne3A_22 : i32
    %lt3A = arith.constant 0 : i32
    %lt3A_24 = arith.cmpi slt, %rem3A_21, %lt3A : i32
    %lt3A_25 = arith.constant 0 : i32
    %lt3A_26 = arith.cmpi slt, %select_n3A_20, %lt3A_25 : i32
    %ne3A_27 = arith.xori %lt3A_24, %lt3A_26 : i1
    %and3A_28 = arith.andi %ne3A_27, %ne3A_23 : i1
    %add3A_29 = arith.addi %rem3A_21, %select_n3A_20 : i32
    %select_n3A_30 = arith.select %and3A_28, %add3A_29, %rem3A_21 : i32
    %mul3A_31 = arith.constant 20 : i32
    %mul3A_32 = arith.muli %select_n3A_30, %mul3A_31 : i32
    %iota3A = tpu.iota {dimensions = array<i32: 0>} : vector<16xi32>
    %broadcast_in_dim3A = arith.constant 1 : i32
    %broadcast_in_dim3A_33 = vector.broadcast %broadcast_in_dim3A : i32 to vector<16xi32>
    %broadcast_in_dim3A_34 = arith.constant 0 : i32
    %broadcast_in_dim3A_35 = vector.broadcast %broadcast_in_dim3A_34 : i32 to vector<16xi32>
    %broadcast_in_dim3A_36 = arith.constant 0xFF800000 : f32
    %broadcast_in_dim3A_37 = vector.broadcast %broadcast_in_dim3A_36 : f32 to vector<16xf32>
    %eq3A_38 = arith.constant 0 : i32
    %eq3A_39 = vector.broadcast %eq3A_38 : i32 to vector<16xi32>
    %eq3A_40 = arith.cmpi eq, %iota3A, %eq3A_39 : vector<16xi32>
    "tpu.region"() ({
      %run_scoped3A = tpu.sem_alloc : memref<!tpu.dma_semaphore, #tpu.memory_space<semaphore_mem>>
      %dma_start3A = arith.constant 0 : i32
      %dma_start3A_48 = arith.constant 0 : i32
      %dma_start3A_49 = tpu.memref_slice %arg3[%select_n3A, %dma_start3A, %dma_start3A_48] : memref<8x4x20480xf32, #tpu.memory_space<hbm>> -> memref<1x4x20480xf32, #tpu.memory_space<hbm>>
      %dma_start3A_50 = tpu.memref_squeeze %dma_start3A_49 : memref<1x4x20480xf32, #tpu.memory_space<hbm>> -> memref<4x20480xf32, #tpu.memory_space<hbm>>
      %dma_start3A_51 = arith.constant 0 : i32
      %dma_start3A_52 = arith.constant 0 : i32
      %dma_start3A_53 = tpu.memref_slice %arg3[%select_n3A, %dma_start3A_51, %dma_start3A_52] : memref<8x4x20480xf32, #tpu.memory_space<hbm>> -> memref<1x4x20480xf32, #tpu.memory_space<hbm>>
      %dma_start3A_54 = tpu.memref_squeeze %dma_start3A_53 : memref<1x4x20480xf32, #tpu.memory_space<hbm>> -> memref<4x20480xf32, #tpu.memory_space<hbm>>
      tpu.enqueue_dma source(%dma_start3A_54 : memref<4x20480xf32, #tpu.memory_space<hbm>>) target(%arg7 : memref<4x20480xf32, #tpu.memory_space<vmem>>) target_semaphore(%run_scoped3A : memref<!tpu.dma_semaphore, #tpu.memory_space<semaphore_mem>>)
      %dma_wait3A = arith.constant 0 : i32
      %dma_wait3A_55 = arith.constant 0 : i32
      %dma_wait3A_56 = tpu.memref_slice %arg3[%select_n3A, %dma_wait3A, %dma_wait3A_55] : memref<8x4x20480xf32, #tpu.memory_space<hbm>> -> memref<1x4x20480xf32, #tpu.memory_space<hbm>>
      %dma_wait3A_57 = tpu.memref_squeeze %dma_wait3A_56 : memref<1x4x20480xf32, #tpu.memory_space<hbm>> -> memref<4x20480xf32, #tpu.memory_space<hbm>>
      %dma_wait3A_58 = arith.constant 0 : i32
      %dma_wait3A_59 = arith.constant 0 : i32
      %dma_wait3A_60 = tpu.memref_slice %arg3[%select_n3A, %dma_wait3A_58, %dma_wait3A_59] : memref<8x4x20480xf32, #tpu.memory_space<hbm>> -> memref<1x4x20480xf32, #tpu.memory_space<hbm>>
      %dma_wait3A_61 = tpu.memref_squeeze %dma_wait3A_60 : memref<1x4x20480xf32, #tpu.memory_space<hbm>> -> memref<4x20480xf32, #tpu.memory_space<hbm>>
      tpu.wait_dma2 semaphore(%run_scoped3A : memref<!tpu.dma_semaphore, #tpu.memory_space<semaphore_mem>>) src(%dma_wait3A_61 : memref<4x20480xf32, #tpu.memory_space<hbm>>) dst(%arg7 : memref<4x20480xf32, #tpu.memory_space<vmem>>)
      tpu.yield
    }) : () -> ()
    %scan3A = arith.constant 1073741824 : i32
    %scan3A_41 = arith.constant 0 : i32
    %scan3A_42 = arith.constant 0 : i32
    %scan3A_43 = arith.constant 20 : i32
    %scan3A_44 = arith.addi %scan3A_42, %scan3A_43 : i32
    %scan3A_45 = arith.constant 1 : i32
    %scan3A_46 = scf.for %scan3A_48 = %scan3A_42 to %scan3A_44 step %scan3A_45 iter_args(%scan3A_49 = %scan3A_41) -> (i32)  : i32 {
      %mul3A_50 = arith.constant 80 : i32
      %mul3A_51 = arith.muli %select_n3A, %mul3A_50 : i32
      %add3A_52 = arith.addi %mul3A_51, %mul3A_32 : i32
      %add3A_53 = arith.addi %add3A_52, %scan3A_48 : i32
      "tpu.region"() ({
        %run_scoped3A = tpu.sem_alloc : memref<!tpu.dma_semaphore, #tpu.memory_space<semaphore_mem>>
        %dma_start3A = arith.constant 0 : i32
        %dma_start3A_459 = tpu.memref_slice %arg2[%add3A_53, %dma_start3A] : memref<640x20480xf32, #tpu.memory_space<hbm>> -> memref<1x20480xf32, #tpu.memory_space<hbm>>
        %dma_start3A_460 = tpu.memref_squeeze %dma_start3A_459 : memref<1x20480xf32, #tpu.memory_space<hbm>> -> memref<20480xf32, #tpu.memory_space<hbm>>
        %dma_start3A_461 = arith.constant 0 : i32
        %dma_start3A_462 = tpu.memref_slice %arg2[%add3A_53, %dma_start3A_461] : memref<640x20480xf32, #tpu.memory_space<hbm>> -> memref<1x20480xf32, #tpu.memory_space<hbm>>
        %dma_start3A_463 = tpu.memref_squeeze %dma_start3A_462 : memref<1x20480xf32, #tpu.memory_space<hbm>> -> memref<20480xf32, #tpu.memory_space<hbm>>
        tpu.enqueue_dma source(%dma_start3A_463 : memref<20480xf32, #tpu.memory_space<hbm>>) target(%arg6 : memref<20480xf32, #tpu.memory_space<vmem>>) target_semaphore(%run_scoped3A : memref<!tpu.dma_semaphore, #tpu.memory_space<semaphore_mem>>)
        %dma_wait3A = arith.constant 0 : i32
        %dma_wait3A_464 = tpu.memref_slice %arg2[%add3A_53, %dma_wait3A] : memref<640x20480xf32, #tpu.memory_space<hbm>> -> memref<1x20480xf32, #tpu.memory_space<hbm>>
        %dma_wait3A_465 = tpu.memref_squeeze %dma_wait3A_464 : memref<1x20480xf32, #tpu.memory_space<hbm>> -> memref<20480xf32, #tpu.memory_space<hbm>>
        %dma_wait3A_466 = arith.constant 0 : i32
        %dma_wait3A_467 = tpu.memref_slice %arg2[%add3A_53, %dma_wait3A_466] : memref<640x20480xf32, #tpu.memory_space<hbm>> -> memref<1x20480xf32, #tpu.memory_space<hbm>>
        %dma_wait3A_468 = tpu.memref_squeeze %dma_wait3A_467 : memref<1x20480xf32, #tpu.memory_space<hbm>> -> memref<20480xf32, #tpu.memory_space<hbm>>
        tpu.wait_dma2 semaphore(%run_scoped3A : memref<!tpu.dma_semaphore, #tpu.memory_space<semaphore_mem>>) src(%dma_wait3A_468 : memref<20480xf32, #tpu.memory_space<hbm>>) dst(%arg6 : memref<20480xf32, #tpu.memory_space<vmem>>)
        tpu.yield
      }) : () -> ()
      %scan3A_54 = arith.constant 0 : i32
      %scan3A_55 = arith.constant 0 : i32
      %scan3A_56 = arith.constant 128 : i32
      %scan3A_57 = arith.addi %scan3A_55, %scan3A_56 : i32
      %scan3A_58 = arith.constant 8 : i32
      %scan3A_59 = scf.for %scan3A_459 = %scan3A_55 to %scan3A_57 step %scan3A_58 iter_args(%scan3A_460 = %scan3A_54) -> (i32)  : i32 {
        %mul3A_461 = arith.constant 16 : i32
        %mul3A_462 = arith.muli %scan3A_459, %mul3A_461 : i32
        %swap3A_463 = arith.index_cast %mul3A_462 : i32 to index
        %swap3A_464 = tpu.vector_load %arg8[%swap3A_463] {strides = array<i32>} : memref<2048xi32, #tpu.memory_space<vmem>>, vector<16xi32>,
        tpu.vector_store %arg8[%swap3A_463], %broadcast_in_dim3A_35 {strides = array<i32>} : memref<2048xi32, #tpu.memory_space<vmem>>, vector<16xi32>,
        %scan3A_465 = arith.constant 0 : i32
        %scan3A_466 = arith.constant 1 : i32
        %scan3A_467 = arith.addi %scan3A_459, %scan3A_466 : i32
        %mul3A_468 = arith.constant 16 : i32
        %mul3A_469 = arith.muli %scan3A_467, %mul3A_468 : i32
        %swap3A_470 = arith.index_cast %mul3A_469 : i32 to index
        %swap3A_471 = tpu.vector_load %arg8[%swap3A_470] {strides = array<i32>} : memref<2048xi32, #tpu.memory_space<vmem>>, vector<16xi32>,
        tpu.vector_store %arg8[%swap3A_470], %broadcast_in_dim3A_35 {strides = array<i32>} : memref<2048xi32, #tpu.memory_space<vmem>>, vector<16xi32>,
        %scan3A_472 = arith.constant 0 : i32
        %scan3A_473 = arith.constant 2 : i32
        %scan3A_474 = arith.addi %scan3A_459, %scan3A_473 : i32
        %mul3A_475 = arith.constant 16 : i32
        %mul3A_476 = arith.muli %scan3A_474, %mul3A_475 : i32
        %swap3A_477 = arith.index_cast %mul3A_476 : i32 to index
        %swap3A_478 = tpu.vector_load %arg8[%swap3A_477] {strides = array<i32>} : memref<2048xi32, #tpu.memory_space<vmem>>, vector<16xi32>,
        tpu.vector_store %arg8[%swap3A_477], %broadcast_in_dim3A_35 {strides = array<i32>} : memref<2048xi32, #tpu.memory_space<vmem>>, vector<16xi32>,
        %scan3A_479 = arith.constant 0 : i32
        %scan3A_480 = arith.constant 3 : i32
        %scan3A_481 = arith.addi %scan3A_459, %scan3A_480 : i32
        %mul3A_482 = arith.constant 16 : i32
        %mul3A_483 = arith.muli %scan3A_481, %mul3A_482 : i32
        %swap3A_484 = arith.index_cast %mul3A_483 : i32 to index
        %swap3A_485 = tpu.vector_load %arg8[%swap3A_484] {strides = array<i32>} : memref<2048xi32, #tpu.memory_space<vmem>>, vector<16xi32>,
        tpu.vector_store %arg8[%swap3A_484], %broadcast_in_dim3A_35 {strides = array<i32>} : memref<2048xi32, #tpu.memory_space<vmem>>, vector<16xi32>,
        %scan3A_486 = arith.constant 0 : i32
        %scan3A_487 = arith.constant 4 : i32
        %scan3A_488 = arith.addi %scan3A_459, %scan3A_487 : i32
        %mul3A_489 = arith.constant 16 : i32
        %mul3A_490 = arith.muli %scan3A_488, %mul3A_489 : i32
        %swap3A_491 = arith.index_cast %mul3A_490 : i32 to index
        %swap3A_492 = tpu.vector_load %arg8[%swap3A_491] {strides = array<i32>} : memref<2048xi32, #tpu.memory_space<vmem>>, vector<16xi32>,
        tpu.vector_store %arg8[%swap3A_491], %broadcast_in_dim3A_35 {strides = array<i32>} : memref<2048xi32, #tpu.memory_space<vmem>>, vector<16xi32>,
        %scan3A_493 = arith.constant 0 : i32
        %scan3A_494 = arith.constant 5 : i32
        %scan3A_495 = arith.addi %scan3A_459, %scan3A_494 : i32
        %mul3A_496 = arith.constant 16 : i32
        %mul3A_497 = arith.muli %scan3A_495, %mul3A_496 : i32
        %swap3A_498 = arith.index_cast %mul3A_497 : i32 to index
        %swap3A_499 = tpu.vector_load %arg8[%swap3A_498] {strides = array<i32>} : memref<2048xi32, #tpu.memory_space<vmem>>, vector<16xi32>,
        tpu.vector_store %arg8[%swap3A_498], %broadcast_in_dim3A_35 {strides = array<i32>} : memref<2048xi32, #tpu.memory_space<vmem>>, vector<16xi32>,
        %scan3A_500 = arith.constant 0 : i32
        %scan3A_501 = arith.constant 6 : i32
        %scan3A_502 = arith.addi %scan3A_459, %scan3A_501 : i32
        %mul3A_503 = arith.constant 16 : i32
        %mul3A_504 = arith.muli %scan3A_502, %mul3A_503 : i32
        %swap3A_505 = arith.index_cast %mul3A_504 : i32 to index
        %swap3A_506 = tpu.vector_load %arg8[%swap3A_505] {strides = array<i32>} : memref<2048xi32, #tpu.memory_space<vmem>>, vector<16xi32>,
        tpu.vector_store %arg8[%swap3A_505], %broadcast_in_dim3A_35 {strides = array<i32>} : memref<2048xi32, #tpu.memory_space<vmem>>, vector<16xi32>,
        %scan3A_507 = arith.constant 0 : i32
        %scan3A_508 = arith.constant 7 : i32
        %scan3A_509 = arith.addi %scan3A_459, %scan3A_508 : i32
        %mul3A_510 = arith.constant 16 : i32
        %mul3A_511 = arith.muli %scan3A_509, %mul3A_510 : i32
        %swap3A_512 = arith.index_cast %mul3A_511 : i32 to index
        %swap3A_513 = tpu.vector_load %arg8[%swap3A_512] {strides = array<i32>} : memref<2048xi32, #tpu.memory_space<vmem>>, vector<16xi32>,
        tpu.vector_store %arg8[%swap3A_512], %broadcast_in_dim3A_35 {strides = array<i32>} : memref<2048xi32, #tpu.memory_space<vmem>>, vector<16xi32>,
        %scan3A_514 = arith.constant 0 : i32
        scf.yield %scan3A_514 : i32
      }
      %scan3A_60 = arith.constant 128 : i32
      %scan3A_61 = arith.constant 0 : i32
      %scan3A_62 = arith.constant 0 : i32
      %scan3A_63 = arith.constant 1280 : i32
      %scan3A_64 = arith.addi %scan3A_62, %scan3A_63 : i32
      %scan3A_65 = arith.constant 4 : i32
      %scan3A_66 = scf.for %scan3A_459 = %scan3A_62 to %scan3A_64 step %scan3A_65 iter_args(%scan3A_460 = %scan3A_61) -> (i32)  : i32 {
        %mul3A_461 = arith.constant 16 : i32
        %mul3A_462 = arith.muli %scan3A_459, %mul3A_461 : i32
        %get3A_463 = arith.index_cast %mul3A_462 : i32 to index
        %get3A_464 = tpu.vector_load %arg6[%get3A_463] {strides = array<i32>} : memref<20480xf32, #tpu.memory_space<vmem>>, vector<16xf32>,
        %bitcast_convert_type3A_465 = tpu.bitcast %get3A_464 : vector<16xf32> -> vector<16xi32>
        %shift_right_logical3A = arith.constant 21 : i32
        %shift_right_logical3A_466 = vector.broadcast %shift_right_logical3A : i32 to vector<16xi32>
        %shift_right_logical3A_467 = arith.shrui %bitcast_convert_type3A_465, %shift_right_logical3A_466 : vector<16xi32>
        %and3A_468 = arith.constant 2047 : i32
        %and3A_469 = vector.broadcast %and3A_468 : i32 to vector<16xi32>
        %and3A_470 = arith.andi %shift_right_logical3A_467, %and3A_469 : vector<16xi32>
        tpu.vector_store_idx %arg8[%and3A_470], %broadcast_in_dim3A_33 {add = true} : memref<2048xi32, #tpu.memory_space<vmem>>[vector<16xi32>], vector<16xi32>,
        %scan3A_471 = arith.constant 0 : i32
        %scan3A_472 = arith.constant 1 : i32
        %scan3A_473 = arith.addi %scan3A_459, %scan3A_472 : i32
        %mul3A_474 = arith.constant 16 : i32
        %mul3A_475 = arith.muli %scan3A_473, %mul3A_474 : i32
        %get3A_476 = arith.index_cast %mul3A_475 : i32 to index
        %get3A_477 = tpu.vector_load %arg6[%get3A_476] {strides = array<i32>} : memref<20480xf32, #tpu.memory_space<vmem>>, vector<16xf32>,
        %bitcast_convert_type3A_478 = tpu.bitcast %get3A_477 : vector<16xf32> -> vector<16xi32>
        %shift_right_logical3A_479 = arith.constant 21 : i32
        %shift_right_logical3A_480 = vector.broadcast %shift_right_logical3A_479 : i32 to vector<16xi32>
        %shift_right_logical3A_481 = arith.shrui %bitcast_convert_type3A_478, %shift_right_logical3A_480 : vector<16xi32>
        %and3A_482 = arith.constant 2047 : i32
        %and3A_483 = vector.broadcast %and3A_482 : i32 to vector<16xi32>
        %and3A_484 = arith.andi %shift_right_logical3A_481, %and3A_483 : vector<16xi32>
        tpu.vector_store_idx %arg8[%and3A_484], %broadcast_in_dim3A_33 {add = true} : memref<2048xi32, #tpu.memory_space<vmem>>[vector<16xi32>], vector<16xi32>,
        %scan3A_485 = arith.constant 0 : i32
        %scan3A_486 = arith.constant 2 : i32
        %scan3A_487 = arith.addi %scan3A_459, %scan3A_486 : i32
        %mul3A_488 = arith.constant 16 : i32
        %mul3A_489 = arith.muli %scan3A_487, %mul3A_488 : i32
        %get3A_490 = arith.index_cast %mul3A_489 : i32 to index
        %get3A_491 = tpu.vector_load %arg6[%get3A_490] {strides = array<i32>} : memref<20480xf32, #tpu.memory_space<vmem>>, vector<16xf32>,
        %bitcast_convert_type3A_492 = tpu.bitcast %get3A_491 : vector<16xf32> -> vector<16xi32>
        %shift_right_logical3A_493 = arith.constant 21 : i32
        %shift_right_logical3A_494 = vector.broadcast %shift_right_logical3A_493 : i32 to vector<16xi32>
        %shift_right_logical3A_495 = arith.shrui %bitcast_convert_type3A_492, %shift_right_logical3A_494 : vector<16xi32>
        %and3A_496 = arith.constant 2047 : i32
        %and3A_497 = vector.broadcast %and3A_496 : i32 to vector<16xi32>
        %and3A_498 = arith.andi %shift_right_logical3A_495, %and3A_497 : vector<16xi32>
        tpu.vector_store_idx %arg8[%and3A_498], %broadcast_in_dim3A_33 {add = true} : memref<2048xi32, #tpu.memory_space<vmem>>[vector<16xi32>], vector<16xi32>,
        %scan3A_499 = arith.constant 0 : i32
        %scan3A_500 = arith.constant 3 : i32
        %scan3A_501 = arith.addi %scan3A_459, %scan3A_500 : i32
        %mul3A_502 = arith.constant 16 : i32
        %mul3A_503 = arith.muli %scan3A_501, %mul3A_502 : i32
        %get3A_504 = arith.index_cast %mul3A_503 : i32 to index
        %get3A_505 = tpu.vector_load %arg6[%get3A_504] {strides = array<i32>} : memref<20480xf32, #tpu.memory_space<vmem>>, vector<16xf32>,
        %bitcast_convert_type3A_506 = tpu.bitcast %get3A_505 : vector<16xf32> -> vector<16xi32>
        %shift_right_logical3A_507 = arith.constant 21 : i32
        %shift_right_logical3A_508 = vector.broadcast %shift_right_logical3A_507 : i32 to vector<16xi32>
        %shift_right_logical3A_509 = arith.shrui %bitcast_convert_type3A_506, %shift_right_logical3A_508 : vector<16xi32>
        %and3A_510 = arith.constant 2047 : i32
        %and3A_511 = vector.broadcast %and3A_510 : i32 to vector<16xi32>
        %and3A_512 = arith.andi %shift_right_logical3A_509, %and3A_511 : vector<16xi32>
        tpu.vector_store_idx %arg8[%and3A_512], %broadcast_in_dim3A_33 {add = true} : memref<2048xi32, #tpu.memory_space<vmem>>[vector<16xi32>], vector<16xi32>,
        %scan3A_513 = arith.constant 0 : i32
        scf.yield %scan3A_513 : i32
      }
      %scan3A_67 = arith.constant 1280 : i32
      %scan3A_68 = arith.constant 100 : i32
      %scan3A_69 = arith.constant -1 : i32
      %scan3A_70 = arith.constant 0 : i32
      %scan3A_71 = arith.constant 0 : i32
      %scan3A_72 = arith.constant 128 : i32
      %scan3A_73 = arith.addi %scan3A_71, %scan3A_72 : i32
      %scan3A_74 = arith.constant 4 : i32
      %scan3A_75:3 = scf.for %scan3A_459 = %scan3A_71 to %scan3A_73 step %scan3A_74 iter_args(%scan3A_460 = %scan3A_69, %scan3A_461 = %scan3A, %scan3A_462 = %scan3A_70) -> (i32, i32, i32)  : i32 {
        %sub3A_463 = arith.constant 127 : i32
        %sub3A_464 = arith.subi %sub3A_463, %scan3A_459 : i32
        %mul3A_465 = arith.constant 16 : i32
        %mul3A_466 = arith.muli %sub3A_464, %mul3A_465 : i32
        %get3A_467 = arith.index_cast %mul3A_466 : i32 to index
        %get3A_468 = tpu.vector_load %arg8[%get3A_467] {strides = array<i32>} : memref<2048xi32, #tpu.memory_space<vmem>>, vector<16xi32>,
        %rev3A = arith.constant 15 : i32
        %rev3A_469 = vector.broadcast %rev3A : i32 to vector<16xi32>
        %rev3A_470 = tpu.iota {dimensions = array<i32: 0>} : vector<16xi32>
        %rev3A_471 = arith.subi %rev3A_469, %rev3A_470 : vector<16xi32>
        %rev3A_472 = tpu.dynamic_gather %get3A_468[%rev3A_471] in [0] : vector<16xi32>, vector<16xi32> -> vector<16xi32>
        %broadcast_in_dim3A_473 = arith.constant true
        %broadcast_in_dim3A_474 = vector.broadcast %broadcast_in_dim3A_473 : i1 to vector<16xi1>
        %masked_cumsum3A = tpu.scan <sum>, %rev3A_472 masked %broadcast_in_dim3A_474 : vector<16xi32>, vector<16xi1> -> vector<16xi32>
        %rev3A_475 = arith.constant 15 : i32
        %rev3A_476 = vector.broadcast %rev3A_475 : i32 to vector<16xi32>
        %rev3A_477 = tpu.iota {dimensions = array<i32: 0>} : vector<16xi32>
        %rev3A_478 = arith.subi %rev3A_476, %rev3A_477 : vector<16xi32>
        %rev3A_479 = tpu.dynamic_gather %masked_cumsum3A[%rev3A_478] in [0] : vector<16xi32>, vector<16xi32> -> vector<16xi32>
        %add3A_480 = vector.broadcast %scan3A_462 : i32 to vector<16xi32>
        %add3A_481 = arith.addi %rev3A_479, %add3A_480 : vector<16xi32>
        %ge3A = vector.broadcast %scan3A_68 : i32 to vector<16xi32>
        %ge3A_482 = arith.cmpi sge, %add3A_481, %ge3A : vector<16xi32>
        %mul3A_483 = arith.constant 16 : i32
        %mul3A_484 = arith.muli %sub3A_464, %mul3A_483 : i32
        %add3A_485 = vector.broadcast %mul3A_484 : i32 to vector<16xi32>
        %add3A_486 = arith.addi %add3A_485, %iota3A : vector<16xi32>
        %jit3A_487 = arith.constant -1 : i32
        %broadcast_in_dim3A_488 = vector.broadcast %jit3A_487 : i32 to vector<16xi32>
        %select_n3A_489 = arith.select %ge3A_482, %add3A_486, %broadcast_in_dim3A_488 : vector<16xi1>, vector<16xi32>
        %reduce_max3A_490 = arith.constant true
        %reduce_max3A_491 = vector.broadcast %reduce_max3A_490 : i1 to vector<16xi1>
        %reduce_max3A_492 = arith.constant -2147483648 : i32
        %reduce_max3A_493 = vector.broadcast %reduce_max3A_492 : i32 to vector<16xi32>
        %reduce_max3A_494 = arith.xori %select_n3A_489, %reduce_max3A_493 : vector<16xi32>
        %reduce_max3A_495 = tpu.scan <max>, %reduce_max3A_494 masked %reduce_max3A_491 : vector<16xi32>, vector<16xi1> -> vector<16xi32>
        %reduce_max3A_496 = arith.xori %reduce_max3A_495, %reduce_max3A_493 : vector<16xi32>
        %reduce_max3A_497 = vector.extract %reduce_max3A_496[15] : i32 from vector<16xi32>
        %max3A = arith.maxsi %scan3A_460, %reduce_max3A_497 : i32
        %broadcast_in_dim3A_498 = vector.broadcast %scan3A : i32 to vector<16xi32>
        %select_n3A_499 = arith.select %ge3A_482, %add3A_481, %broadcast_in_dim3A_498 : vector<16xi1>, vector<16xi32>
        %reduce_min3A = arith.constant true
        %reduce_min3A_500 = vector.broadcast %reduce_min3A : i1 to vector<16xi1>
        %reduce_min3A_501 = arith.constant -2147483648 : i32
        %reduce_min3A_502 = vector.broadcast %reduce_min3A_501 : i32 to vector<16xi32>
        %reduce_min3A_503 = arith.xori %select_n3A_499, %reduce_min3A_502 : vector<16xi32>
        %reduce_min3A_504 = tpu.scan <min>, %reduce_min3A_503 masked %reduce_min3A_500 : vector<16xi32>, vector<16xi1> -> vector<16xi32>
        %reduce_min3A_505 = arith.xori %reduce_min3A_504, %reduce_min3A_502 : vector<16xi32>
        %reduce_min3A_506 = vector.extract %reduce_min3A_505[15] : i32 from vector<16xi32>
        %min3A = arith.minsi %scan3A_461, %reduce_min3A_506 : i32
        %reduce_max3A_507 = arith.constant true
        %reduce_max3A_508 = vector.broadcast %reduce_max3A_507 : i1 to vector<16xi1>
        %reduce_max3A_509 = arith.constant -2147483648 : i32
        %reduce_max3A_510 = vector.broadcast %reduce_max3A_509 : i32 to vector<16xi32>
        %reduce_max3A_511 = arith.xori %masked_cumsum3A, %reduce_max3A_510 : vector<16xi32>
        %reduce_max3A_512 = tpu.scan <max>, %reduce_max3A_511 masked %reduce_max3A_508 : vector<16xi32>, vector<16xi1> -> vector<16xi32>
        %reduce_max3A_513 = arith.xori %reduce_max3A_512, %reduce_max3A_510 : vector<16xi32>
        %reduce_max3A_514 = vector.extract %reduce_max3A_513[15] : i32 from vector<16xi32>
        %add3A_515 = arith.addi %scan3A_462, %reduce_max3A_514 : i32
        %scan3A_516 = arith.constant 1 : i32
        %scan3A_517 = arith.addi %scan3A_459, %scan3A_516 : i32
        %sub3A_518 = arith.constant 127 : i32
        %sub3A_519 = arith.subi %sub3A_518, %scan3A_517 : i32
        %mul3A_520 = arith.constant 16 : i32
        %mul3A_521 = arith.muli %sub3A_519, %mul3A_520 : i32
        %get3A_522 = arith.index_cast %mul3A_521 : i32 to index
        %get3A_523 = tpu.vector_load %arg8[%get3A_522] {strides = array<i32>} : memref<2048xi32, #tpu.memory_space<vmem>>, vector<16xi32>,
        %rev3A_524 = arith.constant 15 : i32
        %rev3A_525 = vector.broadcast %rev3A_524 : i32 to vector<16xi32>
        %rev3A_526 = tpu.iota {dimensions = array<i32: 0>} : vector<16xi32>
        %rev3A_527 = arith.subi %rev3A_525, %rev3A_526 : vector<16xi32>
        %rev3A_528 = tpu.dynamic_gather %get3A_523[%rev3A_527] in [0] : vector<16xi32>, vector<16xi32> -> vector<16xi32>
        %broadcast_in_dim3A_529 = arith.constant true
        %broadcast_in_dim3A_530 = vector.broadcast %broadcast_in_dim3A_529 : i1 to vector<16xi1>
        %masked_cumsum3A_531 = tpu.scan <sum>, %rev3A_528 masked %broadcast_in_dim3A_530 : vector<16xi32>, vector<16xi1> -> vector<16xi32>
        %rev3A_532 = arith.constant 15 : i32
        %rev3A_533 = vector.broadcast %rev3A_532 : i32 to vector<16xi32>
        %rev3A_534 = tpu.iota {dimensions = array<i32: 0>} : vector<16xi32>
        %rev3A_535 = arith.subi %rev3A_533, %rev3A_534 : vector<16xi32>
        %rev3A_536 = tpu.dynamic_gather %masked_cumsum3A_531[%rev3A_535] in [0] : vector<16xi32>, vector<16xi32> -> vector<16xi32>
        %add3A_537 = vector.broadcast %add3A_515 : i32 to vector<16xi32>
        %add3A_538 = arith.addi %rev3A_536, %add3A_537 : vector<16xi32>
        %ge3A_539 = vector.broadcast %scan3A_68 : i32 to vector<16xi32>
        %ge3A_540 = arith.cmpi sge, %add3A_538, %ge3A_539 : vector<16xi32>
        %mul3A_541 = arith.constant 16 : i32
        %mul3A_542 = arith.muli %sub3A_519, %mul3A_541 : i32
        %add3A_543 = vector.broadcast %mul3A_542 : i32 to vector<16xi32>
        %add3A_544 = arith.addi %add3A_543, %iota3A : vector<16xi32>
        %jit3A_545 = arith.constant -1 : i32
        %broadcast_in_dim3A_546 = vector.broadcast %jit3A_545 : i32 to vector<16xi32>
        %select_n3A_547 = arith.select %ge3A_540, %add3A_544, %broadcast_in_dim3A_546 : vector<16xi1>, vector<16xi32>
        %reduce_max3A_548 = arith.constant true
        %reduce_max3A_549 = vector.broadcast %reduce_max3A_548 : i1 to vector<16xi1>
        %reduce_max3A_550 = arith.constant -2147483648 : i32
        %reduce_max3A_551 = vector.broadcast %reduce_max3A_550 : i32 to vector<16xi32>
        %reduce_max3A_552 = arith.xori %select_n3A_547, %reduce_max3A_551 : vector<16xi32>
        %reduce_max3A_553 = tpu.scan <max>, %reduce_max3A_552 masked %reduce_max3A_549 : vector<16xi32>, vector<16xi1> -> vector<16xi32>
        %reduce_max3A_554 = arith.xori %reduce_max3A_553, %reduce_max3A_551 : vector<16xi32>
        %reduce_max3A_555 = vector.extract %reduce_max3A_554[15] : i32 from vector<16xi32>
        %max3A_556 = arith.maxsi %max3A, %reduce_max3A_555 : i32
        %broadcast_in_dim3A_557 = vector.broadcast %scan3A : i32 to vector<16xi32>
        %select_n3A_558 = arith.select %ge3A_540, %add3A_538, %broadcast_in_dim3A_557 : vector<16xi1>, vector<16xi32>
        %reduce_min3A_559 = arith.constant true
        %reduce_min3A_560 = vector.broadcast %reduce_min3A_559 : i1 to vector<16xi1>
        %reduce_min3A_561 = arith.constant -2147483648 : i32
        %reduce_min3A_562 = vector.broadcast %reduce_min3A_561 : i32 to vector<16xi32>
        %reduce_min3A_563 = arith.xori %select_n3A_558, %reduce_min3A_562 : vector<16xi32>
        %reduce_min3A_564 = tpu.scan <min>, %reduce_min3A_563 masked %reduce_min3A_560 : vector<16xi32>, vector<16xi1> -> vector<16xi32>
        %reduce_min3A_565 = arith.xori %reduce_min3A_564, %reduce_min3A_562 : vector<16xi32>
        %reduce_min3A_566 = vector.extract %reduce_min3A_565[15] : i32 from vector<16xi32>
        %min3A_567 = arith.minsi %min3A, %reduce_min3A_566 : i32
        %reduce_max3A_568 = arith.constant true
        %reduce_max3A_569 = vector.broadcast %reduce_max3A_568 : i1 to vector<16xi1>
        %reduce_max3A_570 = arith.constant -2147483648 : i32
        %reduce_max3A_571 = vector.broadcast %reduce_max3A_570 : i32 to vector<16xi32>
        %reduce_max3A_572 = arith.xori %masked_cumsum3A_531, %reduce_max3A_571 : vector<16xi32>
        %reduce_max3A_573 = tpu.scan <max>, %reduce_max3A_572 masked %reduce_max3A_569 : vector<16xi32>, vector<16xi1> -> vector<16xi32>
        %reduce_max3A_574 = arith.xori %reduce_max3A_573, %reduce_max3A_571 : vector<16xi32>
        %reduce_max3A_575 = vector.extract %reduce_max3A_574[15] : i32 from vector<16xi32>
        %add3A_576 = arith.addi %add3A_515, %reduce_max3A_575 : i32
        %scan3A_577 = arith.constant 2 : i32
        %scan3A_578 = arith.addi %scan3A_459, %scan3A_577 : i32
        %sub3A_579 = arith.constant 127 : i32
        %sub3A_580 = arith.subi %sub3A_579, %scan3A_578 : i32
        %mul3A_581 = arith.constant 16 : i32
        %mul3A_582 = arith.muli %sub3A_580, %mul3A_581 : i32
        %get3A_583 = arith.index_cast %mul3A_582 : i32 to index
        %get3A_584 = tpu.vector_load %arg8[%get3A_583] {strides = array<i32>} : memref<2048xi32, #tpu.memory_space<vmem>>, vector<16xi32>,
        %rev3A_585 = arith.constant 15 : i32
        %rev3A_586 = vector.broadcast %rev3A_585 : i32 to vector<16xi32>
        %rev3A_587 = tpu.iota {dimensions = array<i32: 0>} : vector<16xi32>
        %rev3A_588 = arith.subi %rev3A_586, %rev3A_587 : vector<16xi32>
        %rev3A_589 = tpu.dynamic_gather %get3A_584[%rev3A_588] in [0] : vector<16xi32>, vector<16xi32> -> vector<16xi32>
        %broadcast_in_dim3A_590 = arith.constant true
        %broadcast_in_dim3A_591 = vector.broadcast %broadcast_in_dim3A_590 : i1 to vector<16xi1>
        %masked_cumsum3A_592 = tpu.scan <sum>, %rev3A_589 masked %broadcast_in_dim3A_591 : vector<16xi32>, vector<16xi1> -> vector<16xi32>
        %rev3A_593 = arith.constant 15 : i32
        %rev3A_594 = vector.broadcast %rev3A_593 : i32 to vector<16xi32>
        %rev3A_595 = tpu.iota {dimensions = array<i32: 0>} : vector<16xi32>
        %rev3A_596 = arith.subi %rev3A_594, %rev3A_595 : vector<16xi32>
        %rev3A_597 = tpu.dynamic_gather %masked_cumsum3A_592[%rev3A_596] in [0] : vector<16xi32>, vector<16xi32> -> vector<16xi32>
        %add3A_598 = vector.broadcast %add3A_576 : i32 to vector<16xi32>
        %add3A_599 = arith.addi %rev3A_597, %add3A_598 : vector<16xi32>
        %ge3A_600 = vector.broadcast %scan3A_68 : i32 to vector<16xi32>
        %ge3A_601 = arith.cmpi sge, %add3A_599, %ge3A_600 : vector<16xi32>
        %mul3A_602 = arith.constant 16 : i32
        %mul3A_603 = arith.muli %sub3A_580, %mul3A_602 : i32
        %add3A_604 = vector.broadcast %mul3A_603 : i32 to vector<16xi32>
        %add3A_605 = arith.addi %add3A_604, %iota3A : vector<16xi32>
        %jit3A_606 = arith.constant -1 : i32
        %broadcast_in_dim3A_607 = vector.broadcast %jit3A_606 : i32 to vector<16xi32>
        %select_n3A_608 = arith.select %ge3A_601, %add3A_605, %broadcast_in_dim3A_607 : vector<16xi1>, vector<16xi32>
        %reduce_max3A_609 = arith.constant true
        %reduce_max3A_610 = vector.broadcast %reduce_max3A_609 : i1 to vector<16xi1>
        %reduce_max3A_611 = arith.constant -2147483648 : i32
        %reduce_max3A_612 = vector.broadcast %reduce_max3A_611 : i32 to vector<16xi32>
        %reduce_max3A_613 = arith.xori %select_n3A_608, %reduce_max3A_612 : vector<16xi32>
        %reduce_max3A_614 = tpu.scan <max>, %reduce_max3A_613 masked %reduce_max3A_610 : vector<16xi32>, vector<16xi1> -> vector<16xi32>
        %reduce_max3A_615 = arith.xori %reduce_max3A_614, %reduce_max3A_612 : vector<16xi32>
        %reduce_max3A_616 = vector.extract %reduce_max3A_615[15] : i32 from vector<16xi32>
        %max3A_617 = arith.maxsi %max3A_556, %reduce_max3A_616 : i32
        %broadcast_in_dim3A_618 = vector.broadcast %scan3A : i32 to vector<16xi32>
        %select_n3A_619 = arith.select %ge3A_601, %add3A_599, %broadcast_in_dim3A_618 : vector<16xi1>, vector<16xi32>
        %reduce_min3A_620 = arith.constant true
        %reduce_min3A_621 = vector.broadcast %reduce_min3A_620 : i1 to vector<16xi1>
        %reduce_min3A_622 = arith.constant -2147483648 : i32
        %reduce_min3A_623 = vector.broadcast %reduce_min3A_622 : i32 to vector<16xi32>
        %reduce_min3A_624 = arith.xori %select_n3A_619, %reduce_min3A_623 : vector<16xi32>
        %reduce_min3A_625 = tpu.scan <min>, %reduce_min3A_624 masked %reduce_min3A_621 : vector<16xi32>, vector<16xi1> -> vector<16xi32>
        %reduce_min3A_626 = arith.xori %reduce_min3A_625, %reduce_min3A_623 : vector<16xi32>
        %reduce_min3A_627 = vector.extract %reduce_min3A_626[15] : i32 from vector<16xi32>
        %min3A_628 = arith.minsi %min3A_567, %reduce_min3A_627 : i32
        %reduce_max3A_629 = arith.constant true
        %reduce_max3A_630 = vector.broadcast %reduce_max3A_629 : i1 to vector<16xi1>
        %reduce_max3A_631 = arith.constant -2147483648 : i32
        %reduce_max3A_632 = vector.broadcast %reduce_max3A_631 : i32 to vector<16xi32>
        %reduce_max3A_633 = arith.xori %masked_cumsum3A_592, %reduce_max3A_632 : vector<16xi32>
        %reduce_max3A_634 = tpu.scan <max>, %reduce_max3A_633 masked %reduce_max3A_630 : vector<16xi32>, vector<16xi1> -> vector<16xi32>
        %reduce_max3A_635 = arith.xori %reduce_max3A_634, %reduce_max3A_632 : vector<16xi32>
        %reduce_max3A_636 = vector.extract %reduce_max3A_635[15] : i32 from vector<16xi32>
        %add3A_637 = arith.addi %add3A_576, %reduce_max3A_636 : i32
        %scan3A_638 = arith.constant 3 : i32
        %scan3A_639 = arith.addi %scan3A_459, %scan3A_638 : i32
        %sub3A_640 = arith.constant 127 : i32
        %sub3A_641 = arith.subi %sub3A_640, %scan3A_639 : i32
        %mul3A_642 = arith.constant 16 : i32
        %mul3A_643 = arith.muli %sub3A_641, %mul3A_642 : i32
        %get3A_644 = arith.index_cast %mul3A_643 : i32 to index
        %get3A_645 = tpu.vector_load %arg8[%get3A_644] {strides = array<i32>} : memref<2048xi32, #tpu.memory_space<vmem>>, vector<16xi32>,
        %rev3A_646 = arith.constant 15 : i32
        %rev3A_647 = vector.broadcast %rev3A_646 : i32 to vector<16xi32>
        %rev3A_648 = tpu.iota {dimensions = array<i32: 0>} : vector<16xi32>
        %rev3A_649 = arith.subi %rev3A_647, %rev3A_648 : vector<16xi32>
        %rev3A_650 = tpu.dynamic_gather %get3A_645[%rev3A_649] in [0] : vector<16xi32>, vector<16xi32> -> vector<16xi32>
        %broadcast_in_dim3A_651 = arith.constant true
        %broadcast_in_dim3A_652 = vector.broadcast %broadcast_in_dim3A_651 : i1 to vector<16xi1>
        %masked_cumsum3A_653 = tpu.scan <sum>, %rev3A_650 masked %broadcast_in_dim3A_652 : vector<16xi32>, vector<16xi1> -> vector<16xi32>
        %rev3A_654 = arith.constant 15 : i32
        %rev3A_655 = vector.broadcast %rev3A_654 : i32 to vector<16xi32>
        %rev3A_656 = tpu.iota {dimensions = array<i32: 0>} : vector<16xi32>
        %rev3A_657 = arith.subi %rev3A_655, %rev3A_656 : vector<16xi32>
        %rev3A_658 = tpu.dynamic_gather %masked_cumsum3A_653[%rev3A_657] in [0] : vector<16xi32>, vector<16xi32> -> vector<16xi32>
        %add3A_659 = vector.broadcast %add3A_637 : i32 to vector<16xi32>
        %add3A_660 = arith.addi %rev3A_658, %add3A_659 : vector<16xi32>
        %ge3A_661 = vector.broadcast %scan3A_68 : i32 to vector<16xi32>
        %ge3A_662 = arith.cmpi sge, %add3A_660, %ge3A_661 : vector<16xi32>
        %mul3A_663 = arith.constant 16 : i32
        %mul3A_664 = arith.muli %sub3A_641, %mul3A_663 : i32
        %add3A_665 = vector.broadcast %mul3A_664 : i32 to vector<16xi32>
        %add3A_666 = arith.addi %add3A_665, %iota3A : vector<16xi32>
        %jit3A_667 = arith.constant -1 : i32
        %broadcast_in_dim3A_668 = vector.broadcast %jit3A_667 : i32 to vector<16xi32>
        %select_n3A_669 = arith.select %ge3A_662, %add3A_666, %broadcast_in_dim3A_668 : vector<16xi1>, vector<16xi32>
        %reduce_max3A_670 = arith.constant true
        %reduce_max3A_671 = vector.broadcast %reduce_max3A_670 : i1 to vector<16xi1>
        %reduce_max3A_672 = arith.constant -2147483648 : i32
        %reduce_max3A_673 = vector.broadcast %reduce_max3A_672 : i32 to vector<16xi32>
        %reduce_max3A_674 = arith.xori %select_n3A_669, %reduce_max3A_673 : vector<16xi32>
        %reduce_max3A_675 = tpu.scan <max>, %reduce_max3A_674 masked %reduce_max3A_671 : vector<16xi32>, vector<16xi1> -> vector<16xi32>
        %reduce_max3A_676 = arith.xori %reduce_max3A_675, %reduce_max3A_673 : vector<16xi32>
        %reduce_max3A_677 = vector.extract %reduce_max3A_676[15] : i32 from vector<16xi32>
        %max3A_678 = arith.maxsi %max3A_617, %reduce_max3A_677 : i32
        %broadcast_in_dim3A_679 = vector.broadcast %scan3A : i32 to vector<16xi32>
        %select_n3A_680 = arith.select %ge3A_662, %add3A_660, %broadcast_in_dim3A_679 : vector<16xi1>, vector<16xi32>
        %reduce_min3A_681 = arith.constant true
        %reduce_min3A_682 = vector.broadcast %reduce_min3A_681 : i1 to vector<16xi1>
        %reduce_min3A_683 = arith.constant -2147483648 : i32
        %reduce_min3A_684 = vector.broadcast %reduce_min3A_683 : i32 to vector<16xi32>
        %reduce_min3A_685 = arith.xori %select_n3A_680, %reduce_min3A_684 : vector<16xi32>
        %reduce_min3A_686 = tpu.scan <min>, %reduce_min3A_685 masked %reduce_min3A_682 : vector<16xi32>, vector<16xi1> -> vector<16xi32>
        %reduce_min3A_687 = arith.xori %reduce_min3A_686, %reduce_min3A_684 : vector<16xi32>
        %reduce_min3A_688 = vector.extract %reduce_min3A_687[15] : i32 from vector<16xi32>
        %min3A_689 = arith.minsi %min3A_628, %reduce_min3A_688 : i32
        %reduce_max3A_690 = arith.constant true
        %reduce_max3A_691 = vector.broadcast %reduce_max3A_690 : i1 to vector<16xi1>
        %reduce_max3A_692 = arith.constant -2147483648 : i32
        %reduce_max3A_693 = vector.broadcast %reduce_max3A_692 : i32 to vector<16xi32>
        %reduce_max3A_694 = arith.xori %masked_cumsum3A_653, %reduce_max3A_693 : vector<16xi32>
        %reduce_max3A_695 = tpu.scan <max>, %reduce_max3A_694 masked %reduce_max3A_691 : vector<16xi32>, vector<16xi1> -> vector<16xi32>
        %reduce_max3A_696 = arith.xori %reduce_max3A_695, %reduce_max3A_693 : vector<16xi32>
        %reduce_max3A_697 = vector.extract %reduce_max3A_696[15] : i32 from vector<16xi32>
        %add3A_698 = arith.addi %add3A_637, %reduce_max3A_697 : i32
        scf.yield %max3A_678, %min3A_689, %add3A_698 : i32, i32, i32
      }
      %scan3A_76 = arith.constant 128 : i32
      %broadcast_in_dim3A_77 = vector.broadcast %scan3A_75#0 : i32 to vector<16xi32>
      %gather3A = tpu.vector_load_idx %arg8[%broadcast_in_dim3A_77] : memref<2048xi32, #tpu.memory_space<vmem>>[vector<16xi32>], vector<16xi32>,
      %reduce_max3A = arith.constant true
      %reduce_max3A_78 = vector.broadcast %reduce_max3A : i1 to vector<16xi1>
      %reduce_max3A_79 = arith.constant -2147483648 : i32
      %reduce_max3A_80 = vector.broadcast %reduce_max3A_79 : i32 to vector<16xi32>
      %reduce_max3A_81 = arith.xori %gather3A, %reduce_max3A_80 : vector<16xi32>
      %reduce_max3A_82 = tpu.scan <max>, %reduce_max3A_81 masked %reduce_max3A_78 : vector<16xi32>, vector<16xi1> -> vector<16xi32>
      %reduce_max3A_83 = arith.xori %reduce_max3A_82, %reduce_max3A_80 : vector<16xi32>
      %reduce_max3A_84 = vector.extract %reduce_max3A_83[15] : i32 from vector<16xi32>
      %sub3A_85 = arith.subi %scan3A_75#1, %reduce_max3A_84 : i32
      %sub3A_86 = arith.constant 100 : i32
      %sub3A_87 = arith.subi %sub3A_86, %sub3A_85 : i32
      %scan3A_88 = arith.constant 0 : i32
      %scan3A_89 = arith.constant 0 : i32
      %scan3A_90 = arith.constant 128 : i32
      %scan3A_91 = arith.addi %scan3A_89, %scan3A_90 : i32
      %scan3A_92 = arith.constant 8 : i32
      %scan3A_93 = scf.for %scan3A_459 = %scan3A_89 to %scan3A_91 step %scan3A_92 iter_args(%scan3A_460 = %scan3A_88) -> (i32)  : i32 {
        %mul3A_461 = arith.constant 16 : i32
        %mul3A_462 = arith.muli %scan3A_459, %mul3A_461 : i32
        %swap3A_463 = arith.index_cast %mul3A_462 : i32 to index
        %swap3A_464 = tpu.vector_load %arg8[%swap3A_463] {strides = array<i32>} : memref<2048xi32, #tpu.memory_space<vmem>>, vector<16xi32>,
        tpu.vector_store %arg8[%swap3A_463], %broadcast_in_dim3A_35 {strides = array<i32>} : memref<2048xi32, #tpu.memory_space<vmem>>, vector<16xi32>,
        %scan3A_465 = arith.constant 0 : i32
        %scan3A_466 = arith.constant 1 : i32
        %scan3A_467 = arith.addi %scan3A_459, %scan3A_466 : i32
        %mul3A_468 = arith.constant 16 : i32
        %mul3A_469 = arith.muli %scan3A_467, %mul3A_468 : i32
        %swap3A_470 = arith.index_cast %mul3A_469 : i32 to index
        %swap3A_471 = tpu.vector_load %arg8[%swap3A_470] {strides = array<i32>} : memref<2048xi32, #tpu.memory_space<vmem>>, vector<16xi32>,
        tpu.vector_store %arg8[%swap3A_470], %broadcast_in_dim3A_35 {strides = array<i32>} : memref<2048xi32, #tpu.memory_space<vmem>>, vector<16xi32>,
        %scan3A_472 = arith.constant 0 : i32
        %scan3A_473 = arith.constant 2 : i32
        %scan3A_474 = arith.addi %scan3A_459, %scan3A_473 : i32
        %mul3A_475 = arith.constant 16 : i32
        %mul3A_476 = arith.muli %scan3A_474, %mul3A_475 : i32
        %swap3A_477 = arith.index_cast %mul3A_476 : i32 to index
        %swap3A_478 = tpu.vector_load %arg8[%swap3A_477] {strides = array<i32>} : memref<2048xi32, #tpu.memory_space<vmem>>, vector<16xi32>,
        tpu.vector_store %arg8[%swap3A_477], %broadcast_in_dim3A_35 {strides = array<i32>} : memref<2048xi32, #tpu.memory_space<vmem>>, vector<16xi32>,
        %scan3A_479 = arith.constant 0 : i32
        %scan3A_480 = arith.constant 3 : i32
        %scan3A_481 = arith.addi %scan3A_459, %scan3A_480 : i32
        %mul3A_482 = arith.constant 16 : i32
        %mul3A_483 = arith.muli %scan3A_481, %mul3A_482 : i32
        %swap3A_484 = arith.index_cast %mul3A_483 : i32 to index
        %swap3A_485 = tpu.vector_load %arg8[%swap3A_484] {strides = array<i32>} : memref<2048xi32, #tpu.memory_space<vmem>>, vector<16xi32>,
        tpu.vector_store %arg8[%swap3A_484], %broadcast_in_dim3A_35 {strides = array<i32>} : memref<2048xi32, #tpu.memory_space<vmem>>, vector<16xi32>,
        %scan3A_486 = arith.constant 0 : i32
        %scan3A_487 = arith.constant 4 : i32
        %scan3A_488 = arith.addi %scan3A_459, %scan3A_487 : i32
        %mul3A_489 = arith.constant 16 : i32
        %mul3A_490 = arith.muli %scan3A_488, %mul3A_489 : i32
        %swap3A_491 = arith.index_cast %mul3A_490 : i32 to index
        %swap3A_492 = tpu.vector_load %arg8[%swap3A_491] {strides = array<i32>} : memref<2048xi32, #tpu.memory_space<vmem>>, vector<16xi32>,
        tpu.vector_store %arg8[%swap3A_491], %broadcast_in_dim3A_35 {strides = array<i32>} : memref<2048xi32, #tpu.memory_space<vmem>>, vector<16xi32>,
        %scan3A_493 = arith.constant 0 : i32
        %scan3A_494 = arith.constant 5 : i32
        %scan3A_495 = arith.addi %scan3A_459, %scan3A_494 : i32
        %mul3A_496 = arith.constant 16 : i32
        %mul3A_497 = arith.muli %scan3A_495, %mul3A_496 : i32
        %swap3A_498 = arith.index_cast %mul3A_497 : i32 to index
        %swap3A_499 = tpu.vector_load %arg8[%swap3A_498] {strides = array<i32>} : memref<2048xi32, #tpu.memory_space<vmem>>, vector<16xi32>,
        tpu.vector_store %arg8[%swap3A_498], %broadcast_in_dim3A_35 {strides = array<i32>} : memref<2048xi32, #tpu.memory_space<vmem>>, vector<16xi32>,
        %scan3A_500 = arith.constant 0 : i32
        %scan3A_501 = arith.constant 6 : i32
        %scan3A_502 = arith.addi %scan3A_459, %scan3A_501 : i32
        %mul3A_503 = arith.constant 16 : i32
        %mul3A_504 = arith.muli %scan3A_502, %mul3A_503 : i32
        %swap3A_505 = arith.index_cast %mul3A_504 : i32 to index
        %swap3A_506 = tpu.vector_load %arg8[%swap3A_505] {strides = array<i32>} : memref<2048xi32, #tpu.memory_space<vmem>>, vector<16xi32>,
        tpu.vector_store %arg8[%swap3A_505], %broadcast_in_dim3A_35 {strides = array<i32>} : memref<2048xi32, #tpu.memory_space<vmem>>, vector<16xi32>,
        %scan3A_507 = arith.constant 0 : i32
        %scan3A_508 = arith.constant 7 : i32
        %scan3A_509 = arith.addi %scan3A_459, %scan3A_508 : i32
        %mul3A_510 = arith.constant 16 : i32
        %mul3A_511 = arith.muli %scan3A_509, %mul3A_510 : i32
        %swap3A_512 = arith.index_cast %mul3A_511 : i32 to index
        %swap3A_513 = tpu.vector_load %arg8[%swap3A_512] {strides = array<i32>} : memref<2048xi32, #tpu.memory_space<vmem>>, vector<16xi32>,
        tpu.vector_store %arg8[%swap3A_512], %broadcast_in_dim3A_35 {strides = array<i32>} : memref<2048xi32, #tpu.memory_space<vmem>>, vector<16xi32>,
        %scan3A_514 = arith.constant 0 : i32
        scf.yield %scan3A_514 : i32
      }
      %scan3A_94 = arith.constant 128 : i32
      %scan3A_95 = arith.constant 0 : i32
      %scan3A_96 = arith.constant 0 : i32
      %scan3A_97 = arith.constant 1280 : i32
      %scan3A_98 = arith.addi %scan3A_96, %scan3A_97 : i32
      %scan3A_99 = arith.constant 4 : i32
      %scan3A_100 = scf.for %scan3A_459 = %scan3A_96 to %scan3A_98 step %scan3A_99 iter_args(%scan3A_460 = %scan3A_95) -> (i32)  : i32 {
        %mul3A_461 = arith.constant 16 : i32
        %mul3A_462 = arith.muli %scan3A_459, %mul3A_461 : i32
        %get3A_463 = arith.index_cast %mul3A_462 : i32 to index
        %get3A_464 = tpu.vector_load %arg6[%get3A_463] {strides = array<i32>} : memref<20480xf32, #tpu.memory_space<vmem>>, vector<16xf32>,
        %bitcast_convert_type3A_465 = tpu.bitcast %get3A_464 : vector<16xf32> -> vector<16xi32>
        %shift_right_logical3A = arith.constant 10 : i32
        %shift_right_logical3A_466 = vector.broadcast %shift_right_logical3A : i32 to vector<16xi32>
        %shift_right_logical3A_467 = arith.shrui %bitcast_convert_type3A_465, %shift_right_logical3A_466 : vector<16xi32>
        %and3A_468 = arith.constant 2047 : i32
        %and3A_469 = vector.broadcast %and3A_468 : i32 to vector<16xi32>
        %and3A_470 = arith.andi %shift_right_logical3A_467, %and3A_469 : vector<16xi32>
        %shift_right_logical3A_471 = arith.constant 21 : i32
        %shift_right_logical3A_472 = vector.broadcast %shift_right_logical3A_471 : i32 to vector<16xi32>
        %shift_right_logical3A_473 = arith.shrui %bitcast_convert_type3A_465, %shift_right_logical3A_472 : vector<16xi32>
        %eq3A_474 = vector.broadcast %scan3A_75#0 : i32 to vector<16xi32>
        %eq3A_475 = arith.cmpi eq, %shift_right_logical3A_473, %eq3A_474 : vector<16xi32>
        tpu.vector_store_idx %arg8[%and3A_470], %broadcast_in_dim3A_33 masked %eq3A_475 {add = true} : memref<2048xi32, #tpu.memory_space<vmem>>[vector<16xi32>], vector<16xi32>, vector<16xi1>
        %scan3A_476 = arith.constant 0 : i32
        %scan3A_477 = arith.constant 1 : i32
        %scan3A_478 = arith.addi %scan3A_459, %scan3A_477 : i32
        %mul3A_479 = arith.constant 16 : i32
        %mul3A_480 = arith.muli %scan3A_478, %mul3A_479 : i32
        %get3A_481 = arith.index_cast %mul3A_480 : i32 to index
        %get3A_482 = tpu.vector_load %arg6[%get3A_481] {strides = array<i32>} : memref<20480xf32, #tpu.memory_space<vmem>>, vector<16xf32>,
        %bitcast_convert_type3A_483 = tpu.bitcast %get3A_482 : vector<16xf32> -> vector<16xi32>
        %shift_right_logical3A_484 = arith.constant 10 : i32
        %shift_right_logical3A_485 = vector.broadcast %shift_right_logical3A_484 : i32 to vector<16xi32>
        %shift_right_logical3A_486 = arith.shrui %bitcast_convert_type3A_483, %shift_right_logical3A_485 : vector<16xi32>
        %and3A_487 = arith.constant 2047 : i32
        %and3A_488 = vector.broadcast %and3A_487 : i32 to vector<16xi32>
        %and3A_489 = arith.andi %shift_right_logical3A_486, %and3A_488 : vector<16xi32>
        %shift_right_logical3A_490 = arith.constant 21 : i32
        %shift_right_logical3A_491 = vector.broadcast %shift_right_logical3A_490 : i32 to vector<16xi32>
        %shift_right_logical3A_492 = arith.shrui %bitcast_convert_type3A_483, %shift_right_logical3A_491 : vector<16xi32>
        %eq3A_493 = vector.broadcast %scan3A_75#0 : i32 to vector<16xi32>
        %eq3A_494 = arith.cmpi eq, %shift_right_logical3A_492, %eq3A_493 : vector<16xi32>
        tpu.vector_store_idx %arg8[%and3A_489], %broadcast_in_dim3A_33 masked %eq3A_494 {add = true} : memref<2048xi32, #tpu.memory_space<vmem>>[vector<16xi32>], vector<16xi32>, vector<16xi1>
        %scan3A_495 = arith.constant 0 : i32
        %scan3A_496 = arith.constant 2 : i32
        %scan3A_497 = arith.addi %scan3A_459, %scan3A_496 : i32
        %mul3A_498 = arith.constant 16 : i32
        %mul3A_499 = arith.muli %scan3A_497, %mul3A_498 : i32
        %get3A_500 = arith.index_cast %mul3A_499 : i32 to index
        %get3A_501 = tpu.vector_load %arg6[%get3A_500] {strides = array<i32>} : memref<20480xf32, #tpu.memory_space<vmem>>, vector<16xf32>,
        %bitcast_convert_type3A_502 = tpu.bitcast %get3A_501 : vector<16xf32> -> vector<16xi32>
        %shift_right_logical3A_503 = arith.constant 10 : i32
        %shift_right_logical3A_504 = vector.broadcast %shift_right_logical3A_503 : i32 to vector<16xi32>
        %shift_right_logical3A_505 = arith.shrui %bitcast_convert_type3A_502, %shift_right_logical3A_504 : vector<16xi32>
        %and3A_506 = arith.constant 2047 : i32
        %and3A_507 = vector.broadcast %and3A_506 : i32 to vector<16xi32>
        %and3A_508 = arith.andi %shift_right_logical3A_505, %and3A_507 : vector<16xi32>
        %shift_right_logical3A_509 = arith.constant 21 : i32
        %shift_right_logical3A_510 = vector.broadcast %shift_right_logical3A_509 : i32 to vector<16xi32>
        %shift_right_logical3A_511 = arith.shrui %bitcast_convert_type3A_502, %shift_right_logical3A_510 : vector<16xi32>
        %eq3A_512 = vector.broadcast %scan3A_75#0 : i32 to vector<16xi32>
        %eq3A_513 = arith.cmpi eq, %shift_right_logical3A_511, %eq3A_512 : vector<16xi32>
        tpu.vector_store_idx %arg8[%and3A_508], %broadcast_in_dim3A_33 masked %eq3A_513 {add = true} : memref<2048xi32, #tpu.memory_space<vmem>>[vector<16xi32>], vector<16xi32>, vector<16xi1>
        %scan3A_514 = arith.constant 0 : i32
        %scan3A_515 = arith.constant 3 : i32
        %scan3A_516 = arith.addi %scan3A_459, %scan3A_515 : i32
        %mul3A_517 = arith.constant 16 : i32
        %mul3A_518 = arith.muli %scan3A_516, %mul3A_517 : i32
        %get3A_519 = arith.index_cast %mul3A_518 : i32 to index
        %get3A_520 = tpu.vector_load %arg6[%get3A_519] {strides = array<i32>} : memref<20480xf32, #tpu.memory_space<vmem>>, vector<16xf32>,
        %bitcast_convert_type3A_521 = tpu.bitcast %get3A_520 : vector<16xf32> -> vector<16xi32>
        %shift_right_logical3A_522 = arith.constant 10 : i32
        %shift_right_logical3A_523 = vector.broadcast %shift_right_logical3A_522 : i32 to vector<16xi32>
        %shift_right_logical3A_524 = arith.shrui %bitcast_convert_type3A_521, %shift_right_logical3A_523 : vector<16xi32>
        %and3A_525 = arith.constant 2047 : i32
        %and3A_526 = vector.broadcast %and3A_525 : i32 to vector<16xi32>
        %and3A_527 = arith.andi %shift_right_logical3A_524, %and3A_526 : vector<16xi32>
        %shift_right_logical3A_528 = arith.constant 21 : i32
        %shift_right_logical3A_529 = vector.broadcast %shift_right_logical3A_528 : i32 to vector<16xi32>
        %shift_right_logical3A_530 = arith.shrui %bitcast_convert_type3A_521, %shift_right_logical3A_529 : vector<16xi32>
        %eq3A_531 = vector.broadcast %scan3A_75#0 : i32 to vector<16xi32>
        %eq3A_532 = arith.cmpi eq, %shift_right_logical3A_530, %eq3A_531 : vector<16xi32>
        tpu.vector_store_idx %arg8[%and3A_527], %broadcast_in_dim3A_33 masked %eq3A_532 {add = true} : memref<2048xi32, #tpu.memory_space<vmem>>[vector<16xi32>], vector<16xi32>, vector<16xi1>
        %scan3A_533 = arith.constant 0 : i32
        scf.yield %scan3A_533 : i32
      }
      %scan3A_101 = arith.constant 1280 : i32
      %scan3A_102 = arith.constant -1 : i32
      %scan3A_103 = arith.constant 0 : i32
      %scan3A_104 = arith.constant 0 : i32
      %scan3A_105 = arith.constant 128 : i32
      %scan3A_106 = arith.addi %scan3A_104, %scan3A_105 : i32
      %scan3A_107 = arith.constant 4 : i32
      %scan3A_108:3 = scf.for %scan3A_459 = %scan3A_104 to %scan3A_106 step %scan3A_107 iter_args(%scan3A_460 = %scan3A_102, %scan3A_461 = %scan3A, %scan3A_462 = %scan3A_103) -> (i32, i32, i32)  : i32 {
        %sub3A_463 = arith.constant 127 : i32
        %sub3A_464 = arith.subi %sub3A_463, %scan3A_459 : i32
        %mul3A_465 = arith.constant 16 : i32
        %mul3A_466 = arith.muli %sub3A_464, %mul3A_465 : i32
        %get3A_467 = arith.index_cast %mul3A_466 : i32 to index
        %get3A_468 = tpu.vector_load %arg8[%get3A_467] {strides = array<i32>} : memref<2048xi32, #tpu.memory_space<vmem>>, vector<16xi32>,
        %rev3A = arith.constant 15 : i32
        %rev3A_469 = vector.broadcast %rev3A : i32 to vector<16xi32>
        %rev3A_470 = tpu.iota {dimensions = array<i32: 0>} : vector<16xi32>
        %rev3A_471 = arith.subi %rev3A_469, %rev3A_470 : vector<16xi32>
        %rev3A_472 = tpu.dynamic_gather %get3A_468[%rev3A_471] in [0] : vector<16xi32>, vector<16xi32> -> vector<16xi32>
        %broadcast_in_dim3A_473 = arith.constant true
        %broadcast_in_dim3A_474 = vector.broadcast %broadcast_in_dim3A_473 : i1 to vector<16xi1>
        %masked_cumsum3A = tpu.scan <sum>, %rev3A_472 masked %broadcast_in_dim3A_474 : vector<16xi32>, vector<16xi1> -> vector<16xi32>
        %rev3A_475 = arith.constant 15 : i32
        %rev3A_476 = vector.broadcast %rev3A_475 : i32 to vector<16xi32>
        %rev3A_477 = tpu.iota {dimensions = array<i32: 0>} : vector<16xi32>
        %rev3A_478 = arith.subi %rev3A_476, %rev3A_477 : vector<16xi32>
        %rev3A_479 = tpu.dynamic_gather %masked_cumsum3A[%rev3A_478] in [0] : vector<16xi32>, vector<16xi32> -> vector<16xi32>
        %add3A_480 = vector.broadcast %scan3A_462 : i32 to vector<16xi32>
        %add3A_481 = arith.addi %rev3A_479, %add3A_480 : vector<16xi32>
        %ge3A = vector.broadcast %sub3A_87 : i32 to vector<16xi32>
        %ge3A_482 = arith.cmpi sge, %add3A_481, %ge3A : vector<16xi32>
        %mul3A_483 = arith.constant 16 : i32
        %mul3A_484 = arith.muli %sub3A_464, %mul3A_483 : i32
        %add3A_485 = vector.broadcast %mul3A_484 : i32 to vector<16xi32>
        %add3A_486 = arith.addi %add3A_485, %iota3A : vector<16xi32>
        %jit3A_487 = arith.constant -1 : i32
        %broadcast_in_dim3A_488 = vector.broadcast %jit3A_487 : i32 to vector<16xi32>
        %select_n3A_489 = arith.select %ge3A_482, %add3A_486, %broadcast_in_dim3A_488 : vector<16xi1>, vector<16xi32>
        %reduce_max3A_490 = arith.constant true
        %reduce_max3A_491 = vector.broadcast %reduce_max3A_490 : i1 to vector<16xi1>
        %reduce_max3A_492 = arith.constant -2147483648 : i32
        %reduce_max3A_493 = vector.broadcast %reduce_max3A_492 : i32 to vector<16xi32>
        %reduce_max3A_494 = arith.xori %select_n3A_489, %reduce_max3A_493 : vector<16xi32>
        %reduce_max3A_495 = tpu.scan <max>, %reduce_max3A_494 masked %reduce_max3A_491 : vector<16xi32>, vector<16xi1> -> vector<16xi32>
        %reduce_max3A_496 = arith.xori %reduce_max3A_495, %reduce_max3A_493 : vector<16xi32>
        %reduce_max3A_497 = vector.extract %reduce_max3A_496[15] : i32 from vector<16xi32>
        %max3A = arith.maxsi %scan3A_460, %reduce_max3A_497 : i32
        %broadcast_in_dim3A_498 = vector.broadcast %scan3A : i32 to vector<16xi32>
        %select_n3A_499 = arith.select %ge3A_482, %add3A_481, %broadcast_in_dim3A_498 : vector<16xi1>, vector<16xi32>
        %reduce_min3A = arith.constant true
        %reduce_min3A_500 = vector.broadcast %reduce_min3A : i1 to vector<16xi1>
        %reduce_min3A_501 = arith.constant -2147483648 : i32
        %reduce_min3A_502 = vector.broadcast %reduce_min3A_501 : i32 to vector<16xi32>
        %reduce_min3A_503 = arith.xori %select_n3A_499, %reduce_min3A_502 : vector<16xi32>
        %reduce_min3A_504 = tpu.scan <min>, %reduce_min3A_503 masked %reduce_min3A_500 : vector<16xi32>, vector<16xi1> -> vector<16xi32>
        %reduce_min3A_505 = arith.xori %reduce_min3A_504, %reduce_min3A_502 : vector<16xi32>
        %reduce_min3A_506 = vector.extract %reduce_min3A_505[15] : i32 from vector<16xi32>
        %min3A = arith.minsi %scan3A_461, %reduce_min3A_506 : i32
        %reduce_max3A_507 = arith.constant true
        %reduce_max3A_508 = vector.broadcast %reduce_max3A_507 : i1 to vector<16xi1>
        %reduce_max3A_509 = arith.constant -2147483648 : i32
        %reduce_max3A_510 = vector.broadcast %reduce_max3A_509 : i32 to vector<16xi32>
        %reduce_max3A_511 = arith.xori %masked_cumsum3A, %reduce_max3A_510 : vector<16xi32>
        %reduce_max3A_512 = tpu.scan <max>, %reduce_max3A_511 masked %reduce_max3A_508 : vector<16xi32>, vector<16xi1> -> vector<16xi32>
        %reduce_max3A_513 = arith.xori %reduce_max3A_512, %reduce_max3A_510 : vector<16xi32>
        %reduce_max3A_514 = vector.extract %reduce_max3A_513[15] : i32 from vector<16xi32>
        %add3A_515 = arith.addi %scan3A_462, %reduce_max3A_514 : i32
        %scan3A_516 = arith.constant 1 : i32
        %scan3A_517 = arith.addi %scan3A_459, %scan3A_516 : i32
        %sub3A_518 = arith.constant 127 : i32
        %sub3A_519 = arith.subi %sub3A_518, %scan3A_517 : i32
        %mul3A_520 = arith.constant 16 : i32
        %mul3A_521 = arith.muli %sub3A_519, %mul3A_520 : i32
        %get3A_522 = arith.index_cast %mul3A_521 : i32 to index
        %get3A_523 = tpu.vector_load %arg8[%get3A_522] {strides = array<i32>} : memref<2048xi32, #tpu.memory_space<vmem>>, vector<16xi32>,
        %rev3A_524 = arith.constant 15 : i32
        %rev3A_525 = vector.broadcast %rev3A_524 : i32 to vector<16xi32>
        %rev3A_526 = tpu.iota {dimensions = array<i32: 0>} : vector<16xi32>
        %rev3A_527 = arith.subi %rev3A_525, %rev3A_526 : vector<16xi32>
        %rev3A_528 = tpu.dynamic_gather %get3A_523[%rev3A_527] in [0] : vector<16xi32>, vector<16xi32> -> vector<16xi32>
        %broadcast_in_dim3A_529 = arith.constant true
        %broadcast_in_dim3A_530 = vector.broadcast %broadcast_in_dim3A_529 : i1 to vector<16xi1>
        %masked_cumsum3A_531 = tpu.scan <sum>, %rev3A_528 masked %broadcast_in_dim3A_530 : vector<16xi32>, vector<16xi1> -> vector<16xi32>
        %rev3A_532 = arith.constant 15 : i32
        %rev3A_533 = vector.broadcast %rev3A_532 : i32 to vector<16xi32>
        %rev3A_534 = tpu.iota {dimensions = array<i32: 0>} : vector<16xi32>
        %rev3A_535 = arith.subi %rev3A_533, %rev3A_534 : vector<16xi32>
        %rev3A_536 = tpu.dynamic_gather %masked_cumsum3A_531[%rev3A_535] in [0] : vector<16xi32>, vector<16xi32> -> vector<16xi32>
        %add3A_537 = vector.broadcast %add3A_515 : i32 to vector<16xi32>
        %add3A_538 = arith.addi %rev3A_536, %add3A_537 : vector<16xi32>
        %ge3A_539 = vector.broadcast %sub3A_87 : i32 to vector<16xi32>
        %ge3A_540 = arith.cmpi sge, %add3A_538, %ge3A_539 : vector<16xi32>
        %mul3A_541 = arith.constant 16 : i32
        %mul3A_542 = arith.muli %sub3A_519, %mul3A_541 : i32
        %add3A_543 = vector.broadcast %mul3A_542 : i32 to vector<16xi32>
        %add3A_544 = arith.addi %add3A_543, %iota3A : vector<16xi32>
        %jit3A_545 = arith.constant -1 : i32
        %broadcast_in_dim3A_546 = vector.broadcast %jit3A_545 : i32 to vector<16xi32>
        %select_n3A_547 = arith.select %ge3A_540, %add3A_544, %broadcast_in_dim3A_546 : vector<16xi1>, vector<16xi32>
        %reduce_max3A_548 = arith.constant true
        %reduce_max3A_549 = vector.broadcast %reduce_max3A_548 : i1 to vector<16xi1>
        %reduce_max3A_550 = arith.constant -2147483648 : i32
        %reduce_max3A_551 = vector.broadcast %reduce_max3A_550 : i32 to vector<16xi32>
        %reduce_max3A_552 = arith.xori %select_n3A_547, %reduce_max3A_551 : vector<16xi32>
        %reduce_max3A_553 = tpu.scan <max>, %reduce_max3A_552 masked %reduce_max3A_549 : vector<16xi32>, vector<16xi1> -> vector<16xi32>
        %reduce_max3A_554 = arith.xori %reduce_max3A_553, %reduce_max3A_551 : vector<16xi32>
        %reduce_max3A_555 = vector.extract %reduce_max3A_554[15] : i32 from vector<16xi32>
        %max3A_556 = arith.maxsi %max3A, %reduce_max3A_555 : i32
        %broadcast_in_dim3A_557 = vector.broadcast %scan3A : i32 to vector<16xi32>
        %select_n3A_558 = arith.select %ge3A_540, %add3A_538, %broadcast_in_dim3A_557 : vector<16xi1>, vector<16xi32>
        %reduce_min3A_559 = arith.constant true
        %reduce_min3A_560 = vector.broadcast %reduce_min3A_559 : i1 to vector<16xi1>
        %reduce_min3A_561 = arith.constant -2147483648 : i32
        %reduce_min3A_562 = vector.broadcast %reduce_min3A_561 : i32 to vector<16xi32>
        %reduce_min3A_563 = arith.xori %select_n3A_558, %reduce_min3A_562 : vector<16xi32>
        %reduce_min3A_564 = tpu.scan <min>, %reduce_min3A_563 masked %reduce_min3A_560 : vector<16xi32>, vector<16xi1> -> vector<16xi32>
        %reduce_min3A_565 = arith.xori %reduce_min3A_564, %reduce_min3A_562 : vector<16xi32>
        %reduce_min3A_566 = vector.extract %reduce_min3A_565[15] : i32 from vector<16xi32>
        %min3A_567 = arith.minsi %min3A, %reduce_min3A_566 : i32
        %reduce_max3A_568 = arith.constant true
        %reduce_max3A_569 = vector.broadcast %reduce_max3A_568 : i1 to vector<16xi1>
        %reduce_max3A_570 = arith.constant -2147483648 : i32
        %reduce_max3A_571 = vector.broadcast %reduce_max3A_570 : i32 to vector<16xi32>
        %reduce_max3A_572 = arith.xori %masked_cumsum3A_531, %reduce_max3A_571 : vector<16xi32>
        %reduce_max3A_573 = tpu.scan <max>, %reduce_max3A_572 masked %reduce_max3A_569 : vector<16xi32>, vector<16xi1> -> vector<16xi32>
        %reduce_max3A_574 = arith.xori %reduce_max3A_573, %reduce_max3A_571 : vector<16xi32>
        %reduce_max3A_575 = vector.extract %reduce_max3A_574[15] : i32 from vector<16xi32>
        %add3A_576 = arith.addi %add3A_515, %reduce_max3A_575 : i32
        %scan3A_577 = arith.constant 2 : i32
        %scan3A_578 = arith.addi %scan3A_459, %scan3A_577 : i32
        %sub3A_579 = arith.constant 127 : i32
        %sub3A_580 = arith.subi %sub3A_579, %scan3A_578 : i32
        %mul3A_581 = arith.constant 16 : i32
        %mul3A_582 = arith.muli %sub3A_580, %mul3A_581 : i32
        %get3A_583 = arith.index_cast %mul3A_582 : i32 to index
        %get3A_584 = tpu.vector_load %arg8[%get3A_583] {strides = array<i32>} : memref<2048xi32, #tpu.memory_space<vmem>>, vector<16xi32>,
        %rev3A_585 = arith.constant 15 : i32
        %rev3A_586 = vector.broadcast %rev3A_585 : i32 to vector<16xi32>
        %rev3A_587 = tpu.iota {dimensions = array<i32: 0>} : vector<16xi32>
        %rev3A_588 = arith.subi %rev3A_586, %rev3A_587 : vector<16xi32>
        %rev3A_589 = tpu.dynamic_gather %get3A_584[%rev3A_588] in [0] : vector<16xi32>, vector<16xi32> -> vector<16xi32>
        %broadcast_in_dim3A_590 = arith.constant true
        %broadcast_in_dim3A_591 = vector.broadcast %broadcast_in_dim3A_590 : i1 to vector<16xi1>
        %masked_cumsum3A_592 = tpu.scan <sum>, %rev3A_589 masked %broadcast_in_dim3A_591 : vector<16xi32>, vector<16xi1> -> vector<16xi32>
        %rev3A_593 = arith.constant 15 : i32
        %rev3A_594 = vector.broadcast %rev3A_593 : i32 to vector<16xi32>
        %rev3A_595 = tpu.iota {dimensions = array<i32: 0>} : vector<16xi32>
        %rev3A_596 = arith.subi %rev3A_594, %rev3A_595 : vector<16xi32>
        %rev3A_597 = tpu.dynamic_gather %masked_cumsum3A_592[%rev3A_596] in [0] : vector<16xi32>, vector<16xi32> -> vector<16xi32>
        %add3A_598 = vector.broadcast %add3A_576 : i32 to vector<16xi32>
        %add3A_599 = arith.addi %rev3A_597, %add3A_598 : vector<16xi32>
        %ge3A_600 = vector.broadcast %sub3A_87 : i32 to vector<16xi32>
        %ge3A_601 = arith.cmpi sge, %add3A_599, %ge3A_600 : vector<16xi32>
        %mul3A_602 = arith.constant 16 : i32
        %mul3A_603 = arith.muli %sub3A_580, %mul3A_602 : i32
        %add3A_604 = vector.broadcast %mul3A_603 : i32 to vector<16xi32>
        %add3A_605 = arith.addi %add3A_604, %iota3A : vector<16xi32>
        %jit3A_606 = arith.constant -1 : i32
        %broadcast_in_dim3A_607 = vector.broadcast %jit3A_606 : i32 to vector<16xi32>
        %select_n3A_608 = arith.select %ge3A_601, %add3A_605, %broadcast_in_dim3A_607 : vector<16xi1>, vector<16xi32>
        %reduce_max3A_609 = arith.constant true
        %reduce_max3A_610 = vector.broadcast %reduce_max3A_609 : i1 to vector<16xi1>
        %reduce_max3A_611 = arith.constant -2147483648 : i32
        %reduce_max3A_612 = vector.broadcast %reduce_max3A_611 : i32 to vector<16xi32>
        %reduce_max3A_613 = arith.xori %select_n3A_608, %reduce_max3A_612 : vector<16xi32>
        %reduce_max3A_614 = tpu.scan <max>, %reduce_max3A_613 masked %reduce_max3A_610 : vector<16xi32>, vector<16xi1> -> vector<16xi32>
        %reduce_max3A_615 = arith.xori %reduce_max3A_614, %reduce_max3A_612 : vector<16xi32>
        %reduce_max3A_616 = vector.extract %reduce_max3A_615[15] : i32 from vector<16xi32>
        %max3A_617 = arith.maxsi %max3A_556, %reduce_max3A_616 : i32
        %broadcast_in_dim3A_618 = vector.broadcast %scan3A : i32 to vector<16xi32>
        %select_n3A_619 = arith.select %ge3A_601, %add3A_599, %broadcast_in_dim3A_618 : vector<16xi1>, vector<16xi32>
        %reduce_min3A_620 = arith.constant true
        %reduce_min3A_621 = vector.broadcast %reduce_min3A_620 : i1 to vector<16xi1>
        %reduce_min3A_622 = arith.constant -2147483648 : i32
        %reduce_min3A_623 = vector.broadcast %reduce_min3A_622 : i32 to vector<16xi32>
        %reduce_min3A_624 = arith.xori %select_n3A_619, %reduce_min3A_623 : vector<16xi32>
        %reduce_min3A_625 = tpu.scan <min>, %reduce_min3A_624 masked %reduce_min3A_621 : vector<16xi32>, vector<16xi1> -> vector<16xi32>
        %reduce_min3A_626 = arith.xori %reduce_min3A_625, %reduce_min3A_623 : vector<16xi32>
        %reduce_min3A_627 = vector.extract %reduce_min3A_626[15] : i32 from vector<16xi32>
        %min3A_628 = arith.minsi %min3A_567, %reduce_min3A_627 : i32
        %reduce_max3A_629 = arith.constant true
        %reduce_max3A_630 = vector.broadcast %reduce_max3A_629 : i1 to vector<16xi1>
        %reduce_max3A_631 = arith.constant -2147483648 : i32
        %reduce_max3A_632 = vector.broadcast %reduce_max3A_631 : i32 to vector<16xi32>
        %reduce_max3A_633 = arith.xori %masked_cumsum3A_592, %reduce_max3A_632 : vector<16xi32>
        %reduce_max3A_634 = tpu.scan <max>, %reduce_max3A_633 masked %reduce_max3A_630 : vector<16xi32>, vector<16xi1> -> vector<16xi32>
        %reduce_max3A_635 = arith.xori %reduce_max3A_634, %reduce_max3A_632 : vector<16xi32>
        %reduce_max3A_636 = vector.extract %reduce_max3A_635[15] : i32 from vector<16xi32>
        %add3A_637 = arith.addi %add3A_576, %reduce_max3A_636 : i32
        %scan3A_638 = arith.constant 3 : i32
        %scan3A_639 = arith.addi %scan3A_459, %scan3A_638 : i32
        %sub3A_640 = arith.constant 127 : i32
        %sub3A_641 = arith.subi %sub3A_640, %scan3A_639 : i32
        %mul3A_642 = arith.constant 16 : i32
        %mul3A_643 = arith.muli %sub3A_641, %mul3A_642 : i32
        %get3A_644 = arith.index_cast %mul3A_643 : i32 to index
        %get3A_645 = tpu.vector_load %arg8[%get3A_644] {strides = array<i32>} : memref<2048xi32, #tpu.memory_space<vmem>>, vector<16xi32>,
        %rev3A_646 = arith.constant 15 : i32
        %rev3A_647 = vector.broadcast %rev3A_646 : i32 to vector<16xi32>
        %rev3A_648 = tpu.iota {dimensions = array<i32: 0>} : vector<16xi32>
        %rev3A_649 = arith.subi %rev3A_647, %rev3A_648 : vector<16xi32>
        %rev3A_650 = tpu.dynamic_gather %get3A_645[%rev3A_649] in [0] : vector<16xi32>, vector<16xi32> -> vector<16xi32>
        %broadcast_in_dim3A_651 = arith.constant true
        %broadcast_in_dim3A_652 = vector.broadcast %broadcast_in_dim3A_651 : i1 to vector<16xi1>
        %masked_cumsum3A_653 = tpu.scan <sum>, %rev3A_650 masked %broadcast_in_dim3A_652 : vector<16xi32>, vector<16xi1> -> vector<16xi32>
        %rev3A_654 = arith.constant 15 : i32
        %rev3A_655 = vector.broadcast %rev3A_654 : i32 to vector<16xi32>
        %rev3A_656 = tpu.iota {dimensions = array<i32: 0>} : vector<16xi32>
        %rev3A_657 = arith.subi %rev3A_655, %rev3A_656 : vector<16xi32>
        %rev3A_658 = tpu.dynamic_gather %masked_cumsum3A_653[%rev3A_657] in [0] : vector<16xi32>, vector<16xi32> -> vector<16xi32>
        %add3A_659 = vector.broadcast %add3A_637 : i32 to vector<16xi32>
        %add3A_660 = arith.addi %rev3A_658, %add3A_659 : vector<16xi32>
        %ge3A_661 = vector.broadcast %sub3A_87 : i32 to vector<16xi32>
        %ge3A_662 = arith.cmpi sge, %add3A_660, %ge3A_661 : vector<16xi32>
        %mul3A_663 = arith.constant 16 : i32
        %mul3A_664 = arith.muli %sub3A_641, %mul3A_663 : i32
        %add3A_665 = vector.broadcast %mul3A_664 : i32 to vector<16xi32>
        %add3A_666 = arith.addi %add3A_665, %iota3A : vector<16xi32>
        %jit3A_667 = arith.constant -1 : i32
        %broadcast_in_dim3A_668 = vector.broadcast %jit3A_667 : i32 to vector<16xi32>
        %select_n3A_669 = arith.select %ge3A_662, %add3A_666, %broadcast_in_dim3A_668 : vector<16xi1>, vector<16xi32>
        %reduce_max3A_670 = arith.constant true
        %reduce_max3A_671 = vector.broadcast %reduce_max3A_670 : i1 to vector<16xi1>
        %reduce_max3A_672 = arith.constant -2147483648 : i32
        %reduce_max3A_673 = vector.broadcast %reduce_max3A_672 : i32 to vector<16xi32>
        %reduce_max3A_674 = arith.xori %select_n3A_669, %reduce_max3A_673 : vector<16xi32>
        %reduce_max3A_675 = tpu.scan <max>, %reduce_max3A_674 masked %reduce_max3A_671 : vector<16xi32>, vector<16xi1> -> vector<16xi32>
        %reduce_max3A_676 = arith.xori %reduce_max3A_675, %reduce_max3A_673 : vector<16xi32>
        %reduce_max3A_677 = vector.extract %reduce_max3A_676[15] : i32 from vector<16xi32>
        %max3A_678 = arith.maxsi %max3A_617, %reduce_max3A_677 : i32
        %broadcast_in_dim3A_679 = vector.broadcast %scan3A : i32 to vector<16xi32>
        %select_n3A_680 = arith.select %ge3A_662, %add3A_660, %broadcast_in_dim3A_679 : vector<16xi1>, vector<16xi32>
        %reduce_min3A_681 = arith.constant true
        %reduce_min3A_682 = vector.broadcast %reduce_min3A_681 : i1 to vector<16xi1>
        %reduce_min3A_683 = arith.constant -2147483648 : i32
        %reduce_min3A_684 = vector.broadcast %reduce_min3A_683 : i32 to vector<16xi32>
        %reduce_min3A_685 = arith.xori %select_n3A_680, %reduce_min3A_684 : vector<16xi32>
        %reduce_min3A_686 = tpu.scan <min>, %reduce_min3A_685 masked %reduce_min3A_682 : vector<16xi32>, vector<16xi1> -> vector<16xi32>
        %reduce_min3A_687 = arith.xori %reduce_min3A_686, %reduce_min3A_684 : vector<16xi32>
        %reduce_min3A_688 = vector.extract %reduce_min3A_687[15] : i32 from vector<16xi32>
        %min3A_689 = arith.minsi %min3A_628, %reduce_min3A_688 : i32
        %reduce_max3A_690 = arith.constant true
        %reduce_max3A_691 = vector.broadcast %reduce_max3A_690 : i1 to vector<16xi1>
        %reduce_max3A_692 = arith.constant -2147483648 : i32
        %reduce_max3A_693 = vector.broadcast %reduce_max3A_692 : i32 to vector<16xi32>
        %reduce_max3A_694 = arith.xori %masked_cumsum3A_653, %reduce_max3A_693 : vector<16xi32>
        %reduce_max3A_695 = tpu.scan <max>, %reduce_max3A_694 masked %reduce_max3A_691 : vector<16xi32>, vector<16xi1> -> vector<16xi32>
        %reduce_max3A_696 = arith.xori %reduce_max3A_695, %reduce_max3A_693 : vector<16xi32>
        %reduce_max3A_697 = vector.extract %reduce_max3A_696[15] : i32 from vector<16xi32>
        %add3A_698 = arith.addi %add3A_637, %reduce_max3A_697 : i32
        scf.yield %max3A_678, %min3A_689, %add3A_698 : i32, i32, i32
      }
      %scan3A_109 = arith.constant 128 : i32
      %broadcast_in_dim3A_110 = vector.broadcast %scan3A_108#0 : i32 to vector<16xi32>
      %gather3A_111 = tpu.vector_load_idx %arg8[%broadcast_in_dim3A_110] : memref<2048xi32, #tpu.memory_space<vmem>>[vector<16xi32>], vector<16xi32>,
      %reduce_max3A_112 = arith.constant true
      %reduce_max3A_113 = vector.broadcast %reduce_max3A_112 : i1 to vector<16xi1>
      %reduce_max3A_114 = arith.constant -2147483648 : i32
      %reduce_max3A_115 = vector.broadcast %reduce_max3A_114 : i32 to vector<16xi32>
      %reduce_max3A_116 = arith.xori %gather3A_111, %reduce_max3A_115 : vector<16xi32>
      %reduce_max3A_117 = tpu.scan <max>, %reduce_max3A_116 masked %reduce_max3A_113 : vector<16xi32>, vector<16xi1> -> vector<16xi32>
      %reduce_max3A_118 = arith.xori %reduce_max3A_117, %reduce_max3A_115 : vector<16xi32>
      %reduce_max3A_119 = vector.extract %reduce_max3A_118[15] : i32 from vector<16xi32>
      %sub3A_120 = arith.subi %scan3A_108#1, %reduce_max3A_119 : i32
      %sub3A_121 = arith.subi %sub3A_87, %sub3A_120 : i32
      %shift_left3A = arith.constant 11 : i32
      %shift_left3A_122 = arith.shli %scan3A_75#0, %shift_left3A : i32
      %or3A = arith.ori %shift_left3A_122, %scan3A_108#0 : i32
      %scan3A_123 = arith.constant 0 : i32
      %scan3A_124 = arith.constant 0 : i32
      %scan3A_125 = arith.constant 64 : i32
      %scan3A_126 = arith.addi %scan3A_124, %scan3A_125 : i32
      %scan3A_127 = arith.constant 8 : i32
      %scan3A_128 = scf.for %scan3A_459 = %scan3A_124 to %scan3A_126 step %scan3A_127 iter_args(%scan3A_460 = %scan3A_123) -> (i32)  : i32 {
        %mul3A_461 = arith.constant 16 : i32
        %mul3A_462 = arith.muli %scan3A_459, %mul3A_461 : i32
        %swap3A_463 = arith.index_cast %mul3A_462 : i32 to index
        %swap3A_464 = tpu.vector_load %arg8[%swap3A_463] {strides = array<i32>} : memref<2048xi32, #tpu.memory_space<vmem>>, vector<16xi32>,
        tpu.vector_store %arg8[%swap3A_463], %broadcast_in_dim3A_35 {strides = array<i32>} : memref<2048xi32, #tpu.memory_space<vmem>>, vector<16xi32>,
        %scan3A_465 = arith.constant 0 : i32
        %scan3A_466 = arith.constant 1 : i32
        %scan3A_467 = arith.addi %scan3A_459, %scan3A_466 : i32
        %mul3A_468 = arith.constant 16 : i32
        %mul3A_469 = arith.muli %scan3A_467, %mul3A_468 : i32
        %swap3A_470 = arith.index_cast %mul3A_469 : i32 to index
        %swap3A_471 = tpu.vector_load %arg8[%swap3A_470] {strides = array<i32>} : memref<2048xi32, #tpu.memory_space<vmem>>, vector<16xi32>,
        tpu.vector_store %arg8[%swap3A_470], %broadcast_in_dim3A_35 {strides = array<i32>} : memref<2048xi32, #tpu.memory_space<vmem>>, vector<16xi32>,
        %scan3A_472 = arith.constant 0 : i32
        %scan3A_473 = arith.constant 2 : i32
        %scan3A_474 = arith.addi %scan3A_459, %scan3A_473 : i32
        %mul3A_475 = arith.constant 16 : i32
        %mul3A_476 = arith.muli %scan3A_474, %mul3A_475 : i32
        %swap3A_477 = arith.index_cast %mul3A_476 : i32 to index
        %swap3A_478 = tpu.vector_load %arg8[%swap3A_477] {strides = array<i32>} : memref<2048xi32, #tpu.memory_space<vmem>>, vector<16xi32>,
        tpu.vector_store %arg8[%swap3A_477], %broadcast_in_dim3A_35 {strides = array<i32>} : memref<2048xi32, #tpu.memory_space<vmem>>, vector<16xi32>,
        %scan3A_479 = arith.constant 0 : i32
        %scan3A_480 = arith.constant 3 : i32
        %scan3A_481 = arith.addi %scan3A_459, %scan3A_480 : i32
        %mul3A_482 = arith.constant 16 : i32
        %mul3A_483 = arith.muli %scan3A_481, %mul3A_482 : i32
        %swap3A_484 = arith.index_cast %mul3A_483 : i32 to index
        %swap3A_485 = tpu.vector_load %arg8[%swap3A_484] {strides = array<i32>} : memref<2048xi32, #tpu.memory_space<vmem>>, vector<16xi32>,
        tpu.vector_store %arg8[%swap3A_484], %broadcast_in_dim3A_35 {strides = array<i32>} : memref<2048xi32, #tpu.memory_space<vmem>>, vector<16xi32>,
        %scan3A_486 = arith.constant 0 : i32
        %scan3A_487 = arith.constant 4 : i32
        %scan3A_488 = arith.addi %scan3A_459, %scan3A_487 : i32
        %mul3A_489 = arith.constant 16 : i32
        %mul3A_490 = arith.muli %scan3A_488, %mul3A_489 : i32
        %swap3A_491 = arith.index_cast %mul3A_490 : i32 to index
        %swap3A_492 = tpu.vector_load %arg8[%swap3A_491] {strides = array<i32>} : memref<2048xi32, #tpu.memory_space<vmem>>, vector<16xi32>,
        tpu.vector_store %arg8[%swap3A_491], %broadcast_in_dim3A_35 {strides = array<i32>} : memref<2048xi32, #tpu.memory_space<vmem>>, vector<16xi32>,
        %scan3A_493 = arith.constant 0 : i32
        %scan3A_494 = arith.constant 5 : i32
        %scan3A_495 = arith.addi %scan3A_459, %scan3A_494 : i32
        %mul3A_496 = arith.constant 16 : i32
        %mul3A_497 = arith.muli %scan3A_495, %mul3A_496 : i32
        %swap3A_498 = arith.index_cast %mul3A_497 : i32 to index
        %swap3A_499 = tpu.vector_load %arg8[%swap3A_498] {strides = array<i32>} : memref<2048xi32, #tpu.memory_space<vmem>>, vector<16xi32>,
        tpu.vector_store %arg8[%swap3A_498], %broadcast_in_dim3A_35 {strides = array<i32>} : memref<2048xi32, #tpu.memory_space<vmem>>, vector<16xi32>,
        %scan3A_500 = arith.constant 0 : i32
        %scan3A_501 = arith.constant 6 : i32
        %scan3A_502 = arith.addi %scan3A_459, %scan3A_501 : i32
        %mul3A_503 = arith.constant 16 : i32
        %mul3A_504 = arith.muli %scan3A_502, %mul3A_503 : i32
        %swap3A_505 = arith.index_cast %mul3A_504 : i32 to index
        %swap3A_506 = tpu.vector_load %arg8[%swap3A_505] {strides = array<i32>} : memref<2048xi32, #tpu.memory_space<vmem>>, vector<16xi32>,
        tpu.vector_store %arg8[%swap3A_505], %broadcast_in_dim3A_35 {strides = array<i32>} : memref<2048xi32, #tpu.memory_space<vmem>>, vector<16xi32>,
        %scan3A_507 = arith.constant 0 : i32
        %scan3A_508 = arith.constant 7 : i32
        %scan3A_509 = arith.addi %scan3A_459, %scan3A_508 : i32
        %mul3A_510 = arith.constant 16 : i32
        %mul3A_511 = arith.muli %scan3A_509, %mul3A_510 : i32
        %swap3A_512 = arith.index_cast %mul3A_511 : i32 to index
        %swap3A_513 = tpu.vector_load %arg8[%swap3A_512] {strides = array<i32>} : memref<2048xi32, #tpu.memory_space<vmem>>, vector<16xi32>,
        tpu.vector_store %arg8[%swap3A_512], %broadcast_in_dim3A_35 {strides = array<i32>} : memref<2048xi32, #tpu.memory_space<vmem>>, vector<16xi32>,
        %scan3A_514 = arith.constant 0 : i32
        scf.yield %scan3A_514 : i32
      }
      %scan3A_129 = arith.constant 64 : i32
      %scan3A_130 = arith.constant 0 : i32
      %scan3A_131 = arith.constant 0 : i32
      %scan3A_132 = arith.constant 1280 : i32
      %scan3A_133 = arith.addi %scan3A_131, %scan3A_132 : i32
      %scan3A_134 = arith.constant 4 : i32
      %scan3A_135 = scf.for %scan3A_459 = %scan3A_131 to %scan3A_133 step %scan3A_134 iter_args(%scan3A_460 = %scan3A_130) -> (i32)  : i32 {
        %mul3A_461 = arith.constant 16 : i32
        %mul3A_462 = arith.muli %scan3A_459, %mul3A_461 : i32
        %get3A_463 = arith.index_cast %mul3A_462 : i32 to index
        %get3A_464 = tpu.vector_load %arg6[%get3A_463] {strides = array<i32>} : memref<20480xf32, #tpu.memory_space<vmem>>, vector<16xf32>,
        %bitcast_convert_type3A_465 = tpu.bitcast %get3A_464 : vector<16xf32> -> vector<16xi32>
        %shift_right_logical3A = arith.constant 0 : i32
        %shift_right_logical3A_466 = vector.broadcast %shift_right_logical3A : i32 to vector<16xi32>
        %shift_right_logical3A_467 = arith.shrui %bitcast_convert_type3A_465, %shift_right_logical3A_466 : vector<16xi32>
        %and3A_468 = arith.constant 1023 : i32
        %and3A_469 = vector.broadcast %and3A_468 : i32 to vector<16xi32>
        %and3A_470 = arith.andi %shift_right_logical3A_467, %and3A_469 : vector<16xi32>
        %shift_right_logical3A_471 = arith.constant 10 : i32
        %shift_right_logical3A_472 = vector.broadcast %shift_right_logical3A_471 : i32 to vector<16xi32>
        %shift_right_logical3A_473 = arith.shrui %bitcast_convert_type3A_465, %shift_right_logical3A_472 : vector<16xi32>
        %eq3A_474 = vector.broadcast %or3A : i32 to vector<16xi32>
        %eq3A_475 = arith.cmpi eq, %shift_right_logical3A_473, %eq3A_474 : vector<16xi32>
        tpu.vector_store_idx %arg8[%and3A_470], %broadcast_in_dim3A_33 masked %eq3A_475 {add = true} : memref<2048xi32, #tpu.memory_space<vmem>>[vector<16xi32>], vector<16xi32>, vector<16xi1>
        %scan3A_476 = arith.constant 0 : i32
        %scan3A_477 = arith.constant 1 : i32
        %scan3A_478 = arith.addi %scan3A_459, %scan3A_477 : i32
        %mul3A_479 = arith.constant 16 : i32
        %mul3A_480 = arith.muli %scan3A_478, %mul3A_479 : i32
        %get3A_481 = arith.index_cast %mul3A_480 : i32 to index
        %get3A_482 = tpu.vector_load %arg6[%get3A_481] {strides = array<i32>} : memref<20480xf32, #tpu.memory_space<vmem>>, vector<16xf32>,
        %bitcast_convert_type3A_483 = tpu.bitcast %get3A_482 : vector<16xf32> -> vector<16xi32>
        %shift_right_logical3A_484 = arith.constant 0 : i32
        %shift_right_logical3A_485 = vector.broadcast %shift_right_logical3A_484 : i32 to vector<16xi32>
        %shift_right_logical3A_486 = arith.shrui %bitcast_convert_type3A_483, %shift_right_logical3A_485 : vector<16xi32>
        %and3A_487 = arith.constant 1023 : i32
        %and3A_488 = vector.broadcast %and3A_487 : i32 to vector<16xi32>
        %and3A_489 = arith.andi %shift_right_logical3A_486, %and3A_488 : vector<16xi32>
        %shift_right_logical3A_490 = arith.constant 10 : i32
        %shift_right_logical3A_491 = vector.broadcast %shift_right_logical3A_490 : i32 to vector<16xi32>
        %shift_right_logical3A_492 = arith.shrui %bitcast_convert_type3A_483, %shift_right_logical3A_491 : vector<16xi32>
        %eq3A_493 = vector.broadcast %or3A : i32 to vector<16xi32>
        %eq3A_494 = arith.cmpi eq, %shift_right_logical3A_492, %eq3A_493 : vector<16xi32>
        tpu.vector_store_idx %arg8[%and3A_489], %broadcast_in_dim3A_33 masked %eq3A_494 {add = true} : memref<2048xi32, #tpu.memory_space<vmem>>[vector<16xi32>], vector<16xi32>, vector<16xi1>
        %scan3A_495 = arith.constant 0 : i32
        %scan3A_496 = arith.constant 2 : i32
        %scan3A_497 = arith.addi %scan3A_459, %scan3A_496 : i32
        %mul3A_498 = arith.constant 16 : i32
        %mul3A_499 = arith.muli %scan3A_497, %mul3A_498 : i32
        %get3A_500 = arith.index_cast %mul3A_499 : i32 to index
        %get3A_501 = tpu.vector_load %arg6[%get3A_500] {strides = array<i32>} : memref<20480xf32, #tpu.memory_space<vmem>>, vector<16xf32>,
        %bitcast_convert_type3A_502 = tpu.bitcast %get3A_501 : vector<16xf32> -> vector<16xi32>
        %shift_right_logical3A_503 = arith.constant 0 : i32
        %shift_right_logical3A_504 = vector.broadcast %shift_right_logical3A_503 : i32 to vector<16xi32>
        %shift_right_logical3A_505 = arith.shrui %bitcast_convert_type3A_502, %shift_right_logical3A_504 : vector<16xi32>
        %and3A_506 = arith.constant 1023 : i32
        %and3A_507 = vector.broadcast %and3A_506 : i32 to vector<16xi32>
        %and3A_508 = arith.andi %shift_right_logical3A_505, %and3A_507 : vector<16xi32>
        %shift_right_logical3A_509 = arith.constant 10 : i32
        %shift_right_logical3A_510 = vector.broadcast %shift_right_logical3A_509 : i32 to vector<16xi32>
        %shift_right_logical3A_511 = arith.shrui %bitcast_convert_type3A_502, %shift_right_logical3A_510 : vector<16xi32>
        %eq3A_512 = vector.broadcast %or3A : i32 to vector<16xi32>
        %eq3A_513 = arith.cmpi eq, %shift_right_logical3A_511, %eq3A_512 : vector<16xi32>
        tpu.vector_store_idx %arg8[%and3A_508], %broadcast_in_dim3A_33 masked %eq3A_513 {add = true} : memref<2048xi32, #tpu.memory_space<vmem>>[vector<16xi32>], vector<16xi32>, vector<16xi1>
        %scan3A_514 = arith.constant 0 : i32
        %scan3A_515 = arith.constant 3 : i32
        %scan3A_516 = arith.addi %scan3A_459, %scan3A_515 : i32
        %mul3A_517 = arith.constant 16 : i32
        %mul3A_518 = arith.muli %scan3A_516, %mul3A_517 : i32
        %get3A_519 = arith.index_cast %mul3A_518 : i32 to index
        %get3A_520 = tpu.vector_load %arg6[%get3A_519] {strides = array<i32>} : memref<20480xf32, #tpu.memory_space<vmem>>, vector<16xf32>,
        %bitcast_convert_type3A_521 = tpu.bitcast %get3A_520 : vector<16xf32> -> vector<16xi32>
        %shift_right_logical3A_522 = arith.constant 0 : i32
        %shift_right_logical3A_523 = vector.broadcast %shift_right_logical3A_522 : i32 to vector<16xi32>
        %shift_right_logical3A_524 = arith.shrui %bitcast_convert_type3A_521, %shift_right_logical3A_523 : vector<16xi32>
        %and3A_525 = arith.constant 1023 : i32
        %and3A_526 = vector.broadcast %and3A_525 : i32 to vector<16xi32>
        %and3A_527 = arith.andi %shift_right_logical3A_524, %and3A_526 : vector<16xi32>
        %shift_right_logical3A_528 = arith.constant 10 : i32
        %shift_right_logical3A_529 = vector.broadcast %shift_right_logical3A_528 : i32 to vector<16xi32>
        %shift_right_logical3A_530 = arith.shrui %bitcast_convert_type3A_521, %shift_right_logical3A_529 : vector<16xi32>
        %eq3A_531 = vector.broadcast %or3A : i32 to vector<16xi32>
        %eq3A_532 = arith.cmpi eq, %shift_right_logical3A_530, %eq3A_531 : vector<16xi32>
        tpu.vector_store_idx %arg8[%and3A_527], %broadcast_in_dim3A_33 masked %eq3A_532 {add = true} : memref<2048xi32, #tpu.memory_space<vmem>>[vector<16xi32>], vector<16xi32>, vector<16xi1>
        %scan3A_533 = arith.constant 0 : i32
        scf.yield %scan3A_533 : i32
      }
      %scan3A_136 = arith.constant 1280 : i32
      %scan3A_137 = arith.constant -1 : i32
      %scan3A_138 = arith.constant 0 : i32
      %scan3A_139 = arith.constant 0 : i32
      %scan3A_140 = arith.constant 64 : i32
      %scan3A_141 = arith.addi %scan3A_139, %scan3A_140 : i32
      %scan3A_142 = arith.constant 4 : i32
      %scan3A_143:3 = scf.for %scan3A_459 = %scan3A_139 to %scan3A_141 step %scan3A_142 iter_args(%scan3A_460 = %scan3A_137, %scan3A_461 = %scan3A, %scan3A_462 = %scan3A_138) -> (i32, i32, i32)  : i32 {
        %sub3A_463 = arith.constant 63 : i32
        %sub3A_464 = arith.subi %sub3A_463, %scan3A_459 : i32
        %mul3A_465 = arith.constant 16 : i32
        %mul3A_466 = arith.muli %sub3A_464, %mul3A_465 : i32
        %get3A_467 = arith.index_cast %mul3A_466 : i32 to index
        %get3A_468 = tpu.vector_load %arg8[%get3A_467] {strides = array<i32>} : memref<2048xi32, #tpu.memory_space<vmem>>, vector<16xi32>,
        %rev3A = arith.constant 15 : i32
        %rev3A_469 = vector.broadcast %rev3A : i32 to vector<16xi32>
        %rev3A_470 = tpu.iota {dimensions = array<i32: 0>} : vector<16xi32>
        %rev3A_471 = arith.subi %rev3A_469, %rev3A_470 : vector<16xi32>
        %rev3A_472 = tpu.dynamic_gather %get3A_468[%rev3A_471] in [0] : vector<16xi32>, vector<16xi32> -> vector<16xi32>
        %broadcast_in_dim3A_473 = arith.constant true
        %broadcast_in_dim3A_474 = vector.broadcast %broadcast_in_dim3A_473 : i1 to vector<16xi1>
        %masked_cumsum3A = tpu.scan <sum>, %rev3A_472 masked %broadcast_in_dim3A_474 : vector<16xi32>, vector<16xi1> -> vector<16xi32>
        %rev3A_475 = arith.constant 15 : i32
        %rev3A_476 = vector.broadcast %rev3A_475 : i32 to vector<16xi32>
        %rev3A_477 = tpu.iota {dimensions = array<i32: 0>} : vector<16xi32>
        %rev3A_478 = arith.subi %rev3A_476, %rev3A_477 : vector<16xi32>
        %rev3A_479 = tpu.dynamic_gather %masked_cumsum3A[%rev3A_478] in [0] : vector<16xi32>, vector<16xi32> -> vector<16xi32>
        %add3A_480 = vector.broadcast %scan3A_462 : i32 to vector<16xi32>
        %add3A_481 = arith.addi %rev3A_479, %add3A_480 : vector<16xi32>
        %ge3A = vector.broadcast %sub3A_121 : i32 to vector<16xi32>
        %ge3A_482 = arith.cmpi sge, %add3A_481, %ge3A : vector<16xi32>
        %mul3A_483 = arith.constant 16 : i32
        %mul3A_484 = arith.muli %sub3A_464, %mul3A_483 : i32
        %add3A_485 = vector.broadcast %mul3A_484 : i32 to vector<16xi32>
        %add3A_486 = arith.addi %add3A_485, %iota3A : vector<16xi32>
        %jit3A_487 = arith.constant -1 : i32
        %broadcast_in_dim3A_488 = vector.broadcast %jit3A_487 : i32 to vector<16xi32>
        %select_n3A_489 = arith.select %ge3A_482, %add3A_486, %broadcast_in_dim3A_488 : vector<16xi1>, vector<16xi32>
        %reduce_max3A_490 = arith.constant true
        %reduce_max3A_491 = vector.broadcast %reduce_max3A_490 : i1 to vector<16xi1>
        %reduce_max3A_492 = arith.constant -2147483648 : i32
        %reduce_max3A_493 = vector.broadcast %reduce_max3A_492 : i32 to vector<16xi32>
        %reduce_max3A_494 = arith.xori %select_n3A_489, %reduce_max3A_493 : vector<16xi32>
        %reduce_max3A_495 = tpu.scan <max>, %reduce_max3A_494 masked %reduce_max3A_491 : vector<16xi32>, vector<16xi1> -> vector<16xi32>
        %reduce_max3A_496 = arith.xori %reduce_max3A_495, %reduce_max3A_493 : vector<16xi32>
        %reduce_max3A_497 = vector.extract %reduce_max3A_496[15] : i32 from vector<16xi32>
        %max3A = arith.maxsi %scan3A_460, %reduce_max3A_497 : i32
        %broadcast_in_dim3A_498 = vector.broadcast %scan3A : i32 to vector<16xi32>
        %select_n3A_499 = arith.select %ge3A_482, %add3A_481, %broadcast_in_dim3A_498 : vector<16xi1>, vector<16xi32>
        %reduce_min3A = arith.constant true
        %reduce_min3A_500 = vector.broadcast %reduce_min3A : i1 to vector<16xi1>
        %reduce_min3A_501 = arith.constant -2147483648 : i32
        %reduce_min3A_502 = vector.broadcast %reduce_min3A_501 : i32 to vector<16xi32>
        %reduce_min3A_503 = arith.xori %select_n3A_499, %reduce_min3A_502 : vector<16xi32>
        %reduce_min3A_504 = tpu.scan <min>, %reduce_min3A_503 masked %reduce_min3A_500 : vector<16xi32>, vector<16xi1> -> vector<16xi32>
        %reduce_min3A_505 = arith.xori %reduce_min3A_504, %reduce_min3A_502 : vector<16xi32>
        %reduce_min3A_506 = vector.extract %reduce_min3A_505[15] : i32 from vector<16xi32>
        %min3A = arith.minsi %scan3A_461, %reduce_min3A_506 : i32
        %reduce_max3A_507 = arith.constant true
        %reduce_max3A_508 = vector.broadcast %reduce_max3A_507 : i1 to vector<16xi1>
        %reduce_max3A_509 = arith.constant -2147483648 : i32
        %reduce_max3A_510 = vector.broadcast %reduce_max3A_509 : i32 to vector<16xi32>
        %reduce_max3A_511 = arith.xori %masked_cumsum3A, %reduce_max3A_510 : vector<16xi32>
        %reduce_max3A_512 = tpu.scan <max>, %reduce_max3A_511 masked %reduce_max3A_508 : vector<16xi32>, vector<16xi1> -> vector<16xi32>
        %reduce_max3A_513 = arith.xori %reduce_max3A_512, %reduce_max3A_510 : vector<16xi32>
        %reduce_max3A_514 = vector.extract %reduce_max3A_513[15] : i32 from vector<16xi32>
        %add3A_515 = arith.addi %scan3A_462, %reduce_max3A_514 : i32
        %scan3A_516 = arith.constant 1 : i32
        %scan3A_517 = arith.addi %scan3A_459, %scan3A_516 : i32
        %sub3A_518 = arith.constant 63 : i32
        %sub3A_519 = arith.subi %sub3A_518, %scan3A_517 : i32
        %mul3A_520 = arith.constant 16 : i32
        %mul3A_521 = arith.muli %sub3A_519, %mul3A_520 : i32
        %get3A_522 = arith.index_cast %mul3A_521 : i32 to index
        %get3A_523 = tpu.vector_load %arg8[%get3A_522] {strides = array<i32>} : memref<2048xi32, #tpu.memory_space<vmem>>, vector<16xi32>,
        %rev3A_524 = arith.constant 15 : i32
        %rev3A_525 = vector.broadcast %rev3A_524 : i32 to vector<16xi32>
        %rev3A_526 = tpu.iota {dimensions = array<i32: 0>} : vector<16xi32>
        %rev3A_527 = arith.subi %rev3A_525, %rev3A_526 : vector<16xi32>
        %rev3A_528 = tpu.dynamic_gather %get3A_523[%rev3A_527] in [0] : vector<16xi32>, vector<16xi32> -> vector<16xi32>
        %broadcast_in_dim3A_529 = arith.constant true
        %broadcast_in_dim3A_530 = vector.broadcast %broadcast_in_dim3A_529 : i1 to vector<16xi1>
        %masked_cumsum3A_531 = tpu.scan <sum>, %rev3A_528 masked %broadcast_in_dim3A_530 : vector<16xi32>, vector<16xi1> -> vector<16xi32>
        %rev3A_532 = arith.constant 15 : i32
        %rev3A_533 = vector.broadcast %rev3A_532 : i32 to vector<16xi32>
        %rev3A_534 = tpu.iota {dimensions = array<i32: 0>} : vector<16xi32>
        %rev3A_535 = arith.subi %rev3A_533, %rev3A_534 : vector<16xi32>
        %rev3A_536 = tpu.dynamic_gather %masked_cumsum3A_531[%rev3A_535] in [0] : vector<16xi32>, vector<16xi32> -> vector<16xi32>
        %add3A_537 = vector.broadcast %add3A_515 : i32 to vector<16xi32>
        %add3A_538 = arith.addi %rev3A_536, %add3A_537 : vector<16xi32>
        %ge3A_539 = vector.broadcast %sub3A_121 : i32 to vector<16xi32>
        %ge3A_540 = arith.cmpi sge, %add3A_538, %ge3A_539 : vector<16xi32>
        %mul3A_541 = arith.constant 16 : i32
        %mul3A_542 = arith.muli %sub3A_519, %mul3A_541 : i32
        %add3A_543 = vector.broadcast %mul3A_542 : i32 to vector<16xi32>
        %add3A_544 = arith.addi %add3A_543, %iota3A : vector<16xi32>
        %jit3A_545 = arith.constant -1 : i32
        %broadcast_in_dim3A_546 = vector.broadcast %jit3A_545 : i32 to vector<16xi32>
        %select_n3A_547 = arith.select %ge3A_540, %add3A_544, %broadcast_in_dim3A_546 : vector<16xi1>, vector<16xi32>
        %reduce_max3A_548 = arith.constant true
        %reduce_max3A_549 = vector.broadcast %reduce_max3A_548 : i1 to vector<16xi1>
        %reduce_max3A_550 = arith.constant -2147483648 : i32
        %reduce_max3A_551 = vector.broadcast %reduce_max3A_550 : i32 to vector<16xi32>
        %reduce_max3A_552 = arith.xori %select_n3A_547, %reduce_max3A_551 : vector<16xi32>
        %reduce_max3A_553 = tpu.scan <max>, %reduce_max3A_552 masked %reduce_max3A_549 : vector<16xi32>, vector<16xi1> -> vector<16xi32>
        %reduce_max3A_554 = arith.xori %reduce_max3A_553, %reduce_max3A_551 : vector<16xi32>
        %reduce_max3A_555 = vector.extract %reduce_max3A_554[15] : i32 from vector<16xi32>
        %max3A_556 = arith.maxsi %max3A, %reduce_max3A_555 : i32
        %broadcast_in_dim3A_557 = vector.broadcast %scan3A : i32 to vector<16xi32>
        %select_n3A_558 = arith.select %ge3A_540, %add3A_538, %broadcast_in_dim3A_557 : vector<16xi1>, vector<16xi32>
        %reduce_min3A_559 = arith.constant true
        %reduce_min3A_560 = vector.broadcast %reduce_min3A_559 : i1 to vector<16xi1>
        %reduce_min3A_561 = arith.constant -2147483648 : i32
        %reduce_min3A_562 = vector.broadcast %reduce_min3A_561 : i32 to vector<16xi32>
        %reduce_min3A_563 = arith.xori %select_n3A_558, %reduce_min3A_562 : vector<16xi32>
        %reduce_min3A_564 = tpu.scan <min>, %reduce_min3A_563 masked %reduce_min3A_560 : vector<16xi32>, vector<16xi1> -> vector<16xi32>
        %reduce_min3A_565 = arith.xori %reduce_min3A_564, %reduce_min3A_562 : vector<16xi32>
        %reduce_min3A_566 = vector.extract %reduce_min3A_565[15] : i32 from vector<16xi32>
        %min3A_567 = arith.minsi %min3A, %reduce_min3A_566 : i32
        %reduce_max3A_568 = arith.constant true
        %reduce_max3A_569 = vector.broadcast %reduce_max3A_568 : i1 to vector<16xi1>
        %reduce_max3A_570 = arith.constant -2147483648 : i32
        %reduce_max3A_571 = vector.broadcast %reduce_max3A_570 : i32 to vector<16xi32>
        %reduce_max3A_572 = arith.xori %masked_cumsum3A_531, %reduce_max3A_571 : vector<16xi32>
        %reduce_max3A_573 = tpu.scan <max>, %reduce_max3A_572 masked %reduce_max3A_569 : vector<16xi32>, vector<16xi1> -> vector<16xi32>
        %reduce_max3A_574 = arith.xori %reduce_max3A_573, %reduce_max3A_571 : vector<16xi32>
        %reduce_max3A_575 = vector.extract %reduce_max3A_574[15] : i32 from vector<16xi32>
        %add3A_576 = arith.addi %add3A_515, %reduce_max3A_575 : i32
        %scan3A_577 = arith.constant 2 : i32
        %scan3A_578 = arith.addi %scan3A_459, %scan3A_577 : i32
        %sub3A_579 = arith.constant 63 : i32
        %sub3A_580 = arith.subi %sub3A_579, %scan3A_578 : i32
        %mul3A_581 = arith.constant 16 : i32
        %mul3A_582 = arith.muli %sub3A_580, %mul3A_581 : i32
        %get3A_583 = arith.index_cast %mul3A_582 : i32 to index
        %get3A_584 = tpu.vector_load %arg8[%get3A_583] {strides = array<i32>} : memref<2048xi32, #tpu.memory_space<vmem>>, vector<16xi32>,
        %rev3A_585 = arith.constant 15 : i32
        %rev3A_586 = vector.broadcast %rev3A_585 : i32 to vector<16xi32>
        %rev3A_587 = tpu.iota {dimensions = array<i32: 0>} : vector<16xi32>
        %rev3A_588 = arith.subi %rev3A_586, %rev3A_587 : vector<16xi32>
        %rev3A_589 = tpu.dynamic_gather %get3A_584[%rev3A_588] in [0] : vector<16xi32>, vector<16xi32> -> vector<16xi32>
        %broadcast_in_dim3A_590 = arith.constant true
        %broadcast_in_dim3A_591 = vector.broadcast %broadcast_in_dim3A_590 : i1 to vector<16xi1>
        %masked_cumsum3A_592 = tpu.scan <sum>, %rev3A_589 masked %broadcast_in_dim3A_591 : vector<16xi32>, vector<16xi1> -> vector<16xi32>
        %rev3A_593 = arith.constant 15 : i32
        %rev3A_594 = vector.broadcast %rev3A_593 : i32 to vector<16xi32>
        %rev3A_595 = tpu.iota {dimensions = array<i32: 0>} : vector<16xi32>
        %rev3A_596 = arith.subi %rev3A_594, %rev3A_595 : vector<16xi32>
        %rev3A_597 = tpu.dynamic_gather %masked_cumsum3A_592[%rev3A_596] in [0] : vector<16xi32>, vector<16xi32> -> vector<16xi32>
        %add3A_598 = vector.broadcast %add3A_576 : i32 to vector<16xi32>
        %add3A_599 = arith.addi %rev3A_597, %add3A_598 : vector<16xi32>
        %ge3A_600 = vector.broadcast %sub3A_121 : i32 to vector<16xi32>
        %ge3A_601 = arith.cmpi sge, %add3A_599, %ge3A_600 : vector<16xi32>
        %mul3A_602 = arith.constant 16 : i32
        %mul3A_603 = arith.muli %sub3A_580, %mul3A_602 : i32
        %add3A_604 = vector.broadcast %mul3A_603 : i32 to vector<16xi32>
        %add3A_605 = arith.addi %add3A_604, %iota3A : vector<16xi32>
        %jit3A_606 = arith.constant -1 : i32
        %broadcast_in_dim3A_607 = vector.broadcast %jit3A_606 : i32 to vector<16xi32>
        %select_n3A_608 = arith.select %ge3A_601, %add3A_605, %broadcast_in_dim3A_607 : vector<16xi1>, vector<16xi32>
        %reduce_max3A_609 = arith.constant true
        %reduce_max3A_610 = vector.broadcast %reduce_max3A_609 : i1 to vector<16xi1>
        %reduce_max3A_611 = arith.constant -2147483648 : i32
        %reduce_max3A_612 = vector.broadcast %reduce_max3A_611 : i32 to vector<16xi32>
        %reduce_max3A_613 = arith.xori %select_n3A_608, %reduce_max3A_612 : vector<16xi32>
        %reduce_max3A_614 = tpu.scan <max>, %reduce_max3A_613 masked %reduce_max3A_610 : vector<16xi32>, vector<16xi1> -> vector<16xi32>
        %reduce_max3A_615 = arith.xori %reduce_max3A_614, %reduce_max3A_612 : vector<16xi32>
        %reduce_max3A_616 = vector.extract %reduce_max3A_615[15] : i32 from vector<16xi32>
        %max3A_617 = arith.maxsi %max3A_556, %reduce_max3A_616 : i32
        %broadcast_in_dim3A_618 = vector.broadcast %scan3A : i32 to vector<16xi32>
        %select_n3A_619 = arith.select %ge3A_601, %add3A_599, %broadcast_in_dim3A_618 : vector<16xi1>, vector<16xi32>
        %reduce_min3A_620 = arith.constant true
        %reduce_min3A_621 = vector.broadcast %reduce_min3A_620 : i1 to vector<16xi1>
        %reduce_min3A_622 = arith.constant -2147483648 : i32
        %reduce_min3A_623 = vector.broadcast %reduce_min3A_622 : i32 to vector<16xi32>
        %reduce_min3A_624 = arith.xori %select_n3A_619, %reduce_min3A_623 : vector<16xi32>
        %reduce_min3A_625 = tpu.scan <min>, %reduce_min3A_624 masked %reduce_min3A_621 : vector<16xi32>, vector<16xi1> -> vector<16xi32>
        %reduce_min3A_626 = arith.xori %reduce_min3A_625, %reduce_min3A_623 : vector<16xi32>
        %reduce_min3A_627 = vector.extract %reduce_min3A_626[15] : i32 from vector<16xi32>
        %min3A_628 = arith.minsi %min3A_567, %reduce_min3A_627 : i32
        %reduce_max3A_629 = arith.constant true
        %reduce_max3A_630 = vector.broadcast %reduce_max3A_629 : i1 to vector<16xi1>
        %reduce_max3A_631 = arith.constant -2147483648 : i32
        %reduce_max3A_632 = vector.broadcast %reduce_max3A_631 : i32 to vector<16xi32>
        %reduce_max3A_633 = arith.xori %masked_cumsum3A_592, %reduce_max3A_632 : vector<16xi32>
        %reduce_max3A_634 = tpu.scan <max>, %reduce_max3A_633 masked %reduce_max3A_630 : vector<16xi32>, vector<16xi1> -> vector<16xi32>
        %reduce_max3A_635 = arith.xori %reduce_max3A_634, %reduce_max3A_632 : vector<16xi32>
        %reduce_max3A_636 = vector.extract %reduce_max3A_635[15] : i32 from vector<16xi32>
        %add3A_637 = arith.addi %add3A_576, %reduce_max3A_636 : i32
        %scan3A_638 = arith.constant 3 : i32
        %scan3A_639 = arith.addi %scan3A_459, %scan3A_638 : i32
        %sub3A_640 = arith.constant 63 : i32
        %sub3A_641 = arith.subi %sub3A_640, %scan3A_639 : i32
        %mul3A_642 = arith.constant 16 : i32
        %mul3A_643 = arith.muli %sub3A_641, %mul3A_642 : i32
        %get3A_644 = arith.index_cast %mul3A_643 : i32 to index
        %get3A_645 = tpu.vector_load %arg8[%get3A_644] {strides = array<i32>} : memref<2048xi32, #tpu.memory_space<vmem>>, vector<16xi32>,
        %rev3A_646 = arith.constant 15 : i32
        %rev3A_647 = vector.broadcast %rev3A_646 : i32 to vector<16xi32>
        %rev3A_648 = tpu.iota {dimensions = array<i32: 0>} : vector<16xi32>
        %rev3A_649 = arith.subi %rev3A_647, %rev3A_648 : vector<16xi32>
        %rev3A_650 = tpu.dynamic_gather %get3A_645[%rev3A_649] in [0] : vector<16xi32>, vector<16xi32> -> vector<16xi32>
        %broadcast_in_dim3A_651 = arith.constant true
        %broadcast_in_dim3A_652 = vector.broadcast %broadcast_in_dim3A_651 : i1 to vector<16xi1>
        %masked_cumsum3A_653 = tpu.scan <sum>, %rev3A_650 masked %broadcast_in_dim3A_652 : vector<16xi32>, vector<16xi1> -> vector<16xi32>
        %rev3A_654 = arith.constant 15 : i32
        %rev3A_655 = vector.broadcast %rev3A_654 : i32 to vector<16xi32>
        %rev3A_656 = tpu.iota {dimensions = array<i32: 0>} : vector<16xi32>
        %rev3A_657 = arith.subi %rev3A_655, %rev3A_656 : vector<16xi32>
        %rev3A_658 = tpu.dynamic_gather %masked_cumsum3A_653[%rev3A_657] in [0] : vector<16xi32>, vector<16xi32> -> vector<16xi32>
        %add3A_659 = vector.broadcast %add3A_637 : i32 to vector<16xi32>
        %add3A_660 = arith.addi %rev3A_658, %add3A_659 : vector<16xi32>
        %ge3A_661 = vector.broadcast %sub3A_121 : i32 to vector<16xi32>
        %ge3A_662 = arith.cmpi sge, %add3A_660, %ge3A_661 : vector<16xi32>
        %mul3A_663 = arith.constant 16 : i32
        %mul3A_664 = arith.muli %sub3A_641, %mul3A_663 : i32
        %add3A_665 = vector.broadcast %mul3A_664 : i32 to vector<16xi32>
        %add3A_666 = arith.addi %add3A_665, %iota3A : vector<16xi32>
        %jit3A_667 = arith.constant -1 : i32
        %broadcast_in_dim3A_668 = vector.broadcast %jit3A_667 : i32 to vector<16xi32>
        %select_n3A_669 = arith.select %ge3A_662, %add3A_666, %broadcast_in_dim3A_668 : vector<16xi1>, vector<16xi32>
        %reduce_max3A_670 = arith.constant true
        %reduce_max3A_671 = vector.broadcast %reduce_max3A_670 : i1 to vector<16xi1>
        %reduce_max3A_672 = arith.constant -2147483648 : i32
        %reduce_max3A_673 = vector.broadcast %reduce_max3A_672 : i32 to vector<16xi32>
        %reduce_max3A_674 = arith.xori %select_n3A_669, %reduce_max3A_673 : vector<16xi32>
        %reduce_max3A_675 = tpu.scan <max>, %reduce_max3A_674 masked %reduce_max3A_671 : vector<16xi32>, vector<16xi1> -> vector<16xi32>
        %reduce_max3A_676 = arith.xori %reduce_max3A_675, %reduce_max3A_673 : vector<16xi32>
        %reduce_max3A_677 = vector.extract %reduce_max3A_676[15] : i32 from vector<16xi32>
        %max3A_678 = arith.maxsi %max3A_617, %reduce_max3A_677 : i32
        %broadcast_in_dim3A_679 = vector.broadcast %scan3A : i32 to vector<16xi32>
        %select_n3A_680 = arith.select %ge3A_662, %add3A_660, %broadcast_in_dim3A_679 : vector<16xi1>, vector<16xi32>
        %reduce_min3A_681 = arith.constant true
        %reduce_min3A_682 = vector.broadcast %reduce_min3A_681 : i1 to vector<16xi1>
        %reduce_min3A_683 = arith.constant -2147483648 : i32
        %reduce_min3A_684 = vector.broadcast %reduce_min3A_683 : i32 to vector<16xi32>
        %reduce_min3A_685 = arith.xori %select_n3A_680, %reduce_min3A_684 : vector<16xi32>
        %reduce_min3A_686 = tpu.scan <min>, %reduce_min3A_685 masked %reduce_min3A_682 : vector<16xi32>, vector<16xi1> -> vector<16xi32>
        %reduce_min3A_687 = arith.xori %reduce_min3A_686, %reduce_min3A_684 : vector<16xi32>
        %reduce_min3A_688 = vector.extract %reduce_min3A_687[15] : i32 from vector<16xi32>
        %min3A_689 = arith.minsi %min3A_628, %reduce_min3A_688 : i32
        %reduce_max3A_690 = arith.constant true
        %reduce_max3A_691 = vector.broadcast %reduce_max3A_690 : i1 to vector<16xi1>
        %reduce_max3A_692 = arith.constant -2147483648 : i32
        %reduce_max3A_693 = vector.broadcast %reduce_max3A_692 : i32 to vector<16xi32>
        %reduce_max3A_694 = arith.xori %masked_cumsum3A_653, %reduce_max3A_693 : vector<16xi32>
        %reduce_max3A_695 = tpu.scan <max>, %reduce_max3A_694 masked %reduce_max3A_691 : vector<16xi32>, vector<16xi1> -> vector<16xi32>
        %reduce_max3A_696 = arith.xori %reduce_max3A_695, %reduce_max3A_693 : vector<16xi32>
        %reduce_max3A_697 = vector.extract %reduce_max3A_696[15] : i32 from vector<16xi32>
        %add3A_698 = arith.addi %add3A_637, %reduce_max3A_697 : i32
        scf.yield %max3A_678, %min3A_689, %add3A_698 : i32, i32, i32
      }
      %scan3A_144 = arith.constant 64 : i32
      %broadcast_in_dim3A_145 = vector.broadcast %scan3A_143#0 : i32 to vector<16xi32>
      %gather3A_146 = tpu.vector_load_idx %arg8[%broadcast_in_dim3A_145] : memref<2048xi32, #tpu.memory_space<vmem>>[vector<16xi32>], vector<16xi32>,
      %reduce_max3A_147 = arith.constant true
      %reduce_max3A_148 = vector.broadcast %reduce_max3A_147 : i1 to vector<16xi1>
      %reduce_max3A_149 = arith.constant -2147483648 : i32
      %reduce_max3A_150 = vector.broadcast %reduce_max3A_149 : i32 to vector<16xi32>
      %reduce_max3A_151 = arith.xori %gather3A_146, %reduce_max3A_150 : vector<16xi32>
      %reduce_max3A_152 = tpu.scan <max>, %reduce_max3A_151 masked %reduce_max3A_148 : vector<16xi32>, vector<16xi1> -> vector<16xi32>
      %reduce_max3A_153 = arith.xori %reduce_max3A_152, %reduce_max3A_150 : vector<16xi32>
      %reduce_max3A_154 = vector.extract %reduce_max3A_153[15] : i32 from vector<16xi32>
      %sub3A_155 = arith.subi %scan3A_143#1, %reduce_max3A_154 : i32
      %sub3A_156 = arith.subi %sub3A_121, %sub3A_155 : i32
      %shift_left3A_157 = arith.constant 10 : i32
      %shift_left3A_158 = arith.shli %or3A, %shift_left3A_157 : i32
      %or3A_159 = arith.ori %shift_left3A_158, %scan3A_143#0 : i32
      %scan3A_160 = arith.constant 0 : i32
      %scan3A_161 = arith.constant 0 : i32
      %mul3A_162 = arith.constant 16 : i32
      %mul3A_163 = arith.muli %scan3A_161, %mul3A_162 : i32
      %swap3A = arith.index_cast %mul3A_163 : i32 to index
      %swap3A_164 = tpu.vector_load %arg9[%swap3A] {strides = array<i32>} : memref<128xf32, #tpu.memory_space<vmem>>, vector<16xf32>,
      tpu.vector_store %arg9[%swap3A], %broadcast_in_dim3A_37 {strides = array<i32>} : memref<128xf32, #tpu.memory_space<vmem>>, vector<16xf32>,
      %scan3A_165 = arith.constant 0 : i32
      %scan3A_166 = arith.constant 1 : i32
      %mul3A_167 = arith.constant 16 : i32
      %mul3A_168 = arith.muli %scan3A_166, %mul3A_167 : i32
      %swap3A_169 = arith.index_cast %mul3A_168 : i32 to index
      %swap3A_170 = tpu.vector_load %arg9[%swap3A_169] {strides = array<i32>} : memref<128xf32, #tpu.memory_space<vmem>>, vector<16xf32>,
      tpu.vector_store %arg9[%swap3A_169], %broadcast_in_dim3A_37 {strides = array<i32>} : memref<128xf32, #tpu.memory_space<vmem>>, vector<16xf32>,
      %scan3A_171 = arith.constant 0 : i32
      %scan3A_172 = arith.constant 2 : i32
      %mul3A_173 = arith.constant 16 : i32
      %mul3A_174 = arith.muli %scan3A_172, %mul3A_173 : i32
      %swap3A_175 = arith.index_cast %mul3A_174 : i32 to index
      %swap3A_176 = tpu.vector_load %arg9[%swap3A_175] {strides = array<i32>} : memref<128xf32, #tpu.memory_space<vmem>>, vector<16xf32>,
      tpu.vector_store %arg9[%swap3A_175], %broadcast_in_dim3A_37 {strides = array<i32>} : memref<128xf32, #tpu.memory_space<vmem>>, vector<16xf32>,
      %scan3A_177 = arith.constant 0 : i32
      %scan3A_178 = arith.constant 3 : i32
      %mul3A_179 = arith.constant 16 : i32
      %mul3A_180 = arith.muli %scan3A_178, %mul3A_179 : i32
      %swap3A_181 = arith.index_cast %mul3A_180 : i32 to index
      %swap3A_182 = tpu.vector_load %arg9[%swap3A_181] {strides = array<i32>} : memref<128xf32, #tpu.memory_space<vmem>>, vector<16xf32>,
      tpu.vector_store %arg9[%swap3A_181], %broadcast_in_dim3A_37 {strides = array<i32>} : memref<128xf32, #tpu.memory_space<vmem>>, vector<16xf32>,
      %scan3A_183 = arith.constant 0 : i32
      %scan3A_184 = arith.constant 4 : i32
      %mul3A_185 = arith.constant 16 : i32
      %mul3A_186 = arith.muli %scan3A_184, %mul3A_185 : i32
      %swap3A_187 = arith.index_cast %mul3A_186 : i32 to index
      %swap3A_188 = tpu.vector_load %arg9[%swap3A_187] {strides = array<i32>} : memref<128xf32, #tpu.memory_space<vmem>>, vector<16xf32>,
      tpu.vector_store %arg9[%swap3A_187], %broadcast_in_dim3A_37 {strides = array<i32>} : memref<128xf32, #tpu.memory_space<vmem>>, vector<16xf32>,
      %scan3A_189 = arith.constant 0 : i32
      %scan3A_190 = arith.constant 5 : i32
      %mul3A_191 = arith.constant 16 : i32
      %mul3A_192 = arith.muli %scan3A_190, %mul3A_191 : i32
      %swap3A_193 = arith.index_cast %mul3A_192 : i32 to index
      %swap3A_194 = tpu.vector_load %arg9[%swap3A_193] {strides = array<i32>} : memref<128xf32, #tpu.memory_space<vmem>>, vector<16xf32>,
      tpu.vector_store %arg9[%swap3A_193], %broadcast_in_dim3A_37 {strides = array<i32>} : memref<128xf32, #tpu.memory_space<vmem>>, vector<16xf32>,
      %scan3A_195 = arith.constant 0 : i32
      %scan3A_196 = arith.constant 6 : i32
      %mul3A_197 = arith.constant 16 : i32
      %mul3A_198 = arith.muli %scan3A_196, %mul3A_197 : i32
      %swap3A_199 = arith.index_cast %mul3A_198 : i32 to index
      %swap3A_200 = tpu.vector_load %arg9[%swap3A_199] {strides = array<i32>} : memref<128xf32, #tpu.memory_space<vmem>>, vector<16xf32>,
      tpu.vector_store %arg9[%swap3A_199], %broadcast_in_dim3A_37 {strides = array<i32>} : memref<128xf32, #tpu.memory_space<vmem>>, vector<16xf32>,
      %scan3A_201 = arith.constant 0 : i32
      %scan3A_202 = arith.constant 7 : i32
      %mul3A_203 = arith.constant 16 : i32
      %mul3A_204 = arith.muli %scan3A_202, %mul3A_203 : i32
      %swap3A_205 = arith.index_cast %mul3A_204 : i32 to index
      %swap3A_206 = tpu.vector_load %arg9[%swap3A_205] {strides = array<i32>} : memref<128xf32, #tpu.memory_space<vmem>>, vector<16xf32>,
      tpu.vector_store %arg9[%swap3A_205], %broadcast_in_dim3A_37 {strides = array<i32>} : memref<128xf32, #tpu.memory_space<vmem>>, vector<16xf32>,
      %scan3A_207 = arith.constant 0 : i32
      %scan3A_208 = arith.constant 8 : i32
      %scan3A_209 = arith.constant 0 : i32
      %scan3A_210 = arith.constant 0 : i32
      %scan3A_211 = arith.constant 0 : i32
      %scan3A_212 = arith.constant 1280 : i32
      %scan3A_213 = arith.addi %scan3A_211, %scan3A_212 : i32
      %scan3A_214 = arith.constant 4 : i32
      %scan3A_215:2 = scf.for %scan3A_459 = %scan3A_211 to %scan3A_213 step %scan3A_214 iter_args(%scan3A_460 = %scan3A_209, %scan3A_461 = %scan3A_210) -> (i32, i32)  : i32 {
        %mul3A_462 = arith.constant 16 : i32
        %mul3A_463 = arith.muli %scan3A_459, %mul3A_462 : i32
        %get3A_464 = arith.index_cast %mul3A_463 : i32 to index
        %get3A_465 = tpu.vector_load %arg6[%get3A_464] {strides = array<i32>} : memref<20480xf32, #tpu.memory_space<vmem>>, vector<16xf32>,
        %bitcast_convert_type3A_466 = tpu.bitcast %get3A_465 : vector<16xf32> -> vector<16xi32>
        %mul3A_467 = arith.constant 16 : i32
        %mul3A_468 = arith.muli %scan3A_459, %mul3A_467 : i32
        %add3A_469 = vector.broadcast %mul3A_468 : i32 to vector<16xi32>
        %add3A_470 = arith.addi %add3A_469, %iota3A : vector<16xi32>
        %gt3A = vector.broadcast %or3A_159 : i32 to vector<16xi32>
        %gt3A_471 = arith.cmpi sgt, %bitcast_convert_type3A_466, %gt3A : vector<16xi32>
        %jit3A_472 = arith.constant 1 : i32
        %jit3A_473 = arith.constant 0 : i32
        %broadcast_in_dim3A_474 = vector.broadcast %jit3A_472 : i32 to vector<16xi32>
        %broadcast_in_dim3A_475 = vector.broadcast %jit3A_473 : i32 to vector<16xi32>
        %select_n3A_476 = arith.select %gt3A_471, %broadcast_in_dim3A_474, %broadcast_in_dim3A_475 : vector<16xi1>, vector<16xi32>
        %broadcast_in_dim3A_477 = arith.constant true
        %broadcast_in_dim3A_478 = vector.broadcast %broadcast_in_dim3A_477 : i1 to vector<16xi1>
        %masked_cumsum3A = tpu.scan <sum>, %select_n3A_476 masked %broadcast_in_dim3A_478 : vector<16xi32>, vector<16xi1> -> vector<16xi32>
        %add3A_479 = vector.broadcast %scan3A_460 : i32 to vector<16xi32>
        %add3A_480 = arith.addi %add3A_479, %masked_cumsum3A : vector<16xi32>
        %sub3A_481 = arith.constant 1 : i32
        %sub3A_482 = vector.broadcast %sub3A_481 : i32 to vector<16xi32>
        %sub3A_483 = arith.subi %add3A_480, %sub3A_482 : vector<16xi32>
        tpu.vector_store_idx %arg9[%sub3A_483], %get3A_465 masked %gt3A_471 : memref<128xf32, #tpu.memory_space<vmem>>[vector<16xi32>], vector<16xf32>, vector<16xi1>
        tpu.vector_store_idx %arg10[%sub3A_483], %add3A_470 masked %gt3A_471 : memref<128xi32, #tpu.memory_space<vmem>>[vector<16xi32>], vector<16xi32>, vector<16xi1>
        %all_reduce_population_count3A = tpu.all_reduce %gt3A_471 {dim = 0 : i64, kind = #tpu.reduction_kind<sum>} : vector<16xi1> -> vector<16xi32>
        %reduce_max3A_484 = arith.constant true
        %reduce_max3A_485 = vector.broadcast %reduce_max3A_484 : i1 to vector<16xi1>
        %reduce_max3A_486 = arith.constant -2147483648 : i32
        %reduce_max3A_487 = vector.broadcast %reduce_max3A_486 : i32 to vector<16xi32>
        %reduce_max3A_488 = arith.xori %all_reduce_population_count3A, %reduce_max3A_487 : vector<16xi32>
        %reduce_max3A_489 = tpu.scan <max>, %reduce_max3A_488 masked %reduce_max3A_485 : vector<16xi32>, vector<16xi1> -> vector<16xi32>
        %reduce_max3A_490 = arith.xori %reduce_max3A_489, %reduce_max3A_487 : vector<16xi32>
        %reduce_max3A_491 = vector.extract %reduce_max3A_490[15] : i32 from vector<16xi32>
        %add3A_492 = arith.addi %scan3A_460, %reduce_max3A_491 : i32
        %eq3A_493 = vector.broadcast %or3A_159 : i32 to vector<16xi32>
        %eq3A_494 = arith.cmpi eq, %bitcast_convert_type3A_466, %eq3A_493 : vector<16xi32>
        %jit3A_495 = arith.constant 1 : i32
        %jit3A_496 = arith.constant 0 : i32
        %broadcast_in_dim3A_497 = vector.broadcast %jit3A_495 : i32 to vector<16xi32>
        %broadcast_in_dim3A_498 = vector.broadcast %jit3A_496 : i32 to vector<16xi32>
        %select_n3A_499 = arith.select %eq3A_494, %broadcast_in_dim3A_497, %broadcast_in_dim3A_498 : vector<16xi1>, vector<16xi32>
        %broadcast_in_dim3A_500 = arith.constant true
        %broadcast_in_dim3A_501 = vector.broadcast %broadcast_in_dim3A_500 : i1 to vector<16xi1>
        %masked_cumsum3A_502 = tpu.scan <sum>, %select_n3A_499 masked %broadcast_in_dim3A_501 : vector<16xi32>, vector<16xi1> -> vector<16xi32>
        %add3A_503 = vector.broadcast %scan3A_461 : i32 to vector<16xi32>
        %add3A_504 = arith.addi %add3A_503, %masked_cumsum3A_502 : vector<16xi32>
        %le3A = vector.broadcast %sub3A_156 : i32 to vector<16xi32>
        %le3A_505 = arith.cmpi sle, %add3A_504, %le3A : vector<16xi32>
        %and3A_506 = arith.andi %eq3A_494, %le3A_505 : vector<16xi1>
        %add3A_507 = vector.broadcast %scan3A_461 : i32 to vector<16xi32>
        %add3A_508 = arith.addi %add3A_507, %masked_cumsum3A_502 : vector<16xi32>
        %sub3A_509 = arith.constant 1 : i32
        %sub3A_510 = vector.broadcast %sub3A_509 : i32 to vector<16xi32>
        %sub3A_511 = arith.subi %add3A_508, %sub3A_510 : vector<16xi32>
        tpu.vector_store_idx %arg11[%sub3A_511], %add3A_470 masked %and3A_506 : memref<128xi32, #tpu.memory_space<vmem>>[vector<16xi32>], vector<16xi32>, vector<16xi1>
        %all_reduce_population_count3A_512 = tpu.all_reduce %and3A_506 {dim = 0 : i64, kind = #tpu.reduction_kind<sum>} : vector<16xi1> -> vector<16xi32>
        %reduce_max3A_513 = arith.constant true
        %reduce_max3A_514 = vector.broadcast %reduce_max3A_513 : i1 to vector<16xi1>
        %reduce_max3A_515 = arith.constant -2147483648 : i32
        %reduce_max3A_516 = vector.broadcast %reduce_max3A_515 : i32 to vector<16xi32>
        %reduce_max3A_517 = arith.xori %all_reduce_population_count3A_512, %reduce_max3A_516 : vector<16xi32>
        %reduce_max3A_518 = tpu.scan <max>, %reduce_max3A_517 masked %reduce_max3A_514 : vector<16xi32>, vector<16xi1> -> vector<16xi32>
        %reduce_max3A_519 = arith.xori %reduce_max3A_518, %reduce_max3A_516 : vector<16xi32>
        %reduce_max3A_520 = vector.extract %reduce_max3A_519[15] : i32 from vector<16xi32>
        %add3A_521 = arith.addi %scan3A_461, %reduce_max3A_520 : i32
        %scan3A_522 = arith.constant 1 : i32
        %scan3A_523 = arith.addi %scan3A_459, %scan3A_522 : i32
        %mul3A_524 = arith.constant 16 : i32
        %mul3A_525 = arith.muli %scan3A_523, %mul3A_524 : i32
        %get3A_526 = arith.index_cast %mul3A_525 : i32 to index
        %get3A_527 = tpu.vector_load %arg6[%get3A_526] {strides = array<i32>} : memref<20480xf32, #tpu.memory_space<vmem>>, vector<16xf32>,
        %bitcast_convert_type3A_528 = tpu.bitcast %get3A_527 : vector<16xf32> -> vector<16xi32>
        %mul3A_529 = arith.constant 16 : i32
        %mul3A_530 = arith.muli %scan3A_523, %mul3A_529 : i32
        %add3A_531 = vector.broadcast %mul3A_530 : i32 to vector<16xi32>
        %add3A_532 = arith.addi %add3A_531, %iota3A : vector<16xi32>
        %gt3A_533 = vector.broadcast %or3A_159 : i32 to vector<16xi32>
        %gt3A_534 = arith.cmpi sgt, %bitcast_convert_type3A_528, %gt3A_533 : vector<16xi32>
        %jit3A_535 = arith.constant 1 : i32
        %jit3A_536 = arith.constant 0 : i32
        %broadcast_in_dim3A_537 = vector.broadcast %jit3A_535 : i32 to vector<16xi32>
        %broadcast_in_dim3A_538 = vector.broadcast %jit3A_536 : i32 to vector<16xi32>
        %select_n3A_539 = arith.select %gt3A_534, %broadcast_in_dim3A_537, %broadcast_in_dim3A_538 : vector<16xi1>, vector<16xi32>
        %broadcast_in_dim3A_540 = arith.constant true
        %broadcast_in_dim3A_541 = vector.broadcast %broadcast_in_dim3A_540 : i1 to vector<16xi1>
        %masked_cumsum3A_542 = tpu.scan <sum>, %select_n3A_539 masked %broadcast_in_dim3A_541 : vector<16xi32>, vector<16xi1> -> vector<16xi32>
        %add3A_543 = vector.broadcast %add3A_492 : i32 to vector<16xi32>
        %add3A_544 = arith.addi %add3A_543, %masked_cumsum3A_542 : vector<16xi32>
        %sub3A_545 = arith.constant 1 : i32
        %sub3A_546 = vector.broadcast %sub3A_545 : i32 to vector<16xi32>
        %sub3A_547 = arith.subi %add3A_544, %sub3A_546 : vector<16xi32>
        tpu.vector_store_idx %arg9[%sub3A_547], %get3A_527 masked %gt3A_534 : memref<128xf32, #tpu.memory_space<vmem>>[vector<16xi32>], vector<16xf32>, vector<16xi1>
        tpu.vector_store_idx %arg10[%sub3A_547], %add3A_532 masked %gt3A_534 : memref<128xi32, #tpu.memory_space<vmem>>[vector<16xi32>], vector<16xi32>, vector<16xi1>
        %all_reduce_population_count3A_548 = tpu.all_reduce %gt3A_534 {dim = 0 : i64, kind = #tpu.reduction_kind<sum>} : vector<16xi1> -> vector<16xi32>
        %reduce_max3A_549 = arith.constant true
        %reduce_max3A_550 = vector.broadcast %reduce_max3A_549 : i1 to vector<16xi1>
        %reduce_max3A_551 = arith.constant -2147483648 : i32
        %reduce_max3A_552 = vector.broadcast %reduce_max3A_551 : i32 to vector<16xi32>
        %reduce_max3A_553 = arith.xori %all_reduce_population_count3A_548, %reduce_max3A_552 : vector<16xi32>
        %reduce_max3A_554 = tpu.scan <max>, %reduce_max3A_553 masked %reduce_max3A_550 : vector<16xi32>, vector<16xi1> -> vector<16xi32>
        %reduce_max3A_555 = arith.xori %reduce_max3A_554, %reduce_max3A_552 : vector<16xi32>
        %reduce_max3A_556 = vector.extract %reduce_max3A_555[15] : i32 from vector<16xi32>
        %add3A_557 = arith.addi %add3A_492, %reduce_max3A_556 : i32
        %eq3A_558 = vector.broadcast %or3A_159 : i32 to vector<16xi32>
        %eq3A_559 = arith.cmpi eq, %bitcast_convert_type3A_528, %eq3A_558 : vector<16xi32>
        %jit3A_560 = arith.constant 1 : i32
        %jit3A_561 = arith.constant 0 : i32
        %broadcast_in_dim3A_562 = vector.broadcast %jit3A_560 : i32 to vector<16xi32>
        %broadcast_in_dim3A_563 = vector.broadcast %jit3A_561 : i32 to vector<16xi32>
        %select_n3A_564 = arith.select %eq3A_559, %broadcast_in_dim3A_562, %broadcast_in_dim3A_563 : vector<16xi1>, vector<16xi32>
        %broadcast_in_dim3A_565 = arith.constant true
        %broadcast_in_dim3A_566 = vector.broadcast %broadcast_in_dim3A_565 : i1 to vector<16xi1>
        %masked_cumsum3A_567 = tpu.scan <sum>, %select_n3A_564 masked %broadcast_in_dim3A_566 : vector<16xi32>, vector<16xi1> -> vector<16xi32>
        %add3A_568 = vector.broadcast %add3A_521 : i32 to vector<16xi32>
        %add3A_569 = arith.addi %add3A_568, %masked_cumsum3A_567 : vector<16xi32>
        %le3A_570 = vector.broadcast %sub3A_156 : i32 to vector<16xi32>
        %le3A_571 = arith.cmpi sle, %add3A_569, %le3A_570 : vector<16xi32>
        %and3A_572 = arith.andi %eq3A_559, %le3A_571 : vector<16xi1>
        %add3A_573 = vector.broadcast %add3A_521 : i32 to vector<16xi32>
        %add3A_574 = arith.addi %add3A_573, %masked_cumsum3A_567 : vector<16xi32>
        %sub3A_575 = arith.constant 1 : i32
        %sub3A_576 = vector.broadcast %sub3A_575 : i32 to vector<16xi32>
        %sub3A_577 = arith.subi %add3A_574, %sub3A_576 : vector<16xi32>
        tpu.vector_store_idx %arg11[%sub3A_577], %add3A_532 masked %and3A_572 : memref<128xi32, #tpu.memory_space<vmem>>[vector<16xi32>], vector<16xi32>, vector<16xi1>
        %all_reduce_population_count3A_578 = tpu.all_reduce %and3A_572 {dim = 0 : i64, kind = #tpu.reduction_kind<sum>} : vector<16xi1> -> vector<16xi32>
        %reduce_max3A_579 = arith.constant true
        %reduce_max3A_580 = vector.broadcast %reduce_max3A_579 : i1 to vector<16xi1>
        %reduce_max3A_581 = arith.constant -2147483648 : i32
        %reduce_max3A_582 = vector.broadcast %reduce_max3A_581 : i32 to vector<16xi32>
        %reduce_max3A_583 = arith.xori %all_reduce_population_count3A_578, %reduce_max3A_582 : vector<16xi32>
        %reduce_max3A_584 = tpu.scan <max>, %reduce_max3A_583 masked %reduce_max3A_580 : vector<16xi32>, vector<16xi1> -> vector<16xi32>
        %reduce_max3A_585 = arith.xori %reduce_max3A_584, %reduce_max3A_582 : vector<16xi32>
        %reduce_max3A_586 = vector.extract %reduce_max3A_585[15] : i32 from vector<16xi32>
        %add3A_587 = arith.addi %add3A_521, %reduce_max3A_586 : i32
        %scan3A_588 = arith.constant 2 : i32
        %scan3A_589 = arith.addi %scan3A_459, %scan3A_588 : i32
        %mul3A_590 = arith.constant 16 : i32
        %mul3A_591 = arith.muli %scan3A_589, %mul3A_590 : i32
        %get3A_592 = arith.index_cast %mul3A_591 : i32 to index
        %get3A_593 = tpu.vector_load %arg6[%get3A_592] {strides = array<i32>} : memref<20480xf32, #tpu.memory_space<vmem>>, vector<16xf32>,
        %bitcast_convert_type3A_594 = tpu.bitcast %get3A_593 : vector<16xf32> -> vector<16xi32>
        %mul3A_595 = arith.constant 16 : i32
        %mul3A_596 = arith.muli %scan3A_589, %mul3A_595 : i32
        %add3A_597 = vector.broadcast %mul3A_596 : i32 to vector<16xi32>
        %add3A_598 = arith.addi %add3A_597, %iota3A : vector<16xi32>
        %gt3A_599 = vector.broadcast %or3A_159 : i32 to vector<16xi32>
        %gt3A_600 = arith.cmpi sgt, %bitcast_convert_type3A_594, %gt3A_599 : vector<16xi32>
        %jit3A_601 = arith.constant 1 : i32
        %jit3A_602 = arith.constant 0 : i32
        %broadcast_in_dim3A_603 = vector.broadcast %jit3A_601 : i32 to vector<16xi32>
        %broadcast_in_dim3A_604 = vector.broadcast %jit3A_602 : i32 to vector<16xi32>
        %select_n3A_605 = arith.select %gt3A_600, %broadcast_in_dim3A_603, %broadcast_in_dim3A_604 : vector<16xi1>, vector<16xi32>
        %broadcast_in_dim3A_606 = arith.constant true
        %broadcast_in_dim3A_607 = vector.broadcast %broadcast_in_dim3A_606 : i1 to vector<16xi1>
        %masked_cumsum3A_608 = tpu.scan <sum>, %select_n3A_605 masked %broadcast_in_dim3A_607 : vector<16xi32>, vector<16xi1> -> vector<16xi32>
        %add3A_609 = vector.broadcast %add3A_557 : i32 to vector<16xi32>
        %add3A_610 = arith.addi %add3A_609, %masked_cumsum3A_608 : vector<16xi32>
        %sub3A_611 = arith.constant 1 : i32
        %sub3A_612 = vector.broadcast %sub3A_611 : i32 to vector<16xi32>
        %sub3A_613 = arith.subi %add3A_610, %sub3A_612 : vector<16xi32>
        tpu.vector_store_idx %arg9[%sub3A_613], %get3A_593 masked %gt3A_600 : memref<128xf32, #tpu.memory_space<vmem>>[vector<16xi32>], vector<16xf32>, vector<16xi1>
        tpu.vector_store_idx %arg10[%sub3A_613], %add3A_598 masked %gt3A_600 : memref<128xi32, #tpu.memory_space<vmem>>[vector<16xi32>], vector<16xi32>, vector<16xi1>
        %all_reduce_population_count3A_614 = tpu.all_reduce %gt3A_600 {dim = 0 : i64, kind = #tpu.reduction_kind<sum>} : vector<16xi1> -> vector<16xi32>
        %reduce_max3A_615 = arith.constant true
        %reduce_max3A_616 = vector.broadcast %reduce_max3A_615 : i1 to vector<16xi1>
        %reduce_max3A_617 = arith.constant -2147483648 : i32
        %reduce_max3A_618 = vector.broadcast %reduce_max3A_617 : i32 to vector<16xi32>
        %reduce_max3A_619 = arith.xori %all_reduce_population_count3A_614, %reduce_max3A_618 : vector<16xi32>
        %reduce_max3A_620 = tpu.scan <max>, %reduce_max3A_619 masked %reduce_max3A_616 : vector<16xi32>, vector<16xi1> -> vector<16xi32>
        %reduce_max3A_621 = arith.xori %reduce_max3A_620, %reduce_max3A_618 : vector<16xi32>
        %reduce_max3A_622 = vector.extract %reduce_max3A_621[15] : i32 from vector<16xi32>
        %add3A_623 = arith.addi %add3A_557, %reduce_max3A_622 : i32
        %eq3A_624 = vector.broadcast %or3A_159 : i32 to vector<16xi32>
        %eq3A_625 = arith.cmpi eq, %bitcast_convert_type3A_594, %eq3A_624 : vector<16xi32>
        %jit3A_626 = arith.constant 1 : i32
        %jit3A_627 = arith.constant 0 : i32
        %broadcast_in_dim3A_628 = vector.broadcast %jit3A_626 : i32 to vector<16xi32>
        %broadcast_in_dim3A_629 = vector.broadcast %jit3A_627 : i32 to vector<16xi32>
        %select_n3A_630 = arith.select %eq3A_625, %broadcast_in_dim3A_628, %broadcast_in_dim3A_629 : vector<16xi1>, vector<16xi32>
        %broadcast_in_dim3A_631 = arith.constant true
        %broadcast_in_dim3A_632 = vector.broadcast %broadcast_in_dim3A_631 : i1 to vector<16xi1>
        %masked_cumsum3A_633 = tpu.scan <sum>, %select_n3A_630 masked %broadcast_in_dim3A_632 : vector<16xi32>, vector<16xi1> -> vector<16xi32>
        %add3A_634 = vector.broadcast %add3A_587 : i32 to vector<16xi32>
        %add3A_635 = arith.addi %add3A_634, %masked_cumsum3A_633 : vector<16xi32>
        %le3A_636 = vector.broadcast %sub3A_156 : i32 to vector<16xi32>
        %le3A_637 = arith.cmpi sle, %add3A_635, %le3A_636 : vector<16xi32>
        %and3A_638 = arith.andi %eq3A_625, %le3A_637 : vector<16xi1>
        %add3A_639 = vector.broadcast %add3A_587 : i32 to vector<16xi32>
        %add3A_640 = arith.addi %add3A_639, %masked_cumsum3A_633 : vector<16xi32>
        %sub3A_641 = arith.constant 1 : i32
        %sub3A_642 = vector.broadcast %sub3A_641 : i32 to vector<16xi32>
        %sub3A_643 = arith.subi %add3A_640, %sub3A_642 : vector<16xi32>
        tpu.vector_store_idx %arg11[%sub3A_643], %add3A_598 masked %and3A_638 : memref<128xi32, #tpu.memory_space<vmem>>[vector<16xi32>], vector<16xi32>, vector<16xi1>
        %all_reduce_population_count3A_644 = tpu.all_reduce %and3A_638 {dim = 0 : i64, kind = #tpu.reduction_kind<sum>} : vector<16xi1> -> vector<16xi32>
        %reduce_max3A_645 = arith.constant true
        %reduce_max3A_646 = vector.broadcast %reduce_max3A_645 : i1 to vector<16xi1>
        %reduce_max3A_647 = arith.constant -2147483648 : i32
        %reduce_max3A_648 = vector.broadcast %reduce_max3A_647 : i32 to vector<16xi32>
        %reduce_max3A_649 = arith.xori %all_reduce_population_count3A_644, %reduce_max3A_648 : vector<16xi32>
        %reduce_max3A_650 = tpu.scan <max>, %reduce_max3A_649 masked %reduce_max3A_646 : vector<16xi32>, vector<16xi1> -> vector<16xi32>
        %reduce_max3A_651 = arith.xori %reduce_max3A_650, %reduce_max3A_648 : vector<16xi32>
        %reduce_max3A_652 = vector.extract %reduce_max3A_651[15] : i32 from vector<16xi32>
        %add3A_653 = arith.addi %add3A_587, %reduce_max3A_652 : i32
        %scan3A_654 = arith.constant 3 : i32
        %scan3A_655 = arith.addi %scan3A_459, %scan3A_654 : i32
        %mul3A_656 = arith.constant 16 : i32
        %mul3A_657 = arith.muli %scan3A_655, %mul3A_656 : i32
        %get3A_658 = arith.index_cast %mul3A_657 : i32 to index
        %get3A_659 = tpu.vector_load %arg6[%get3A_658] {strides = array<i32>} : memref<20480xf32, #tpu.memory_space<vmem>>, vector<16xf32>,
        %bitcast_convert_type3A_660 = tpu.bitcast %get3A_659 : vector<16xf32> -> vector<16xi32>
        %mul3A_661 = arith.constant 16 : i32
        %mul3A_662 = arith.muli %scan3A_655, %mul3A_661 : i32
        %add3A_663 = vector.broadcast %mul3A_662 : i32 to vector<16xi32>
        %add3A_664 = arith.addi %add3A_663, %iota3A : vector<16xi32>
        %gt3A_665 = vector.broadcast %or3A_159 : i32 to vector<16xi32>
        %gt3A_666 = arith.cmpi sgt, %bitcast_convert_type3A_660, %gt3A_665 : vector<16xi32>
        %jit3A_667 = arith.constant 1 : i32
        %jit3A_668 = arith.constant 0 : i32
        %broadcast_in_dim3A_669 = vector.broadcast %jit3A_667 : i32 to vector<16xi32>
        %broadcast_in_dim3A_670 = vector.broadcast %jit3A_668 : i32 to vector<16xi32>
        %select_n3A_671 = arith.select %gt3A_666, %broadcast_in_dim3A_669, %broadcast_in_dim3A_670 : vector<16xi1>, vector<16xi32>
        %broadcast_in_dim3A_672 = arith.constant true
        %broadcast_in_dim3A_673 = vector.broadcast %broadcast_in_dim3A_672 : i1 to vector<16xi1>
        %masked_cumsum3A_674 = tpu.scan <sum>, %select_n3A_671 masked %broadcast_in_dim3A_673 : vector<16xi32>, vector<16xi1> -> vector<16xi32>
        %add3A_675 = vector.broadcast %add3A_623 : i32 to vector<16xi32>
        %add3A_676 = arith.addi %add3A_675, %masked_cumsum3A_674 : vector<16xi32>
        %sub3A_677 = arith.constant 1 : i32
        %sub3A_678 = vector.broadcast %sub3A_677 : i32 to vector<16xi32>
        %sub3A_679 = arith.subi %add3A_676, %sub3A_678 : vector<16xi32>
        tpu.vector_store_idx %arg9[%sub3A_679], %get3A_659 masked %gt3A_666 : memref<128xf32, #tpu.memory_space<vmem>>[vector<16xi32>], vector<16xf32>, vector<16xi1>
        tpu.vector_store_idx %arg10[%sub3A_679], %add3A_664 masked %gt3A_666 : memref<128xi32, #tpu.memory_space<vmem>>[vector<16xi32>], vector<16xi32>, vector<16xi1>
        %all_reduce_population_count3A_680 = tpu.all_reduce %gt3A_666 {dim = 0 : i64, kind = #tpu.reduction_kind<sum>} : vector<16xi1> -> vector<16xi32>
        %reduce_max3A_681 = arith.constant true
        %reduce_max3A_682 = vector.broadcast %reduce_max3A_681 : i1 to vector<16xi1>
        %reduce_max3A_683 = arith.constant -2147483648 : i32
        %reduce_max3A_684 = vector.broadcast %reduce_max3A_683 : i32 to vector<16xi32>
        %reduce_max3A_685 = arith.xori %all_reduce_population_count3A_680, %reduce_max3A_684 : vector<16xi32>
        %reduce_max3A_686 = tpu.scan <max>, %reduce_max3A_685 masked %reduce_max3A_682 : vector<16xi32>, vector<16xi1> -> vector<16xi32>
        %reduce_max3A_687 = arith.xori %reduce_max3A_686, %reduce_max3A_684 : vector<16xi32>
        %reduce_max3A_688 = vector.extract %reduce_max3A_687[15] : i32 from vector<16xi32>
        %add3A_689 = arith.addi %add3A_623, %reduce_max3A_688 : i32
        %eq3A_690 = vector.broadcast %or3A_159 : i32 to vector<16xi32>
        %eq3A_691 = arith.cmpi eq, %bitcast_convert_type3A_660, %eq3A_690 : vector<16xi32>
        %jit3A_692 = arith.constant 1 : i32
        %jit3A_693 = arith.constant 0 : i32
        %broadcast_in_dim3A_694 = vector.broadcast %jit3A_692 : i32 to vector<16xi32>
        %broadcast_in_dim3A_695 = vector.broadcast %jit3A_693 : i32 to vector<16xi32>
        %select_n3A_696 = arith.select %eq3A_691, %broadcast_in_dim3A_694, %broadcast_in_dim3A_695 : vector<16xi1>, vector<16xi32>
        %broadcast_in_dim3A_697 = arith.constant true
        %broadcast_in_dim3A_698 = vector.broadcast %broadcast_in_dim3A_697 : i1 to vector<16xi1>
        %masked_cumsum3A_699 = tpu.scan <sum>, %select_n3A_696 masked %broadcast_in_dim3A_698 : vector<16xi32>, vector<16xi1> -> vector<16xi32>
        %add3A_700 = vector.broadcast %add3A_653 : i32 to vector<16xi32>
        %add3A_701 = arith.addi %add3A_700, %masked_cumsum3A_699 : vector<16xi32>
        %le3A_702 = vector.broadcast %sub3A_156 : i32 to vector<16xi32>
        %le3A_703 = arith.cmpi sle, %add3A_701, %le3A_702 : vector<16xi32>
        %and3A_704 = arith.andi %eq3A_691, %le3A_703 : vector<16xi1>
        %add3A_705 = vector.broadcast %add3A_653 : i32 to vector<16xi32>
        %add3A_706 = arith.addi %add3A_705, %masked_cumsum3A_699 : vector<16xi32>
        %sub3A_707 = arith.constant 1 : i32
        %sub3A_708 = vector.broadcast %sub3A_707 : i32 to vector<16xi32>
        %sub3A_709 = arith.subi %add3A_706, %sub3A_708 : vector<16xi32>
        tpu.vector_store_idx %arg11[%sub3A_709], %add3A_664 masked %and3A_704 : memref<128xi32, #tpu.memory_space<vmem>>[vector<16xi32>], vector<16xi32>, vector<16xi1>
        %all_reduce_population_count3A_710 = tpu.all_reduce %and3A_704 {dim = 0 : i64, kind = #tpu.reduction_kind<sum>} : vector<16xi1> -> vector<16xi32>
        %reduce_max3A_711 = arith.constant true
        %reduce_max3A_712 = vector.broadcast %reduce_max3A_711 : i1 to vector<16xi1>
        %reduce_max3A_713 = arith.constant -2147483648 : i32
        %reduce_max3A_714 = vector.broadcast %reduce_max3A_713 : i32 to vector<16xi32>
        %reduce_max3A_715 = arith.xori %all_reduce_population_count3A_710, %reduce_max3A_714 : vector<16xi32>
        %reduce_max3A_716 = tpu.scan <max>, %reduce_max3A_715 masked %reduce_max3A_712 : vector<16xi32>, vector<16xi1> -> vector<16xi32>
        %reduce_max3A_717 = arith.xori %reduce_max3A_716, %reduce_max3A_714 : vector<16xi32>
        %reduce_max3A_718 = vector.extract %reduce_max3A_717[15] : i32 from vector<16xi32>
        %add3A_719 = arith.addi %add3A_653, %reduce_max3A_718 : i32
        scf.yield %add3A_689, %add3A_719 : i32, i32
      }
      %scan3A_216 = arith.constant 1280 : i32
      %broadcast_in_dim3A_217 = arith.constant 0 : i32
      %broadcast_in_dim3A_218 = vector.broadcast %broadcast_in_dim3A_217 : i32 to vector<16xi32>
      %add3A_219 = vector.broadcast %or3A_159 : i32 to vector<16xi32>
      %add3A_220 = arith.addi %broadcast_in_dim3A_218, %add3A_219 : vector<16xi32>
      %bitcast_convert_type3A = tpu.bitcast %add3A_220 : vector<16xi32> -> vector<16xf32>
      %scan3A_221 = arith.constant 0 : i32
      %scan3A_222 = arith.constant 0 : i32
      %scan3A_223 = arith.constant 7 : i32
      %scan3A_224 = arith.addi %scan3A_222, %scan3A_223 : i32
      %scan3A_225 = arith.constant 1 : i32
      %scan3A_226 = scf.for %scan3A_459 = %scan3A_222 to %scan3A_224 step %scan3A_225 iter_args(%scan3A_460 = %scan3A_221) -> (i32)  : i32 {
        %mul3A_461 = arith.constant 16 : i32
        %mul3A_462 = arith.muli %scan3A_459, %mul3A_461 : i32
        %get3A_463 = arith.index_cast %mul3A_462 : i32 to index
        %get3A_464 = tpu.vector_load %arg11[%get3A_463] {strides = array<i32>} : memref<128xi32, #tpu.memory_space<vmem>>, vector<16xi32>,
        %mul3A_465 = arith.constant 16 : i32
        %mul3A_466 = arith.muli %scan3A_459, %mul3A_465 : i32
        %add3A_467 = vector.broadcast %mul3A_466 : i32 to vector<16xi32>
        %add3A_468 = arith.addi %add3A_467, %iota3A : vector<16xi32>
        %lt3A_469 = vector.broadcast %sub3A_156 : i32 to vector<16xi32>
        %lt3A_470 = arith.cmpi slt, %add3A_468, %lt3A_469 : vector<16xi32>
        %mul3A_471 = arith.constant 16 : i32
        %mul3A_472 = arith.muli %scan3A_459, %mul3A_471 : i32
        %add3A_473 = arith.addi %scan3A_215#0, %mul3A_472 : i32
        %add3A_474 = vector.broadcast %add3A_473 : i32 to vector<16xi32>
        %add3A_475 = arith.addi %add3A_474, %iota3A : vector<16xi32>
        tpu.vector_store_idx %arg10[%add3A_475], %get3A_464 masked %lt3A_470 : memref<128xi32, #tpu.memory_space<vmem>>[vector<16xi32>], vector<16xi32>, vector<16xi1>
        tpu.vector_store_idx %arg9[%add3A_475], %bitcast_convert_type3A masked %lt3A_470 : memref<128xf32, #tpu.memory_space<vmem>>[vector<16xi32>], vector<16xf32>, vector<16xi1>
        %scan3A_476 = arith.constant 0 : i32
        scf.yield %scan3A_476 : i32
      }
      %scan3A_227 = arith.constant 7 : i32
      %scan3A_228 = arith.constant 0 : i32
      %scan3A_229 = arith.constant 0 : i32
      %scan3A_230 = arith.constant 100 : i32
      %scan3A_231 = arith.addi %scan3A_229, %scan3A_230 : i32
      %scan3A_232 = arith.constant 1 : i32
      %scan3A_233 = scf.for %scan3A_459 = %scan3A_229 to %scan3A_231 step %scan3A_232 iter_args(%scan3A_460 = %scan3A_228) -> (i32)  : i32 {
        %get3A_461 = arith.constant 0 : index
        %get3A_462 = tpu.vector_load %arg9[%get3A_461] {strides = array<i32>} : memref<128xf32, #tpu.memory_space<vmem>>, vector<16xf32>,
        %get3A_463 = arith.constant 16 : index
        %get3A_464 = tpu.vector_load %arg9[%get3A_463] {strides = array<i32>} : memref<128xf32, #tpu.memory_space<vmem>>, vector<16xf32>,
        %max3A = arith.maximumf %get3A_462, %get3A_464 : vector<16xf32>
        %get3A_465 = arith.constant 32 : index
        %get3A_466 = tpu.vector_load %arg9[%get3A_465] {strides = array<i32>} : memref<128xf32, #tpu.memory_space<vmem>>, vector<16xf32>,
        %max3A_467 = arith.maximumf %max3A, %get3A_466 : vector<16xf32>
        %get3A_468 = arith.constant 48 : index
        %get3A_469 = tpu.vector_load %arg9[%get3A_468] {strides = array<i32>} : memref<128xf32, #tpu.memory_space<vmem>>, vector<16xf32>,
        %max3A_470 = arith.maximumf %max3A_467, %get3A_469 : vector<16xf32>
        %get3A_471 = arith.constant 64 : index
        %get3A_472 = tpu.vector_load %arg9[%get3A_471] {strides = array<i32>} : memref<128xf32, #tpu.memory_space<vmem>>, vector<16xf32>,
        %max3A_473 = arith.maximumf %max3A_470, %get3A_472 : vector<16xf32>
        %get3A_474 = arith.constant 80 : index
        %get3A_475 = tpu.vector_load %arg9[%get3A_474] {strides = array<i32>} : memref<128xf32, #tpu.memory_space<vmem>>, vector<16xf32>,
        %max3A_476 = arith.maximumf %max3A_473, %get3A_475 : vector<16xf32>
        %get3A_477 = arith.constant 96 : index
        %get3A_478 = tpu.vector_load %arg9[%get3A_477] {strides = array<i32>} : memref<128xf32, #tpu.memory_space<vmem>>, vector<16xf32>,
        %max3A_479 = arith.maximumf %max3A_476, %get3A_478 : vector<16xf32>
        %reduce_max3A_480 = arith.constant true
        %reduce_max3A_481 = vector.broadcast %reduce_max3A_480 : i1 to vector<16xi1>
        %reduce_max3A_482 = tpu.scan <max>, %max3A_479 masked %reduce_max3A_481 : vector<16xf32>, vector<16xi1> -> vector<16xf32>
        %reduce_max3A_483 = vector.extract %reduce_max3A_482[15] : f32 from vector<16xf32>
        %get3A_484 = arith.constant 0 : index
        %get3A_485 = tpu.vector_load %arg9[%get3A_484] {strides = array<i32>} : memref<128xf32, #tpu.memory_space<vmem>>, vector<16xf32>,
        %eq3A_486 = vector.broadcast %reduce_max3A_483 : f32 to vector<16xf32>
        %eq3A_487 = arith.cmpf oeq, %get3A_485, %eq3A_486 : vector<16xf32>
        %add3A_488 = arith.constant 0 : i32
        %add3A_489 = vector.broadcast %add3A_488 : i32 to vector<16xi32>
        %add3A_490 = arith.addi %add3A_489, %iota3A : vector<16xi32>
        %broadcast_in_dim3A_491 = vector.broadcast %scan3A : i32 to vector<16xi32>
        %select_n3A_492 = arith.select %eq3A_487, %add3A_490, %broadcast_in_dim3A_491 : vector<16xi1>, vector<16xi32>
        %reduce_min3A = arith.constant true
        %reduce_min3A_493 = vector.broadcast %reduce_min3A : i1 to vector<16xi1>
        %reduce_min3A_494 = arith.constant -2147483648 : i32
        %reduce_min3A_495 = vector.broadcast %reduce_min3A_494 : i32 to vector<16xi32>
        %reduce_min3A_496 = arith.xori %select_n3A_492, %reduce_min3A_495 : vector<16xi32>
        %reduce_min3A_497 = tpu.scan <min>, %reduce_min3A_496 masked %reduce_min3A_493 : vector<16xi32>, vector<16xi1> -> vector<16xi32>
        %reduce_min3A_498 = arith.xori %reduce_min3A_497, %reduce_min3A_495 : vector<16xi32>
        %reduce_min3A_499 = vector.extract %reduce_min3A_498[15] : i32 from vector<16xi32>
        %min3A = arith.minsi %scan3A, %reduce_min3A_499 : i32
        %get3A_500 = arith.constant 16 : index
        %get3A_501 = tpu.vector_load %arg9[%get3A_500] {strides = array<i32>} : memref<128xf32, #tpu.memory_space<vmem>>, vector<16xf32>,
        %eq3A_502 = vector.broadcast %reduce_max3A_483 : f32 to vector<16xf32>
        %eq3A_503 = arith.cmpf oeq, %get3A_501, %eq3A_502 : vector<16xf32>
        %add3A_504 = arith.constant 16 : i32
        %add3A_505 = vector.broadcast %add3A_504 : i32 to vector<16xi32>
        %add3A_506 = arith.addi %add3A_505, %iota3A : vector<16xi32>
        %broadcast_in_dim3A_507 = vector.broadcast %scan3A : i32 to vector<16xi32>
        %select_n3A_508 = arith.select %eq3A_503, %add3A_506, %broadcast_in_dim3A_507 : vector<16xi1>, vector<16xi32>
        %reduce_min3A_509 = arith.constant true
        %reduce_min3A_510 = vector.broadcast %reduce_min3A_509 : i1 to vector<16xi1>
        %reduce_min3A_511 = arith.constant -2147483648 : i32
        %reduce_min3A_512 = vector.broadcast %reduce_min3A_511 : i32 to vector<16xi32>
        %reduce_min3A_513 = arith.xori %select_n3A_508, %reduce_min3A_512 : vector<16xi32>
        %reduce_min3A_514 = tpu.scan <min>, %reduce_min3A_513 masked %reduce_min3A_510 : vector<16xi32>, vector<16xi1> -> vector<16xi32>
        %reduce_min3A_515 = arith.xori %reduce_min3A_514, %reduce_min3A_512 : vector<16xi32>
        %reduce_min3A_516 = vector.extract %reduce_min3A_515[15] : i32 from vector<16xi32>
        %min3A_517 = arith.minsi %min3A, %reduce_min3A_516 : i32
        %get3A_518 = arith.constant 32 : index
        %get3A_519 = tpu.vector_load %arg9[%get3A_518] {strides = array<i32>} : memref<128xf32, #tpu.memory_space<vmem>>, vector<16xf32>,
        %eq3A_520 = vector.broadcast %reduce_max3A_483 : f32 to vector<16xf32>
        %eq3A_521 = arith.cmpf oeq, %get3A_519, %eq3A_520 : vector<16xf32>
        %add3A_522 = arith.constant 32 : i32
        %add3A_523 = vector.broadcast %add3A_522 : i32 to vector<16xi32>
        %add3A_524 = arith.addi %add3A_523, %iota3A : vector<16xi32>
        %broadcast_in_dim3A_525 = vector.broadcast %scan3A : i32 to vector<16xi32>
        %select_n3A_526 = arith.select %eq3A_521, %add3A_524, %broadcast_in_dim3A_525 : vector<16xi1>, vector<16xi32>
        %reduce_min3A_527 = arith.constant true
        %reduce_min3A_528 = vector.broadcast %reduce_min3A_527 : i1 to vector<16xi1>
        %reduce_min3A_529 = arith.constant -2147483648 : i32
        %reduce_min3A_530 = vector.broadcast %reduce_min3A_529 : i32 to vector<16xi32>
        %reduce_min3A_531 = arith.xori %select_n3A_526, %reduce_min3A_530 : vector<16xi32>
        %reduce_min3A_532 = tpu.scan <min>, %reduce_min3A_531 masked %reduce_min3A_528 : vector<16xi32>, vector<16xi1> -> vector<16xi32>
        %reduce_min3A_533 = arith.xori %reduce_min3A_532, %reduce_min3A_530 : vector<16xi32>
        %reduce_min3A_534 = vector.extract %reduce_min3A_533[15] : i32 from vector<16xi32>
        %min3A_535 = arith.minsi %min3A_517, %reduce_min3A_534 : i32
        %get3A_536 = arith.constant 48 : index
        %get3A_537 = tpu.vector_load %arg9[%get3A_536] {strides = array<i32>} : memref<128xf32, #tpu.memory_space<vmem>>, vector<16xf32>,
        %eq3A_538 = vector.broadcast %reduce_max3A_483 : f32 to vector<16xf32>
        %eq3A_539 = arith.cmpf oeq, %get3A_537, %eq3A_538 : vector<16xf32>
        %add3A_540 = arith.constant 48 : i32
        %add3A_541 = vector.broadcast %add3A_540 : i32 to vector<16xi32>
        %add3A_542 = arith.addi %add3A_541, %iota3A : vector<16xi32>
        %broadcast_in_dim3A_543 = vector.broadcast %scan3A : i32 to vector<16xi32>
        %select_n3A_544 = arith.select %eq3A_539, %add3A_542, %broadcast_in_dim3A_543 : vector<16xi1>, vector<16xi32>
        %reduce_min3A_545 = arith.constant true
        %reduce_min3A_546 = vector.broadcast %reduce_min3A_545 : i1 to vector<16xi1>
        %reduce_min3A_547 = arith.constant -2147483648 : i32
        %reduce_min3A_548 = vector.broadcast %reduce_min3A_547 : i32 to vector<16xi32>
        %reduce_min3A_549 = arith.xori %select_n3A_544, %reduce_min3A_548 : vector<16xi32>
        %reduce_min3A_550 = tpu.scan <min>, %reduce_min3A_549 masked %reduce_min3A_546 : vector<16xi32>, vector<16xi1> -> vector<16xi32>
        %reduce_min3A_551 = arith.xori %reduce_min3A_550, %reduce_min3A_548 : vector<16xi32>
        %reduce_min3A_552 = vector.extract %reduce_min3A_551[15] : i32 from vector<16xi32>
        %min3A_553 = arith.minsi %min3A_535, %reduce_min3A_552 : i32
        %get3A_554 = arith.constant 64 : index
        %get3A_555 = tpu.vector_load %arg9[%get3A_554] {strides = array<i32>} : memref<128xf32, #tpu.memory_space<vmem>>, vector<16xf32>,
        %eq3A_556 = vector.broadcast %reduce_max3A_483 : f32 to vector<16xf32>
        %eq3A_557 = arith.cmpf oeq, %get3A_555, %eq3A_556 : vector<16xf32>
        %add3A_558 = arith.constant 64 : i32
        %add3A_559 = vector.broadcast %add3A_558 : i32 to vector<16xi32>
        %add3A_560 = arith.addi %add3A_559, %iota3A : vector<16xi32>
        %broadcast_in_dim3A_561 = vector.broadcast %scan3A : i32 to vector<16xi32>
        %select_n3A_562 = arith.select %eq3A_557, %add3A_560, %broadcast_in_dim3A_561 : vector<16xi1>, vector<16xi32>
        %reduce_min3A_563 = arith.constant true
        %reduce_min3A_564 = vector.broadcast %reduce_min3A_563 : i1 to vector<16xi1>
        %reduce_min3A_565 = arith.constant -2147483648 : i32
        %reduce_min3A_566 = vector.broadcast %reduce_min3A_565 : i32 to vector<16xi32>
        %reduce_min3A_567 = arith.xori %select_n3A_562, %reduce_min3A_566 : vector<16xi32>
        %reduce_min3A_568 = tpu.scan <min>, %reduce_min3A_567 masked %reduce_min3A_564 : vector<16xi32>, vector<16xi1> -> vector<16xi32>
        %reduce_min3A_569 = arith.xori %reduce_min3A_568, %reduce_min3A_566 : vector<16xi32>
        %reduce_min3A_570 = vector.extract %reduce_min3A_569[15] : i32 from vector<16xi32>
        %min3A_571 = arith.minsi %min3A_553, %reduce_min3A_570 : i32
        %get3A_572 = arith.constant 80 : index
        %get3A_573 = tpu.vector_load %arg9[%get3A_572] {strides = array<i32>} : memref<128xf32, #tpu.memory_space<vmem>>, vector<16xf32>,
        %eq3A_574 = vector.broadcast %reduce_max3A_483 : f32 to vector<16xf32>
        %eq3A_575 = arith.cmpf oeq, %get3A_573, %eq3A_574 : vector<16xf32>
        %add3A_576 = arith.constant 80 : i32
        %add3A_577 = vector.broadcast %add3A_576 : i32 to vector<16xi32>
        %add3A_578 = arith.addi %add3A_577, %iota3A : vector<16xi32>
        %broadcast_in_dim3A_579 = vector.broadcast %scan3A : i32 to vector<16xi32>
        %select_n3A_580 = arith.select %eq3A_575, %add3A_578, %broadcast_in_dim3A_579 : vector<16xi1>, vector<16xi32>
        %reduce_min3A_581 = arith.constant true
        %reduce_min3A_582 = vector.broadcast %reduce_min3A_581 : i1 to vector<16xi1>
        %reduce_min3A_583 = arith.constant -2147483648 : i32
        %reduce_min3A_584 = vector.broadcast %reduce_min3A_583 : i32 to vector<16xi32>
        %reduce_min3A_585 = arith.xori %select_n3A_580, %reduce_min3A_584 : vector<16xi32>
        %reduce_min3A_586 = tpu.scan <min>, %reduce_min3A_585 masked %reduce_min3A_582 : vector<16xi32>, vector<16xi1> -> vector<16xi32>
        %reduce_min3A_587 = arith.xori %reduce_min3A_586, %reduce_min3A_584 : vector<16xi32>
        %reduce_min3A_588 = vector.extract %reduce_min3A_587[15] : i32 from vector<16xi32>
        %min3A_589 = arith.minsi %min3A_571, %reduce_min3A_588 : i32
        %get3A_590 = arith.constant 96 : index
        %get3A_591 = tpu.vector_load %arg9[%get3A_590] {strides = array<i32>} : memref<128xf32, #tpu.memory_space<vmem>>, vector<16xf32>,
        %eq3A_592 = vector.broadcast %reduce_max3A_483 : f32 to vector<16xf32>
        %eq3A_593 = arith.cmpf oeq, %get3A_591, %eq3A_592 : vector<16xf32>
        %add3A_594 = arith.constant 96 : i32
        %add3A_595 = vector.broadcast %add3A_594 : i32 to vector<16xi32>
        %add3A_596 = arith.addi %add3A_595, %iota3A : vector<16xi32>
        %broadcast_in_dim3A_597 = vector.broadcast %scan3A : i32 to vector<16xi32>
        %select_n3A_598 = arith.select %eq3A_593, %add3A_596, %broadcast_in_dim3A_597 : vector<16xi1>, vector<16xi32>
        %reduce_min3A_599 = arith.constant true
        %reduce_min3A_600 = vector.broadcast %reduce_min3A_599 : i1 to vector<16xi1>
        %reduce_min3A_601 = arith.constant -2147483648 : i32
        %reduce_min3A_602 = vector.broadcast %reduce_min3A_601 : i32 to vector<16xi32>
        %reduce_min3A_603 = arith.xori %select_n3A_598, %reduce_min3A_602 : vector<16xi32>
        %reduce_min3A_604 = tpu.scan <min>, %reduce_min3A_603 masked %reduce_min3A_600 : vector<16xi32>, vector<16xi1> -> vector<16xi32>
        %reduce_min3A_605 = arith.xori %reduce_min3A_604, %reduce_min3A_602 : vector<16xi32>
        %reduce_min3A_606 = vector.extract %reduce_min3A_605[15] : i32 from vector<16xi32>
        %min3A_607 = arith.minsi %min3A_589, %reduce_min3A_606 : i32
        %broadcast_in_dim3A_608 = vector.broadcast %min3A_607 : i32 to vector<16xi32>
        %gather3A_609 = tpu.vector_load_idx %arg10[%broadcast_in_dim3A_608] : memref<128xi32, #tpu.memory_space<vmem>>[vector<16xi32>], vector<16xi32>,
        %reduce_max3A_610 = arith.constant true
        %reduce_max3A_611 = vector.broadcast %reduce_max3A_610 : i1 to vector<16xi1>
        %reduce_max3A_612 = arith.constant -2147483648 : i32
        %reduce_max3A_613 = vector.broadcast %reduce_max3A_612 : i32 to vector<16xi32>
        %reduce_max3A_614 = arith.xori %gather3A_609, %reduce_max3A_613 : vector<16xi32>
        %reduce_max3A_615 = tpu.scan <max>, %reduce_max3A_614 masked %reduce_max3A_611 : vector<16xi32>, vector<16xi1> -> vector<16xi32>
        %reduce_max3A_616 = arith.xori %reduce_max3A_615, %reduce_max3A_613 : vector<16xi32>
        %reduce_max3A_617 = vector.extract %reduce_max3A_616[15] : i32 from vector<16xi32>
        %broadcast_in_dim3A_618 = vector.broadcast %scan3A_459 : i32 to vector<16xi32>
        %broadcast_in_dim3A_619 = arith.constant 0.000000e+00 : f32
        %broadcast_in_dim3A_620 = vector.broadcast %broadcast_in_dim3A_619 : f32 to vector<16xf32>
        %add3A_621 = vector.broadcast %reduce_max3A_483 : f32 to vector<16xf32>
        %add3A_622 = arith.addf %broadcast_in_dim3A_620, %add3A_621 : vector<16xf32>
        tpu.vector_store_idx %arg12[%broadcast_in_dim3A_618], %add3A_622 masked %eq3A_40 : memref<112xf32, #tpu.memory_space<vmem>>[vector<16xi32>], vector<16xf32>, vector<16xi1>
        %broadcast_in_dim3A_623 = vector.broadcast %scan3A_459 : i32 to vector<16xi32>
        %add3A_624 = vector.broadcast %reduce_max3A_617 : i32 to vector<16xi32>
        %add3A_625 = arith.addi %broadcast_in_dim3A_35, %add3A_624 : vector<16xi32>
        tpu.vector_store_idx %arg13[%broadcast_in_dim3A_623], %add3A_625 masked %eq3A_40 : memref<112xi32, #tpu.memory_space<vmem>>[vector<16xi32>], vector<16xi32>, vector<16xi1>
        %broadcast_in_dim3A_626 = vector.broadcast %min3A_607 : i32 to vector<16xi32>
        tpu.vector_store_idx %arg9[%broadcast_in_dim3A_626], %broadcast_in_dim3A_37 masked %eq3A_40 : memref<128xf32, #tpu.memory_space<vmem>>[vector<16xi32>], vector<16xf32>, vector<16xi1>
        %scan3A_627 = arith.constant 0 : i32
        scf.yield %scan3A_627 : i32
      }
      %scan3A_234 = arith.constant 100 : i32
      %add3A_235 = arith.constant 100 : i32
      %add3A_236 = vector.broadcast %add3A_235 : i32 to vector<16xi32>
      %add3A_237 = arith.addi %add3A_236, %iota3A : vector<16xi32>
      %broadcast_in_dim3A_238 = arith.constant 0.000000e+00 : f32
      %broadcast_in_dim3A_239 = vector.broadcast %broadcast_in_dim3A_238 : f32 to vector<16xf32>
      %lt3A_240 = arith.constant 12 : i32
      %lt3A_241 = vector.broadcast %lt3A_240 : i32 to vector<16xi32>
      %lt3A_242 = arith.cmpi slt, %iota3A, %lt3A_241 : vector<16xi32>
      tpu.vector_store_idx %arg12[%add3A_237], %broadcast_in_dim3A_239 masked %lt3A_242 : memref<112xf32, #tpu.memory_space<vmem>>[vector<16xi32>], vector<16xf32>, vector<16xi1>
      %add3A_243 = arith.constant 100 : i32
      %add3A_244 = vector.broadcast %add3A_243 : i32 to vector<16xi32>
      %add3A_245 = arith.addi %add3A_244, %iota3A : vector<16xi32>
      %lt3A_246 = arith.constant 12 : i32
      %lt3A_247 = vector.broadcast %lt3A_246 : i32 to vector<16xi32>
      %lt3A_248 = arith.cmpi slt, %iota3A, %lt3A_247 : vector<16xi32>
      tpu.vector_store_idx %arg13[%add3A_245], %broadcast_in_dim3A_35 masked %lt3A_248 : memref<112xi32, #tpu.memory_space<vmem>>[vector<16xi32>], vector<16xi32>, vector<16xi1>
      %get3A = arith.constant 0 : index
      %get3A_249 = tpu.vector_load %arg13[%get3A] {strides = array<i32>} : memref<112xi32, #tpu.memory_space<vmem>>, vector<16xi32>,
      %broadcast_in_dim3A_250 = arith.constant 0 : i32
      %broadcast_in_dim3A_251 = vector.broadcast %broadcast_in_dim3A_250 : i32 to vector<16xi32>
      %gather3A_252 = tpu.vector_load_idx %arg7[%broadcast_in_dim3A_251, %get3A_249] : memref<4x20480xf32, #tpu.memory_space<vmem>>[vector<16xi32>, vector<16xi32>], vector<16xf32>,
      %swap3A_253 = arith.constant 0 : i32
      %swap3A_254 = arith.index_cast %swap3A_253 : i32 to index
      %swap3A_255 = arith.constant 0 : index
      %swap3A_256 = tpu.vector_load %arg14[%swap3A_254, %swap3A_255] {strides = array<i32>} : memref<4x112xf32, #tpu.memory_space<vmem>>, vector<16xf32>,
      tpu.vector_store %arg14[%swap3A_254, %swap3A_255], %gather3A_252 {strides = array<i32>} : memref<4x112xf32, #tpu.memory_space<vmem>>, vector<16xf32>,
      %broadcast_in_dim3A_257 = arith.constant 1 : i32
      %broadcast_in_dim3A_258 = vector.broadcast %broadcast_in_dim3A_257 : i32 to vector<16xi32>
      %gather3A_259 = tpu.vector_load_idx %arg7[%broadcast_in_dim3A_258, %get3A_249] : memref<4x20480xf32, #tpu.memory_space<vmem>>[vector<16xi32>, vector<16xi32>], vector<16xf32>,
      %swap3A_260 = arith.constant 1 : i32
      %swap3A_261 = arith.index_cast %swap3A_260 : i32 to index
      %swap3A_262 = arith.constant 0 : index
      %swap3A_263 = tpu.vector_load %arg14[%swap3A_261, %swap3A_262] {strides = array<i32>} : memref<4x112xf32, #tpu.memory_space<vmem>>, vector<16xf32>,
      tpu.vector_store %arg14[%swap3A_261, %swap3A_262], %gather3A_259 {strides = array<i32>} : memref<4x112xf32, #tpu.memory_space<vmem>>, vector<16xf32>,
      %broadcast_in_dim3A_264 = arith.constant 2 : i32
      %broadcast_in_dim3A_265 = vector.broadcast %broadcast_in_dim3A_264 : i32 to vector<16xi32>
      %gather3A_266 = tpu.vector_load_idx %arg7[%broadcast_in_dim3A_265, %get3A_249] : memref<4x20480xf32, #tpu.memory_space<vmem>>[vector<16xi32>, vector<16xi32>], vector<16xf32>,
      %swap3A_267 = arith.constant 2 : i32
      %swap3A_268 = arith.index_cast %swap3A_267 : i32 to index
      %swap3A_269 = arith.constant 0 : index
      %swap3A_270 = tpu.vector_load %arg14[%swap3A_268, %swap3A_269] {strides = array<i32>} : memref<4x112xf32, #tpu.memory_space<vmem>>, vector<16xf32>,
      tpu.vector_store %arg14[%swap3A_268, %swap3A_269], %gather3A_266 {strides = array<i32>} : memref<4x112xf32, #tpu.memory_space<vmem>>, vector<16xf32>,
      %broadcast_in_dim3A_271 = arith.constant 3 : i32
      %broadcast_in_dim3A_272 = vector.broadcast %broadcast_in_dim3A_271 : i32 to vector<16xi32>
      %gather3A_273 = tpu.vector_load_idx %arg7[%broadcast_in_dim3A_272, %get3A_249] : memref<4x20480xf32, #tpu.memory_space<vmem>>[vector<16xi32>, vector<16xi32>], vector<16xf32>,
      %swap3A_274 = arith.constant 3 : i32
      %swap3A_275 = arith.index_cast %swap3A_274 : i32 to index
      %swap3A_276 = arith.constant 0 : index
      %swap3A_277 = tpu.vector_load %arg14[%swap3A_275, %swap3A_276] {strides = array<i32>} : memref<4x112xf32, #tpu.memory_space<vmem>>, vector<16xf32>,
      tpu.vector_store %arg14[%swap3A_275, %swap3A_276], %gather3A_273 {strides = array<i32>} : memref<4x112xf32, #tpu.memory_space<vmem>>, vector<16xf32>,
      %get3A_278 = arith.constant 16 : index
      %get3A_279 = tpu.vector_load %arg13[%get3A_278] {strides = array<i32>} : memref<112xi32, #tpu.memory_space<vmem>>, vector<16xi32>,
      %broadcast_in_dim3A_280 = arith.constant 0 : i32
      %broadcast_in_dim3A_281 = vector.broadcast %broadcast_in_dim3A_280 : i32 to vector<16xi32>
      %gather3A_282 = tpu.vector_load_idx %arg7[%broadcast_in_dim3A_281, %get3A_279] : memref<4x20480xf32, #tpu.memory_space<vmem>>[vector<16xi32>, vector<16xi32>], vector<16xf32>,
      %swap3A_283 = arith.constant 0 : i32
      %swap3A_284 = arith.index_cast %swap3A_283 : i32 to index
      %swap3A_285 = arith.constant 16 : index
      %swap3A_286 = tpu.vector_load %arg14[%swap3A_284, %swap3A_285] {strides = array<i32>} : memref<4x112xf32, #tpu.memory_space<vmem>>, vector<16xf32>,
      tpu.vector_store %arg14[%swap3A_284, %swap3A_285], %gather3A_282 {strides = array<i32>} : memref<4x112xf32, #tpu.memory_space<vmem>>, vector<16xf32>,
      %broadcast_in_dim3A_287 = arith.constant 1 : i32
      %broadcast_in_dim3A_288 = vector.broadcast %broadcast_in_dim3A_287 : i32 to vector<16xi32>
      %gather3A_289 = tpu.vector_load_idx %arg7[%broadcast_in_dim3A_288, %get3A_279] : memref<4x20480xf32, #tpu.memory_space<vmem>>[vector<16xi32>, vector<16xi32>], vector<16xf32>,
      %swap3A_290 = arith.constant 1 : i32
      %swap3A_291 = arith.index_cast %swap3A_290 : i32 to index
      %swap3A_292 = arith.constant 16 : index
      %swap3A_293 = tpu.vector_load %arg14[%swap3A_291, %swap3A_292] {strides = array<i32>} : memref<4x112xf32, #tpu.memory_space<vmem>>, vector<16xf32>,
      tpu.vector_store %arg14[%swap3A_291, %swap3A_292], %gather3A_289 {strides = array<i32>} : memref<4x112xf32, #tpu.memory_space<vmem>>, vector<16xf32>,
      %broadcast_in_dim3A_294 = arith.constant 2 : i32
      %broadcast_in_dim3A_295 = vector.broadcast %broadcast_in_dim3A_294 : i32 to vector<16xi32>
      %gather3A_296 = tpu.vector_load_idx %arg7[%broadcast_in_dim3A_295, %get3A_279] : memref<4x20480xf32, #tpu.memory_space<vmem>>[vector<16xi32>, vector<16xi32>], vector<16xf32>,
      %swap3A_297 = arith.constant 2 : i32
      %swap3A_298 = arith.index_cast %swap3A_297 : i32 to index
      %swap3A_299 = arith.constant 16 : index
      %swap3A_300 = tpu.vector_load %arg14[%swap3A_298, %swap3A_299] {strides = array<i32>} : memref<4x112xf32, #tpu.memory_space<vmem>>, vector<16xf32>,
      tpu.vector_store %arg14[%swap3A_298, %swap3A_299], %gather3A_296 {strides = array<i32>} : memref<4x112xf32, #tpu.memory_space<vmem>>, vector<16xf32>,
      %broadcast_in_dim3A_301 = arith.constant 3 : i32
      %broadcast_in_dim3A_302 = vector.broadcast %broadcast_in_dim3A_301 : i32 to vector<16xi32>
      %gather3A_303 = tpu.vector_load_idx %arg7[%broadcast_in_dim3A_302, %get3A_279] : memref<4x20480xf32, #tpu.memory_space<vmem>>[vector<16xi32>, vector<16xi32>], vector<16xf32>,
      %swap3A_304 = arith.constant 3 : i32
      %swap3A_305 = arith.index_cast %swap3A_304 : i32 to index
      %swap3A_306 = arith.constant 16 : index
      %swap3A_307 = tpu.vector_load %arg14[%swap3A_305, %swap3A_306] {strides = array<i32>} : memref<4x112xf32, #tpu.memory_space<vmem>>, vector<16xf32>,
      tpu.vector_store %arg14[%swap3A_305, %swap3A_306], %gather3A_303 {strides = array<i32>} : memref<4x112xf32, #tpu.memory_space<vmem>>, vector<16xf32>,
      %get3A_308 = arith.constant 32 : index
      %get3A_309 = tpu.vector_load %arg13[%get3A_308] {strides = array<i32>} : memref<112xi32, #tpu.memory_space<vmem>>, vector<16xi32>,
      %broadcast_in_dim3A_310 = arith.constant 0 : i32
      %broadcast_in_dim3A_311 = vector.broadcast %broadcast_in_dim3A_310 : i32 to vector<16xi32>
      %gather3A_312 = tpu.vector_load_idx %arg7[%broadcast_in_dim3A_311, %get3A_309] : memref<4x20480xf32, #tpu.memory_space<vmem>>[vector<16xi32>, vector<16xi32>], vector<16xf32>,
      %swap3A_313 = arith.constant 0 : i32
      %swap3A_314 = arith.index_cast %swap3A_313 : i32 to index
      %swap3A_315 = arith.constant 32 : index
      %swap3A_316 = tpu.vector_load %arg14[%swap3A_314, %swap3A_315] {strides = array<i32>} : memref<4x112xf32, #tpu.memory_space<vmem>>, vector<16xf32>,
      tpu.vector_store %arg14[%swap3A_314, %swap3A_315], %gather3A_312 {strides = array<i32>} : memref<4x112xf32, #tpu.memory_space<vmem>>, vector<16xf32>,
      %broadcast_in_dim3A_317 = arith.constant 1 : i32
      %broadcast_in_dim3A_318 = vector.broadcast %broadcast_in_dim3A_317 : i32 to vector<16xi32>
      %gather3A_319 = tpu.vector_load_idx %arg7[%broadcast_in_dim3A_318, %get3A_309] : memref<4x20480xf32, #tpu.memory_space<vmem>>[vector<16xi32>, vector<16xi32>], vector<16xf32>,
      %swap3A_320 = arith.constant 1 : i32
      %swap3A_321 = arith.index_cast %swap3A_320 : i32 to index
      %swap3A_322 = arith.constant 32 : index
      %swap3A_323 = tpu.vector_load %arg14[%swap3A_321, %swap3A_322] {strides = array<i32>} : memref<4x112xf32, #tpu.memory_space<vmem>>, vector<16xf32>,
      tpu.vector_store %arg14[%swap3A_321, %swap3A_322], %gather3A_319 {strides = array<i32>} : memref<4x112xf32, #tpu.memory_space<vmem>>, vector<16xf32>,
      %broadcast_in_dim3A_324 = arith.constant 2 : i32
      %broadcast_in_dim3A_325 = vector.broadcast %broadcast_in_dim3A_324 : i32 to vector<16xi32>
      %gather3A_326 = tpu.vector_load_idx %arg7[%broadcast_in_dim3A_325, %get3A_309] : memref<4x20480xf32, #tpu.memory_space<vmem>>[vector<16xi32>, vector<16xi32>], vector<16xf32>,
      %swap3A_327 = arith.constant 2 : i32
      %swap3A_328 = arith.index_cast %swap3A_327 : i32 to index
      %swap3A_329 = arith.constant 32 : index
      %swap3A_330 = tpu.vector_load %arg14[%swap3A_328, %swap3A_329] {strides = array<i32>} : memref<4x112xf32, #tpu.memory_space<vmem>>, vector<16xf32>,
      tpu.vector_store %arg14[%swap3A_328, %swap3A_329], %gather3A_326 {strides = array<i32>} : memref<4x112xf32, #tpu.memory_space<vmem>>, vector<16xf32>,
      %broadcast_in_dim3A_331 = arith.constant 3 : i32
      %broadcast_in_dim3A_332 = vector.broadcast %broadcast_in_dim3A_331 : i32 to vector<16xi32>
      %gather3A_333 = tpu.vector_load_idx %arg7[%broadcast_in_dim3A_332, %get3A_309] : memref<4x20480xf32, #tpu.memory_space<vmem>>[vector<16xi32>, vector<16xi32>], vector<16xf32>,
      %swap3A_334 = arith.constant 3 : i32
      %swap3A_335 = arith.index_cast %swap3A_334 : i32 to index
      %swap3A_336 = arith.constant 32 : index
      %swap3A_337 = tpu.vector_load %arg14[%swap3A_335, %swap3A_336] {strides = array<i32>} : memref<4x112xf32, #tpu.memory_space<vmem>>, vector<16xf32>,
      tpu.vector_store %arg14[%swap3A_335, %swap3A_336], %gather3A_333 {strides = array<i32>} : memref<4x112xf32, #tpu.memory_space<vmem>>, vector<16xf32>,
      %get3A_338 = arith.constant 48 : index
      %get3A_339 = tpu.vector_load %arg13[%get3A_338] {strides = array<i32>} : memref<112xi32, #tpu.memory_space<vmem>>, vector<16xi32>,
      %broadcast_in_dim3A_340 = arith.constant 0 : i32
      %broadcast_in_dim3A_341 = vector.broadcast %broadcast_in_dim3A_340 : i32 to vector<16xi32>
      %gather3A_342 = tpu.vector_load_idx %arg7[%broadcast_in_dim3A_341, %get3A_339] : memref<4x20480xf32, #tpu.memory_space<vmem>>[vector<16xi32>, vector<16xi32>], vector<16xf32>,
      %swap3A_343 = arith.constant 0 : i32
      %swap3A_344 = arith.index_cast %swap3A_343 : i32 to index
      %swap3A_345 = arith.constant 48 : index
      %swap3A_346 = tpu.vector_load %arg14[%swap3A_344, %swap3A_345] {strides = array<i32>} : memref<4x112xf32, #tpu.memory_space<vmem>>, vector<16xf32>,
      tpu.vector_store %arg14[%swap3A_344, %swap3A_345], %gather3A_342 {strides = array<i32>} : memref<4x112xf32, #tpu.memory_space<vmem>>, vector<16xf32>,
      %broadcast_in_dim3A_347 = arith.constant 1 : i32
      %broadcast_in_dim3A_348 = vector.broadcast %broadcast_in_dim3A_347 : i32 to vector<16xi32>
      %gather3A_349 = tpu.vector_load_idx %arg7[%broadcast_in_dim3A_348, %get3A_339] : memref<4x20480xf32, #tpu.memory_space<vmem>>[vector<16xi32>, vector<16xi32>], vector<16xf32>,
      %swap3A_350 = arith.constant 1 : i32
      %swap3A_351 = arith.index_cast %swap3A_350 : i32 to index
      %swap3A_352 = arith.constant 48 : index
      %swap3A_353 = tpu.vector_load %arg14[%swap3A_351, %swap3A_352] {strides = array<i32>} : memref<4x112xf32, #tpu.memory_space<vmem>>, vector<16xf32>,
      tpu.vector_store %arg14[%swap3A_351, %swap3A_352], %gather3A_349 {strides = array<i32>} : memref<4x112xf32, #tpu.memory_space<vmem>>, vector<16xf32>,
      %broadcast_in_dim3A_354 = arith.constant 2 : i32
      %broadcast_in_dim3A_355 = vector.broadcast %broadcast_in_dim3A_354 : i32 to vector<16xi32>
      %gather3A_356 = tpu.vector_load_idx %arg7[%broadcast_in_dim3A_355, %get3A_339] : memref<4x20480xf32, #tpu.memory_space<vmem>>[vector<16xi32>, vector<16xi32>], vector<16xf32>,
      %swap3A_357 = arith.constant 2 : i32
      %swap3A_358 = arith.index_cast %swap3A_357 : i32 to index
      %swap3A_359 = arith.constant 48 : index
      %swap3A_360 = tpu.vector_load %arg14[%swap3A_358, %swap3A_359] {strides = array<i32>} : memref<4x112xf32, #tpu.memory_space<vmem>>, vector<16xf32>,
      tpu.vector_store %arg14[%swap3A_358, %swap3A_359], %gather3A_356 {strides = array<i32>} : memref<4x112xf32, #tpu.memory_space<vmem>>, vector<16xf32>,
      %broadcast_in_dim3A_361 = arith.constant 3 : i32
      %broadcast_in_dim3A_362 = vector.broadcast %broadcast_in_dim3A_361 : i32 to vector<16xi32>
      %gather3A_363 = tpu.vector_load_idx %arg7[%broadcast_in_dim3A_362, %get3A_339] : memref<4x20480xf32, #tpu.memory_space<vmem>>[vector<16xi32>, vector<16xi32>], vector<16xf32>,
      %swap3A_364 = arith.constant 3 : i32
      %swap3A_365 = arith.index_cast %swap3A_364 : i32 to index
      %swap3A_366 = arith.constant 48 : index
      %swap3A_367 = tpu.vector_load %arg14[%swap3A_365, %swap3A_366] {strides = array<i32>} : memref<4x112xf32, #tpu.memory_space<vmem>>, vector<16xf32>,
      tpu.vector_store %arg14[%swap3A_365, %swap3A_366], %gather3A_363 {strides = array<i32>} : memref<4x112xf32, #tpu.memory_space<vmem>>, vector<16xf32>,
      %get3A_368 = arith.constant 64 : index
      %get3A_369 = tpu.vector_load %arg13[%get3A_368] {strides = array<i32>} : memref<112xi32, #tpu.memory_space<vmem>>, vector<16xi32>,
      %broadcast_in_dim3A_370 = arith.constant 0 : i32
      %broadcast_in_dim3A_371 = vector.broadcast %broadcast_in_dim3A_370 : i32 to vector<16xi32>
      %gather3A_372 = tpu.vector_load_idx %arg7[%broadcast_in_dim3A_371, %get3A_369] : memref<4x20480xf32, #tpu.memory_space<vmem>>[vector<16xi32>, vector<16xi32>], vector<16xf32>,
      %swap3A_373 = arith.constant 0 : i32
      %swap3A_374 = arith.index_cast %swap3A_373 : i32 to index
      %swap3A_375 = arith.constant 64 : index
      %swap3A_376 = tpu.vector_load %arg14[%swap3A_374, %swap3A_375] {strides = array<i32>} : memref<4x112xf32, #tpu.memory_space<vmem>>, vector<16xf32>,
      tpu.vector_store %arg14[%swap3A_374, %swap3A_375], %gather3A_372 {strides = array<i32>} : memref<4x112xf32, #tpu.memory_space<vmem>>, vector<16xf32>,
      %broadcast_in_dim3A_377 = arith.constant 1 : i32
      %broadcast_in_dim3A_378 = vector.broadcast %broadcast_in_dim3A_377 : i32 to vector<16xi32>
      %gather3A_379 = tpu.vector_load_idx %arg7[%broadcast_in_dim3A_378, %get3A_369] : memref<4x20480xf32, #tpu.memory_space<vmem>>[vector<16xi32>, vector<16xi32>], vector<16xf32>,
      %swap3A_380 = arith.constant 1 : i32
      %swap3A_381 = arith.index_cast %swap3A_380 : i32 to index
      %swap3A_382 = arith.constant 64 : index
      %swap3A_383 = tpu.vector_load %arg14[%swap3A_381, %swap3A_382] {strides = array<i32>} : memref<4x112xf32, #tpu.memory_space<vmem>>, vector<16xf32>,
      tpu.vector_store %arg14[%swap3A_381, %swap3A_382], %gather3A_379 {strides = array<i32>} : memref<4x112xf32, #tpu.memory_space<vmem>>, vector<16xf32>,
      %broadcast_in_dim3A_384 = arith.constant 2 : i32
      %broadcast_in_dim3A_385 = vector.broadcast %broadcast_in_dim3A_384 : i32 to vector<16xi32>
      %gather3A_386 = tpu.vector_load_idx %arg7[%broadcast_in_dim3A_385, %get3A_369] : memref<4x20480xf32, #tpu.memory_space<vmem>>[vector<16xi32>, vector<16xi32>], vector<16xf32>,
      %swap3A_387 = arith.constant 2 : i32
      %swap3A_388 = arith.index_cast %swap3A_387 : i32 to index
      %swap3A_389 = arith.constant 64 : index
      %swap3A_390 = tpu.vector_load %arg14[%swap3A_388, %swap3A_389] {strides = array<i32>} : memref<4x112xf32, #tpu.memory_space<vmem>>, vector<16xf32>,
      tpu.vector_store %arg14[%swap3A_388, %swap3A_389], %gather3A_386 {strides = array<i32>} : memref<4x112xf32, #tpu.memory_space<vmem>>, vector<16xf32>,
      %broadcast_in_dim3A_391 = arith.constant 3 : i32
      %broadcast_in_dim3A_392 = vector.broadcast %broadcast_in_dim3A_391 : i32 to vector<16xi32>
      %gather3A_393 = tpu.vector_load_idx %arg7[%broadcast_in_dim3A_392, %get3A_369] : memref<4x20480xf32, #tpu.memory_space<vmem>>[vector<16xi32>, vector<16xi32>], vector<16xf32>,
      %swap3A_394 = arith.constant 3 : i32
      %swap3A_395 = arith.index_cast %swap3A_394 : i32 to index
      %swap3A_396 = arith.constant 64 : index
      %swap3A_397 = tpu.vector_load %arg14[%swap3A_395, %swap3A_396] {strides = array<i32>} : memref<4x112xf32, #tpu.memory_space<vmem>>, vector<16xf32>,
      tpu.vector_store %arg14[%swap3A_395, %swap3A_396], %gather3A_393 {strides = array<i32>} : memref<4x112xf32, #tpu.memory_space<vmem>>, vector<16xf32>,
      %get3A_398 = arith.constant 80 : index
      %get3A_399 = tpu.vector_load %arg13[%get3A_398] {strides = array<i32>} : memref<112xi32, #tpu.memory_space<vmem>>, vector<16xi32>,
      %broadcast_in_dim3A_400 = arith.constant 0 : i32
      %broadcast_in_dim3A_401 = vector.broadcast %broadcast_in_dim3A_400 : i32 to vector<16xi32>
      %gather3A_402 = tpu.vector_load_idx %arg7[%broadcast_in_dim3A_401, %get3A_399] : memref<4x20480xf32, #tpu.memory_space<vmem>>[vector<16xi32>, vector<16xi32>], vector<16xf32>,
      %swap3A_403 = arith.constant 0 : i32
      %swap3A_404 = arith.index_cast %swap3A_403 : i32 to index
      %swap3A_405 = arith.constant 80 : index
      %swap3A_406 = tpu.vector_load %arg14[%swap3A_404, %swap3A_405] {strides = array<i32>} : memref<4x112xf32, #tpu.memory_space<vmem>>, vector<16xf32>,
      tpu.vector_store %arg14[%swap3A_404, %swap3A_405], %gather3A_402 {strides = array<i32>} : memref<4x112xf32, #tpu.memory_space<vmem>>, vector<16xf32>,
      %broadcast_in_dim3A_407 = arith.constant 1 : i32
      %broadcast_in_dim3A_408 = vector.broadcast %broadcast_in_dim3A_407 : i32 to vector<16xi32>
      %gather3A_409 = tpu.vector_load_idx %arg7[%broadcast_in_dim3A_408, %get3A_399] : memref<4x20480xf32, #tpu.memory_space<vmem>>[vector<16xi32>, vector<16xi32>], vector<16xf32>,
      %swap3A_410 = arith.constant 1 : i32
      %swap3A_411 = arith.index_cast %swap3A_410 : i32 to index
      %swap3A_412 = arith.constant 80 : index
      %swap3A_413 = tpu.vector_load %arg14[%swap3A_411, %swap3A_412] {strides = array<i32>} : memref<4x112xf32, #tpu.memory_space<vmem>>, vector<16xf32>,
      tpu.vector_store %arg14[%swap3A_411, %swap3A_412], %gather3A_409 {strides = array<i32>} : memref<4x112xf32, #tpu.memory_space<vmem>>, vector<16xf32>,
      %broadcast_in_dim3A_414 = arith.constant 2 : i32
      %broadcast_in_dim3A_415 = vector.broadcast %broadcast_in_dim3A_414 : i32 to vector<16xi32>
      %gather3A_416 = tpu.vector_load_idx %arg7[%broadcast_in_dim3A_415, %get3A_399] : memref<4x20480xf32, #tpu.memory_space<vmem>>[vector<16xi32>, vector<16xi32>], vector<16xf32>,
      %swap3A_417 = arith.constant 2 : i32
      %swap3A_418 = arith.index_cast %swap3A_417 : i32 to index
      %swap3A_419 = arith.constant 80 : index
      %swap3A_420 = tpu.vector_load %arg14[%swap3A_418, %swap3A_419] {strides = array<i32>} : memref<4x112xf32, #tpu.memory_space<vmem>>, vector<16xf32>,
      tpu.vector_store %arg14[%swap3A_418, %swap3A_419], %gather3A_416 {strides = array<i32>} : memref<4x112xf32, #tpu.memory_space<vmem>>, vector<16xf32>,
      %broadcast_in_dim3A_421 = arith.constant 3 : i32
      %broadcast_in_dim3A_422 = vector.broadcast %broadcast_in_dim3A_421 : i32 to vector<16xi32>
      %gather3A_423 = tpu.vector_load_idx %arg7[%broadcast_in_dim3A_422, %get3A_399] : memref<4x20480xf32, #tpu.memory_space<vmem>>[vector<16xi32>, vector<16xi32>], vector<16xf32>,
      %swap3A_424 = arith.constant 3 : i32
      %swap3A_425 = arith.index_cast %swap3A_424 : i32 to index
      %swap3A_426 = arith.constant 80 : index
      %swap3A_427 = tpu.vector_load %arg14[%swap3A_425, %swap3A_426] {strides = array<i32>} : memref<4x112xf32, #tpu.memory_space<vmem>>, vector<16xf32>,
      tpu.vector_store %arg14[%swap3A_425, %swap3A_426], %gather3A_423 {strides = array<i32>} : memref<4x112xf32, #tpu.memory_space<vmem>>, vector<16xf32>,
      %get3A_428 = arith.constant 96 : index
      %get3A_429 = tpu.vector_load %arg13[%get3A_428] {strides = array<i32>} : memref<112xi32, #tpu.memory_space<vmem>>, vector<16xi32>,
      %broadcast_in_dim3A_430 = arith.constant 0 : i32
      %broadcast_in_dim3A_431 = vector.broadcast %broadcast_in_dim3A_430 : i32 to vector<16xi32>
      %gather3A_432 = tpu.vector_load_idx %arg7[%broadcast_in_dim3A_431, %get3A_429] : memref<4x20480xf32, #tpu.memory_space<vmem>>[vector<16xi32>, vector<16xi32>], vector<16xf32>,
      %swap3A_433 = arith.constant 0 : i32
      %swap3A_434 = arith.index_cast %swap3A_433 : i32 to index
      %swap3A_435 = arith.constant 96 : index
      %swap3A_436 = tpu.vector_load %arg14[%swap3A_434, %swap3A_435] {strides = array<i32>} : memref<4x112xf32, #tpu.memory_space<vmem>>, vector<16xf32>,
      tpu.vector_store %arg14[%swap3A_434, %swap3A_435], %gather3A_432 {strides = array<i32>} : memref<4x112xf32, #tpu.memory_space<vmem>>, vector<16xf32>,
      %broadcast_in_dim3A_437 = arith.constant 1 : i32
      %broadcast_in_dim3A_438 = vector.broadcast %broadcast_in_dim3A_437 : i32 to vector<16xi32>
      %gather3A_439 = tpu.vector_load_idx %arg7[%broadcast_in_dim3A_438, %get3A_429] : memref<4x20480xf32, #tpu.memory_space<vmem>>[vector<16xi32>, vector<16xi32>], vector<16xf32>,
      %swap3A_440 = arith.constant 1 : i32
      %swap3A_441 = arith.index_cast %swap3A_440 : i32 to index
      %swap3A_442 = arith.constant 96 : index
      %swap3A_443 = tpu.vector_load %arg14[%swap3A_441, %swap3A_442] {strides = array<i32>} : memref<4x112xf32, #tpu.memory_space<vmem>>, vector<16xf32>,
      tpu.vector_store %arg14[%swap3A_441, %swap3A_442], %gather3A_439 {strides = array<i32>} : memref<4x112xf32, #tpu.memory_space<vmem>>, vector<16xf32>,
      %broadcast_in_dim3A_444 = arith.constant 2 : i32
      %broadcast_in_dim3A_445 = vector.broadcast %broadcast_in_dim3A_444 : i32 to vector<16xi32>
      %gather3A_446 = tpu.vector_load_idx %arg7[%broadcast_in_dim3A_445, %get3A_429] : memref<4x20480xf32, #tpu.memory_space<vmem>>[vector<16xi32>, vector<16xi32>], vector<16xf32>,
      %swap3A_447 = arith.constant 2 : i32
      %swap3A_448 = arith.index_cast %swap3A_447 : i32 to index
      %swap3A_449 = arith.constant 96 : index
      %swap3A_450 = tpu.vector_load %arg14[%swap3A_448, %swap3A_449] {strides = array<i32>} : memref<4x112xf32, #tpu.memory_space<vmem>>, vector<16xf32>,
      tpu.vector_store %arg14[%swap3A_448, %swap3A_449], %gather3A_446 {strides = array<i32>} : memref<4x112xf32, #tpu.memory_space<vmem>>, vector<16xf32>,
      %broadcast_in_dim3A_451 = arith.constant 3 : i32
      %broadcast_in_dim3A_452 = vector.broadcast %broadcast_in_dim3A_451 : i32 to vector<16xi32>
      %gather3A_453 = tpu.vector_load_idx %arg7[%broadcast_in_dim3A_452, %get3A_429] : memref<4x20480xf32, #tpu.memory_space<vmem>>[vector<16xi32>, vector<16xi32>], vector<16xf32>,
      %swap3A_454 = arith.constant 3 : i32
      %swap3A_455 = arith.index_cast %swap3A_454 : i32 to index
      %swap3A_456 = arith.constant 96 : index
      %swap3A_457 = tpu.vector_load %arg14[%swap3A_455, %swap3A_456] {strides = array<i32>} : memref<4x112xf32, #tpu.memory_space<vmem>>, vector<16xf32>,
      tpu.vector_store %arg14[%swap3A_455, %swap3A_456], %gather3A_453 {strides = array<i32>} : memref<4x112xf32, #tpu.memory_space<vmem>>, vector<16xf32>,
      "tpu.region"() ({
        %run_scoped3A = tpu.sem_alloc : memref<!tpu.dma_semaphore, #tpu.memory_space<semaphore_mem>>
        %dma_start3A = arith.constant 0 : i32
        %dma_start3A_459 = tpu.memref_slice %arg4[%add3A_53, %dma_start3A] : memref<640x112xf32, #tpu.memory_space<hbm>> -> memref<1x112xf32, #tpu.memory_space<hbm>>
        %dma_start3A_460 = tpu.memref_squeeze %dma_start3A_459 : memref<1x112xf32, #tpu.memory_space<hbm>> -> memref<112xf32, #tpu.memory_space<hbm>>
        %dma_start3A_461 = arith.constant 0 : i32
        %dma_start3A_462 = tpu.memref_slice %arg4[%add3A_53, %dma_start3A_461] : memref<640x112xf32, #tpu.memory_space<hbm>> -> memref<1x112xf32, #tpu.memory_space<hbm>>
        %dma_start3A_463 = tpu.memref_squeeze %dma_start3A_462 : memref<1x112xf32, #tpu.memory_space<hbm>> -> memref<112xf32, #tpu.memory_space<hbm>>
        tpu.enqueue_dma source(%arg12 : memref<112xf32, #tpu.memory_space<vmem>>) target(%dma_start3A_463 : memref<112xf32, #tpu.memory_space<hbm>>) target_semaphore(%run_scoped3A : memref<!tpu.dma_semaphore, #tpu.memory_space<semaphore_mem>>)
        %dma_wait3A = arith.constant 0 : i32
        %dma_wait3A_464 = tpu.memref_slice %arg4[%add3A_53, %dma_wait3A] : memref<640x112xf32, #tpu.memory_space<hbm>> -> memref<1x112xf32, #tpu.memory_space<hbm>>
        %dma_wait3A_465 = tpu.memref_squeeze %dma_wait3A_464 : memref<1x112xf32, #tpu.memory_space<hbm>> -> memref<112xf32, #tpu.memory_space<hbm>>
        %dma_wait3A_466 = arith.constant 0 : i32
        %dma_wait3A_467 = tpu.memref_slice %arg4[%add3A_53, %dma_wait3A_466] : memref<640x112xf32, #tpu.memory_space<hbm>> -> memref<1x112xf32, #tpu.memory_space<hbm>>
        %dma_wait3A_468 = tpu.memref_squeeze %dma_wait3A_467 : memref<1x112xf32, #tpu.memory_space<hbm>> -> memref<112xf32, #tpu.memory_space<hbm>>
        tpu.wait_dma2 semaphore(%run_scoped3A : memref<!tpu.dma_semaphore, #tpu.memory_space<semaphore_mem>>) src(%arg12 : memref<112xf32, #tpu.memory_space<vmem>>) dst(%dma_wait3A_468 : memref<112xf32, #tpu.memory_space<hbm>>)
        tpu.yield
      }) : () -> ()
      "tpu.region"() ({
        %run_scoped3A = tpu.sem_alloc : memref<!tpu.dma_semaphore, #tpu.memory_space<semaphore_mem>>
        %dma_start3A = arith.constant 0 : i32
        %dma_start3A_459 = arith.constant 0 : i32
        %dma_start3A_460 = tpu.memref_slice %arg5[%add3A_53, %dma_start3A, %dma_start3A_459] : memref<640x4x112xf32, #tpu.memory_space<hbm>> -> memref<1x4x112xf32, #tpu.memory_space<hbm>>
        %dma_start3A_461 = tpu.memref_squeeze %dma_start3A_460 : memref<1x4x112xf32, #tpu.memory_space<hbm>> -> memref<4x112xf32, #tpu.memory_space<hbm>>
        %dma_start3A_462 = arith.constant 0 : i32
        %dma_start3A_463 = arith.constant 0 : i32
        %dma_start3A_464 = tpu.memref_slice %arg5[%add3A_53, %dma_start3A_462, %dma_start3A_463] : memref<640x4x112xf32, #tpu.memory_space<hbm>> -> memref<1x4x112xf32, #tpu.memory_space<hbm>>
        %dma_start3A_465 = tpu.memref_squeeze %dma_start3A_464 : memref<1x4x112xf32, #tpu.memory_space<hbm>> -> memref<4x112xf32, #tpu.memory_space<hbm>>
        tpu.enqueue_dma source(%arg14 : memref<4x112xf32, #tpu.memory_space<vmem>>) target(%dma_start3A_465 : memref<4x112xf32, #tpu.memory_space<hbm>>) target_semaphore(%run_scoped3A : memref<!tpu.dma_semaphore, #tpu.memory_space<semaphore_mem>>)
        %dma_wait3A = arith.constant 0 : i32
        %dma_wait3A_466 = arith.constant 0 : i32
        %dma_wait3A_467 = tpu.memref_slice %arg5[%add3A_53, %dma_wait3A, %dma_wait3A_466] : memref<640x4x112xf32, #tpu.memory_space<hbm>> -> memref<1x4x112xf32, #tpu.memory_space<hbm>>
        %dma_wait3A_468 = tpu.memref_squeeze %dma_wait3A_467 : memref<1x4x112xf32, #tpu.memory_space<hbm>> -> memref<4x112xf32, #tpu.memory_space<hbm>>
        %dma_wait3A_469 = arith.constant 0 : i32
        %dma_wait3A_470 = arith.constant 0 : i32
        %dma_wait3A_471 = tpu.memref_slice %arg5[%add3A_53, %dma_wait3A_469, %dma_wait3A_470] : memref<640x4x112xf32, #tpu.memory_space<hbm>> -> memref<1x4x112xf32, #tpu.memory_space<hbm>>
        %dma_wait3A_472 = tpu.memref_squeeze %dma_wait3A_471 : memref<1x4x112xf32, #tpu.memory_space<hbm>> -> memref<4x112xf32, #tpu.memory_space<hbm>>
        tpu.wait_dma2 semaphore(%run_scoped3A : memref<!tpu.dma_semaphore, #tpu.memory_space<semaphore_mem>>) src(%arg14 : memref<4x112xf32, #tpu.memory_space<vmem>>) dst(%dma_wait3A_472 : memref<4x112xf32, #tpu.memory_space<hbm>>)
        tpu.yield
      }) : () -> ()
      %scan3A_458 = arith.constant 0 : i32
      scf.yield %scan3A_458 : i32
    }
    %scan3A_47 = arith.constant 20 : i32
    return
  }
}

module attributes {stable_mosaic.version = 14 : i64} {
  func.func @_softmax_decode_body(%arg0: i32, %arg1: i32, %arg2: memref<1x2048x80xf32, #tpu.memory_space<vmem>>, %arg3: memref<1x2048x4xf32, #tpu.memory_space<vmem>>, %arg4: memref<1x80x2048xf32, #tpu.memory_space<vmem>>, %arg5: memref<1x4x2048xf32, #tpu.memory_space<vmem>>) attributes {dimension_semantics = [#tpu.dimension_semantics<arbitrary>, #tpu.dimension_semantics<arbitrary>], iteration_bounds = array<i64: 8, 10>, scalar_prefetch = 0 : i64, scratch_operands = 0 : i64, tpu.core_type = #tpu.core_type<tc>, window_params = [{transform_indices = @transform_0, window_bounds = array<i64: 1, 2048, 80>}, {transform_indices = @transform_1, window_bounds = array<i64: 1, 2048, 4>}, {transform_indices = @transform_2, window_bounds = array<i64: 1, 80, 2048>}, {transform_indices = @transform_3, window_bounds = array<i64: 1, 4, 2048>}]} {
    %mul3A = arith.constant 2048 : i32
    %mul3A_0 = arith.muli %arg1, %mul3A : i32
    %iota3A = tpu.iota {dimensions = array<i32: 0>} : vector<2048x1xi32>
    %add3A = vector.broadcast %mul3A_0 : i32 to vector<2048x1xi32>
    %add3A_1 = arith.addi %add3A, %iota3A : vector<2048x1xi32>
    %lt3A = arith.constant 20000 : i32
    %lt3A_2 = vector.broadcast %lt3A : i32 to vector<2048x1xi32>
    %lt3A_3 = arith.cmpi slt, %add3A_1, %lt3A_2 : vector<2048x1xi32>
    %get3A = arith.constant 0 : index
    %get3A_4 = arith.constant 0 : index
    %get3A_5 = arith.constant 0 : index
    %get3A_6 = vector.load %arg2[%get3A, %get3A_4, %get3A_5] : memref<1x2048x80xf32, #tpu.memory_space<vmem>>, vector<1x2048x80xf32>
    %get3A_7 = vector.shape_cast %get3A_6 : vector<1x2048x80xf32> to vector<2048x80xf32>
    %jit3A = arith.constant 0.000000e+00 : f32
    %broadcast_in_dim3A = vector.shape_cast %lt3A_3 : vector<2048x1xi1> to vector<2048x1xi1>
    %broadcast_in_dim3A_8 = vector.broadcast %broadcast_in_dim3A : vector<2048x1xi1> to vector<2048x80xi1>
    %broadcast_in_dim3A_9 = vector.broadcast %jit3A : f32 to vector<2048x80xf32>
    %select_n3A = arith.select %broadcast_in_dim3A_8, %get3A_7, %broadcast_in_dim3A_9 : vector<2048x80xi1>, vector<2048x80xf32>
    %transpose3A = tpu.transpose %select_n3A, [1, 0] : vector<2048x80xf32> -> vector<80x2048xf32>
    %swap3A = arith.constant 0 : index
    %swap3A_10 = arith.constant 0 : index
    %swap3A_11 = arith.constant 0 : index
    %swap3A_12 = vector.load %arg4[%swap3A, %swap3A_10, %swap3A_11] : memref<1x80x2048xf32, #tpu.memory_space<vmem>>, vector<1x80x2048xf32>
    %swap3A_13 = vector.shape_cast %swap3A_12 : vector<1x80x2048xf32> to vector<80x2048xf32>
    %swap3A_14 = vector.shape_cast %transpose3A : vector<80x2048xf32> to vector<1x80x2048xf32>
    tpu.vector_store %arg4[%swap3A, %swap3A_10, %swap3A_11], %swap3A_14 {strides = array<i32>} : memref<1x80x2048xf32, #tpu.memory_space<vmem>>, vector<1x80x2048xf32>,
    %get3A_15 = arith.constant 0 : index
    %get3A_16 = arith.constant 0 : index
    %get3A_17 = arith.constant 0 : index
    %get3A_18 = vector.load %arg3[%get3A_15, %get3A_16, %get3A_17] : memref<1x2048x4xf32, #tpu.memory_space<vmem>>, vector<1x2048x4xf32>
    %get3A_19 = vector.shape_cast %get3A_18 : vector<1x2048x4xf32> to vector<2048x4xf32>
    %jit3A_20 = arith.constant 0.000000e+00 : f32
    %broadcast_in_dim3A_21 = vector.shape_cast %lt3A_3 : vector<2048x1xi1> to vector<2048x1xi1>
    %broadcast_in_dim3A_22 = vector.broadcast %broadcast_in_dim3A_21 : vector<2048x1xi1> to vector<2048x4xi1>
    %broadcast_in_dim3A_23 = vector.broadcast %jit3A_20 : f32 to vector<2048x4xf32>
    %select_n3A_24 = arith.select %broadcast_in_dim3A_22, %get3A_19, %broadcast_in_dim3A_23 : vector<2048x4xi1>, vector<2048x4xf32>
    %transpose3A_25 = tpu.transpose %select_n3A_24, [1, 0] : vector<2048x4xf32> -> vector<4x2048xf32>
    %swap3A_26 = arith.constant 0 : index
    %swap3A_27 = arith.constant 0 : index
    %swap3A_28 = arith.constant 0 : index
    %swap3A_29 = vector.load %arg5[%swap3A_26, %swap3A_27, %swap3A_28] : memref<1x4x2048xf32, #tpu.memory_space<vmem>>, vector<1x4x2048xf32>
    %swap3A_30 = vector.shape_cast %swap3A_29 : vector<1x4x2048xf32> to vector<4x2048xf32>
    %swap3A_31 = vector.shape_cast %transpose3A_25 : vector<4x2048xf32> to vector<1x4x2048xf32>
    tpu.vector_store %arg5[%swap3A_26, %swap3A_27, %swap3A_28], %swap3A_31 {strides = array<i32>} : memref<1x4x2048xf32, #tpu.memory_space<vmem>>, vector<1x4x2048xf32>,
    return
  }
  func.func @transform_0(%arg0: i32, %arg1: i32) -> (i32, i32, i32) {
    %c0_i32 = arith.constant 0 : i32
    %c0_i32_0 = arith.constant 0 : i32
    return %arg0, %arg1, %c0_i32 : i32, i32, i32
  }
  func.func @transform_1(%arg0: i32, %arg1: i32) -> (i32, i32, i32) {
    %c0_i32 = arith.constant 0 : i32
    %c0_i32_0 = arith.constant 0 : i32
    return %arg0, %arg1, %c0_i32 : i32, i32, i32
  }
  func.func @transform_2(%arg0: i32, %arg1: i32) -> (i32, i32, i32) {
    %c0_i32 = arith.constant 0 : i32
    %c0_i32_0 = arith.constant 0 : i32
    return %arg0, %c0_i32, %arg1 : i32, i32, i32
  }
  func.func @transform_3(%arg0: i32, %arg1: i32) -> (i32, i32, i32) {
    %c0_i32 = arith.constant 0 : i32
    %c0_i32_0 = arith.constant 0 : i32
    return %arg0, %c0_i32, %arg1 : i32, i32, i32
  }
}

module attributes {stable_mosaic.version = 14 : i64} {
  func.func @_nms_body(%arg0: i32, %arg1: memref<8x112xf32, #tpu.memory_space<vmem>>, %arg2: memref<8x4x112xf32, #tpu.memory_space<vmem>>, %arg3: memref<8x5x112xf32, #tpu.memory_space<vmem>>, %arg4: memref<112x8x112xf32, #tpu.memory_space<vmem>>) attributes {dimension_semantics = [#tpu.dimension_semantics<arbitrary>], iteration_bounds = array<i64: 80>, scalar_prefetch = 0 : i64, scratch_operands = 1 : i64, tpu.core_type = #tpu.core_type<tc>, window_params = [{transform_indices = @transform_0, window_bounds = array<i64: 8, 112>}, {transform_indices = @transform_1, window_bounds = array<i64: 8, 4, 112>}, {transform_indices = @transform_2, window_bounds = array<i64: 8, 5, 112>}]} {
    %get3A = arith.constant 0 : index
    %get3A_0 = arith.constant 0 : index
    %get3A_1 = vector.load %arg1[%get3A, %get3A_0] : memref<8x112xf32, #tpu.memory_space<vmem>>, vector<8x112xf32>
    %get3A_2 = arith.constant 0 : index
    %get3A_3 = arith.constant 0 : index
    %get3A_4 = arith.constant 0 : index
    %get3A_5 = vector.load %arg2[%get3A_2, %get3A_3, %get3A_4] : memref<8x4x112xf32, #tpu.memory_space<vmem>>, vector<8x1x112xf32>
    %get3A_6 = vector.shape_cast %get3A_5 : vector<8x1x112xf32> to vector<8x112xf32>
    %get3A_7 = arith.constant 0 : index
    %get3A_8 = arith.constant 1 : index
    %get3A_9 = arith.constant 0 : index
    %get3A_10 = vector.load %arg2[%get3A_7, %get3A_8, %get3A_9] : memref<8x4x112xf32, #tpu.memory_space<vmem>>, vector<8x1x112xf32>
    %get3A_11 = vector.shape_cast %get3A_10 : vector<8x1x112xf32> to vector<8x112xf32>
    %get3A_12 = arith.constant 0 : index
    %get3A_13 = arith.constant 2 : index
    %get3A_14 = arith.constant 0 : index
    %get3A_15 = vector.load %arg2[%get3A_12, %get3A_13, %get3A_14] : memref<8x4x112xf32, #tpu.memory_space<vmem>>, vector<8x1x112xf32>
    %get3A_16 = vector.shape_cast %get3A_15 : vector<8x1x112xf32> to vector<8x112xf32>
    %get3A_17 = arith.constant 0 : index
    %get3A_18 = arith.constant 3 : index
    %get3A_19 = arith.constant 0 : index
    %get3A_20 = vector.load %arg2[%get3A_17, %get3A_18, %get3A_19] : memref<8x4x112xf32, #tpu.memory_space<vmem>>, vector<8x1x112xf32>
    %get3A_21 = vector.shape_cast %get3A_20 : vector<8x1x112xf32> to vector<8x112xf32>
    %slice3A = vector.extract_strided_slice %get3A_6 {offsets = [0, 0], sizes = [1, 112], strides = [1, 1]} : vector<8x112xf32> to vector<1x112xf32>
    %squeeze3A = vector.shape_cast %slice3A : vector<1x112xf32> to vector<112xf32>
    %broadcast_in_dim3A = vector.shape_cast %squeeze3A : vector<112xf32> to vector<112x1xf32>
    %slice3A_22 = vector.extract_strided_slice %get3A_11 {offsets = [0, 0], sizes = [1, 112], strides = [1, 1]} : vector<8x112xf32> to vector<1x112xf32>
    %squeeze3A_23 = vector.shape_cast %slice3A_22 : vector<1x112xf32> to vector<112xf32>
    %broadcast_in_dim3A_24 = vector.shape_cast %squeeze3A_23 : vector<112xf32> to vector<112x1xf32>
    %slice3A_25 = vector.extract_strided_slice %get3A_16 {offsets = [0, 0], sizes = [1, 112], strides = [1, 1]} : vector<8x112xf32> to vector<1x112xf32>
    %squeeze3A_26 = vector.shape_cast %slice3A_25 : vector<1x112xf32> to vector<112xf32>
    %broadcast_in_dim3A_27 = vector.shape_cast %squeeze3A_26 : vector<112xf32> to vector<112x1xf32>
    %slice3A_28 = vector.extract_strided_slice %get3A_21 {offsets = [0, 0], sizes = [1, 112], strides = [1, 1]} : vector<8x112xf32> to vector<1x112xf32>
    %squeeze3A_29 = vector.shape_cast %slice3A_28 : vector<1x112xf32> to vector<112xf32>
    %broadcast_in_dim3A_30 = vector.shape_cast %squeeze3A_29 : vector<112xf32> to vector<112x1xf32>
    %slice3A_31 = vector.extract_strided_slice %get3A_6 {offsets = [0, 0], sizes = [1, 112], strides = [1, 1]} : vector<8x112xf32> to vector<1x112xf32>
    %squeeze3A_32 = vector.shape_cast %slice3A_31 : vector<1x112xf32> to vector<112xf32>
    %broadcast_in_dim3A_33 = vector.shape_cast %squeeze3A_32 : vector<112xf32> to vector<1x112xf32>
    %slice3A_34 = vector.extract_strided_slice %get3A_11 {offsets = [0, 0], sizes = [1, 112], strides = [1, 1]} : vector<8x112xf32> to vector<1x112xf32>
    %squeeze3A_35 = vector.shape_cast %slice3A_34 : vector<1x112xf32> to vector<112xf32>
    %broadcast_in_dim3A_36 = vector.shape_cast %squeeze3A_35 : vector<112xf32> to vector<1x112xf32>
    %slice3A_37 = vector.extract_strided_slice %get3A_16 {offsets = [0, 0], sizes = [1, 112], strides = [1, 1]} : vector<8x112xf32> to vector<1x112xf32>
    %squeeze3A_38 = vector.shape_cast %slice3A_37 : vector<1x112xf32> to vector<112xf32>
    %broadcast_in_dim3A_39 = vector.shape_cast %squeeze3A_38 : vector<112xf32> to vector<1x112xf32>
    %slice3A_40 = vector.extract_strided_slice %get3A_21 {offsets = [0, 0], sizes = [1, 112], strides = [1, 1]} : vector<8x112xf32> to vector<1x112xf32>
    %squeeze3A_41 = vector.shape_cast %slice3A_40 : vector<1x112xf32> to vector<112xf32>
    %broadcast_in_dim3A_42 = vector.shape_cast %squeeze3A_41 : vector<112xf32> to vector<1x112xf32>
    %min3A = vector.broadcast %broadcast_in_dim3A_27 : vector<112x1xf32> to vector<112x112xf32>
    %min3A_43 = vector.broadcast %broadcast_in_dim3A_39 : vector<1x112xf32> to vector<112x112xf32>
    %min3A_44 = arith.minimumf %min3A, %min3A_43 : vector<112x112xf32>
    %max3A = vector.broadcast %broadcast_in_dim3A : vector<112x1xf32> to vector<112x112xf32>
    %max3A_45 = vector.broadcast %broadcast_in_dim3A_33 : vector<1x112xf32> to vector<112x112xf32>
    %max3A_46 = arith.maximumf %max3A, %max3A_45 : vector<112x112xf32>
    %sub3A = arith.subf %min3A_44, %max3A_46 : vector<112x112xf32>
    %jit3A = arith.constant 0.000000e+00 : f32
    %max3A_47 = vector.broadcast %jit3A : f32 to vector<112x112xf32>
    %max3A_48 = arith.maximumf %max3A_47, %sub3A : vector<112x112xf32>
    %min3A_49 = vector.broadcast %broadcast_in_dim3A_30 : vector<112x1xf32> to vector<112x112xf32>
    %min3A_50 = vector.broadcast %broadcast_in_dim3A_42 : vector<1x112xf32> to vector<112x112xf32>
    %min3A_51 = arith.minimumf %min3A_49, %min3A_50 : vector<112x112xf32>
    %max3A_52 = vector.broadcast %broadcast_in_dim3A_24 : vector<112x1xf32> to vector<112x112xf32>
    %max3A_53 = vector.broadcast %broadcast_in_dim3A_36 : vector<1x112xf32> to vector<112x112xf32>
    %max3A_54 = arith.maximumf %max3A_52, %max3A_53 : vector<112x112xf32>
    %sub3A_55 = arith.subf %min3A_51, %max3A_54 : vector<112x112xf32>
    %jit3A_56 = arith.constant 0.000000e+00 : f32
    %max3A_57 = vector.broadcast %jit3A_56 : f32 to vector<112x112xf32>
    %max3A_58 = arith.maximumf %max3A_57, %sub3A_55 : vector<112x112xf32>
    %mul3A = arith.mulf %max3A_48, %max3A_58 : vector<112x112xf32>
    %sub3A_59 = arith.subf %broadcast_in_dim3A_27, %broadcast_in_dim3A : vector<112x1xf32>
    %jit3A_60 = arith.constant 0.000000e+00 : f32
    %max3A_61 = vector.broadcast %jit3A_60 : f32 to vector<112x1xf32>
    %max3A_62 = arith.maximumf %max3A_61, %sub3A_59 : vector<112x1xf32>
    %sub3A_63 = arith.subf %broadcast_in_dim3A_30, %broadcast_in_dim3A_24 : vector<112x1xf32>
    %jit3A_64 = arith.constant 0.000000e+00 : f32
    %max3A_65 = vector.broadcast %jit3A_64 : f32 to vector<112x1xf32>
    %max3A_66 = arith.maximumf %max3A_65, %sub3A_63 : vector<112x1xf32>
    %mul3A_67 = arith.mulf %max3A_62, %max3A_66 : vector<112x1xf32>
    %sub3A_68 = arith.subf %broadcast_in_dim3A_39, %broadcast_in_dim3A_33 : vector<1x112xf32>
    %jit3A_69 = arith.constant 0.000000e+00 : f32
    %max3A_70 = vector.broadcast %jit3A_69 : f32 to vector<1x112xf32>
    %max3A_71 = arith.maximumf %max3A_70, %sub3A_68 : vector<1x112xf32>
    %sub3A_72 = arith.subf %broadcast_in_dim3A_42, %broadcast_in_dim3A_36 : vector<1x112xf32>
    %jit3A_73 = arith.constant 0.000000e+00 : f32
    %max3A_74 = vector.broadcast %jit3A_73 : f32 to vector<1x112xf32>
    %max3A_75 = arith.maximumf %max3A_74, %sub3A_72 : vector<1x112xf32>
    %mul3A_76 = arith.mulf %max3A_71, %max3A_75 : vector<1x112xf32>
    %add3A = vector.broadcast %mul3A_67 : vector<112x1xf32> to vector<112x112xf32>
    %add3A_77 = vector.broadcast %mul3A_76 : vector<1x112xf32> to vector<112x112xf32>
    %add3A_78 = arith.addf %add3A, %add3A_77 : vector<112x112xf32>
    %sub3A_79 = arith.subf %add3A_78, %mul3A : vector<112x112xf32>
    %add3A_80 = arith.constant 9.99999971E-10 : f32
    %add3A_81 = vector.broadcast %add3A_80 : f32 to vector<112x112xf32>
    %add3A_82 = arith.addf %sub3A_79, %add3A_81 : vector<112x112xf32>
    %div3A = arith.divf %mul3A, %add3A_82 : vector<112x112xf32>
    %swap3A = arith.constant 0 : index
    %swap3A_83 = arith.constant 0 : index
    %swap3A_84 = arith.constant 0 : index
    %swap3A_85 = vector.load %arg4[%swap3A, %swap3A_83, %swap3A_84] : memref<112x8x112xf32, #tpu.memory_space<vmem>>, vector<112x1x112xf32>
    %swap3A_86 = vector.shape_cast %swap3A_85 : vector<112x1x112xf32> to vector<112x112xf32>
    %swap3A_87 = vector.shape_cast %div3A : vector<112x112xf32> to vector<112x1x112xf32>
    tpu.vector_store %arg4[%swap3A, %swap3A_83, %swap3A_84], %swap3A_87 {strides = array<i32>} : memref<112x8x112xf32, #tpu.memory_space<vmem>>, vector<112x1x112xf32>,
    %slice3A_88 = vector.extract_strided_slice %get3A_6 {offsets = [1, 0], sizes = [1, 112], strides = [1, 1]} : vector<8x112xf32> to vector<1x112xf32>
    %squeeze3A_89 = vector.shape_cast %slice3A_88 : vector<1x112xf32> to vector<112xf32>
    %broadcast_in_dim3A_90 = vector.shape_cast %squeeze3A_89 : vector<112xf32> to vector<112x1xf32>
    %slice3A_91 = vector.extract_strided_slice %get3A_11 {offsets = [1, 0], sizes = [1, 112], strides = [1, 1]} : vector<8x112xf32> to vector<1x112xf32>
    %squeeze3A_92 = vector.shape_cast %slice3A_91 : vector<1x112xf32> to vector<112xf32>
    %broadcast_in_dim3A_93 = vector.shape_cast %squeeze3A_92 : vector<112xf32> to vector<112x1xf32>
    %slice3A_94 = vector.extract_strided_slice %get3A_16 {offsets = [1, 0], sizes = [1, 112], strides = [1, 1]} : vector<8x112xf32> to vector<1x112xf32>
    %squeeze3A_95 = vector.shape_cast %slice3A_94 : vector<1x112xf32> to vector<112xf32>
    %broadcast_in_dim3A_96 = vector.shape_cast %squeeze3A_95 : vector<112xf32> to vector<112x1xf32>
    %slice3A_97 = vector.extract_strided_slice %get3A_21 {offsets = [1, 0], sizes = [1, 112], strides = [1, 1]} : vector<8x112xf32> to vector<1x112xf32>
    %squeeze3A_98 = vector.shape_cast %slice3A_97 : vector<1x112xf32> to vector<112xf32>
    %broadcast_in_dim3A_99 = vector.shape_cast %squeeze3A_98 : vector<112xf32> to vector<112x1xf32>
    %slice3A_100 = vector.extract_strided_slice %get3A_6 {offsets = [1, 0], sizes = [1, 112], strides = [1, 1]} : vector<8x112xf32> to vector<1x112xf32>
    %squeeze3A_101 = vector.shape_cast %slice3A_100 : vector<1x112xf32> to vector<112xf32>
    %broadcast_in_dim3A_102 = vector.shape_cast %squeeze3A_101 : vector<112xf32> to vector<1x112xf32>
    %slice3A_103 = vector.extract_strided_slice %get3A_11 {offsets = [1, 0], sizes = [1, 112], strides = [1, 1]} : vector<8x112xf32> to vector<1x112xf32>
    %squeeze3A_104 = vector.shape_cast %slice3A_103 : vector<1x112xf32> to vector<112xf32>
    %broadcast_in_dim3A_105 = vector.shape_cast %squeeze3A_104 : vector<112xf32> to vector<1x112xf32>
    %slice3A_106 = vector.extract_strided_slice %get3A_16 {offsets = [1, 0], sizes = [1, 112], strides = [1, 1]} : vector<8x112xf32> to vector<1x112xf32>
    %squeeze3A_107 = vector.shape_cast %slice3A_106 : vector<1x112xf32> to vector<112xf32>
    %broadcast_in_dim3A_108 = vector.shape_cast %squeeze3A_107 : vector<112xf32> to vector<1x112xf32>
    %slice3A_109 = vector.extract_strided_slice %get3A_21 {offsets = [1, 0], sizes = [1, 112], strides = [1, 1]} : vector<8x112xf32> to vector<1x112xf32>
    %squeeze3A_110 = vector.shape_cast %slice3A_109 : vector<1x112xf32> to vector<112xf32>
    %broadcast_in_dim3A_111 = vector.shape_cast %squeeze3A_110 : vector<112xf32> to vector<1x112xf32>
    %min3A_112 = vector.broadcast %broadcast_in_dim3A_96 : vector<112x1xf32> to vector<112x112xf32>
    %min3A_113 = vector.broadcast %broadcast_in_dim3A_108 : vector<1x112xf32> to vector<112x112xf32>
    %min3A_114 = arith.minimumf %min3A_112, %min3A_113 : vector<112x112xf32>
    %max3A_115 = vector.broadcast %broadcast_in_dim3A_90 : vector<112x1xf32> to vector<112x112xf32>
    %max3A_116 = vector.broadcast %broadcast_in_dim3A_102 : vector<1x112xf32> to vector<112x112xf32>
    %max3A_117 = arith.maximumf %max3A_115, %max3A_116 : vector<112x112xf32>
    %sub3A_118 = arith.subf %min3A_114, %max3A_117 : vector<112x112xf32>
    %jit3A_119 = arith.constant 0.000000e+00 : f32
    %max3A_120 = vector.broadcast %jit3A_119 : f32 to vector<112x112xf32>
    %max3A_121 = arith.maximumf %max3A_120, %sub3A_118 : vector<112x112xf32>
    %min3A_122 = vector.broadcast %broadcast_in_dim3A_99 : vector<112x1xf32> to vector<112x112xf32>
    %min3A_123 = vector.broadcast %broadcast_in_dim3A_111 : vector<1x112xf32> to vector<112x112xf32>
    %min3A_124 = arith.minimumf %min3A_122, %min3A_123 : vector<112x112xf32>
    %max3A_125 = vector.broadcast %broadcast_in_dim3A_93 : vector<112x1xf32> to vector<112x112xf32>
    %max3A_126 = vector.broadcast %broadcast_in_dim3A_105 : vector<1x112xf32> to vector<112x112xf32>
    %max3A_127 = arith.maximumf %max3A_125, %max3A_126 : vector<112x112xf32>
    %sub3A_128 = arith.subf %min3A_124, %max3A_127 : vector<112x112xf32>
    %jit3A_129 = arith.constant 0.000000e+00 : f32
    %max3A_130 = vector.broadcast %jit3A_129 : f32 to vector<112x112xf32>
    %max3A_131 = arith.maximumf %max3A_130, %sub3A_128 : vector<112x112xf32>
    %mul3A_132 = arith.mulf %max3A_121, %max3A_131 : vector<112x112xf32>
    %sub3A_133 = arith.subf %broadcast_in_dim3A_96, %broadcast_in_dim3A_90 : vector<112x1xf32>
    %jit3A_134 = arith.constant 0.000000e+00 : f32
    %max3A_135 = vector.broadcast %jit3A_134 : f32 to vector<112x1xf32>
    %max3A_136 = arith.maximumf %max3A_135, %sub3A_133 : vector<112x1xf32>
    %sub3A_137 = arith.subf %broadcast_in_dim3A_99, %broadcast_in_dim3A_93 : vector<112x1xf32>
    %jit3A_138 = arith.constant 0.000000e+00 : f32
    %max3A_139 = vector.broadcast %jit3A_138 : f32 to vector<112x1xf32>
    %max3A_140 = arith.maximumf %max3A_139, %sub3A_137 : vector<112x1xf32>
    %mul3A_141 = arith.mulf %max3A_136, %max3A_140 : vector<112x1xf32>
    %sub3A_142 = arith.subf %broadcast_in_dim3A_108, %broadcast_in_dim3A_102 : vector<1x112xf32>
    %jit3A_143 = arith.constant 0.000000e+00 : f32
    %max3A_144 = vector.broadcast %jit3A_143 : f32 to vector<1x112xf32>
    %max3A_145 = arith.maximumf %max3A_144, %sub3A_142 : vector<1x112xf32>
    %sub3A_146 = arith.subf %broadcast_in_dim3A_111, %broadcast_in_dim3A_105 : vector<1x112xf32>
    %jit3A_147 = arith.constant 0.000000e+00 : f32
    %max3A_148 = vector.broadcast %jit3A_147 : f32 to vector<1x112xf32>
    %max3A_149 = arith.maximumf %max3A_148, %sub3A_146 : vector<1x112xf32>
    %mul3A_150 = arith.mulf %max3A_145, %max3A_149 : vector<1x112xf32>
    %add3A_151 = vector.broadcast %mul3A_141 : vector<112x1xf32> to vector<112x112xf32>
    %add3A_152 = vector.broadcast %mul3A_150 : vector<1x112xf32> to vector<112x112xf32>
    %add3A_153 = arith.addf %add3A_151, %add3A_152 : vector<112x112xf32>
    %sub3A_154 = arith.subf %add3A_153, %mul3A_132 : vector<112x112xf32>
    %add3A_155 = arith.constant 9.99999971E-10 : f32
    %add3A_156 = vector.broadcast %add3A_155 : f32 to vector<112x112xf32>
    %add3A_157 = arith.addf %sub3A_154, %add3A_156 : vector<112x112xf32>
    %div3A_158 = arith.divf %mul3A_132, %add3A_157 : vector<112x112xf32>
    %swap3A_159 = arith.constant 0 : index
    %swap3A_160 = arith.constant 1 : index
    %swap3A_161 = arith.constant 0 : index
    %swap3A_162 = vector.load %arg4[%swap3A_159, %swap3A_160, %swap3A_161] : memref<112x8x112xf32, #tpu.memory_space<vmem>>, vector<112x1x112xf32>
    %swap3A_163 = vector.shape_cast %swap3A_162 : vector<112x1x112xf32> to vector<112x112xf32>
    %swap3A_164 = vector.shape_cast %div3A_158 : vector<112x112xf32> to vector<112x1x112xf32>
    tpu.vector_store %arg4[%swap3A_159, %swap3A_160, %swap3A_161], %swap3A_164 {strides = array<i32>} : memref<112x8x112xf32, #tpu.memory_space<vmem>>, vector<112x1x112xf32>,
    %slice3A_165 = vector.extract_strided_slice %get3A_6 {offsets = [2, 0], sizes = [1, 112], strides = [1, 1]} : vector<8x112xf32> to vector<1x112xf32>
    %squeeze3A_166 = vector.shape_cast %slice3A_165 : vector<1x112xf32> to vector<112xf32>
    %broadcast_in_dim3A_167 = vector.shape_cast %squeeze3A_166 : vector<112xf32> to vector<112x1xf32>
    %slice3A_168 = vector.extract_strided_slice %get3A_11 {offsets = [2, 0], sizes = [1, 112], strides = [1, 1]} : vector<8x112xf32> to vector<1x112xf32>
    %squeeze3A_169 = vector.shape_cast %slice3A_168 : vector<1x112xf32> to vector<112xf32>
    %broadcast_in_dim3A_170 = vector.shape_cast %squeeze3A_169 : vector<112xf32> to vector<112x1xf32>
    %slice3A_171 = vector.extract_strided_slice %get3A_16 {offsets = [2, 0], sizes = [1, 112], strides = [1, 1]} : vector<8x112xf32> to vector<1x112xf32>
    %squeeze3A_172 = vector.shape_cast %slice3A_171 : vector<1x112xf32> to vector<112xf32>
    %broadcast_in_dim3A_173 = vector.shape_cast %squeeze3A_172 : vector<112xf32> to vector<112x1xf32>
    %slice3A_174 = vector.extract_strided_slice %get3A_21 {offsets = [2, 0], sizes = [1, 112], strides = [1, 1]} : vector<8x112xf32> to vector<1x112xf32>
    %squeeze3A_175 = vector.shape_cast %slice3A_174 : vector<1x112xf32> to vector<112xf32>
    %broadcast_in_dim3A_176 = vector.shape_cast %squeeze3A_175 : vector<112xf32> to vector<112x1xf32>
    %slice3A_177 = vector.extract_strided_slice %get3A_6 {offsets = [2, 0], sizes = [1, 112], strides = [1, 1]} : vector<8x112xf32> to vector<1x112xf32>
    %squeeze3A_178 = vector.shape_cast %slice3A_177 : vector<1x112xf32> to vector<112xf32>
    %broadcast_in_dim3A_179 = vector.shape_cast %squeeze3A_178 : vector<112xf32> to vector<1x112xf32>
    %slice3A_180 = vector.extract_strided_slice %get3A_11 {offsets = [2, 0], sizes = [1, 112], strides = [1, 1]} : vector<8x112xf32> to vector<1x112xf32>
    %squeeze3A_181 = vector.shape_cast %slice3A_180 : vector<1x112xf32> to vector<112xf32>
    %broadcast_in_dim3A_182 = vector.shape_cast %squeeze3A_181 : vector<112xf32> to vector<1x112xf32>
    %slice3A_183 = vector.extract_strided_slice %get3A_16 {offsets = [2, 0], sizes = [1, 112], strides = [1, 1]} : vector<8x112xf32> to vector<1x112xf32>
    %squeeze3A_184 = vector.shape_cast %slice3A_183 : vector<1x112xf32> to vector<112xf32>
    %broadcast_in_dim3A_185 = vector.shape_cast %squeeze3A_184 : vector<112xf32> to vector<1x112xf32>
    %slice3A_186 = vector.extract_strided_slice %get3A_21 {offsets = [2, 0], sizes = [1, 112], strides = [1, 1]} : vector<8x112xf32> to vector<1x112xf32>
    %squeeze3A_187 = vector.shape_cast %slice3A_186 : vector<1x112xf32> to vector<112xf32>
    %broadcast_in_dim3A_188 = vector.shape_cast %squeeze3A_187 : vector<112xf32> to vector<1x112xf32>
    %min3A_189 = vector.broadcast %broadcast_in_dim3A_173 : vector<112x1xf32> to vector<112x112xf32>
    %min3A_190 = vector.broadcast %broadcast_in_dim3A_185 : vector<1x112xf32> to vector<112x112xf32>
    %min3A_191 = arith.minimumf %min3A_189, %min3A_190 : vector<112x112xf32>
    %max3A_192 = vector.broadcast %broadcast_in_dim3A_167 : vector<112x1xf32> to vector<112x112xf32>
    %max3A_193 = vector.broadcast %broadcast_in_dim3A_179 : vector<1x112xf32> to vector<112x112xf32>
    %max3A_194 = arith.maximumf %max3A_192, %max3A_193 : vector<112x112xf32>
    %sub3A_195 = arith.subf %min3A_191, %max3A_194 : vector<112x112xf32>
    %jit3A_196 = arith.constant 0.000000e+00 : f32
    %max3A_197 = vector.broadcast %jit3A_196 : f32 to vector<112x112xf32>
    %max3A_198 = arith.maximumf %max3A_197, %sub3A_195 : vector<112x112xf32>
    %min3A_199 = vector.broadcast %broadcast_in_dim3A_176 : vector<112x1xf32> to vector<112x112xf32>
    %min3A_200 = vector.broadcast %broadcast_in_dim3A_188 : vector<1x112xf32> to vector<112x112xf32>
    %min3A_201 = arith.minimumf %min3A_199, %min3A_200 : vector<112x112xf32>
    %max3A_202 = vector.broadcast %broadcast_in_dim3A_170 : vector<112x1xf32> to vector<112x112xf32>
    %max3A_203 = vector.broadcast %broadcast_in_dim3A_182 : vector<1x112xf32> to vector<112x112xf32>
    %max3A_204 = arith.maximumf %max3A_202, %max3A_203 : vector<112x112xf32>
    %sub3A_205 = arith.subf %min3A_201, %max3A_204 : vector<112x112xf32>
    %jit3A_206 = arith.constant 0.000000e+00 : f32
    %max3A_207 = vector.broadcast %jit3A_206 : f32 to vector<112x112xf32>
    %max3A_208 = arith.maximumf %max3A_207, %sub3A_205 : vector<112x112xf32>
    %mul3A_209 = arith.mulf %max3A_198, %max3A_208 : vector<112x112xf32>
    %sub3A_210 = arith.subf %broadcast_in_dim3A_173, %broadcast_in_dim3A_167 : vector<112x1xf32>
    %jit3A_211 = arith.constant 0.000000e+00 : f32
    %max3A_212 = vector.broadcast %jit3A_211 : f32 to vector<112x1xf32>
    %max3A_213 = arith.maximumf %max3A_212, %sub3A_210 : vector<112x1xf32>
    %sub3A_214 = arith.subf %broadcast_in_dim3A_176, %broadcast_in_dim3A_170 : vector<112x1xf32>
    %jit3A_215 = arith.constant 0.000000e+00 : f32
    %max3A_216 = vector.broadcast %jit3A_215 : f32 to vector<112x1xf32>
    %max3A_217 = arith.maximumf %max3A_216, %sub3A_214 : vector<112x1xf32>
    %mul3A_218 = arith.mulf %max3A_213, %max3A_217 : vector<112x1xf32>
    %sub3A_219 = arith.subf %broadcast_in_dim3A_185, %broadcast_in_dim3A_179 : vector<1x112xf32>
    %jit3A_220 = arith.constant 0.000000e+00 : f32
    %max3A_221 = vector.broadcast %jit3A_220 : f32 to vector<1x112xf32>
    %max3A_222 = arith.maximumf %max3A_221, %sub3A_219 : vector<1x112xf32>
    %sub3A_223 = arith.subf %broadcast_in_dim3A_188, %broadcast_in_dim3A_182 : vector<1x112xf32>
    %jit3A_224 = arith.constant 0.000000e+00 : f32
    %max3A_225 = vector.broadcast %jit3A_224 : f32 to vector<1x112xf32>
    %max3A_226 = arith.maximumf %max3A_225, %sub3A_223 : vector<1x112xf32>
    %mul3A_227 = arith.mulf %max3A_222, %max3A_226 : vector<1x112xf32>
    %add3A_228 = vector.broadcast %mul3A_218 : vector<112x1xf32> to vector<112x112xf32>
    %add3A_229 = vector.broadcast %mul3A_227 : vector<1x112xf32> to vector<112x112xf32>
    %add3A_230 = arith.addf %add3A_228, %add3A_229 : vector<112x112xf32>
    %sub3A_231 = arith.subf %add3A_230, %mul3A_209 : vector<112x112xf32>
    %add3A_232 = arith.constant 9.99999971E-10 : f32
    %add3A_233 = vector.broadcast %add3A_232 : f32 to vector<112x112xf32>
    %add3A_234 = arith.addf %sub3A_231, %add3A_233 : vector<112x112xf32>
    %div3A_235 = arith.divf %mul3A_209, %add3A_234 : vector<112x112xf32>
    %swap3A_236 = arith.constant 0 : index
    %swap3A_237 = arith.constant 2 : index
    %swap3A_238 = arith.constant 0 : index
    %swap3A_239 = vector.load %arg4[%swap3A_236, %swap3A_237, %swap3A_238] : memref<112x8x112xf32, #tpu.memory_space<vmem>>, vector<112x1x112xf32>
    %swap3A_240 = vector.shape_cast %swap3A_239 : vector<112x1x112xf32> to vector<112x112xf32>
    %swap3A_241 = vector.shape_cast %div3A_235 : vector<112x112xf32> to vector<112x1x112xf32>
    tpu.vector_store %arg4[%swap3A_236, %swap3A_237, %swap3A_238], %swap3A_241 {strides = array<i32>} : memref<112x8x112xf32, #tpu.memory_space<vmem>>, vector<112x1x112xf32>,
    %slice3A_242 = vector.extract_strided_slice %get3A_6 {offsets = [3, 0], sizes = [1, 112], strides = [1, 1]} : vector<8x112xf32> to vector<1x112xf32>
    %squeeze3A_243 = vector.shape_cast %slice3A_242 : vector<1x112xf32> to vector<112xf32>
    %broadcast_in_dim3A_244 = vector.shape_cast %squeeze3A_243 : vector<112xf32> to vector<112x1xf32>
    %slice3A_245 = vector.extract_strided_slice %get3A_11 {offsets = [3, 0], sizes = [1, 112], strides = [1, 1]} : vector<8x112xf32> to vector<1x112xf32>
    %squeeze3A_246 = vector.shape_cast %slice3A_245 : vector<1x112xf32> to vector<112xf32>
    %broadcast_in_dim3A_247 = vector.shape_cast %squeeze3A_246 : vector<112xf32> to vector<112x1xf32>
    %slice3A_248 = vector.extract_strided_slice %get3A_16 {offsets = [3, 0], sizes = [1, 112], strides = [1, 1]} : vector<8x112xf32> to vector<1x112xf32>
    %squeeze3A_249 = vector.shape_cast %slice3A_248 : vector<1x112xf32> to vector<112xf32>
    %broadcast_in_dim3A_250 = vector.shape_cast %squeeze3A_249 : vector<112xf32> to vector<112x1xf32>
    %slice3A_251 = vector.extract_strided_slice %get3A_21 {offsets = [3, 0], sizes = [1, 112], strides = [1, 1]} : vector<8x112xf32> to vector<1x112xf32>
    %squeeze3A_252 = vector.shape_cast %slice3A_251 : vector<1x112xf32> to vector<112xf32>
    %broadcast_in_dim3A_253 = vector.shape_cast %squeeze3A_252 : vector<112xf32> to vector<112x1xf32>
    %slice3A_254 = vector.extract_strided_slice %get3A_6 {offsets = [3, 0], sizes = [1, 112], strides = [1, 1]} : vector<8x112xf32> to vector<1x112xf32>
    %squeeze3A_255 = vector.shape_cast %slice3A_254 : vector<1x112xf32> to vector<112xf32>
    %broadcast_in_dim3A_256 = vector.shape_cast %squeeze3A_255 : vector<112xf32> to vector<1x112xf32>
    %slice3A_257 = vector.extract_strided_slice %get3A_11 {offsets = [3, 0], sizes = [1, 112], strides = [1, 1]} : vector<8x112xf32> to vector<1x112xf32>
    %squeeze3A_258 = vector.shape_cast %slice3A_257 : vector<1x112xf32> to vector<112xf32>
    %broadcast_in_dim3A_259 = vector.shape_cast %squeeze3A_258 : vector<112xf32> to vector<1x112xf32>
    %slice3A_260 = vector.extract_strided_slice %get3A_16 {offsets = [3, 0], sizes = [1, 112], strides = [1, 1]} : vector<8x112xf32> to vector<1x112xf32>
    %squeeze3A_261 = vector.shape_cast %slice3A_260 : vector<1x112xf32> to vector<112xf32>
    %broadcast_in_dim3A_262 = vector.shape_cast %squeeze3A_261 : vector<112xf32> to vector<1x112xf32>
    %slice3A_263 = vector.extract_strided_slice %get3A_21 {offsets = [3, 0], sizes = [1, 112], strides = [1, 1]} : vector<8x112xf32> to vector<1x112xf32>
    %squeeze3A_264 = vector.shape_cast %slice3A_263 : vector<1x112xf32> to vector<112xf32>
    %broadcast_in_dim3A_265 = vector.shape_cast %squeeze3A_264 : vector<112xf32> to vector<1x112xf32>
    %min3A_266 = vector.broadcast %broadcast_in_dim3A_250 : vector<112x1xf32> to vector<112x112xf32>
    %min3A_267 = vector.broadcast %broadcast_in_dim3A_262 : vector<1x112xf32> to vector<112x112xf32>
    %min3A_268 = arith.minimumf %min3A_266, %min3A_267 : vector<112x112xf32>
    %max3A_269 = vector.broadcast %broadcast_in_dim3A_244 : vector<112x1xf32> to vector<112x112xf32>
    %max3A_270 = vector.broadcast %broadcast_in_dim3A_256 : vector<1x112xf32> to vector<112x112xf32>
    %max3A_271 = arith.maximumf %max3A_269, %max3A_270 : vector<112x112xf32>
    %sub3A_272 = arith.subf %min3A_268, %max3A_271 : vector<112x112xf32>
    %jit3A_273 = arith.constant 0.000000e+00 : f32
    %max3A_274 = vector.broadcast %jit3A_273 : f32 to vector<112x112xf32>
    %max3A_275 = arith.maximumf %max3A_274, %sub3A_272 : vector<112x112xf32>
    %min3A_276 = vector.broadcast %broadcast_in_dim3A_253 : vector<112x1xf32> to vector<112x112xf32>
    %min3A_277 = vector.broadcast %broadcast_in_dim3A_265 : vector<1x112xf32> to vector<112x112xf32>
    %min3A_278 = arith.minimumf %min3A_276, %min3A_277 : vector<112x112xf32>
    %max3A_279 = vector.broadcast %broadcast_in_dim3A_247 : vector<112x1xf32> to vector<112x112xf32>
    %max3A_280 = vector.broadcast %broadcast_in_dim3A_259 : vector<1x112xf32> to vector<112x112xf32>
    %max3A_281 = arith.maximumf %max3A_279, %max3A_280 : vector<112x112xf32>
    %sub3A_282 = arith.subf %min3A_278, %max3A_281 : vector<112x112xf32>
    %jit3A_283 = arith.constant 0.000000e+00 : f32
    %max3A_284 = vector.broadcast %jit3A_283 : f32 to vector<112x112xf32>
    %max3A_285 = arith.maximumf %max3A_284, %sub3A_282 : vector<112x112xf32>
    %mul3A_286 = arith.mulf %max3A_275, %max3A_285 : vector<112x112xf32>
    %sub3A_287 = arith.subf %broadcast_in_dim3A_250, %broadcast_in_dim3A_244 : vector<112x1xf32>
    %jit3A_288 = arith.constant 0.000000e+00 : f32
    %max3A_289 = vector.broadcast %jit3A_288 : f32 to vector<112x1xf32>
    %max3A_290 = arith.maximumf %max3A_289, %sub3A_287 : vector<112x1xf32>
    %sub3A_291 = arith.subf %broadcast_in_dim3A_253, %broadcast_in_dim3A_247 : vector<112x1xf32>
    %jit3A_292 = arith.constant 0.000000e+00 : f32
    %max3A_293 = vector.broadcast %jit3A_292 : f32 to vector<112x1xf32>
    %max3A_294 = arith.maximumf %max3A_293, %sub3A_291 : vector<112x1xf32>
    %mul3A_295 = arith.mulf %max3A_290, %max3A_294 : vector<112x1xf32>
    %sub3A_296 = arith.subf %broadcast_in_dim3A_262, %broadcast_in_dim3A_256 : vector<1x112xf32>
    %jit3A_297 = arith.constant 0.000000e+00 : f32
    %max3A_298 = vector.broadcast %jit3A_297 : f32 to vector<1x112xf32>
    %max3A_299 = arith.maximumf %max3A_298, %sub3A_296 : vector<1x112xf32>
    %sub3A_300 = arith.subf %broadcast_in_dim3A_265, %broadcast_in_dim3A_259 : vector<1x112xf32>
    %jit3A_301 = arith.constant 0.000000e+00 : f32
    %max3A_302 = vector.broadcast %jit3A_301 : f32 to vector<1x112xf32>
    %max3A_303 = arith.maximumf %max3A_302, %sub3A_300 : vector<1x112xf32>
    %mul3A_304 = arith.mulf %max3A_299, %max3A_303 : vector<1x112xf32>
    %add3A_305 = vector.broadcast %mul3A_295 : vector<112x1xf32> to vector<112x112xf32>
    %add3A_306 = vector.broadcast %mul3A_304 : vector<1x112xf32> to vector<112x112xf32>
    %add3A_307 = arith.addf %add3A_305, %add3A_306 : vector<112x112xf32>
    %sub3A_308 = arith.subf %add3A_307, %mul3A_286 : vector<112x112xf32>
    %add3A_309 = arith.constant 9.99999971E-10 : f32
    %add3A_310 = vector.broadcast %add3A_309 : f32 to vector<112x112xf32>
    %add3A_311 = arith.addf %sub3A_308, %add3A_310 : vector<112x112xf32>
    %div3A_312 = arith.divf %mul3A_286, %add3A_311 : vector<112x112xf32>
    %swap3A_313 = arith.constant 0 : index
    %swap3A_314 = arith.constant 3 : index
    %swap3A_315 = arith.constant 0 : index
    %swap3A_316 = vector.load %arg4[%swap3A_313, %swap3A_314, %swap3A_315] : memref<112x8x112xf32, #tpu.memory_space<vmem>>, vector<112x1x112xf32>
    %swap3A_317 = vector.shape_cast %swap3A_316 : vector<112x1x112xf32> to vector<112x112xf32>
    %swap3A_318 = vector.shape_cast %div3A_312 : vector<112x112xf32> to vector<112x1x112xf32>
    tpu.vector_store %arg4[%swap3A_313, %swap3A_314, %swap3A_315], %swap3A_318 {strides = array<i32>} : memref<112x8x112xf32, #tpu.memory_space<vmem>>, vector<112x1x112xf32>,
    %slice3A_319 = vector.extract_strided_slice %get3A_6 {offsets = [4, 0], sizes = [1, 112], strides = [1, 1]} : vector<8x112xf32> to vector<1x112xf32>
    %squeeze3A_320 = vector.shape_cast %slice3A_319 : vector<1x112xf32> to vector<112xf32>
    %broadcast_in_dim3A_321 = vector.shape_cast %squeeze3A_320 : vector<112xf32> to vector<112x1xf32>
    %slice3A_322 = vector.extract_strided_slice %get3A_11 {offsets = [4, 0], sizes = [1, 112], strides = [1, 1]} : vector<8x112xf32> to vector<1x112xf32>
    %squeeze3A_323 = vector.shape_cast %slice3A_322 : vector<1x112xf32> to vector<112xf32>
    %broadcast_in_dim3A_324 = vector.shape_cast %squeeze3A_323 : vector<112xf32> to vector<112x1xf32>
    %slice3A_325 = vector.extract_strided_slice %get3A_16 {offsets = [4, 0], sizes = [1, 112], strides = [1, 1]} : vector<8x112xf32> to vector<1x112xf32>
    %squeeze3A_326 = vector.shape_cast %slice3A_325 : vector<1x112xf32> to vector<112xf32>
    %broadcast_in_dim3A_327 = vector.shape_cast %squeeze3A_326 : vector<112xf32> to vector<112x1xf32>
    %slice3A_328 = vector.extract_strided_slice %get3A_21 {offsets = [4, 0], sizes = [1, 112], strides = [1, 1]} : vector<8x112xf32> to vector<1x112xf32>
    %squeeze3A_329 = vector.shape_cast %slice3A_328 : vector<1x112xf32> to vector<112xf32>
    %broadcast_in_dim3A_330 = vector.shape_cast %squeeze3A_329 : vector<112xf32> to vector<112x1xf32>
    %slice3A_331 = vector.extract_strided_slice %get3A_6 {offsets = [4, 0], sizes = [1, 112], strides = [1, 1]} : vector<8x112xf32> to vector<1x112xf32>
    %squeeze3A_332 = vector.shape_cast %slice3A_331 : vector<1x112xf32> to vector<112xf32>
    %broadcast_in_dim3A_333 = vector.shape_cast %squeeze3A_332 : vector<112xf32> to vector<1x112xf32>
    %slice3A_334 = vector.extract_strided_slice %get3A_11 {offsets = [4, 0], sizes = [1, 112], strides = [1, 1]} : vector<8x112xf32> to vector<1x112xf32>
    %squeeze3A_335 = vector.shape_cast %slice3A_334 : vector<1x112xf32> to vector<112xf32>
    %broadcast_in_dim3A_336 = vector.shape_cast %squeeze3A_335 : vector<112xf32> to vector<1x112xf32>
    %slice3A_337 = vector.extract_strided_slice %get3A_16 {offsets = [4, 0], sizes = [1, 112], strides = [1, 1]} : vector<8x112xf32> to vector<1x112xf32>
    %squeeze3A_338 = vector.shape_cast %slice3A_337 : vector<1x112xf32> to vector<112xf32>
    %broadcast_in_dim3A_339 = vector.shape_cast %squeeze3A_338 : vector<112xf32> to vector<1x112xf32>
    %slice3A_340 = vector.extract_strided_slice %get3A_21 {offsets = [4, 0], sizes = [1, 112], strides = [1, 1]} : vector<8x112xf32> to vector<1x112xf32>
    %squeeze3A_341 = vector.shape_cast %slice3A_340 : vector<1x112xf32> to vector<112xf32>
    %broadcast_in_dim3A_342 = vector.shape_cast %squeeze3A_341 : vector<112xf32> to vector<1x112xf32>
    %min3A_343 = vector.broadcast %broadcast_in_dim3A_327 : vector<112x1xf32> to vector<112x112xf32>
    %min3A_344 = vector.broadcast %broadcast_in_dim3A_339 : vector<1x112xf32> to vector<112x112xf32>
    %min3A_345 = arith.minimumf %min3A_343, %min3A_344 : vector<112x112xf32>
    %max3A_346 = vector.broadcast %broadcast_in_dim3A_321 : vector<112x1xf32> to vector<112x112xf32>
    %max3A_347 = vector.broadcast %broadcast_in_dim3A_333 : vector<1x112xf32> to vector<112x112xf32>
    %max3A_348 = arith.maximumf %max3A_346, %max3A_347 : vector<112x112xf32>
    %sub3A_349 = arith.subf %min3A_345, %max3A_348 : vector<112x112xf32>
    %jit3A_350 = arith.constant 0.000000e+00 : f32
    %max3A_351 = vector.broadcast %jit3A_350 : f32 to vector<112x112xf32>
    %max3A_352 = arith.maximumf %max3A_351, %sub3A_349 : vector<112x112xf32>
    %min3A_353 = vector.broadcast %broadcast_in_dim3A_330 : vector<112x1xf32> to vector<112x112xf32>
    %min3A_354 = vector.broadcast %broadcast_in_dim3A_342 : vector<1x112xf32> to vector<112x112xf32>
    %min3A_355 = arith.minimumf %min3A_353, %min3A_354 : vector<112x112xf32>
    %max3A_356 = vector.broadcast %broadcast_in_dim3A_324 : vector<112x1xf32> to vector<112x112xf32>
    %max3A_357 = vector.broadcast %broadcast_in_dim3A_336 : vector<1x112xf32> to vector<112x112xf32>
    %max3A_358 = arith.maximumf %max3A_356, %max3A_357 : vector<112x112xf32>
    %sub3A_359 = arith.subf %min3A_355, %max3A_358 : vector<112x112xf32>
    %jit3A_360 = arith.constant 0.000000e+00 : f32
    %max3A_361 = vector.broadcast %jit3A_360 : f32 to vector<112x112xf32>
    %max3A_362 = arith.maximumf %max3A_361, %sub3A_359 : vector<112x112xf32>
    %mul3A_363 = arith.mulf %max3A_352, %max3A_362 : vector<112x112xf32>
    %sub3A_364 = arith.subf %broadcast_in_dim3A_327, %broadcast_in_dim3A_321 : vector<112x1xf32>
    %jit3A_365 = arith.constant 0.000000e+00 : f32
    %max3A_366 = vector.broadcast %jit3A_365 : f32 to vector<112x1xf32>
    %max3A_367 = arith.maximumf %max3A_366, %sub3A_364 : vector<112x1xf32>
    %sub3A_368 = arith.subf %broadcast_in_dim3A_330, %broadcast_in_dim3A_324 : vector<112x1xf32>
    %jit3A_369 = arith.constant 0.000000e+00 : f32
    %max3A_370 = vector.broadcast %jit3A_369 : f32 to vector<112x1xf32>
    %max3A_371 = arith.maximumf %max3A_370, %sub3A_368 : vector<112x1xf32>
    %mul3A_372 = arith.mulf %max3A_367, %max3A_371 : vector<112x1xf32>
    %sub3A_373 = arith.subf %broadcast_in_dim3A_339, %broadcast_in_dim3A_333 : vector<1x112xf32>
    %jit3A_374 = arith.constant 0.000000e+00 : f32
    %max3A_375 = vector.broadcast %jit3A_374 : f32 to vector<1x112xf32>
    %max3A_376 = arith.maximumf %max3A_375, %sub3A_373 : vector<1x112xf32>
    %sub3A_377 = arith.subf %broadcast_in_dim3A_342, %broadcast_in_dim3A_336 : vector<1x112xf32>
    %jit3A_378 = arith.constant 0.000000e+00 : f32
    %max3A_379 = vector.broadcast %jit3A_378 : f32 to vector<1x112xf32>
    %max3A_380 = arith.maximumf %max3A_379, %sub3A_377 : vector<1x112xf32>
    %mul3A_381 = arith.mulf %max3A_376, %max3A_380 : vector<1x112xf32>
    %add3A_382 = vector.broadcast %mul3A_372 : vector<112x1xf32> to vector<112x112xf32>
    %add3A_383 = vector.broadcast %mul3A_381 : vector<1x112xf32> to vector<112x112xf32>
    %add3A_384 = arith.addf %add3A_382, %add3A_383 : vector<112x112xf32>
    %sub3A_385 = arith.subf %add3A_384, %mul3A_363 : vector<112x112xf32>
    %add3A_386 = arith.constant 9.99999971E-10 : f32
    %add3A_387 = vector.broadcast %add3A_386 : f32 to vector<112x112xf32>
    %add3A_388 = arith.addf %sub3A_385, %add3A_387 : vector<112x112xf32>
    %div3A_389 = arith.divf %mul3A_363, %add3A_388 : vector<112x112xf32>
    %swap3A_390 = arith.constant 0 : index
    %swap3A_391 = arith.constant 4 : index
    %swap3A_392 = arith.constant 0 : index
    %swap3A_393 = vector.load %arg4[%swap3A_390, %swap3A_391, %swap3A_392] : memref<112x8x112xf32, #tpu.memory_space<vmem>>, vector<112x1x112xf32>
    %swap3A_394 = vector.shape_cast %swap3A_393 : vector<112x1x112xf32> to vector<112x112xf32>
    %swap3A_395 = vector.shape_cast %div3A_389 : vector<112x112xf32> to vector<112x1x112xf32>
    tpu.vector_store %arg4[%swap3A_390, %swap3A_391, %swap3A_392], %swap3A_395 {strides = array<i32>} : memref<112x8x112xf32, #tpu.memory_space<vmem>>, vector<112x1x112xf32>,
    %slice3A_396 = vector.extract_strided_slice %get3A_6 {offsets = [5, 0], sizes = [1, 112], strides = [1, 1]} : vector<8x112xf32> to vector<1x112xf32>
    %squeeze3A_397 = vector.shape_cast %slice3A_396 : vector<1x112xf32> to vector<112xf32>
    %broadcast_in_dim3A_398 = vector.shape_cast %squeeze3A_397 : vector<112xf32> to vector<112x1xf32>
    %slice3A_399 = vector.extract_strided_slice %get3A_11 {offsets = [5, 0], sizes = [1, 112], strides = [1, 1]} : vector<8x112xf32> to vector<1x112xf32>
    %squeeze3A_400 = vector.shape_cast %slice3A_399 : vector<1x112xf32> to vector<112xf32>
    %broadcast_in_dim3A_401 = vector.shape_cast %squeeze3A_400 : vector<112xf32> to vector<112x1xf32>
    %slice3A_402 = vector.extract_strided_slice %get3A_16 {offsets = [5, 0], sizes = [1, 112], strides = [1, 1]} : vector<8x112xf32> to vector<1x112xf32>
    %squeeze3A_403 = vector.shape_cast %slice3A_402 : vector<1x112xf32> to vector<112xf32>
    %broadcast_in_dim3A_404 = vector.shape_cast %squeeze3A_403 : vector<112xf32> to vector<112x1xf32>
    %slice3A_405 = vector.extract_strided_slice %get3A_21 {offsets = [5, 0], sizes = [1, 112], strides = [1, 1]} : vector<8x112xf32> to vector<1x112xf32>
    %squeeze3A_406 = vector.shape_cast %slice3A_405 : vector<1x112xf32> to vector<112xf32>
    %broadcast_in_dim3A_407 = vector.shape_cast %squeeze3A_406 : vector<112xf32> to vector<112x1xf32>
    %slice3A_408 = vector.extract_strided_slice %get3A_6 {offsets = [5, 0], sizes = [1, 112], strides = [1, 1]} : vector<8x112xf32> to vector<1x112xf32>
    %squeeze3A_409 = vector.shape_cast %slice3A_408 : vector<1x112xf32> to vector<112xf32>
    %broadcast_in_dim3A_410 = vector.shape_cast %squeeze3A_409 : vector<112xf32> to vector<1x112xf32>
    %slice3A_411 = vector.extract_strided_slice %get3A_11 {offsets = [5, 0], sizes = [1, 112], strides = [1, 1]} : vector<8x112xf32> to vector<1x112xf32>
    %squeeze3A_412 = vector.shape_cast %slice3A_411 : vector<1x112xf32> to vector<112xf32>
    %broadcast_in_dim3A_413 = vector.shape_cast %squeeze3A_412 : vector<112xf32> to vector<1x112xf32>
    %slice3A_414 = vector.extract_strided_slice %get3A_16 {offsets = [5, 0], sizes = [1, 112], strides = [1, 1]} : vector<8x112xf32> to vector<1x112xf32>
    %squeeze3A_415 = vector.shape_cast %slice3A_414 : vector<1x112xf32> to vector<112xf32>
    %broadcast_in_dim3A_416 = vector.shape_cast %squeeze3A_415 : vector<112xf32> to vector<1x112xf32>
    %slice3A_417 = vector.extract_strided_slice %get3A_21 {offsets = [5, 0], sizes = [1, 112], strides = [1, 1]} : vector<8x112xf32> to vector<1x112xf32>
    %squeeze3A_418 = vector.shape_cast %slice3A_417 : vector<1x112xf32> to vector<112xf32>
    %broadcast_in_dim3A_419 = vector.shape_cast %squeeze3A_418 : vector<112xf32> to vector<1x112xf32>
    %min3A_420 = vector.broadcast %broadcast_in_dim3A_404 : vector<112x1xf32> to vector<112x112xf32>
    %min3A_421 = vector.broadcast %broadcast_in_dim3A_416 : vector<1x112xf32> to vector<112x112xf32>
    %min3A_422 = arith.minimumf %min3A_420, %min3A_421 : vector<112x112xf32>
    %max3A_423 = vector.broadcast %broadcast_in_dim3A_398 : vector<112x1xf32> to vector<112x112xf32>
    %max3A_424 = vector.broadcast %broadcast_in_dim3A_410 : vector<1x112xf32> to vector<112x112xf32>
    %max3A_425 = arith.maximumf %max3A_423, %max3A_424 : vector<112x112xf32>
    %sub3A_426 = arith.subf %min3A_422, %max3A_425 : vector<112x112xf32>
    %jit3A_427 = arith.constant 0.000000e+00 : f32
    %max3A_428 = vector.broadcast %jit3A_427 : f32 to vector<112x112xf32>
    %max3A_429 = arith.maximumf %max3A_428, %sub3A_426 : vector<112x112xf32>
    %min3A_430 = vector.broadcast %broadcast_in_dim3A_407 : vector<112x1xf32> to vector<112x112xf32>
    %min3A_431 = vector.broadcast %broadcast_in_dim3A_419 : vector<1x112xf32> to vector<112x112xf32>
    %min3A_432 = arith.minimumf %min3A_430, %min3A_431 : vector<112x112xf32>
    %max3A_433 = vector.broadcast %broadcast_in_dim3A_401 : vector<112x1xf32> to vector<112x112xf32>
    %max3A_434 = vector.broadcast %broadcast_in_dim3A_413 : vector<1x112xf32> to vector<112x112xf32>
    %max3A_435 = arith.maximumf %max3A_433, %max3A_434 : vector<112x112xf32>
    %sub3A_436 = arith.subf %min3A_432, %max3A_435 : vector<112x112xf32>
    %jit3A_437 = arith.constant 0.000000e+00 : f32
    %max3A_438 = vector.broadcast %jit3A_437 : f32 to vector<112x112xf32>
    %max3A_439 = arith.maximumf %max3A_438, %sub3A_436 : vector<112x112xf32>
    %mul3A_440 = arith.mulf %max3A_429, %max3A_439 : vector<112x112xf32>
    %sub3A_441 = arith.subf %broadcast_in_dim3A_404, %broadcast_in_dim3A_398 : vector<112x1xf32>
    %jit3A_442 = arith.constant 0.000000e+00 : f32
    %max3A_443 = vector.broadcast %jit3A_442 : f32 to vector<112x1xf32>
    %max3A_444 = arith.maximumf %max3A_443, %sub3A_441 : vector<112x1xf32>
    %sub3A_445 = arith.subf %broadcast_in_dim3A_407, %broadcast_in_dim3A_401 : vector<112x1xf32>
    %jit3A_446 = arith.constant 0.000000e+00 : f32
    %max3A_447 = vector.broadcast %jit3A_446 : f32 to vector<112x1xf32>
    %max3A_448 = arith.maximumf %max3A_447, %sub3A_445 : vector<112x1xf32>
    %mul3A_449 = arith.mulf %max3A_444, %max3A_448 : vector<112x1xf32>
    %sub3A_450 = arith.subf %broadcast_in_dim3A_416, %broadcast_in_dim3A_410 : vector<1x112xf32>
    %jit3A_451 = arith.constant 0.000000e+00 : f32
    %max3A_452 = vector.broadcast %jit3A_451 : f32 to vector<1x112xf32>
    %max3A_453 = arith.maximumf %max3A_452, %sub3A_450 : vector<1x112xf32>
    %sub3A_454 = arith.subf %broadcast_in_dim3A_419, %broadcast_in_dim3A_413 : vector<1x112xf32>
    %jit3A_455 = arith.constant 0.000000e+00 : f32
    %max3A_456 = vector.broadcast %jit3A_455 : f32 to vector<1x112xf32>
    %max3A_457 = arith.maximumf %max3A_456, %sub3A_454 : vector<1x112xf32>
    %mul3A_458 = arith.mulf %max3A_453, %max3A_457 : vector<1x112xf32>
    %add3A_459 = vector.broadcast %mul3A_449 : vector<112x1xf32> to vector<112x112xf32>
    %add3A_460 = vector.broadcast %mul3A_458 : vector<1x112xf32> to vector<112x112xf32>
    %add3A_461 = arith.addf %add3A_459, %add3A_460 : vector<112x112xf32>
    %sub3A_462 = arith.subf %add3A_461, %mul3A_440 : vector<112x112xf32>
    %add3A_463 = arith.constant 9.99999971E-10 : f32
    %add3A_464 = vector.broadcast %add3A_463 : f32 to vector<112x112xf32>
    %add3A_465 = arith.addf %sub3A_462, %add3A_464 : vector<112x112xf32>
    %div3A_466 = arith.divf %mul3A_440, %add3A_465 : vector<112x112xf32>
    %swap3A_467 = arith.constant 0 : index
    %swap3A_468 = arith.constant 5 : index
    %swap3A_469 = arith.constant 0 : index
    %swap3A_470 = vector.load %arg4[%swap3A_467, %swap3A_468, %swap3A_469] : memref<112x8x112xf32, #tpu.memory_space<vmem>>, vector<112x1x112xf32>
    %swap3A_471 = vector.shape_cast %swap3A_470 : vector<112x1x112xf32> to vector<112x112xf32>
    %swap3A_472 = vector.shape_cast %div3A_466 : vector<112x112xf32> to vector<112x1x112xf32>
    tpu.vector_store %arg4[%swap3A_467, %swap3A_468, %swap3A_469], %swap3A_472 {strides = array<i32>} : memref<112x8x112xf32, #tpu.memory_space<vmem>>, vector<112x1x112xf32>,
    %slice3A_473 = vector.extract_strided_slice %get3A_6 {offsets = [6, 0], sizes = [1, 112], strides = [1, 1]} : vector<8x112xf32> to vector<1x112xf32>
    %squeeze3A_474 = vector.shape_cast %slice3A_473 : vector<1x112xf32> to vector<112xf32>
    %broadcast_in_dim3A_475 = vector.shape_cast %squeeze3A_474 : vector<112xf32> to vector<112x1xf32>
    %slice3A_476 = vector.extract_strided_slice %get3A_11 {offsets = [6, 0], sizes = [1, 112], strides = [1, 1]} : vector<8x112xf32> to vector<1x112xf32>
    %squeeze3A_477 = vector.shape_cast %slice3A_476 : vector<1x112xf32> to vector<112xf32>
    %broadcast_in_dim3A_478 = vector.shape_cast %squeeze3A_477 : vector<112xf32> to vector<112x1xf32>
    %slice3A_479 = vector.extract_strided_slice %get3A_16 {offsets = [6, 0], sizes = [1, 112], strides = [1, 1]} : vector<8x112xf32> to vector<1x112xf32>
    %squeeze3A_480 = vector.shape_cast %slice3A_479 : vector<1x112xf32> to vector<112xf32>
    %broadcast_in_dim3A_481 = vector.shape_cast %squeeze3A_480 : vector<112xf32> to vector<112x1xf32>
    %slice3A_482 = vector.extract_strided_slice %get3A_21 {offsets = [6, 0], sizes = [1, 112], strides = [1, 1]} : vector<8x112xf32> to vector<1x112xf32>
    %squeeze3A_483 = vector.shape_cast %slice3A_482 : vector<1x112xf32> to vector<112xf32>
    %broadcast_in_dim3A_484 = vector.shape_cast %squeeze3A_483 : vector<112xf32> to vector<112x1xf32>
    %slice3A_485 = vector.extract_strided_slice %get3A_6 {offsets = [6, 0], sizes = [1, 112], strides = [1, 1]} : vector<8x112xf32> to vector<1x112xf32>
    %squeeze3A_486 = vector.shape_cast %slice3A_485 : vector<1x112xf32> to vector<112xf32>
    %broadcast_in_dim3A_487 = vector.shape_cast %squeeze3A_486 : vector<112xf32> to vector<1x112xf32>
    %slice3A_488 = vector.extract_strided_slice %get3A_11 {offsets = [6, 0], sizes = [1, 112], strides = [1, 1]} : vector<8x112xf32> to vector<1x112xf32>
    %squeeze3A_489 = vector.shape_cast %slice3A_488 : vector<1x112xf32> to vector<112xf32>
    %broadcast_in_dim3A_490 = vector.shape_cast %squeeze3A_489 : vector<112xf32> to vector<1x112xf32>
    %slice3A_491 = vector.extract_strided_slice %get3A_16 {offsets = [6, 0], sizes = [1, 112], strides = [1, 1]} : vector<8x112xf32> to vector<1x112xf32>
    %squeeze3A_492 = vector.shape_cast %slice3A_491 : vector<1x112xf32> to vector<112xf32>
    %broadcast_in_dim3A_493 = vector.shape_cast %squeeze3A_492 : vector<112xf32> to vector<1x112xf32>
    %slice3A_494 = vector.extract_strided_slice %get3A_21 {offsets = [6, 0], sizes = [1, 112], strides = [1, 1]} : vector<8x112xf32> to vector<1x112xf32>
    %squeeze3A_495 = vector.shape_cast %slice3A_494 : vector<1x112xf32> to vector<112xf32>
    %broadcast_in_dim3A_496 = vector.shape_cast %squeeze3A_495 : vector<112xf32> to vector<1x112xf32>
    %min3A_497 = vector.broadcast %broadcast_in_dim3A_481 : vector<112x1xf32> to vector<112x112xf32>
    %min3A_498 = vector.broadcast %broadcast_in_dim3A_493 : vector<1x112xf32> to vector<112x112xf32>
    %min3A_499 = arith.minimumf %min3A_497, %min3A_498 : vector<112x112xf32>
    %max3A_500 = vector.broadcast %broadcast_in_dim3A_475 : vector<112x1xf32> to vector<112x112xf32>
    %max3A_501 = vector.broadcast %broadcast_in_dim3A_487 : vector<1x112xf32> to vector<112x112xf32>
    %max3A_502 = arith.maximumf %max3A_500, %max3A_501 : vector<112x112xf32>
    %sub3A_503 = arith.subf %min3A_499, %max3A_502 : vector<112x112xf32>
    %jit3A_504 = arith.constant 0.000000e+00 : f32
    %max3A_505 = vector.broadcast %jit3A_504 : f32 to vector<112x112xf32>
    %max3A_506 = arith.maximumf %max3A_505, %sub3A_503 : vector<112x112xf32>
    %min3A_507 = vector.broadcast %broadcast_in_dim3A_484 : vector<112x1xf32> to vector<112x112xf32>
    %min3A_508 = vector.broadcast %broadcast_in_dim3A_496 : vector<1x112xf32> to vector<112x112xf32>
    %min3A_509 = arith.minimumf %min3A_507, %min3A_508 : vector<112x112xf32>
    %max3A_510 = vector.broadcast %broadcast_in_dim3A_478 : vector<112x1xf32> to vector<112x112xf32>
    %max3A_511 = vector.broadcast %broadcast_in_dim3A_490 : vector<1x112xf32> to vector<112x112xf32>
    %max3A_512 = arith.maximumf %max3A_510, %max3A_511 : vector<112x112xf32>
    %sub3A_513 = arith.subf %min3A_509, %max3A_512 : vector<112x112xf32>
    %jit3A_514 = arith.constant 0.000000e+00 : f32
    %max3A_515 = vector.broadcast %jit3A_514 : f32 to vector<112x112xf32>
    %max3A_516 = arith.maximumf %max3A_515, %sub3A_513 : vector<112x112xf32>
    %mul3A_517 = arith.mulf %max3A_506, %max3A_516 : vector<112x112xf32>
    %sub3A_518 = arith.subf %broadcast_in_dim3A_481, %broadcast_in_dim3A_475 : vector<112x1xf32>
    %jit3A_519 = arith.constant 0.000000e+00 : f32
    %max3A_520 = vector.broadcast %jit3A_519 : f32 to vector<112x1xf32>
    %max3A_521 = arith.maximumf %max3A_520, %sub3A_518 : vector<112x1xf32>
    %sub3A_522 = arith.subf %broadcast_in_dim3A_484, %broadcast_in_dim3A_478 : vector<112x1xf32>
    %jit3A_523 = arith.constant 0.000000e+00 : f32
    %max3A_524 = vector.broadcast %jit3A_523 : f32 to vector<112x1xf32>
    %max3A_525 = arith.maximumf %max3A_524, %sub3A_522 : vector<112x1xf32>
    %mul3A_526 = arith.mulf %max3A_521, %max3A_525 : vector<112x1xf32>
    %sub3A_527 = arith.subf %broadcast_in_dim3A_493, %broadcast_in_dim3A_487 : vector<1x112xf32>
    %jit3A_528 = arith.constant 0.000000e+00 : f32
    %max3A_529 = vector.broadcast %jit3A_528 : f32 to vector<1x112xf32>
    %max3A_530 = arith.maximumf %max3A_529, %sub3A_527 : vector<1x112xf32>
    %sub3A_531 = arith.subf %broadcast_in_dim3A_496, %broadcast_in_dim3A_490 : vector<1x112xf32>
    %jit3A_532 = arith.constant 0.000000e+00 : f32
    %max3A_533 = vector.broadcast %jit3A_532 : f32 to vector<1x112xf32>
    %max3A_534 = arith.maximumf %max3A_533, %sub3A_531 : vector<1x112xf32>
    %mul3A_535 = arith.mulf %max3A_530, %max3A_534 : vector<1x112xf32>
    %add3A_536 = vector.broadcast %mul3A_526 : vector<112x1xf32> to vector<112x112xf32>
    %add3A_537 = vector.broadcast %mul3A_535 : vector<1x112xf32> to vector<112x112xf32>
    %add3A_538 = arith.addf %add3A_536, %add3A_537 : vector<112x112xf32>
    %sub3A_539 = arith.subf %add3A_538, %mul3A_517 : vector<112x112xf32>
    %add3A_540 = arith.constant 9.99999971E-10 : f32
    %add3A_541 = vector.broadcast %add3A_540 : f32 to vector<112x112xf32>
    %add3A_542 = arith.addf %sub3A_539, %add3A_541 : vector<112x112xf32>
    %div3A_543 = arith.divf %mul3A_517, %add3A_542 : vector<112x112xf32>
    %swap3A_544 = arith.constant 0 : index
    %swap3A_545 = arith.constant 6 : index
    %swap3A_546 = arith.constant 0 : index
    %swap3A_547 = vector.load %arg4[%swap3A_544, %swap3A_545, %swap3A_546] : memref<112x8x112xf32, #tpu.memory_space<vmem>>, vector<112x1x112xf32>
    %swap3A_548 = vector.shape_cast %swap3A_547 : vector<112x1x112xf32> to vector<112x112xf32>
    %swap3A_549 = vector.shape_cast %div3A_543 : vector<112x112xf32> to vector<112x1x112xf32>
    tpu.vector_store %arg4[%swap3A_544, %swap3A_545, %swap3A_546], %swap3A_549 {strides = array<i32>} : memref<112x8x112xf32, #tpu.memory_space<vmem>>, vector<112x1x112xf32>,
    %slice3A_550 = vector.extract_strided_slice %get3A_6 {offsets = [7, 0], sizes = [1, 112], strides = [1, 1]} : vector<8x112xf32> to vector<1x112xf32>
    %squeeze3A_551 = vector.shape_cast %slice3A_550 : vector<1x112xf32> to vector<112xf32>
    %broadcast_in_dim3A_552 = vector.shape_cast %squeeze3A_551 : vector<112xf32> to vector<112x1xf32>
    %slice3A_553 = vector.extract_strided_slice %get3A_11 {offsets = [7, 0], sizes = [1, 112], strides = [1, 1]} : vector<8x112xf32> to vector<1x112xf32>
    %squeeze3A_554 = vector.shape_cast %slice3A_553 : vector<1x112xf32> to vector<112xf32>
    %broadcast_in_dim3A_555 = vector.shape_cast %squeeze3A_554 : vector<112xf32> to vector<112x1xf32>
    %slice3A_556 = vector.extract_strided_slice %get3A_16 {offsets = [7, 0], sizes = [1, 112], strides = [1, 1]} : vector<8x112xf32> to vector<1x112xf32>
    %squeeze3A_557 = vector.shape_cast %slice3A_556 : vector<1x112xf32> to vector<112xf32>
    %broadcast_in_dim3A_558 = vector.shape_cast %squeeze3A_557 : vector<112xf32> to vector<112x1xf32>
    %slice3A_559 = vector.extract_strided_slice %get3A_21 {offsets = [7, 0], sizes = [1, 112], strides = [1, 1]} : vector<8x112xf32> to vector<1x112xf32>
    %squeeze3A_560 = vector.shape_cast %slice3A_559 : vector<1x112xf32> to vector<112xf32>
    %broadcast_in_dim3A_561 = vector.shape_cast %squeeze3A_560 : vector<112xf32> to vector<112x1xf32>
    %slice3A_562 = vector.extract_strided_slice %get3A_6 {offsets = [7, 0], sizes = [1, 112], strides = [1, 1]} : vector<8x112xf32> to vector<1x112xf32>
    %squeeze3A_563 = vector.shape_cast %slice3A_562 : vector<1x112xf32> to vector<112xf32>
    %broadcast_in_dim3A_564 = vector.shape_cast %squeeze3A_563 : vector<112xf32> to vector<1x112xf32>
    %slice3A_565 = vector.extract_strided_slice %get3A_11 {offsets = [7, 0], sizes = [1, 112], strides = [1, 1]} : vector<8x112xf32> to vector<1x112xf32>
    %squeeze3A_566 = vector.shape_cast %slice3A_565 : vector<1x112xf32> to vector<112xf32>
    %broadcast_in_dim3A_567 = vector.shape_cast %squeeze3A_566 : vector<112xf32> to vector<1x112xf32>
    %slice3A_568 = vector.extract_strided_slice %get3A_16 {offsets = [7, 0], sizes = [1, 112], strides = [1, 1]} : vector<8x112xf32> to vector<1x112xf32>
    %squeeze3A_569 = vector.shape_cast %slice3A_568 : vector<1x112xf32> to vector<112xf32>
    %broadcast_in_dim3A_570 = vector.shape_cast %squeeze3A_569 : vector<112xf32> to vector<1x112xf32>
    %slice3A_571 = vector.extract_strided_slice %get3A_21 {offsets = [7, 0], sizes = [1, 112], strides = [1, 1]} : vector<8x112xf32> to vector<1x112xf32>
    %squeeze3A_572 = vector.shape_cast %slice3A_571 : vector<1x112xf32> to vector<112xf32>
    %broadcast_in_dim3A_573 = vector.shape_cast %squeeze3A_572 : vector<112xf32> to vector<1x112xf32>
    %min3A_574 = vector.broadcast %broadcast_in_dim3A_558 : vector<112x1xf32> to vector<112x112xf32>
    %min3A_575 = vector.broadcast %broadcast_in_dim3A_570 : vector<1x112xf32> to vector<112x112xf32>
    %min3A_576 = arith.minimumf %min3A_574, %min3A_575 : vector<112x112xf32>
    %max3A_577 = vector.broadcast %broadcast_in_dim3A_552 : vector<112x1xf32> to vector<112x112xf32>
    %max3A_578 = vector.broadcast %broadcast_in_dim3A_564 : vector<1x112xf32> to vector<112x112xf32>
    %max3A_579 = arith.maximumf %max3A_577, %max3A_578 : vector<112x112xf32>
    %sub3A_580 = arith.subf %min3A_576, %max3A_579 : vector<112x112xf32>
    %jit3A_581 = arith.constant 0.000000e+00 : f32
    %max3A_582 = vector.broadcast %jit3A_581 : f32 to vector<112x112xf32>
    %max3A_583 = arith.maximumf %max3A_582, %sub3A_580 : vector<112x112xf32>
    %min3A_584 = vector.broadcast %broadcast_in_dim3A_561 : vector<112x1xf32> to vector<112x112xf32>
    %min3A_585 = vector.broadcast %broadcast_in_dim3A_573 : vector<1x112xf32> to vector<112x112xf32>
    %min3A_586 = arith.minimumf %min3A_584, %min3A_585 : vector<112x112xf32>
    %max3A_587 = vector.broadcast %broadcast_in_dim3A_555 : vector<112x1xf32> to vector<112x112xf32>
    %max3A_588 = vector.broadcast %broadcast_in_dim3A_567 : vector<1x112xf32> to vector<112x112xf32>
    %max3A_589 = arith.maximumf %max3A_587, %max3A_588 : vector<112x112xf32>
    %sub3A_590 = arith.subf %min3A_586, %max3A_589 : vector<112x112xf32>
    %jit3A_591 = arith.constant 0.000000e+00 : f32
    %max3A_592 = vector.broadcast %jit3A_591 : f32 to vector<112x112xf32>
    %max3A_593 = arith.maximumf %max3A_592, %sub3A_590 : vector<112x112xf32>
    %mul3A_594 = arith.mulf %max3A_583, %max3A_593 : vector<112x112xf32>
    %sub3A_595 = arith.subf %broadcast_in_dim3A_558, %broadcast_in_dim3A_552 : vector<112x1xf32>
    %jit3A_596 = arith.constant 0.000000e+00 : f32
    %max3A_597 = vector.broadcast %jit3A_596 : f32 to vector<112x1xf32>
    %max3A_598 = arith.maximumf %max3A_597, %sub3A_595 : vector<112x1xf32>
    %sub3A_599 = arith.subf %broadcast_in_dim3A_561, %broadcast_in_dim3A_555 : vector<112x1xf32>
    %jit3A_600 = arith.constant 0.000000e+00 : f32
    %max3A_601 = vector.broadcast %jit3A_600 : f32 to vector<112x1xf32>
    %max3A_602 = arith.maximumf %max3A_601, %sub3A_599 : vector<112x1xf32>
    %mul3A_603 = arith.mulf %max3A_598, %max3A_602 : vector<112x1xf32>
    %sub3A_604 = arith.subf %broadcast_in_dim3A_570, %broadcast_in_dim3A_564 : vector<1x112xf32>
    %jit3A_605 = arith.constant 0.000000e+00 : f32
    %max3A_606 = vector.broadcast %jit3A_605 : f32 to vector<1x112xf32>
    %max3A_607 = arith.maximumf %max3A_606, %sub3A_604 : vector<1x112xf32>
    %sub3A_608 = arith.subf %broadcast_in_dim3A_573, %broadcast_in_dim3A_567 : vector<1x112xf32>
    %jit3A_609 = arith.constant 0.000000e+00 : f32
    %max3A_610 = vector.broadcast %jit3A_609 : f32 to vector<1x112xf32>
    %max3A_611 = arith.maximumf %max3A_610, %sub3A_608 : vector<1x112xf32>
    %mul3A_612 = arith.mulf %max3A_607, %max3A_611 : vector<1x112xf32>
    %add3A_613 = vector.broadcast %mul3A_603 : vector<112x1xf32> to vector<112x112xf32>
    %add3A_614 = vector.broadcast %mul3A_612 : vector<1x112xf32> to vector<112x112xf32>
    %add3A_615 = arith.addf %add3A_613, %add3A_614 : vector<112x112xf32>
    %sub3A_616 = arith.subf %add3A_615, %mul3A_594 : vector<112x112xf32>
    %add3A_617 = arith.constant 9.99999971E-10 : f32
    %add3A_618 = vector.broadcast %add3A_617 : f32 to vector<112x112xf32>
    %add3A_619 = arith.addf %sub3A_616, %add3A_618 : vector<112x112xf32>
    %div3A_620 = arith.divf %mul3A_594, %add3A_619 : vector<112x112xf32>
    %swap3A_621 = arith.constant 0 : index
    %swap3A_622 = arith.constant 7 : index
    %swap3A_623 = arith.constant 0 : index
    %swap3A_624 = vector.load %arg4[%swap3A_621, %swap3A_622, %swap3A_623] : memref<112x8x112xf32, #tpu.memory_space<vmem>>, vector<112x1x112xf32>
    %swap3A_625 = vector.shape_cast %swap3A_624 : vector<112x1x112xf32> to vector<112x112xf32>
    %swap3A_626 = vector.shape_cast %div3A_620 : vector<112x112xf32> to vector<112x1x112xf32>
    tpu.vector_store %arg4[%swap3A_621, %swap3A_622, %swap3A_623], %swap3A_626 {strides = array<i32>} : memref<112x8x112xf32, #tpu.memory_space<vmem>>, vector<112x1x112xf32>,
    %iota3A = tpu.iota {dimensions = array<i32: 1>} : vector<8x112xi32>
    %broadcast_in_dim3A_627 = arith.constant 1.000000e+00 : f32
    %broadcast_in_dim3A_628 = vector.broadcast %broadcast_in_dim3A_627 : f32 to vector<8x112xf32>
    %scan3A = arith.constant 0 : i32
    %scan3A_629 = arith.constant 100 : i32
    %scan3A_630 = arith.addi %scan3A, %scan3A_629 : i32
    %scan3A_631 = arith.constant 1 : i32
    %scan3A_632 = scf.for %scan3A_673 = %scan3A to %scan3A_630 step %scan3A_631 iter_args(%scan3A_674 = %broadcast_in_dim3A_628) -> (vector<8x112xf32>)  : i32 {
      %get3A_675 = arith.index_cast %scan3A_673 : i32 to index
      %get3A_676 = arith.constant 0 : index
      %get3A_677 = arith.constant 0 : index
      %get3A_678 = vector.load %arg4[%get3A_675, %get3A_676, %get3A_677] : memref<112x8x112xf32, #tpu.memory_space<vmem>>, vector<1x8x112xf32>
      %get3A_679 = vector.shape_cast %get3A_678 : vector<1x8x112xf32> to vector<8x112xf32>
      %eq3A = vector.broadcast %scan3A_673 : i32 to vector<8x112xi32>
      %eq3A_680 = arith.cmpi eq, %iota3A, %eq3A : vector<8x112xi32>
      %jit3A_681 = arith.constant 0.000000e+00 : f32
      %broadcast_in_dim3A_682 = vector.broadcast %jit3A_681 : f32 to vector<8x112xf32>
      %select_n3A = arith.select %eq3A_680, %scan3A_674, %broadcast_in_dim3A_682 : vector<8x112xi1>, vector<8x112xf32>
      %reduce_sum3A = arith.constant dense<0.000000e+00> : vector<8xf32>
      %reduce_sum3A_683 = vector.multi_reduction <add>, %select_n3A, %reduce_sum3A [1] : vector<8x112xf32> to vector<8xf32>
      %broadcast_in_dim3A_684 = vector.shape_cast %reduce_sum3A_683 : vector<8xf32> to vector<8x1xf32>
      %gt3A_685 = arith.constant 4.500000e-01 : f32
      %gt3A_686 = vector.broadcast %gt3A_685 : f32 to vector<8x112xf32>
      %gt3A_687 = arith.cmpf ogt, %get3A_679, %gt3A_686 : vector<8x112xf32>
      %gt3A_688 = vector.broadcast %scan3A_673 : i32 to vector<8x112xi32>
      %gt3A_689 = arith.cmpi sgt, %iota3A, %gt3A_688 : vector<8x112xi32>
      %and3A = arith.andi %gt3A_687, %gt3A_689 : vector<8x112xi1>
      %gt3A_690 = arith.constant 0.000000e+00 : f32
      %gt3A_691 = vector.broadcast %gt3A_690 : f32 to vector<8x1xf32>
      %gt3A_692 = arith.cmpf ogt, %broadcast_in_dim3A_684, %gt3A_691 : vector<8x1xf32>
      %and3A_693 = vector.broadcast %gt3A_692 : vector<8x1xi1> to vector<8x112xi1>
      %and3A_694 = arith.andi %and3A, %and3A_693 : vector<8x112xi1>
      %jit3A_695 = arith.constant 0.000000e+00 : f32
      %broadcast_in_dim3A_696 = vector.broadcast %jit3A_695 : f32 to vector<8x112xf32>
      %select_n3A_697 = arith.select %and3A_694, %broadcast_in_dim3A_696, %scan3A_674 : vector<8x112xi1>, vector<8x112xf32>
      scf.yield %select_n3A_697 : vector<8x112xf32>
    }
    %scan3A_633 = arith.constant 100 : i32
    %gt3A = arith.constant 0.00999999977 : f32
    %gt3A_634 = vector.broadcast %gt3A : f32 to vector<8x112xf32>
    %gt3A_635 = arith.cmpf ogt, %get3A_1, %gt3A_634 : vector<8x112xf32>
    %convert_element_type3A = arith.extui %gt3A_635 : vector<8x112xi1> to vector<8x112xi32>
    %convert_element_type3A_636 = arith.sitofp %convert_element_type3A : vector<8x112xi32> to vector<8x112xf32>
    %mul3A_637 = arith.mulf %scan3A_632, %convert_element_type3A_636 : vector<8x112xf32>
    %mul3A_638 = arith.mulf %get3A_6, %mul3A_637 : vector<8x112xf32>
    %swap3A_639 = arith.constant 0 : index
    %swap3A_640 = arith.constant 0 : index
    %swap3A_641 = arith.constant 0 : index
    %swap3A_642 = vector.load %arg3[%swap3A_639, %swap3A_640, %swap3A_641] : memref<8x5x112xf32, #tpu.memory_space<vmem>>, vector<8x1x112xf32>
    %swap3A_643 = vector.shape_cast %swap3A_642 : vector<8x1x112xf32> to vector<8x112xf32>
    %swap3A_644 = vector.shape_cast %mul3A_638 : vector<8x112xf32> to vector<8x1x112xf32>
    tpu.vector_store %arg3[%swap3A_639, %swap3A_640, %swap3A_641], %swap3A_644 {strides = array<i32>} : memref<8x5x112xf32, #tpu.memory_space<vmem>>, vector<8x1x112xf32>,
    %mul3A_645 = arith.mulf %get3A_11, %mul3A_637 : vector<8x112xf32>
    %swap3A_646 = arith.constant 0 : index
    %swap3A_647 = arith.constant 1 : index
    %swap3A_648 = arith.constant 0 : index
    %swap3A_649 = vector.load %arg3[%swap3A_646, %swap3A_647, %swap3A_648] : memref<8x5x112xf32, #tpu.memory_space<vmem>>, vector<8x1x112xf32>
    %swap3A_650 = vector.shape_cast %swap3A_649 : vector<8x1x112xf32> to vector<8x112xf32>
    %swap3A_651 = vector.shape_cast %mul3A_645 : vector<8x112xf32> to vector<8x1x112xf32>
    tpu.vector_store %arg3[%swap3A_646, %swap3A_647, %swap3A_648], %swap3A_651 {strides = array<i32>} : memref<8x5x112xf32, #tpu.memory_space<vmem>>, vector<8x1x112xf32>,
    %mul3A_652 = arith.mulf %get3A_16, %mul3A_637 : vector<8x112xf32>
    %swap3A_653 = arith.constant 0 : index
    %swap3A_654 = arith.constant 2 : index
    %swap3A_655 = arith.constant 0 : index
    %swap3A_656 = vector.load %arg3[%swap3A_653, %swap3A_654, %swap3A_655] : memref<8x5x112xf32, #tpu.memory_space<vmem>>, vector<8x1x112xf32>
    %swap3A_657 = vector.shape_cast %swap3A_656 : vector<8x1x112xf32> to vector<8x112xf32>
    %swap3A_658 = vector.shape_cast %mul3A_652 : vector<8x112xf32> to vector<8x1x112xf32>
    tpu.vector_store %arg3[%swap3A_653, %swap3A_654, %swap3A_655], %swap3A_658 {strides = array<i32>} : memref<8x5x112xf32, #tpu.memory_space<vmem>>, vector<8x1x112xf32>,
    %mul3A_659 = arith.mulf %get3A_21, %mul3A_637 : vector<8x112xf32>
    %swap3A_660 = arith.constant 0 : index
    %swap3A_661 = arith.constant 3 : index
    %swap3A_662 = arith.constant 0 : index
    %swap3A_663 = vector.load %arg3[%swap3A_660, %swap3A_661, %swap3A_662] : memref<8x5x112xf32, #tpu.memory_space<vmem>>, vector<8x1x112xf32>
    %swap3A_664 = vector.shape_cast %swap3A_663 : vector<8x1x112xf32> to vector<8x112xf32>
    %swap3A_665 = vector.shape_cast %mul3A_659 : vector<8x112xf32> to vector<8x1x112xf32>
    tpu.vector_store %arg3[%swap3A_660, %swap3A_661, %swap3A_662], %swap3A_665 {strides = array<i32>} : memref<8x5x112xf32, #tpu.memory_space<vmem>>, vector<8x1x112xf32>,
    %mul3A_666 = arith.mulf %get3A_1, %mul3A_637 : vector<8x112xf32>
    %swap3A_667 = arith.constant 0 : index
    %swap3A_668 = arith.constant 4 : index
    %swap3A_669 = arith.constant 0 : index
    %swap3A_670 = vector.load %arg3[%swap3A_667, %swap3A_668, %swap3A_669] : memref<8x5x112xf32, #tpu.memory_space<vmem>>, vector<8x1x112xf32>
    %swap3A_671 = vector.shape_cast %swap3A_670 : vector<8x1x112xf32> to vector<8x112xf32>
    %swap3A_672 = vector.shape_cast %mul3A_666 : vector<8x112xf32> to vector<8x1x112xf32>
    tpu.vector_store %arg3[%swap3A_667, %swap3A_668, %swap3A_669], %swap3A_672 {strides = array<i32>} : memref<8x5x112xf32, #tpu.memory_space<vmem>>, vector<8x1x112xf32>,
    return
  }
  func.func @transform_0(%arg0: i32) -> (i32, i32) {
    %c0_i32 = arith.constant 0 : i32
    %c0_i32_0 = arith.constant 0 : i32
    return %arg0, %c0_i32 : i32, i32
  }
  func.func @transform_1(%arg0: i32) -> (i32, i32, i32) {
    %c0_i32 = arith.constant 0 : i32
    %c0_i32_0 = arith.constant 0 : i32
    %c0_i32_1 = arith.constant 0 : i32
    return %arg0, %c0_i32, %c0_i32_0 : i32, i32, i32
  }
  func.func @transform_2(%arg0: i32) -> (i32, i32, i32) {
    %c0_i32 = arith.constant 0 : i32
    %c0_i32_0 = arith.constant 0 : i32
    %c0_i32_1 = arith.constant 0 : i32
    return %arg0, %c0_i32, %c0_i32_0 : i32, i32, i32
  }
}

</mosaic_0001>

<sc_bundles>
// kernel: kernel.5.cloned.1.call-start
scs
__scs_entry_jumppad:
0x0: {  	(pc) =	sbr.rel $0x88, $3  }
0x1: {  	(tag) =	ssettag $0x0;
	lr =	simm.s32 $0x1  }
0x2: {  	[smem:$0x3F9E] =	sst lr;
	_ =	strace $0xD0000000  }
0x3: {  	_ = 	snop  }
0x4: {  	_ = 	snop  }
0x5: {  	_ = 	snop  }
0x6: {  	_ = 	snop  }
0x7: {  	_ = 	snop  }
__scs_overlays_trampoline_lowered:
0x8: {  	[smem:$0x3FAD] =	sst s0  }
0x9: {  	[smem:$0x3FAE] =	sst s1  }
0xa: {  	[smem:$0x3FAF] =	sst s2  }
0xb: {  	[smem:$0x3FB0] =	sst s3  }
0xc: {  	[smem:$0x3FB1] =	sst s4  }
0xd: {  	[smem:$0x3FB2] =	sst s5  }
0xe: {  	[smem:$0x3FB3] =	sst s6  }
0xf: {  	[smem:$0x3FB4] =	sst s7  }
0x10: {  	[smem:$0x3FB5] =	sst s8  }
0x11: {  	[smem:$0x3FB6] =	sst s9;
	s0 =	simm.s32 @!p0 $0x0  }
0x12: {  	s1 =	sld [smem:$0x3F9C];
	s0 =	simm.s32 @p0 $0x1  }
0x13: {  	[smem:$0x3FB7] =	sst s0;
	s0 =	simm.s32 @!p1 $0x0  }
0x14: {  	s2 =	sld [smem:$0x3F9B];
	s0 =	simm.s32 @p1 $0x1  }
0x15: {  	[smem:$0x3FB8] =	sst s0;
	s0 =	simm.s32 @!p2 $0x0  }
0x16: {  	s3 =	sld [smem:$0x3FDB];
	s0 =	simm.s32 @p2 $0x1  }
0x17: {  	s4 =	simm.s32 $0x1BF5;
	[smem:$0x3FBA] =	sst s0  }
0x18: {  	s0 =	sld [smem:$0x3F9D];
	_ =	swait.ge [sflag:s4], $0x0  }
0x19: {  	s7 =	sld [smem:$0x3F9E]  }
0x1a: {  	s8 =	sadd.s32 $0xFFFFE003, lr  }
0x1b: {  	s9 =	sadd.s32 $0xFFFFFEF7, lr;
	s5 =	simm.s32 $0xFFFFFFFF;
	p2 =	slt.u32 s8, $0xFFFFF086  }
0x1c: {  	p1 =	slt.u32 s9, $0xF7A;
	s5 =	simm.s32 @!p2 $0x0  }
0x1d: {  	s5 =	simm.s32 @p1 $0x1;
	p0 =	seq.s32 s7, s2  }
0x1e: {  	s7 =	smul.u32 @!p0 $0xF7A, s2;
	p2 =	seq.s32 @!p0 s5, $0x0  }
0x1f: {  	s9 =	smul.u32 $0xF7A, s1;
	s8 =	simm.s32 @!p0 $0x1BF5;
	p2 =	por !p2, p0  }
0x20: {  	[sflag:s8] =	ssyncset.s32 @!p0 $0xFFFFF086;
	s6 =	sadd.s32 @!p0 s3, s7;
	s7 =	simm.s32 @!p0 $0x108  }
0x21: {  	s3 =	sadd.s32 s3, s9;
	s6 =	sadd.s32 @!p0 $0x88, s6;
	s7 =	simm.s32 @p2 $0x1082  }
0x22: {  	[simem:s7], [sflag:s8] =	dma.local @!p0 [hbm:s6], $0xF7A  }
0x23: {  	s9 =	sor.u32 $0xD0000000, s2;
	s6 =	simm.s32 $0x108;
	_ =	swait.ge @!p0 [sflag:s8], $0x0  }
0x24: {  	s3 =	sadd.s32 $0x88, s3;
	s6 =	simm.s32 @!p1 $0x1082;
	[sflag:s4] =	ssyncset.s32 $0xFFFFF086  }
0x25: {  	[simem:s6], [sflag:s4] =	dma.local [hbm:s3], $0xF7A  }
0x26: {  	[smem:$0x3F9E] =	sst s1;
	(tag) =	ssettag s2;
	_ =	strace s9  }
0x27: {  	s1 =	sld [smem:$0x3FAE]  }
0x28: {  	s2 =	sld [smem:$0x3FAF]  }
0x29: {  	s4 =	sld [smem:$0x3FB1]  }
0x2a: {  	p0 =	seq.s32 s5, $0x0;
	s5 =	sld [smem:$0x3FB2]  }
0x2b: {  	s6 =	sld [smem:$0x3FB3]  }
0x2c: {  	s7 =	sld [smem:$0x3FB4]  }
0x2d: {  	s3 =	simm.s32 $0x108;
	s8 =	sld [smem:$0x3FB5]  }
0x2e: {  	s3 =	simm.s32 @!p0 $0x1082;
	s9 =	sld [smem:$0x3FB6]  }
0x2f: {  	lr =	sadd.s32 s0, s3;
	s0 =	sld [smem:$0x3FAD]  }
0x30: {  	s3 =	sld [smem:$0x3FB0]  }
0x31: {  	[smem:$0x3FB9] =	sst s10  }
0x32: {  	s10 =	sld [smem:$0x3FB7];
	_ =	sdelay $0x3  }
0x33: {  	p0 =	seq.s32 s10, $0x1;
	s10 =	sld [smem:$0x3FB9];
	_ =	sdelay $0x3  }
0x34: {  	[smem:$0x3FB9] =	sst s10  }
0x35: {  	s10 =	sld [smem:$0x3FB8];
	_ =	sdelay $0x3  }
0x36: {  	p1 =	seq.s32 s10, $0x1;
	s10 =	sld [smem:$0x3FB9];
	_ =	sdelay $0x3  }
0x37: {  	[smem:$0x3FB9] =	sst s10  }
0x38: {  	s10 =	sld [smem:$0x3FBA]  }
0x39: {  	_ = 	snop;
	(pc) =	sbr.ind lr, $3  }
0x3a: {  	_ = 	snop  }
0x3b: {  	_ = 	snop  }
0x3c: {  	p2 =	seq.s32 s10, $0x1;
	s10 =	sld [smem:$0x3FB9]  }
0x3d: {  	_ =	shalt  }
0x3e: {  	_ =	shalt  }
0x3f: {  	_ =	shalt  }
0x40: {  	_ =	shalt  }
0x41: {  	_ =	shalt  }
0x42: {  	_ =	shalt  }
0x43: {  	_ =	shalt  }
0x44: {  	_ =	shalt  }
0x45: {  	_ =	shalt  }
0x46: {  	_ =	shalt  }
0x47: {  	_ =	shalt  }
0x48: {  	_ =	shalt  }
0x49: {  	_ =	shalt  }
0x4a: {  	_ =	shalt  }
0x4b: {  	_ =	shalt  }
0x4c: {  	_ =	shalt  }
0x4d: {  	_ =	shalt  }
0x4e: {  	_ =	shalt  }
0x4f: {  	_ =	shalt  }
0x50: {  	_ =	shalt  }
0x51: {  	_ =	shalt  }
0x52: {  	_ =	shalt  }
0x53: {  	_ =	shalt  }
0x54: {  	_ =	shalt  }
0x55: {  	_ =	shalt  }
0x56: {  	_ =	shalt  }
0x57: {  	_ =	shalt  }
0x58: {  	_ =	shalt  }
0x59: {  	_ =	shalt  }
0x5a: {  	_ =	shalt  }
0x5b: {  	_ =	shalt  }
0x5c: {  	_ =	shalt  }
0x5d: {  	_ =	shalt  }
0x5e: {  	_ =	shalt  }
0x5f: {  	_ =	shalt  }
0x60: {  	_ =	shalt  }
0x61: {  	_ =	shalt  }
0x62: {  	_ =	shalt  }
0x63: {  	_ =	shalt  }
0x64: {  	_ =	shalt  }
0x65: {  	_ =	shalt  }
0x66: {  	_ =	shalt  }
0x67: {  	_ =	shalt  }
0x68: {  	_ =	shalt  }
0x69: {  	_ =	shalt  }
0x6a: {  	_ =	shalt  }
0x6b: {  	_ =	shalt  }
0x6c: {  	_ =	shalt  }
0x6d: {  	_ =	shalt  }
0x6e: {  	_ =	shalt  }
0x6f: {  	_ =	shalt  }
0x70: {  	_ =	shalt  }
0x71: {  	_ =	shalt  }
0x72: {  	_ =	shalt  }
0x73: {  	_ =	shalt  }
0x74: {  	_ =	shalt  }
0x75: {  	_ =	shalt  }
0x76: {  	_ =	shalt  }
0x77: {  	_ =	shalt  }
0x78: {  	_ =	shalt  }
0x79: {  	_ =	shalt  }
0x7a: {  	_ =	shalt  }
0x7b: {  	_ =	shalt  }
0x7c: {  	_ =	shalt  }
0x7d: {  	_ =	shalt  }
0x7e: {  	_ =	shalt  }
0x7f: {  	_ =	shalt  }
0x80: {  	_ =	shalt  }
0x81: {  	_ =	shalt  }
0x82: {  	_ =	shalt  }
0x83: {  	_ =	shalt  }
0x84: {  	_ =	shalt  }
0x85: {  	_ =	shalt  }
0x86: {  	_ =	shalt  }
0x87: {  	_ =	shalt  }
.Lfunc_end0:
.L_simem_size_0:
called_computation_lowered:
.L_overlay_start_0:
0x88: {  	s2 =	sld [smem:$0x3FD9]  }
0x89: {  	s3 =	sld [smem:$0x3FFE];
	_ =	sdelay $0x1  }
0x8a: {  	s1 =	srdreg.scid  }
0x8b: {  	s0 =	sand.u32 $0x1, s1  }
0x8c: {  	s17 =	sshll.u32 s0, $0xA;
	s2 =	sadd.s32 s3, s2  }
0x8d: {  	s2 =	sadd.s32 s2, s17  }
0x8e: {  	[smem:$0x3FC5] =	sst s2  }
0x8f: {  	_ = 	snop  }
0x90: {  	s2 =	sld [smem:$0x3FD0];
	(tm) =	ssettm $0x1  }
0x91: {  	s18 =	sld [smem:$0x3FFB];
	_ =	sdelay $0x3  }
0x92: {  	_ =	strace s18  }
0x93: {  	s3 =	sld [smem:$0x3FFC];
	_ =	sdelay $0x3  }
0x94: {  	_ =	strace s3  }
0x95: {  	s3 =	sld [smem:$0x3FFD];
	_ =	sdelay $0x3  }
0x96: {  	_ =	strace s3  }
0x97: {  	_ =	strace $0x8FFFFFFF  }
0x98: {  	s19 =	sld [smem:$0x3FDB];
	_ =	sdelay $0x1  }
0x99: {  	s4 =	simm.s32 $_scs_section_size  }
0x9a: {  	s5 =	simm.s32 $_size__tile_overlayer_lowered;
	s6 =	simm.s32 $_tile_overlayer_lowered  }
0x9b: {  	s22 =	simm.s32 $0x1BFF;
	s21 =	sshll.u32 s6, $0x1;
	s3 =	sadd.s32 s4, s19  }
0x9c: {  	s7 =	simm.s32 $0x0;
	s20 =	sshll.u32 s5, $0x1;
	s5 =	sadd.s32 s21, s3  }
0x9d: {  	[timem:s7], [sflag:s22] =	dma.local [hbm:s5], s20  }
0x9e: {  	_ =	swait.ge [sflag:s22], s20  }
0x9f: {  	s4 =	ssub.s32 $0x0, s20;
	[sflag:s22] =	ssyncset.done $0x0  }
0xa0: {  	[sflag:s22] =	ssyncadd.s32 s4;
	_ =	sdelay $0x1  }
0xa1: {  	s23 =	simm.s32 $0x1B8B  }
0xa2: {  	_ =	swait.ge [sflag:s23], $0x1  }
0xa3: {  	[sflag:s23] =	ssyncset.done $0x0  }
0xa4: {  	s25 =	simm.s32 $0x1B8E;
	s24 =	sld [smem:$0x3FFE];
	[sflag:s23] =	ssyncadd.s32 $0xFFFFFFFF  }
0xa5: {  	s26 =	simm.s32 $execute0_lowered;
	[smem:$0x3FD2] =	sst s25  }
0xa6: {  	s5 =	sshll.u32 s26, $0x1;
	_ =	strace $0x80000046;
	[dreg:$0x1] =	wrdreg $0xFFFFFFFF  }
0xa7: {  	s28 =	simm.s32 $_size_execute0_lowered;
	s3 =	sadd.s32 s3, s5;
	[dreg:$0x0] =	wrdreg $0x0  }
0xa8: {  	s5 =	sshll.u32 s28, $0x1;
	[dreg:$0x2] =	wrdreg s3  }
0xa9: {  	[dreg:$0x3] =	wrdreg s5  }
0xaa: {  	[dreg:$0x4] =	wrdreg $0xC0  }
0xab: {  	_ =	task [dreg:s7], $0x5FFFF  }
0xac: {  	[dreg:$0x1] =	wrdreg $0xFFFFFFFF  }
0xad: {  	[dreg:$0x0] =	wrdreg $0x60  }
0xae: {  	[dreg:$0x2] =	wrdreg s24  }
0xaf: {  	[dreg:$0x3] =	wrdreg s2  }
0xb0: {  	[dreg:$0x4] =	wrdreg $0x9  }
0xb1: {  	_ =	task.clear_ibuf [dreg:s7], $0x5FFFF;
	_ =	strace $0x90000046  }
0xb2: {  	s29 =	simm.s32 $0x9;
	_ =	strace $0x80000048  }
0xb3: {  	_ =	swait.ge [sflag:s29], $0x1  }
0xb4: {  	[sflag:s29] =	ssyncadd.s32 $0xFFFFFFFF  }
0xb5: {  	_ =	strace $0x90000048  }
0xb6: {  	_ =	sfence  }
0xb7: {  	s30 =	sld [smem:$0x0];
	_ =	sdelay $0x2  }
0xb8: {  	s31 =	sshll.u32 s1, $0xD;
	s1 =	sshrl.u32 s1, $0x2  }
0xb9: {  	s3 =	sand.u32 $0x4000, s31;
	s1 =	sadd.s32 s1, s30  }
0xba: {  	s0 =	sor.u32 s3, s0;
	s1 =	sshll.u32 s1, $0x11  }
0xbb: {  	s0 =	sor.u32 s1, s0  }
0xbc: {  	s0 =	sadd.s32 $0x8F2B, s0  }
0xbd: {  	[sflag:s0] =	ssyncadd.remote.s32 $0x1  }
0xbe: {  	_ =	sfence.sel $0xFFFF  }
0xbf: {  	[dreg:$0x0] =	wrdreg $0xFFFFFFFF;
	(pc) =	sbr.abs _section_cstart, $3  }
0xc0: {  	[dreg:$0x1] =	wrdreg $0xFFFFFFFF  }
0xc1: {  	_ =	task.clear_ibuf [dreg:s7], $0x2FFFF;
	_ =	strace $0x9FFFFFFF  }
0xc2: {  	(tm) =	ssettm $0x7FFFFFFF  }
0xc3: {  	_ =	shalt  }
tec
execute0_lowered:
.L_overlay_start_1:
0x0: {  	(tag) =	ssettag $0x1  }
0x1: {  	s0 =	rddreg [dreg:$0x0]  }
0x2: {  	s3 =	stileid.u32;
	s6 =	simm.s32 $0x0;
	s1 =	srdreg.scid  }
0x3: {  	s13 =	simm.s32 $0x19000;
	s14 =	simm.s32 $0x19800;
	s15 =	simm.s32 $0x19880  }
0x4: {  	s16 =	simm.s32 $0x19900;
	s17 =	simm.s32 $0x19980;
	s18 =	simm.s32 $0x19A00  }
0x5: {  	s2 =	sshll.u32 s3, $0x1;
	s3 =	sshrl.u32 s3, $0x1;
	s1 =	sand.u32 $0x1, s1  }
0x6: {  	[smem:$0x7FF] =	sst s6;
	s5 =	sadd.s32 $0x1200, s0;
	s2 =	sand.u32 $0x2, s2  }
0x7: {  	s4 =	smul.u32 $0x2800, s3;
	_ =	strace $0x80000047;
	[dreg:$0x3] =	wrdreg s5  }
0x8: {  	s3 =	smul.u32 $0x50, s3;
	s2 =	sor.u32 s1, s2;
	s1 =	ssub.s32 $0x2, s1  }
0x9: {  	s2 =	smul.u32 $0x14, s2;
	s4 =	sadd.s32 s4, s0;
	s0 =	sadd.s32 $0x1A5200, s0  }
0xa: {  	v0 =	vlaneseq.u32;
	s28 =	sshrl.u32 s1, $0x1;
	[dreg:$0x4] =	wrdreg s0;
	s30 =	sadd.s32 $0x191200, s4  }
0xb: {  	v3 =	vmul.u32 $0xFFFFFFFF, v0;
	s29 =	ssub.s32 s1, s28;
	[dreg:$0x5] =	wrdreg s30;
	s31 =	sadd.s32 s3, s2  }
0xc: {  	v1 =	vimm.s32 $0x0;
	v2 =	vimm.s32 $0x1;
	v5 =	vimm.f32 $-Inf;
	s1 =	simm.s32 $0x0;
	s0 =	smax.u32 s29, $0x1;
	[dreg:$0x6] =	wrdreg s31  }
0xd: {  	v6 =	vimm.f32 $0.0e+00;
	v4 =	vor.u32 $0x80000000, v0;
	v3 =	vadd.s32 $0xF, v3;
	s2 =	simm.s32 $0x5000;
	s3 =	simm.s32 $0x1;
	[dreg:$0x7] =	wrdreg s0  }
.LBB2_1:
0xe: {  	[dreg:$0x8] =	wrdreg s1  }
0xf: {  	s0 =	rddreg [dreg:$0x5]  }
0x10: {  	[tilespmem:s2], [sflag:$0x1] =	stream.linear.gather [hbm4b:s0+s6], $0x14000, $0x38;
	[tilespmem:$0x19C80] =	vst v63  }
0x11: {  	_ =	swait.ge [sflag:s3], $0x14000  }
0x12: {  	[sflag:s3] =	ssyncset.done $0x0  }
0x13: {  	s1 =	simm.s32 $0x0;
	[sflag:s3] =	ssyncadd.s32 $0xFFFEC000  }
.LBB2_2:
0x14: {  	s0 =	rddreg [dreg:$0x6]  }
0x15: {  	[dreg:$0x9] =	wrdreg s1;
	s0 =	sadd.s32 s1, s0  }
0x16: {  	s1 =	sshrl.u32 s0, $0x3;
	[dreg:$0xa] =	wrdreg s0  }
0x17: {  	s0 =	sshll.u32 s0, $0x7;
	[dreg:$0xb] =	wrdreg s1;
	s1 =	smul.u32 $0x28000, s1  }
0x18: {  	s0 =	sand.u32 $0x380, s0  }
0x19: {  	[dreg:$0xc] =	wrdreg s0;
	s0 =	sor.u32 s0, s1  }
0x1a: {  	s30 =	rddreg [dreg:$0x3];
	s0 =	sshrl.u32 s0, $0x3  }
0x1b: {  	s31 =	simm.s32 $0x80;
	s2 =	simm.s32 $0x400;
	s0 =	sadd.s32 s30, s0  }
0x1c: {  	[tilespmem:s6], [sflag:$0x1] =	stream.strided.gather [hbm4b:s0+s31], $0x5000, s2, s31, $0x38;
	[tilespmem:$0x19C80] =	vst v63  }
0x1d: {  	_ =	swait.ge [sflag:s3], $0x5000  }
0x1e: {  	[sflag:s3] =	ssyncset.done $0x0  }
0x1f: {  	s0 =	simm.s32 $0x19040;
	[sflag:s3] =	ssyncadd.s32 $0xFFFFB000  }
0x20: {  	[tilespmem:s0+$0xFFFFFFC0] =	vst v1  }
0x21: {  	[tilespmem:s0+$0x30] =	vst v1  }
0x22: {  	[tilespmem:s0+$0x20] =	vst v1  }
0x23: {  	[tilespmem:s0+$0x10] =	vst v1  }
0x24: {  	[tilespmem:s0+$0x0] =	vst v1  }
0x25: {  	[tilespmem:s0+$0xFFFFFFF0] =	vst v1  }
0x26: {  	s1 =	simm.s32 $0x0;
	s2 =	simm.s32 $0x20;
	[tilespmem:s0+$0xFFFFFFE0] =	vst v1  }
.LBB2_3:
0x27: {  	s1 =	sadd.s32 $0x8, s1;
	[tilespmem:s0+$0xFFFFFFD0] =	vst v1;
	s0 =	sadd.s32 $0x80, s0;
	s3 =	simm.s32 $0xFFFFFFFC  }
0x28: {  	[tilespmem:s0+$0xFFFFFFC0] =	vst v1;
	p0 =	slt.u32 s1, $0x78  }
0x29: {  	[tilespmem:s0+$0x30] =	vst v1  }
.Ltmp0:
0x2a: {  	[tilespmem:s0+$0x20] =	vst v1;
	(pc) =	sbr.rel @p0 .LBB2_3-.Ltmp0, $4  }
0x2b: {  	[tilespmem:s0+$0x10] =	vst v1  }
0x2c: {  	[tilespmem:s0+$0x0] =	vst v1  }
0x2d: {  	[tilespmem:s0+$0xFFFFFFF0] =	vst v1  }
0x2e: {  	[tilespmem:s0+$0xFFFFFFE0] =	vst v1  }
0x2f: {  	[tilespmem:s0+$0xFFFFFFD0] =	vst v1  }
.LBB2_5:
0x30: {  	v7 =	vld [tilespmem:s2+$0xFFFFFFE0];
	_ =	sdelay $0x4  }
0x31: {  	v7 =	vshrl.u32 v7, $0x15;
	_ =	sdelay $0x4  }
0x32: {  	[tilespmem:v7+s13+$0x0] =	vst.idx.add.s32.msk $0xffff, v2  }
0x33: {  	v7 =	vld [tilespmem:s2+$0xFFFFFFF0];
	_ =	sdelay $0x4  }
0x34: {  	v7 =	vshrl.u32 v7, $0x15;
	_ =	sdelay $0x4  }
0x35: {  	[tilespmem:v7+s13+$0x0] =	vst.idx.add.s32.msk $0xffff, v2  }
0x36: {  	v7 =	vld [tilespmem:s2+$0x0];
	_ =	sdelay $0x4  }
0x37: {  	v7 =	vshrl.u32 v7, $0x15;
	_ =	sdelay $0x4  }
0x38: {  	[tilespmem:v7+s13+$0x0] =	vst.idx.add.s32.msk $0xffff, v2  }
0x39: {  	v7 =	vld [tilespmem:s2+$0x10];
	_ =	sdelay $0x3  }
0x3a: {  	s3 =	sadd.s32 $0x4, s3  }
0x3b: {  	p0 =	slt.u32 s3, $0x4FC;
	v7 =	vshrl.u32 v7, $0x15  }
.Ltmp1:
0x3c: {  	_ = 	snop;
	(pc) =	sbr.rel @p0 .LBB2_5-.Ltmp1, $3  }
0x3d: {  	_ =	sdelay $0x1  }
0x3e: {  	s26 =	simm.s32 $0xFFFFFFFF;
	s25 =	simm.s32 $0x40000000;
	s1 =	simm.s32 $0x0  }
0x3f: {  	s0 =	simm.s32 $0x7F0;
	s4 =	simm.s32 $0x197F0;
	s2 =	sadd.s32 $0x40, s2;
	[tilespmem:v7+s13+$0x0] =	vst.idx.add.s32.msk $0xffff, v2  }
0x40: {  	v7 =	vld [tilespmem:s4+$0x0];
	_ =	sdelay $0x3  }
0x41: {  	v8 =	vld [tilespmem:s4+$0xFFFFFFF0]  }
0x42: {  	v7 =	vperm.xlane v7, v3;
	_ =	sdelay $0x1  }
0x43: {  	(xrf0) =	vadd.scan.msk.s32 $0xffff, v7;
	_ =	sdelay $0x1  }
0x44: {  	v8 =	vperm.xlane v8, v3;
	v7 =	vld [tilespmem:s4+$0xFFFFFFD0]  }
0x45: {  	v9 =	vld [tilespmem:s4+$0xFFFFFFE0];
	_ =	sdelay $0x2  }
0x46: {  	(xrf0) =	vadd.scan.msk.s32 $0xffff, v8;
	v8, _, _ =	vpop (xrf0)  }
0x47: {  	s2 =	simm.s32 $0x197B0;
	v7 =	vperm.xlane v7, v3;
	v10 =	vxor.u32 $0x80000000, v8  }
0x48: {  	v9 =	vperm.xlane v9, v3;
	(xrf0) =	vmax.scan.msk.u32 $0xffff, v10;
	v10 =	vld [tilespmem:s2+$0x0]  }
0x49: {  	(xrf0) =	vadd.scan.msk.s32 $0xffff, v7  }
0x4a: {  	(xrf0) =	vadd.scan.msk.s32 $0xffff, v9;
	_ =	sdelay $0x1  }
0x4b: {  	v7, _, _ =	vpop (xrf0)  }
0x4c: {  	v9 =	vxor.u32 $0x80000000, v7;
	v10 =	vperm.xlane v10, v3  }
0x4d: {  	(xrf0) =	vmax.scan.msk.u32 $0xffff, v9;
	v9 =	vld [tilespmem:s2+$0xFFFFFFF0];
	v11, _, _ =	vpop (xrf0)  }
0x4e: {  	v12, _, _ =	vpop (xrf0);
	(xrf0) =	vadd.scan.msk.s32 $0xffff, v10  }
0x4f: {  	(v2sf) =	vpush v11, $0xF;
	v11, _, _ =	vpop (xrf0)  }
0x50: {  	v10 =	vxor.u32 $0x80000000, v11;
	_ =	sdelay $0x1  }
0x51: {  	v13 =	vld [tilespmem:s2+$0xFFFFFFD0];
	v9 =	vperm.xlane v9, v3;
	(xrf0) =	vmax.scan.msk.u32 $0xffff, v10  }
0x52: {  	v14 =	vld [tilespmem:s2+$0xFFFFFFE0];
	v10, _, _ =	vpop (xrf0)  }
0x53: {  	(xrf0) =	vadd.scan.msk.s32 $0xffff, v9;
	v9 =	vxor.u32 $0x80000000, v12;
	v15, _, _ =	vpop (xrf0)  }
0x54: {  	(xrf0) =	vmax.scan.msk.u32 $0xffff, v9;
	v9 =	vxor.u32 $0x80000000, v15;
	_ =	sdelay $0x1  }
0x55: {  	(v2sf) =	vpush v10, $0xF;
	v10 =	vperm.xlane v13, v3  }
0x56: {  	s6 =	simm.s32 $0x19770;
	v13 =	vperm.xlane v14, v3;
	(xrf0) =	vmax.scan.msk.u32 $0xffff, v9;
	v9, _, _ =	vpop (xrf0)  }
0x57: {  	(xrf0) =	vadd.scan.msk.s32 $0xffff, v10;
	(v2sf) =	vpush v9, $0xF;
	v9 =	vld [tilespmem:s6+$0x0]  }
0x58: {  	(xrf0) =	vadd.scan.msk.s32 $0xffff, v13;
	_ =	sdelay $0x1  }
0x59: {  	v14 =	vld [tilespmem:s6+$0xFFFFFFF0];
	v13, _, _ =	vpop (xrf0)  }
0x5a: {  	v16, _, _ =	vpop (xrf0)  }
0x5b: {  	v18 =	vxor.u32 $0x80000000, v13;
	v17, _, _ =	vpop (xrf0);
	v9 =	vperm.xlane v9, v3  }
0x5c: {  	(xrf0) =	vmax.scan.msk.u32 $0xffff, v18;
	s3 =	spop (v2sf);
	v10, _, _ =	vpop (xrf0)  }
0x5d: {  	v8 =	vperm.xlane v8, v3;
	v7 =	vperm.xlane v7, v3;
	(v2sf) =	vpush v16, $0xF;
	s3 =	sadd.s32 $0x0, s3;
	v16, _, _ =	vpop (xrf0);
	(xrf0) =	vadd.scan.msk.s32 $0xffff, v9  }
0x5e: {  	v14 =	vperm.xlane v14, v3;
	s3 =	sadd.s32 $0x80000000, s3;
	v18 =	vxor.u32 $0x80000000, v16  }
0x5f: {  	v8 =	vadd.s32 s1, v8;
	(v2sf) =	vpush v17, $0xF;
	v7 =	vadd.s32 s3, v7;
	v9 =	vld [tilespmem:s6+$0xFFFFFFD0];
	(xrf0) =	vmax.scan.msk.u32 $0xffff, v18  }
0x60: {  	v17 =	vld [tilespmem:s6+$0xFFFFFFE0];
	vm0 =	vgt.s32 v7, $0x63;
	v7 =	vxor.u32 $0x80000000, v7;
	(xrf0) =	vadd.scan.msk.s32 $0xffff, v14;
	v14 =	vxor.u32 $0x80000000, v10  }
0x61: {  	s7 =	simm.s32 $0x7E0;
	vm1 =	vgt.s32 v8, $0x63;
	v8 =	vxor.u32 $0x80000000, v8;
	v7 =	vnsel vm0, $0xC0000000, v7;
	(xrf0) =	vmax.scan.msk.u32 $0xffff, v14  }
0x62: {  	v8 =	vnsel vm1, $0xC0000000, v8;
	v14 =	vor.u32 s0, v4;
	v18, _, _ =	vpop (xrf0);
	(xrf0) =	vmin.scan.msk.u32 $0xffff, v7;
	v7 =	vor.u32 s7, v4  }
0x63: {  	s8 =	spop (v2sf);
	v14 =	vnsel vm1, $0x7FFFFFFF, v14;
	(v2sf) =	vpush v18, $0xF;
	(xrf0) =	vmin.scan.msk.u32 $0xffff, v8;
	v8 =	vperm.xlane v11, v3;
	v18, _, _ =	vpop (xrf0)  }
0x64: {  	s0 =	sadd.s32 s8, s3;
	v7 =	vnsel vm0, $0x7FFFFFFF, v7;
	v9 =	vperm.xlane v9, v3;
	(xrf0) =	vmax.scan.msk.u32 $0xffff, v14;
	v11 =	vxor.u32 $0x80000000, v18  }
0x65: {  	s0 =	sadd.s32 $0x80000000, s0;
	(xrf0) =	vmax.scan.msk.u32 $0xffff, v7;
	v7 =	vperm.xlane v17, v3;
	s9 =	spop (v2sf)  }
0x66: {  	v12 =	vperm.xlane v12, v3;
	v14, _, _ =	vpop (xrf0);
	v8 =	vadd.s32 s0, v8;
	s1 =	sadd.s32 s9, s0  }
0x67: {  	(xrf0) =	vmax.scan.msk.u32 $0xffff, v11;
	vm0 =	vgt.s32 v8, $0x63;
	v8 =	vxor.u32 $0x80000000, v8;
	v11, _, _ =	vpop (xrf0);
	s1 =	sadd.s32 $0x80000000, s1  }
0x68: {  	s10 =	simm.s32 $0x7D0;
	(v2sf) =	vpush v14, $0xF;
	(xrf0) =	vadd.scan.msk.s32 $0xffff, v9;
	v8 =	vnsel vm0, $0xC0000000, v8;
	v9, _, _ =	vpop (xrf0);
	v12 =	vadd.s32 s1, v12  }
0x69: {  	s11 =	simm.s32 $0x19730;
	v14 =	vperm.xlane v15, v3;
	v15 =	vor.u32 s10, v4;
	(xrf0) =	vadd.scan.msk.s32 $0xffff, v7;
	v7, _, _ =	vpop (xrf0);
	vm1 =	vgt.s32 v12, $0x63  }
0x6a: {  	v17 =	vld [tilespmem:s11+$0x0];
	v20, _, _ =	vpop (xrf0);
	(v2sf) =	vpush v7, $0xF;
	(xrf0) =	vmin.scan.msk.u32 $0xffff, v8;
	v7 =	vxor.u32 $0x80000000, v12;
	v12 =	vnsel vm0, $0x7FFFFFFF, v15  }
0x6b: {  	v19 =	vxor.u32 $0x80000000, v11;
	v8, _, _ =	vpop (xrf0)  }
0x6c: {  	s12 =	simm.s32 $0x7C0;
	s21 =	spop (v2sf);
	(xrf0) =	vmax.scan.msk.u32 $0xffff, v19;
	(v2sf) =	vpush v20, $0xF;
	v21, _, _ =	vpop (xrf0)  }
0x6d: {  	s1 =	sadd.s32 s21, s1;
	v15 =	vor.u32 s12, v4;
	v19 =	vld [tilespmem:s11+$0xFFFFFFF0];
	(v2sf) =	vpush v8, $0xF;
	(xrf0) =	vmax.scan.msk.u32 $0xffff, v12;
	v12, _, _ =	vpop (xrf0)  }
0x6e: {  	v13 =	vperm.xlane v13, v3;
	s22 =	spop (v2sf);
	s1 =	sadd.s32 $0x80000000, s1;
	v15 =	vnsel vm1, $0x7FFFFFFF, v15;
	(v2sf) =	vpush v21, $0xF;
	v8, _, _ =	vpop (xrf0)  }
0x6f: {  	v17 =	vperm.xlane v17, v3;
	s2 =	sadd.s32 s22, s1;
	v23 =	vnsel vm1, $0xC0000000, v7;
	(xrf0) =	vmax.scan.msk.u32 $0xffff, v15;
	(v2sf) =	vpush v9, $0xF;
	v7, _, _ =	vpop (xrf0)  }
0x70: {  	v14 =	vadd.s32 s1, v14;
	s23 =	sadd.s32 $0x80000000, s2;
	v9 =	vperm.xlane v18, v3;
	(xrf0) =	vmin.scan.msk.u32 $0xffff, v23;
	(v2sf) =	vpush v12, $0xF;
	v12, _, _ =	vpop (xrf0)  }
0x71: {  	(xrf0) =	vadd.scan.msk.s32 $0xffff, v17;
	v18 =	vxor.u32 $0x80000000, v7;
	(v2sf) =	vpush v12, $0xF;
	v12 =	vadd.s32 s23, v13  }
0x72: {  	v19 =	vperm.xlane v19, v3;
	vm1 =	vgt.s32 v12, $0x63;
	v12 =	vxor.u32 $0x80000000, v12  }
0x73: {  	v17, _, _ =	vpop (xrf0);
	(xrf0) =	vmax.scan.msk.u32 $0xffff, v18;
	v12 =	vnsel vm1, $0xC0000000, v12  }
0x74: {  	v15 =	vperm.xlane v16, v3;
	v16 =	vld [tilespmem:s11+$0xFFFFFFE0];
	v18 =	vxor.u32 $0x80000000, v8;
	(v2sf) =	vpush v17, $0xF;
	v13, _, _ =	vpop (xrf0);
	(xrf0) =	vadd.scan.msk.s32 $0xffff, v19  }
0x75: {  	s19 =	simm.s32 $0x7B0;
	vm0 =	vgt.s32 v14, $0x63;
	s24 =	spop (v2sf);
	v17 =	vld [tilespmem:s11+$0xFFFFFFD0];
	(v2sf) =	vpush v13, $0xF;
	(xrf0) =	vmax.scan.msk.u32 $0xffff, v18;
	v13 =	vxor.u32 $0x80000000, v14;
	v14, _, _ =	vpop (xrf0)  }
0x76: {  	v63 =	vor.u32 s19, v4;
	(xrf0) =	vmin.scan.msk.u32 $0xffff, v12;
	(v2sf) =	vpush v14, $0xF;
	v12, _, _ =	vpop (xrf0)  }
0x77: {  	s20 =	simm.s32 $0x7A0;
	s0 =	sadd.s32 s24, s23;
	v18 =	vnsel vm0, $0x7FFFFFFF, v63;
	v19 =	vnsel vm0, $0xC0000000, v13;
	s30 =	spop (v2sf);
	(v2sf) =	vpush v12, $0xF;
	v12, _, _ =	vpop (xrf0)  }
0x78: {  	v22 =	vor.u32 s20, v4;
	s0 =	sadd.s32 $0x80000000, s0;
	(xrf0) =	vmin.scan.msk.u32 $0xffff, v19;
	v19 =	vperm.xlane v10, v3;
	v10 =	vxor.u32 $0x80000000, v12  }
0x79: {  	s29 =	simm.s32 $0x790;
	s28 =	simm.s32 $0x770;
	v14 =	vnsel vm1, $0x7FFFFFFF, v22;
	v13 =	vperm.xlane v16, v3;
	v16 =	vadd.s32 s0, v15;
	s0 =	sadd.s32 s30, s0;
	(xrf0) =	vmax.scan.msk.u32 $0xffff, v18  }
0x7a: {  	s6 =	simm.s32 $0x196F0;
	s7 =	simm.s32 $0x780;
	v15 =	vor.u32 s29, v4;
	vm1 =	vgt.s32 v16, $0x63;
	s3 =	sadd.s32 $0x80000000, s0;
	v17 =	vperm.xlane v17, v3;
	(xrf0) =	vmax.scan.msk.u32 $0xffff, v14;
	v18, _, _ =	vpop (xrf0)  }
0x7b: {  	s8 =	simm.s32 $0x10;
	s1 =	simm.s32 $0x740;
	v16 =	vxor.u32 $0x80000000, v16;
	(xrf0) =	vmax.scan.msk.u32 $0xffff, v10;
	(v2sf) =	vpush v18, $0xF;
	v18 =	vadd.s32 s3, v19;
	s31 =	spop (v2sf);
	v10, _, _ =	vpop (xrf0)  }
0x7c: {  	s2 =	simm.s32 $0x750;
	vm0 =	vgt.s32 v18, $0x63;
	s0 =	sxor.u32 $0x80000000, s31;
	s11 =	spop (v2sf);
	(xrf0) =	vadd.scan.msk.s32 $0xffff, v17;
	v17 =	vnsel vm1, $0xC0000000, v16;
	v16 =	vxor.u32 $0x80000000, v18;
	v14, _, _ =	vpop (xrf0)  }
.LBB2_7:
0x7d: {  	s8 =	sadd.s32 $0x4, s8;
	v18 =	vld [tilespmem:s6+$0x0];
	(xrf0) =	vadd.scan.msk.s32 $0xffff, v13;
	v13 =	vnsel vm1, $0x7FFFFFFF, v15;
	v15, _, _ =	vpop (xrf0);
	s4 =	spop (v2sf);
	v19 =	vmov v8;
	s5 =	sadd.s32 $0xFFFFFFF0, s28  }
0x7e: {  	v8 =	vxor.u32 $0x80000000, v10;
	s11 =	sxor.u32 $0x80000000, s11;
	v20, _, _ =	vpop (xrf0);
	(v2sf) =	vpush v15, $0xF;
	(xrf0) =	vmin.scan.msk.u32 $0xffff, v17;
	s10 =	sxor.u32 $0x80000000, s4;
	s4 =	spop (v2sf)  }
0x7f: {  	p0 =	slt.s32 s25, s11;
	(xrf0) =	vmax.scan.msk.u32 $0xffff, v8;
	v8 =	vor.u32 s7, v4;
	s7 =	spop (v2sf)  }
0x80: {  	v15, _, _ =	vpop (xrf0);
	(v2sf) =	vpush v20, $0xF;
	s4 =	sxor.u32 $0x80000000, s4;
	p1 =	sgt.s32 s26, s10;
	s11 =	smov.u32 @p0 s25  }
0x81: {  	v21 =	vor.u32 s5, v4;
	v20 =	vor.u32 s28, v4;
	s28 =	sadd.s32 $0xFFFFFFC0, s28;
	v17 =	vld [tilespmem:s6+$0xFFFFFFF0];
	s3 =	sadd.s32 s7, s3;
	(v2sf) =	vpush v15, $0xF;
	v15, _, _ =	vpop (xrf0);
	(xrf0) =	vmax.scan.msk.u32 $0xffff, v13;
	s10 =	smov.u32 @p1 s26  }
0x82: {  	v16 =	vnsel vm0, $0xC0000000, v16;
	v22 =	vnsel vm0, $0x7FFFFFFF, v8;
	v13, _, _ =	vpop (xrf0);
	s5 =	spop (v2sf);
	s3 =	sadd.s32 $0x80000000, s3;
	(v2sf) =	vpush v15, $0xF;
	p0 =	sgt.s32 s10, s4  }
0x83: {  	v11 =	vperm.xlane v11, v3;
	v23 =	vperm.xlane v18, v3;
	v8, _, _ =	vpop (xrf0);
	s5 =	sadd.s32 s5, s3;
	(v2sf) =	vpush v14, $0xF;
	(xrf0) =	vmax.scan.msk.u32 $0xffff, v22;
	s7 =	spop (v2sf);
	s4 =	smov.u32 @p0 s10  }
0x84: {  	v14 =	vadd.s32 s3, v9;
	v9 =	vperm.xlane v12, v3;
	v18 =	vperm.xlane v7, v3;
	p0 =	slt.s32 s11, s0;
	v7, _, _ =	vpop (xrf0);
	s3 =	spop (v2sf);
	(xrf0) =	vmin.scan.msk.u32 $0xffff, v16;
	s7 =	sxor.u32 $0x80000000, s7  }
0x85: {  	vm0 =	vgt.s32 v14, $0x63;
	s5 =	sadd.s32 $0x80000000, s5;
	s0 =	smov.u32 @p0 s11;
	v12 =	vld [tilespmem:s6+$0xFFFFFFE0];
	v16 =	vxor.u32 $0x80000000, v7;
	(v2sf) =	vpush v13, $0xF;
	v13, _, _ =	vpop (xrf0);
	s10 =	spop (v2sf)  }
0x86: {  	v24 =	vadd.s32 s5, v11;
	s3 =	sadd.s32 s3, s5;
	p1 =	slt.s32 s0, s7;
	v17 =	vperm.xlane v17, v3;
	(xrf0) =	vadd.scan.msk.s32 $0xffff, v23;
	v15, _, _ =	vpop (xrf0);
	(v2sf) =	vpush v13, $0xF;
	s5 =	sxor.u32 $0x80000000, s10  }
0x87: {  	vm1 =	vgt.s32 v24, $0x63;
	v22 =	vxor.u32 $0x80000000, v24;
	s7 =	smov.u32 @p1 s0;
	(v2sf) =	vpush v15, $0xF;
	(xrf0) =	vmax.scan.msk.u32 $0xffff, v16;
	v13, _, _ =	vpop (xrf0);
	p0 =	sgt.s32 s4, s5;
	s10 =	spop (v2sf)  }
0x88: {  	v11 =	vmovc v10;
	v23 =	vxor.u32 $0x80000000, v8;
	v16 =	vld [tilespmem:s6+$0xFFFFFFD0];
	(xrf0) =	vadd.scan.msk.s32 $0xffff, v17;
	v17 =	vnsel vm1, $0xC0000000, v22;
	(v2sf) =	vpush v13, $0xF;
	s26 =	sxor.u32 $0x80000000, s10;
	s10 =	spop (v2sf);
	s5 =	smov.u32 @p0 s4  }
0x89: {  	v10 =	vnsel vm0, $0x7FFFFFFF, v20;
	s0 =	sadd.s32 $0x80000000, s3;
	v20 =	vnsel vm1, $0x7FFFFFFF, v21;
	v22 =	vxor.u32 $0x80000000, v14;
	(xrf0) =	vmax.scan.msk.u32 $0xffff, v23;
	v15, _, _ =	vpop (xrf0);
	s25 =	sxor.u32 $0x80000000, s10;
	p0 =	sgt.s32 s5, s26  }
0x8a: {  	v21 =	vnsel vm0, $0xC0000000, v22;
	v13 =	vperm.xlane v12, v3;
	(xrf0) =	vmin.scan.msk.u32 $0xffff, v17;
	(v2sf) =	vpush v15, $0xF;
	v14, _, _ =	vpop (xrf0);
	p1 =	slt.s32 s7, s25;
	s26 =	smov.u32 @p0 s5;
	p0 =	slt.u32 s8, $0x7C  }
.Ltmp2:
0x8b: {  	(xrf0) =	vmin.scan.msk.u32 $0xffff, v21;
	s3 =	spop (v2sf);
	(v2sf) =	vpush v14, $0xF;
	s25 =	smov.u32 @p1 s7;
	(pc) =	sbr.rel @p0 .LBB2_7-.Ltmp2, $4  }
0x8c: {  	v15 =	vor.u32 s2, v4;
	s2 =	sadd.s32 $0xFFFFFFE0, s28;
	v17 =	vperm.xlane v19, v3;
	v14 =	vadd.s32 s0, v18;
	v12, _, _ =	vpop (xrf0);
	s0 =	sadd.s32 s3, s0;
	(xrf0) =	vmax.scan.msk.u32 $0xffff, v10  }
0x8d: {  	s4 =	sadd.s32 $0xFFFFFFD0, s28;
	vm1 =	vgt.s32 v14, $0x63;
	v19 =	vxor.u32 $0x80000000, v12;
	v16 =	vperm.xlane v16, v3;
	v18, _, _ =	vpop (xrf0);
	s3 =	sadd.s32 $0x80000000, s0;
	(xrf0) =	vmax.scan.msk.u32 $0xffff, v20  }
0x8e: {  	s7 =	smov.u32 s1;
	s1 =	smov.u32 s4;
	(xrf0) =	vmax.scan.msk.u32 $0xffff, v19;
	v10, _, _ =	vpop (xrf0);
	(v2sf) =	vpush v18, $0xF;
	v18 =	vxor.u32 $0x80000000, v14;
	v19 =	vadd.s32 s3, v17;
	s0 =	spop (v2sf)  }
0x8f: {  	s6 =	sadd.s32 $0xFFFFFFC0, s6;
	(xrf0) =	vadd.scan.msk.s32 $0xffff, v16;
	v14, _, _ =	vpop (xrf0);
	v17 =	vnsel vm1, $0xC0000000, v18;
	vm0 =	vgt.s32 v19, $0x63;
	v16 =	vxor.u32 $0x80000000, v19;
	s0 =	sxor.u32 $0x80000000, s0;
	s11 =	spop (v2sf)  }
0x90: {  	v18 =	vld [tilespmem:s6+$0x0];
	(xrf0) =	vadd.scan.msk.s32 $0xffff, v13;
	v52, _, _ =	vpop (xrf0)  }
0x91: {  	s5 =	spop (v2sf);
	v19, _, _ =	vpop (xrf0)  }
0x92: {  	v20 =	vxor.u32 $0x80000000, v10;
	v21 =	vld [tilespmem:s6+$0xFFFFFFF0];
	(xrf0) =	vmin.scan.msk.u32 $0xffff, v17;
	s4 =	spop (v2sf);
	v53, _, _ =	vpop (xrf0)  }
0x93: {  	v15 =	vnsel vm1, $0x7FFFFFFF, v15;
	v54 =	vor.u32 s7, v4;
	(xrf0) =	vmax.scan.msk.u32 $0xffff, v20;
	s30 =	spop (v2sf);
	v55, _, _ =	vpop (xrf0)  }
0x94: {  	(v2sf) =	vpush v52, $0xF;
	v57 =	vnsel vm0, $0x7FFFFFFF, v54;
	s3 =	sadd.s32 s30, s3;
	(xrf0) =	vmax.scan.msk.u32 $0xffff, v15;
	v56, _, _ =	vpop (xrf0)  }
0x95: {  	v16 =	vnsel vm0, $0xC0000000, v16;
	(v2sf) =	vpush v19, $0xF;
	s31 =	spop (v2sf);
	s3 =	sadd.s32 $0x80000000, s3;
	(xrf0) =	vmax.scan.msk.u32 $0xffff, v57;
	v58 =	vperm.xlane v18, v3;
	v59, _, _ =	vpop (xrf0)  }
0x96: {  	v60 =	vperm.xlane v11, v3;
	v30 =	vor.u32 s28, v4;
	(v2sf) =	vpush v53, $0xF;
	s7 =	sadd.s32 s31, s3;
	v11, _, _ =	vpop (xrf0);
	(xrf0) =	vmin.scan.msk.u32 $0xffff, v16  }
0x97: {  	(v2sf) =	vpush v55, $0xF;
	v62 =	vperm.xlane v21, v3;
	s7 =	sadd.s32 $0x80000000, s7;
	v61 =	vxor.u32 $0x80000000, v11;
	(xrf0) =	vadd.scan.msk.s32 $0xffff, v58  }
0x98: {  	(v2sf) =	vpush v14, $0xF;
	v9 =	vadd.s32 s3, v9;
	v63, _, _ =	vpop (xrf0);
	v24 =	vadd.s32 s7, v60;
	(xrf0) =	vmax.scan.msk.u32 $0xffff, v61  }
0x99: {  	v26 =	vld [tilespmem:s6+$0xFFFFFFD0];
	v27 =	vxor.u32 $0x80000000, v59;
	v25, _, _ =	vpop (xrf0);
	vm4 =	vgt.s32 v24, $0x63;
	v17 =	vxor.u32 $0x80000000, v24;
	(xrf0) =	vadd.scan.msk.s32 $0xffff, v62  }
0x9a: {  	v28 =	vld [tilespmem:s6+$0xFFFFFFE0];
	s6 =	sadd.s32 $0xFFFFFFF0, s28;
	vm5 =	vgt.s32 v9, $0x63;
	v9 =	vxor.u32 $0x80000000, v9;
	v29, _, _ =	vpop (xrf0);
	v17 =	vnsel vm4, $0xC0000000, v17;
	(xrf0) =	vmax.scan.msk.u32 $0xffff, v27  }
0x9b: {  	v32 =	vor.u32 s6, v4;
	s10 =	spop (v2sf);
	(v2sf) =	vpush v56, $0xF;
	v9 =	vnsel vm5, $0xC0000000, v9;
	v31, _, _ =	vpop (xrf0);
	(xrf0) =	vmin.scan.msk.u32 $0xffff, v17  }
0x9c: {  	s8 =	spop (v2sf);
	v16 =	vnsel vm5, $0x7FFFFFFF, v30;
	(v2sf) =	vpush v63, $0xF;
	v33, _, _ =	vpop (xrf0);
	(xrf0) =	vmin.scan.msk.u32 $0xffff, v9;
	v9 =	vnsel vm4, $0x7FFFFFFF, v32  }
0x9d: {  	v7 =	vperm.xlane v7, v3;
	s9 =	spop (v2sf);
	s6 =	sadd.s32 s8, s7;
	(v2sf) =	vpush v25, $0xF;
	v34, _, _ =	vpop (xrf0);
	(xrf0) =	vmax.scan.msk.u32 $0xffff, v16  }
0x9e: {  	v36 =	vperm.xlane v26, v3;
	s6 =	sadd.s32 $0x80000000, s6;
	s29 =	spop (v2sf);
	(v2sf) =	vpush v29, $0xF;
	v35 =	vxor.u32 $0x80000000, v34;
	v37, _, _ =	vpop (xrf0);
	(xrf0) =	vmax.scan.msk.u32 $0xffff, v9  }
0x9f: {  	v19 =	vperm.xlane v28, v3;
	v7 =	vadd.s32 s6, v7;
	s19 =	spop (v2sf);
	(xrf0) =	vmax.scan.msk.u32 $0xffff, v35;
	v9, _, _ =	vpop (xrf0)  }
0xa0: {  	vm6 =	vgt.s32 v7, $0x63;
	v7 =	vxor.u32 $0x80000000, v7;
	(v2sf) =	vpush v31, $0xF;
	s21 =	spop (v2sf);
	(xrf0) =	vadd.scan.msk.s32 $0xffff, v36;
	v38, _, _ =	vpop (xrf0)  }
0xa1: {  	v8 =	vperm.xlane v8, v3;
	v7 =	vnsel vm6, $0xC0000000, v7;
	(v2sf) =	vpush v33, $0xF;
	s22 =	sadd.s32 s21, s6;
	(xrf0) =	vadd.scan.msk.s32 $0xffff, v19;
	v40, _, _ =	vpop (xrf0)  }
0xa2: {  	v39 =	vor.u32 s2, v4;
	(v2sf) =	vpush v37, $0xF;
	s6 =	sadd.s32 $0x80000000, s22;
	v41, _, _ =	vpop (xrf0)  }
0xa3: {  	v8 =	vadd.s32 s6, v8;
	v43 =	vxor.u32 $0x80000000, v9;
	(v2sf) =	vpush v40, $0xF;
	v42, _, _ =	vpop (xrf0)  }
0xa4: {  	s2 =	spop (v2sf);
	vm7 =	vgt.s32 v8, $0x63;
	v8 =	vxor.u32 $0x80000000, v8;
	(xrf0) =	vmin.scan.msk.u32 $0xffff, v7;
	(v2sf) =	vpush v41, $0xF;
	v7, _, _ =	vpop (xrf0)  }
0xa5: {  	v44 =	vor.u32 s1, v4;
	v16 =	vnsel vm6, $0x7FFFFFFF, v39;
	s20 =	spop (v2sf);
	(xrf0) =	vmax.scan.msk.u32 $0xffff, v43;
	(v2sf) =	vpush v42, $0xF;
	v45, _, _ =	vpop (xrf0)  }
0xa6: {  	s7 =	spop (v2sf);
	v46 =	vnsel vm7, $0x7FFFFFFF, v44;
	(xrf0) =	vmax.scan.msk.u32 $0xffff, v16;
	(v2sf) =	vpush v7, $0xF;
	v7, _, _ =	vpop (xrf0)  }
0xa7: {  	s5 =	sxor.u32 $0x80000000, s5;
	v47 =	vnsel vm7, $0xC0000000, v8;
	s8 =	spop (v2sf);
	(xrf0) =	vmax.scan.msk.u32 $0xffff, v46;
	(v2sf) =	vpush v38, $0xF;
	v8, _, _ =	vpop (xrf0)  }
0xa8: {  	p0 =	sgt.s32 s26, s5;
	s23 =	spop (v2sf);
	(xrf0) =	vmin.scan.msk.u32 $0xffff, v47;
	v48 =	vxor.u32 $0x80000000, v8  }
0xa9: {  	s28 =	sadd.s32 $0xFFFFFFC0, s28;
	s5 =	smov.u32 @p0 s26;
	s1 =	sadd.s32 s23, s6;
	(v2sf) =	vpush v45, $0xF;
	(xrf0) =	vmax.scan.msk.u32 $0xffff, v48  }
0xaa: {  	v12 =	vperm.xlane v12, v3;
	s26 =	sxor.u32 $0x80000000, s4;
	s24 =	spop (v2sf);
	s1 =	sadd.s32 $0x80000000, s1;
	v49, _, _ =	vpop (xrf0)  }
0xab: {  	v10 =	vperm.xlane v10, v3;
	v56 =	vor.u32 s28, v4;
	s22 =	sxor.u32 $0x80000000, s11;
	s30 =	sadd.s32 s24, s1;
	s6 =	spop (v2sf);
	v50, _, _ =	vpop (xrf0);
	(v2sf) =	vpush v49, $0xF  }
0xac: {  	p1 =	slt.s32 s25, s22;
	v12 =	vadd.s32 s1, v12;
	v53 =	vxor.u32 $0x80000000, v7;
	s23 =	sadd.s32 $0x80000000, s30;
	s24 =	spop (v2sf);
	(v2sf) =	vpush v50, $0xF;
	v51, _, _ =	vpop (xrf0)  }
0xad: {  	p0 =	sgt.s32 s5, s26;
	s22 =	smov.u32 @p1 s25;
	vm8 =	vgt.s32 v12, $0x63;
	v10 =	vadd.s32 s23, v10;
	s25 =	spop (v2sf);
	(v2sf) =	vpush v51, $0xF;
	v52, _, _ =	vpop (xrf0)  }
0xae: {  	s26 =	smov.u32 @p0 s5;
	vm9 =	vgt.s32 v10, $0x63;
	v10 =	vxor.u32 $0x80000000, v10;
	(v2sf) =	vpush v52, $0xF;
	v54, _, _ =	vpop (xrf0)  }
0xaf: {  	s31 =	sadd.s32 $0xFFFFFFF0, s28;
	p0 =	slt.s32 s22, s0;
	v12 =	vxor.u32 $0x80000000, v12;
	s12 =	spop (v2sf);
	v10 =	vnsel vm9, $0xC0000000, v10;
	(xrf0) =	vmax.scan.msk.u32 $0xffff, v53;
	(v2sf) =	vpush v54, $0xF;
	v55, _, _ =	vpop (xrf0)  }
0xb0: {  	v11 =	vperm.xlane v11, v3;
	s30 =	sxor.u32 $0x80000000, s9;
	v12 =	vnsel vm8, $0xC0000000, v12;
	s9 =	sadd.s32 s24, s23;
	s11 =	spop (v2sf);
	(xrf0) =	vmin.scan.msk.u32 $0xffff, v10;
	(v2sf) =	vpush v55, $0xF  }
0xb1: {  	s0 =	smov.u32 @p0 s22;
	s22 =	sadd.s32 $0x80000000, s9;
	s5 =	spop (v2sf);
	v10 =	vnsel vm8, $0x7FFFFFFF, v56;
	(xrf0) =	vmin.scan.msk.u32 $0xffff, v12  }
0xb2: {  	s10 =	sxor.u32 $0x80000000, s10;
	s21 =	sadd.s32 $0xFFFFFFE0, s28;
	v11 =	vadd.s32 s22, v11;
	(xrf0) =	vmax.scan.msk.u32 $0xffff, v10;
	s1 =	spop (v2sf)  }
0xb3: {  	s20 =	sxor.u32 $0x80000000, s20;
	p0 =	sgt.s32 s26, s30;
	vm10 =	vgt.s32 v11, $0x63;
	v11 =	vxor.u32 $0x80000000, v11;
	v10 =	vor.u32 s31, v4;
	s4 =	spop (v2sf)  }
0xb4: {  	s23 =	sxor.u32 $0x80000000, s29;
	s29 =	sxor.u32 $0x80000000, s19;
	v10 =	vnsel vm9, $0x7FFFFFFF, v10;
	s3 =	spop (v2sf)  }
0xb5: {  	v57 =	vperm.xlane v59, v3;
	s30 =	smov.u32 @p0 s26;
	s22 =	sadd.s32 s5, s22;
	(xrf0) =	vmax.scan.msk.u32 $0xffff, v10;
	v10 =	vnsel vm10, $0xC0000000, v11;
	v59, _, _ =	vpop (xrf0);
	s5 =	spop (v2sf)  }
0xb6: {  	v14 =	vperm.xlane v34, v3;
	v58 =	vor.u32 s21, v4;
	v9 =	vperm.xlane v9, v3;
	p0 =	slt.s32 s0, s10;
	s22 =	sadd.s32 $0x80000000, s22;
	v11, _, _ =	vpop (xrf0);
	s24 =	spop (v2sf)  }
0xb7: {  	s10 =	smov.u32 @p0 s0;
	v13 =	vnsel vm10, $0x7FFFFFFF, v58;
	s31 =	sadd.s32 $0xFFFFFFD0, s28;
	v12 =	vadd.s32 s22, v57;
	v60, _, _ =	vpop (xrf0);
	(v2sf) =	vpush v11, $0xF;
	s26 =	sadd.s32 s24, s22  }
0xb8: {  	p0 =	sgt.s32 s30, s23;
	vm11 =	vgt.s32 v12, $0x63;
	v11 =	vor.u32 s31, v4;
	(xrf0) =	vmin.scan.msk.u32 $0xffff, v10;
	s9 =	spop (v2sf);
	v10, _, _ =	vpop (xrf0);
	(v2sf) =	vpush v60, $0xF;
	s21 =	sadd.s32 $0x80000000, s26  }
0xb9: {  	v7 =	vperm.xlane v7, v3;
	s23 =	smov.u32 @p0 s30;
	s22 =	sadd.s32 $0xFFFFFFC0, s28;
	(xrf0) =	vmax.scan.msk.u32 $0xffff, v13;
	(v2sf) =	vpush v10, $0xF;
	v10 =	vnsel vm11, $0x7FFFFFFF, v11;
	s0 =	sadd.s32 s9, s21  }
0xba: {  	v8 =	vperm.xlane v8, v3;
	v12 =	vxor.u32 $0x80000000, v12;
	s24 =	sxor.u32 $0x80000000, s7;
	(xrf0) =	vmax.scan.msk.u32 $0xffff, v10;
	v10 =	vadd.s32 s21, v14;
	s28 =	sadd.s32 $0x80000000, s0;
	s0 =	spop (v2sf)  }
0xbb: {  	p1 =	slt.s32 s10, s29;
	v11 =	vnsel vm11, $0xC0000000, v12;
	p0 =	sgt.s32 s23, s24;
	vm13 =	vgt.s32 v10, $0x63;
	v9 =	vadd.s32 s28, v9;
	s30 =	spop (v2sf)  }
0xbc: {  	s29 =	smov.u32 @p1 s10;
	s24 =	smov.u32 @p0 s23;
	(xrf0) =	vmin.scan.msk.u32 $0xffff, v11;
	v10 =	vxor.u32 $0x80000000, v10;
	vm12 =	vgt.s32 v9, $0x63;
	v9 =	vxor.u32 $0x80000000, v9;
	s31 =	spop (v2sf)  }
0xbd: {  	v61 =	vor.u32 s22, v4;
	v62, _, _ =	vpop (xrf0);
	s9 =	sadd.s32 $0xFFFFFFF0, s22;
	v10 =	vnsel vm13, $0xC0000000, v10;
	s19 =	sadd.s32 s30, s28;
	v9 =	vnsel vm12, $0xC0000000, v9;
	s21 =	spop (v2sf)  }
0xbe: {  	p0 =	slt.s32 s29, s20;
	v63 =	vnsel vm13, $0x7FFFFFFF, v61;
	(v2sf) =	vpush v62, $0xF;
	s28 =	sadd.s32 $0x80000000, s19;
	(xrf0) =	vmin.scan.msk.u32 $0xffff, v9;
	v9 =	vor.u32 s9, v4;
	s7 =	spop (v2sf)  }
0xbf: {  	s20 =	smov.u32 @p0 s29;
	v11, _, _ =	vpop (xrf0);
	(v2sf) =	vpush v59, $0xF;
	v8 =	vadd.s32 s28, v8;
	(xrf0) =	vmin.scan.msk.u32 $0xffff, v10;
	v9 =	vnsel vm12, $0x7FFFFFFF, v9;
	s29 =	spop (v2sf)  }
0xc0: {  	s30 =	sadd.s32 $0xFFFFFFE0, s22;
	(v2sf) =	vpush v11, $0xF;
	v10, _, _ =	vpop (xrf0);
	vm14 =	vgt.s32 v8, $0x63;
	v8 =	vxor.u32 $0x80000000, v8;
	(xrf0) =	vmax.scan.msk.u32 $0xffff, v63;
	s23 =	sadd.s32 s29, s28  }
0xc1: {  	s8 =	sxor.u32 $0x80000000, s8;
	v11 =	vor.u32 s30, v4;
	(v2sf) =	vpush v10, $0xF;
	v10, _, _ =	vpop (xrf0);
	v8 =	vnsel vm14, $0xC0000000, v8;
	(xrf0) =	vmax.scan.msk.u32 $0xffff, v9;
	s23 =	sadd.s32 $0x80000000, s23  }
0xc2: {  	s2 =	sxor.u32 $0x80000000, s2;
	p0 =	sgt.s32 s24, s8;
	s22 =	sadd.s32 $0xFFFFFFD0, s22;
	(v2sf) =	vpush v10, $0xF;
	v10 =	vnsel vm14, $0x7FFFFFFF, v11;
	v9, _, _ =	vpop (xrf0);
	v7 =	vadd.s32 s23, v7  }
0xc3: {  	s8 =	smov.u32 @p0 s24;
	p0 =	slt.s32 s20, s2;
	(xrf0) =	vmin.scan.msk.u32 $0xffff, v8;
	v8 =	vor.u32 s22, v4;
	s23 =	sxor.u32 $0x80000000, s25;
	(v2sf) =	vpush v9, $0xF;
	vm15 =	vgt.s32 v7, $0x63  }
0xc4: {  	s6 =	sxor.u32 $0x80000000, s6;
	s2 =	smov.u32 @p0 s20;
	(xrf0) =	vmax.scan.msk.u32 $0xffff, v10;
	p0 =	sgt.s32 s8, s23;
	v9, _, _ =	vpop (xrf0);
	v8 =	vnsel vm15, $0x7FFFFFFF, v8  }
0xc5: {  	s23 =	smov.u32 @p0 s8;
	p0 =	slt.s32 s2, s6;
	s8 =	sxor.u32 $0x80000000, s12;
	v10, _, _ =	vpop (xrf0);
	(v2sf) =	vpush v9, $0xF  }
0xc6: {  	s11 =	sxor.u32 $0x80000000, s11;
	s6 =	smov.u32 @p0 s2;
	p0 =	sgt.s32 s23, s8;
	v9, _, _ =	vpop (xrf0);
	(v2sf) =	vpush v10, $0xF;
	(xrf0) =	vmax.scan.msk.u32 $0xffff, v8  }
0xc7: {  	s1 =	sxor.u32 $0x80000000, s1;
	s3 =	sxor.u32 $0x80000000, s3;
	s8 =	smov.u32 @p0 s23;
	(v2sf) =	vpush v9, $0xF;
	v8, _, _ =	vpop (xrf0)  }
0xc8: {  	s4 =	sxor.u32 $0x80000000, s4;
	s5 =	sxor.u32 $0x80000000, s5;
	p1 =	sgt.s32 s8, s3;
	(v2sf) =	vpush v8, $0xF  }
0xc9: {  	s0 =	sxor.u32 $0x80000000, s0;
	p0 =	slt.s32 s6, s11;
	s3 =	smov.u32 @p1 s8;
	v8, _, _ =	vpop (xrf0)  }
0xca: {  	s2 =	spop (v2sf);
	s11 =	smov.u32 @p0 s6;
	p0 =	sgt.s32 s3, s5;
	(v2sf) =	vpush v8, $0xF;
	v8, _, _ =	vpop (xrf0)  }
0xcb: {  	s5 =	smov.u32 @p0 s3;
	s3 =	sxor.u32 $0x80000000, s31;
	s31 =	spop (v2sf);
	(v2sf) =	vpush v8, $0xF  }
0xcc: {  	s10 =	sxor.u32 $0x80000000, s21;
	s9 =	spop (v2sf);
	p1 =	sgt.s32 s5, s3;
	v8, _, _ =	vpop (xrf0)  }
0xcd: {  	p0 =	slt.s32 s11, s4;
	s3 =	smov.u32 @p1 s5;
	s12 =	spop (v2sf);
	(v2sf) =	vpush v8, $0xF  }
0xce: {  	s4 =	smov.u32 @p0 s11;
	p0 =	sgt.s32 s3, s10;
	s19 =	spop (v2sf)  }
0xcf: {  	s10 =	smov.u32 @p0 s3;
	s3 =	sxor.u32 $0x80000000, s9;
	s8 =	spop (v2sf)  }
0xd0: {  	v7 =	vxor.u32 $0x80000000, v7;
	s2 =	sxor.u32 $0x80000000, s2;
	p0 =	sgt.s32 s10, s3;
	s20 =	spop (v2sf)  }
0xd1: {  	v7 =	vnsel vm15, $0xC0000000, v7;
	s5 =	sxor.u32 $0x80000000, s12;
	s3 =	smov.u32 @p0 s10;
	s21 =	spop (v2sf)  }
0xd2: {  	(xrf0) =	vmin.scan.msk.u32 $0xffff, v7;
	p0 =	slt.s32 s4, s1;
	p1 =	sgt.s32 s3, s5;
	s22 =	spop (v2sf)  }
0xd3: {  	s1 =	smov.u32 @p0 s4;
	s5 =	smov.u32 @p1 s3;
	s3 =	sxor.u32 $0x80000000, s20  }
0xd4: {  	s11 =	sxor.u32 $0x80000000, s21;
	p0 =	sgt.s32 s5, s3;
	s23 =	spop (v2sf)  }
0xd5: {  	s3 =	smov.u32 @p0 s5;
	s24 =	spop (v2sf);
	p0 =	slt.s32 s1, s0  }
0xd6: {  	p1 =	sgt.s32 s3, s11;
	s25 =	spop (v2sf);
	s0 =	smov.u32 @p0 s1  }
0xd7: {  	s11 =	smov.u32 @p1 s3;
	s1 =	sxor.u32 $0x80000000, s25;
	s26 =	spop (v2sf)  }
0xd8: {  	v7, _, _ =	vpop (xrf0);
	s3 =	sxor.u32 $0x80000000, s7;
	p0 =	sgt.s32 s11, s1;
	s7 =	sxor.u32 $0x80000000, s26  }
0xd9: {  	s1 =	smov.u32 @p0 s11;
	s28 =	spop (v2sf);
	p0 =	slt.s32 s0, s3;
	(v2sf) =	vpush v7, $0xF  }
0xda: {  	p1 =	sgt.s32 s1, s7;
	s29 =	spop (v2sf);
	s3 =	smov.u32 @p0 s0  }
0xdb: {  	s7 =	smov.u32 @p1 s1;
	s0 =	sxor.u32 $0x80000000, s29;
	s1 =	sxor.u32 $0x80000000, s31  }
0xdc: {  	p0 =	sgt.s32 s7, s0;
	s30 =	spop (v2sf);
	p1 =	slt.s32 s3, s1  }
0xdd: {  	s25 =	sxor.u32 $0x80000000, s30;
	s0 =	smov.u32 @p0 s7;
	s1 =	smov.u32 @p1 s3  }
0xde: {  	p0 =	sgt.s32 s0, s25;
	p1 =	slt.s32 s1, s2  }
0xdf: {  	s25 =	smov.u32 @p0 s0;
	s0 =	sxor.u32 $0x80000000, s8;
	s2 =	smov.u32 @p1 s1  }
0xe0: {  	v7 =	vmov s25;
	p0 =	slt.s32 s2, s0  }
0xe1: {  	s0 =	smov.u32 @p0 s2;
	s2 =	sxor.u32 $0x80000000, s22  }
0xe2: {  	p0 =	slt.s32 s0, s2  }
0xe3: {  	s2 =	smov.u32 @p0 s0;
	s0 =	sxor.u32 $0x80000000, s24  }
0xe4: {  	s1 =	simm.s32 $0x19040;
	p0 =	slt.s32 s2, s0  }
0xe5: {  	s3 =	sxor.u32 $0x80000000, s23;
	v8 =	vld.idx.msk [tilespmem:v7+s13+$0x0], $0xffff;
	s0 =	smov.u32 @p0 s2;
	[tilespmem:s1+$0xFFFFFFC0] =	vst v1  }
0xe6: {  	[tilespmem:s1+$0x30] =	vst v1;
	p0 =	slt.s32 s0, s3  }
0xe7: {  	s2 =	sxor.u32 $0x80000000, s28;
	[tilespmem:s1+$0x20] =	vst v1;
	s3 =	smov.u32 @p0 s0  }
0xe8: {  	[tilespmem:s1+$0x10] =	vst v1;
	p0 =	slt.s32 s3, s2;
	s31 =	spop (v2sf)  }
0xe9: {  	[tilespmem:s1+$0x0] =	vst v1;
	s2 =	smov.u32 @p0 s3;
	s0 =	sxor.u32 $0x80000000, s31  }
0xea: {  	[tilespmem:s1+$0xFFFFFFF0] =	vst v1;
	p0 =	slt.s32 s2, s0  }
0xeb: {  	[tilespmem:s1+$0xFFFFFFE0] =	vst v1;
	s3 =	simm.s32 $0x0;
	s0 =	smov.u32 @p0 s2  }
.LBB2_9:
0xec: {  	s3 =	sadd.s32 $0x8, s3;
	[tilespmem:s1+$0xFFFFFFD0] =	vst v1;
	s1 =	sadd.s32 $0x80, s1  }
0xed: {  	[tilespmem:s1+$0xFFFFFFC0] =	vst v1;
	p0 =	slt.u32 s3, $0x78  }
0xee: {  	[tilespmem:s1+$0x30] =	vst v1  }
.Ltmp3:
0xef: {  	[tilespmem:s1+$0x20] =	vst v1;
	(pc) =	sbr.rel @p0 .LBB2_9-.Ltmp3, $4  }
0xf0: {  	[tilespmem:s1+$0x10] =	vst v1  }
0xf1: {  	[tilespmem:s1+$0x0] =	vst v1  }
0xf2: {  	[tilespmem:s1+$0xFFFFFFF0] =	vst v1  }
0xf3: {  	s2 =	simm.s32 $0x20;
	[tilespmem:s1+$0xFFFFFFE0] =	vst v1  }
0xf4: {  	[tilespmem:s1+$0xFFFFFFD0] =	vst v1;
	s1 =	simm.s32 $0xFFFFFFFC  }
.LBB2_11:
0xf5: {  	v9 =	vld [tilespmem:s2+$0xFFFFFFE0];
	_ =	sdelay $0x4  }
0xf6: {  	v10 =	vshrl.u32 v9, $0x15  }
0xf7: {  	v9 =	vshrl.u32 v9, $0xA;
	vm0 =	veq.s32 v10, v7  }
0xf8: {  	v9 =	vand.u32 $0x7FF, v9;
	_ =	sdelay $0x4  }
0xf9: {  	[tilespmem:v9+s13+$0x0] =	vst.idx.add.s32.msk vm0, v2  }
0xfa: {  	v9 =	vld [tilespmem:s2+$0xFFFFFFF0];
	_ =	sdelay $0x4  }
0xfb: {  	v10 =	vshrl.u32 v9, $0x15  }
0xfc: {  	v9 =	vshrl.u32 v9, $0xA;
	vm13 =	veq.s32 v10, v7  }
0xfd: {  	v9 =	vand.u32 $0x7FF, v9;
	_ =	sdelay $0x4  }
0xfe: {  	[tilespmem:v9+s13+$0x0] =	vst.idx.add.s32.msk vm13, v2  }
0xff: {  	v9 =	vld [tilespmem:s2+$0x0];
	_ =	sdelay $0x4  }
0x100: {  	v10 =	vshrl.u32 v9, $0x15  }
0x101: {  	v9 =	vshrl.u32 v9, $0xA;
	vm14 =	veq.s32 v10, v7  }
0x102: {  	v9 =	vand.u32 $0x7FF, v9;
	_ =	sdelay $0x4  }
0x103: {  	[tilespmem:v9+s13+$0x0] =	vst.idx.add.s32.msk vm14, v2  }
0x104: {  	v9 =	vld [tilespmem:s2+$0x10];
	_ =	sdelay $0x4  }
0x105: {  	v10 =	vshrl.u32 v9, $0x15  }
0x106: {  	s1 =	sadd.s32 $0x4, s1;
	v9 =	vshrl.u32 v9, $0xA;
	vm15 =	veq.s32 v10, v7  }
0x107: {  	p0 =	slt.u32 s1, $0x4FC;
	v9 =	vand.u32 $0x7FF, v9  }
.Ltmp4:
0x108: {  	_ = 	snop;
	(pc) =	sbr.rel @p0 .LBB2_11-.Ltmp4, $2  }
0x109: {  	_ =	sdelay $0x2  }
0x10a: {  	s2 =	sadd.s32 $0x40, s2;
	[tilespmem:v9+s13+$0x0] =	vst.idx.add.s32.msk vm15, v2  }
0x10b: {  	s2 =	simm.s32 $0x197F0  }
0x10c: {  	v7 =	vxor.u32 $0x80000000, v8;
	v8 =	vld [tilespmem:s2+$0x0];
	_ =	sdelay $0x3  }
0x10d: {  	v9 =	vld [tilespmem:s2+$0xFFFFFFF0]  }
0x10e: {  	v8 =	vperm.xlane v8, v3  }
0x10f: {  	(xrf0) =	vmax.scan.msk.u32 $0xffff, v7  }
0x110: {  	(xrf0) =	vadd.scan.msk.s32 $0xffff, v8;
	_ =	sdelay $0x1  }
0x111: {  	v9 =	vperm.xlane v9, v3  }
0x112: {  	v8 =	vld [tilespmem:s2+$0xFFFFFFD0]  }
0x113: {  	v10 =	vld [tilespmem:s2+$0xFFFFFFE0]  }
0x114: {  	v7, _, _ =	vpop (xrf0)  }
0x115: {  	(xrf0) =	vadd.scan.msk.s32 $0xffff, v9;
	v9, _, _ =	vpop (xrf0)  }
0x116: {  	s5 =	simm.s32 $0x197B0;
	v11 =	vxor.u32 $0x80000000, v9  }
0x117: {  	v8 =	vperm.xlane v8, v3;
	(xrf0) =	vmax.scan.msk.u32 $0xffff, v11;
	v11 =	vld [tilespmem:s5+$0x0]  }
0x118: {  	v10 =	vperm.xlane v10, v3  }
0x119: {  	(xrf0) =	vadd.scan.msk.s32 $0xffff, v8  }
0x11a: {  	(xrf0) =	vadd.scan.msk.s32 $0xffff, v10;
	_ =	sdelay $0x1  }
0x11b: {  	v8, _, _ =	vpop (xrf0);
	v11 =	vperm.xlane v11, v3  }
0x11c: {  	v10 =	vxor.u32 $0x80000000, v8  }
0x11d: {  	(xrf0) =	vmax.scan.msk.u32 $0xffff, v10;
	v10 =	vld [tilespmem:s5+$0xFFFFFFF0];
	v12, _, _ =	vpop (xrf0)  }
0x11e: {  	(v2sf) =	vpush v7, $0xF;
	v13, _, _ =	vpop (xrf0);
	(xrf0) =	vadd.scan.msk.s32 $0xffff, v11  }
0x11f: {  	v11, _, _ =	vpop (xrf0)  }
0x120: {  	(v2sf) =	vpush v12, $0xF;
	v12 =	vxor.u32 $0x80000000, v11;
	_ =	sdelay $0x1  }
0x121: {  	v14 =	vld [tilespmem:s5+$0xFFFFFFD0];
	v10 =	vperm.xlane v10, v3;
	(xrf0) =	vmax.scan.msk.u32 $0xffff, v12  }
0x122: {  	v15 =	vld [tilespmem:s5+$0xFFFFFFE0];
	v12, _, _ =	vpop (xrf0)  }
0x123: {  	(xrf0) =	vadd.scan.msk.s32 $0xffff, v10;
	v10 =	vxor.u32 $0x80000000, v13;
	v16, _, _ =	vpop (xrf0)  }
0x124: {  	(xrf0) =	vmax.scan.msk.u32 $0xffff, v10;
	v10 =	vxor.u32 $0x80000000, v16;
	_ =	sdelay $0x1  }
0x125: {  	(v2sf) =	vpush v12, $0xF;
	v12 =	vperm.xlane v14, v3  }
0x126: {  	s6 =	simm.s32 $0x19770;
	v14 =	vperm.xlane v15, v3;
	(xrf0) =	vmax.scan.msk.u32 $0xffff, v10;
	v10, _, _ =	vpop (xrf0)  }
0x127: {  	(xrf0) =	vadd.scan.msk.s32 $0xffff, v12;
	(v2sf) =	vpush v10, $0xF;
	v10 =	vld [tilespmem:s6+$0x0]  }
0x128: {  	(xrf0) =	vadd.scan.msk.s32 $0xffff, v14;
	_ =	sdelay $0x1  }
0x129: {  	v15 =	vld [tilespmem:s6+$0xFFFFFFF0];
	v14, _, _ =	vpop (xrf0)  }
0x12a: {  	s1 =	spop (v2sf);
	v17, _, _ =	vpop (xrf0)  }
0x12b: {  	s1 =	sxor.u32 $0x80000000, s1;
	v19 =	vxor.u32 $0x80000000, v14;
	v18, _, _ =	vpop (xrf0);
	v10 =	vperm.xlane v10, v3  }
0x12c: {  	s0 =	ssub.s32 s1, s0;
	(xrf0) =	vmax.scan.msk.u32 $0xffff, v19;
	s3 =	spop (v2sf);
	v12, _, _ =	vpop (xrf0)  }
0x12d: {  	v9 =	vperm.xlane v9, v3;
	v8 =	vperm.xlane v8, v3;
	s0 =	sadd.s32 $0x64, s0;
	(v2sf) =	vpush v17, $0xF;
	s3 =	sadd.s32 $0x0, s3;
	v17, _, _ =	vpop (xrf0);
	(xrf0) =	vadd.scan.msk.s32 $0xffff, v10  }
0x12e: {  	[dreg:$0xd] =	wrdreg s0;
	v7 =	vmov s0;
	s0 =	simm.s32 $0x0;
	v15 =	vperm.xlane v15, v3;
	s3 =	sadd.s32 $0x80000000, s3;
	v19 =	vxor.u32 $0x80000000, v17  }
0x12f: {  	v9 =	vadd.s32 s0, v9;
	(v2sf) =	vpush v18, $0xF;
	v8 =	vadd.s32 s3, v8;
	v10 =	vld [tilespmem:s6+$0xFFFFFFD0];
	(xrf0) =	vmax.scan.msk.u32 $0xffff, v19  }
0x130: {  	v18 =	vld [tilespmem:s6+$0xFFFFFFE0];
	vm0 =	vlt.s32 v8, v7;
	v8 =	vxor.u32 $0x80000000, v8;
	(xrf0) =	vadd.scan.msk.s32 $0xffff, v15;
	v15 =	vxor.u32 $0x80000000, v12  }
0x131: {  	s4 =	simm.s32 $0x7F0;
	s7 =	simm.s32 $0x7E0;
	vm1 =	vlt.s32 v9, v7;
	v9 =	vxor.u32 $0x80000000, v9;
	v8 =	vsel vm0, $0xC0000000, v8;
	(xrf0) =	vmax.scan.msk.u32 $0xffff, v15  }
0x132: {  	v9 =	vsel vm1, $0xC0000000, v9;
	v15 =	vor.u32 s4, v4;
	v19, _, _ =	vpop (xrf0);
	(xrf0) =	vmin.scan.msk.u32 $0xffff, v8;
	v8 =	vor.u32 s7, v4  }
0x133: {  	s8 =	spop (v2sf);
	v15 =	vsel vm1, $0x7FFFFFFF, v15;
	(v2sf) =	vpush v19, $0xF;
	(xrf0) =	vmin.scan.msk.u32 $0xffff, v9;
	v9 =	vperm.xlane v11, v3;
	v19, _, _ =	vpop (xrf0)  }
0x134: {  	s0 =	sadd.s32 s8, s3;
	v8 =	vsel vm0, $0x7FFFFFFF, v8;
	v10 =	vperm.xlane v10, v3;
	(xrf0) =	vmax.scan.msk.u32 $0xffff, v15;
	v11 =	vxor.u32 $0x80000000, v19  }
0x135: {  	s0 =	sadd.s32 $0x80000000, s0;
	(xrf0) =	vmax.scan.msk.u32 $0xffff, v8;
	v8 =	vperm.xlane v18, v3;
	s9 =	spop (v2sf)  }
0x136: {  	v13 =	vperm.xlane v13, v3;
	v15, _, _ =	vpop (xrf0);
	v9 =	vadd.s32 s0, v9;
	s1 =	sadd.s32 s9, s0  }
0x137: {  	(xrf0) =	vmax.scan.msk.u32 $0xffff, v11;
	vm0 =	vlt.s32 v9, v7;
	v9 =	vxor.u32 $0x80000000, v9;
	v11, _, _ =	vpop (xrf0);
	s1 =	sadd.s32 $0x80000000, s1  }
0x138: {  	s10 =	simm.s32 $0x7D0;
	(v2sf) =	vpush v15, $0xF;
	(xrf0) =	vadd.scan.msk.s32 $0xffff, v10;
	v9 =	vsel vm0, $0xC0000000, v9;
	v10, _, _ =	vpop (xrf0);
	v13 =	vadd.s32 s1, v13  }
0x139: {  	s11 =	simm.s32 $0x19730;
	v15 =	vperm.xlane v16, v3;
	v16 =	vor.u32 s10, v4;
	(xrf0) =	vadd.scan.msk.s32 $0xffff, v8;
	v8, _, _ =	vpop (xrf0);
	vm1 =	vlt.s32 v13, v7  }
0x13a: {  	v18 =	vld [tilespmem:s11+$0x0];
	v21, _, _ =	vpop (xrf0);
	(v2sf) =	vpush v8, $0xF;
	(xrf0) =	vmin.scan.msk.u32 $0xffff, v9;
	v8 =	vxor.u32 $0x80000000, v13;
	v13 =	vsel vm0, $0x7FFFFFFF, v16  }
0x13b: {  	v20 =	vxor.u32 $0x80000000, v11;
	v9, _, _ =	vpop (xrf0)  }
0x13c: {  	s12 =	simm.s32 $0x7C0;
	s20 =	spop (v2sf);
	(xrf0) =	vmax.scan.msk.u32 $0xffff, v20;
	(v2sf) =	vpush v21, $0xF;
	v22, _, _ =	vpop (xrf0)  }
0x13d: {  	s1 =	sadd.s32 s20, s1;
	v16 =	vor.u32 s12, v4;
	v20 =	vld [tilespmem:s11+$0xFFFFFFF0];
	(v2sf) =	vpush v9, $0xF;
	(xrf0) =	vmax.scan.msk.u32 $0xffff, v13;
	v13, _, _ =	vpop (xrf0)  }
0x13e: {  	v14 =	vperm.xlane v14, v3;
	s21 =	spop (v2sf);
	s1 =	sadd.s32 $0x80000000, s1;
	v16 =	vsel vm1, $0x7FFFFFFF, v16;
	(v2sf) =	vpush v22, $0xF;
	v9, _, _ =	vpop (xrf0)  }
0x13f: {  	v18 =	vperm.xlane v18, v3;
	s2 =	sadd.s32 s21, s1;
	v24 =	vsel vm1, $0xC0000000, v8;
	(xrf0) =	vmax.scan.msk.u32 $0xffff, v16;
	(v2sf) =	vpush v10, $0xF;
	v8, _, _ =	vpop (xrf0)  }
0x140: {  	v15 =	vadd.s32 s1, v15;
	s22 =	sadd.s32 $0x80000000, s2;
	v10 =	vperm.xlane v19, v3;
	(xrf0) =	vmin.scan.msk.u32 $0xffff, v24;
	(v2sf) =	vpush v13, $0xF;
	v13, _, _ =	vpop (xrf0)  }
0x141: {  	(xrf0) =	vadd.scan.msk.s32 $0xffff, v18;
	v19 =	vxor.u32 $0x80000000, v8;
	(v2sf) =	vpush v13, $0xF;
	v13 =	vadd.s32 s22, v14  }
0x142: {  	v20 =	vperm.xlane v20, v3;
	vm1 =	vlt.s32 v13, v7;
	v13 =	vxor.u32 $0x80000000, v13  }
0x143: {  	v18, _, _ =	vpop (xrf0);
	(xrf0) =	vmax.scan.msk.u32 $0xffff, v19;
	v13 =	vsel vm1, $0xC0000000, v13  }
0x144: {  	v16 =	vperm.xlane v17, v3;
	v17 =	vld [tilespmem:s11+$0xFFFFFFE0];
	v19 =	vxor.u32 $0x80000000, v9;
	(v2sf) =	vpush v18, $0xF;
	v14, _, _ =	vpop (xrf0);
	(xrf0) =	vadd.scan.msk.s32 $0xffff, v20  }
0x145: {  	s19 =	simm.s32 $0x7B0;
	vm0 =	vlt.s32 v15, v7;
	s23 =	spop (v2sf);
	v18 =	vld [tilespmem:s11+$0xFFFFFFD0];
	(v2sf) =	vpush v14, $0xF;
	(xrf0) =	vmax.scan.msk.u32 $0xffff, v19;
	v14 =	vxor.u32 $0x80000000, v15;
	v15, _, _ =	vpop (xrf0)  }
0x146: {  	v63 =	vor.u32 s19, v4;
	(xrf0) =	vmin.scan.msk.u32 $0xffff, v13;
	(v2sf) =	vpush v15, $0xF;
	v13, _, _ =	vpop (xrf0)  }
0x147: {  	s4 =	simm.s32 $0x7A0;
	s0 =	sadd.s32 s23, s22;
	v19 =	vsel vm0, $0x7FFFFFFF, v63;
	v20 =	vsel vm0, $0xC0000000, v14;
	s26 =	spop (v2sf);
	(v2sf) =	vpush v13, $0xF;
	v13, _, _ =	vpop (xrf0)  }
0x148: {  	s29 =	simm.s32 $0xFFFFFFFF;
	s28 =	simm.s32 $0x40000000;
	v23 =	vor.u32 s4, v4;
	s0 =	sadd.s32 $0x80000000, s0;
	(xrf0) =	vmin.scan.msk.u32 $0xffff, v20;
	v20 =	vperm.xlane v12, v3;
	v12 =	vxor.u32 $0x80000000, v13  }
0x149: {  	s24 =	simm.s32 $0x790;
	s6 =	simm.s32 $0x10;
	v15 =	vsel vm1, $0x7FFFFFFF, v23;
	v14 =	vperm.xlane v17, v3;
	v17 =	vadd.s32 s0, v16;
	s0 =	sadd.s32 s26, s0;
	(xrf0) =	vmax.scan.msk.u32 $0xffff, v19  }
0x14a: {  	s4 =	simm.s32 $0x780;
	s8 =	simm.s32 $0x750;
	v16 =	vor.u32 s24, v4;
	vm1 =	vlt.s32 v17, v7;
	s3 =	sadd.s32 $0x80000000, s0;
	v18 =	vperm.xlane v18, v3;
	(xrf0) =	vmax.scan.msk.u32 $0xffff, v15;
	v19, _, _ =	vpop (xrf0)  }
0x14b: {  	s1 =	simm.s32 $0x770;
	s2 =	simm.s32 $0x740;
	v17 =	vxor.u32 $0x80000000, v17;
	(xrf0) =	vmax.scan.msk.u32 $0xffff, v12;
	(v2sf) =	vpush v19, $0xF;
	v19 =	vadd.s32 s3, v20;
	s5 =	spop (v2sf);
	v12, _, _ =	vpop (xrf0)  }
0x14c: {  	s0 =	simm.s32 $0x196F0;
	vm0 =	vlt.s32 v19, v7;
	s30 =	sxor.u32 $0x80000000, s5;
	s31 =	spop (v2sf);
	(xrf0) =	vadd.scan.msk.s32 $0xffff, v18;
	v18 =	vsel vm1, $0xC0000000, v17;
	v17 =	vxor.u32 $0x80000000, v19;
	v15, _, _ =	vpop (xrf0)  }
.LBB2_13:
0x14d: {  	s6 =	sadd.s32 $0x4, s6;
	v19 =	vld [tilespmem:s0+$0x0];
	(xrf0) =	vadd.scan.msk.s32 $0xffff, v14;
	v14 =	vsel vm1, $0x7FFFFFFF, v16;
	v16, _, _ =	vpop (xrf0);
	s5 =	spop (v2sf);
	v20 =	vmov v9;
	s7 =	sadd.s32 $0xFFFFFFF0, s1  }
0x14e: {  	v9 =	vxor.u32 $0x80000000, v12;
	s12 =	sxor.u32 $0x80000000, s31;
	v21, _, _ =	vpop (xrf0);
	(v2sf) =	vpush v16, $0xF;
	(xrf0) =	vmin.scan.msk.u32 $0xffff, v18;
	s5 =	sxor.u32 $0x80000000, s5;
	s10 =	spop (v2sf)  }
0x14f: {  	p0 =	slt.s32 s28, s12;
	s11 =	spop (v2sf)  }
0x150: {  	(xrf0) =	vmax.scan.msk.u32 $0xffff, v9;
	v9 =	vor.u32 s4, v4;
	v16, _, _ =	vpop (xrf0);
	(v2sf) =	vpush v21, $0xF;
	s4 =	sxor.u32 $0x80000000, s10;
	p1 =	sgt.s32 s29, s5;
	s12 =	smov.u32 @p0 s28  }
0x151: {  	v22 =	vor.u32 s7, v4;
	v21 =	vor.u32 s1, v4;
	s1 =	sadd.s32 $0xFFFFFFC0, s1;
	v18 =	vld [tilespmem:s0+$0xFFFFFFF0];
	s3 =	sadd.s32 s11, s3;
	(v2sf) =	vpush v16, $0xF;
	v16, _, _ =	vpop (xrf0);
	(xrf0) =	vmax.scan.msk.u32 $0xffff, v14;
	s5 =	smov.u32 @p1 s29  }
0x152: {  	v17 =	vsel vm0, $0xC0000000, v17;
	v23 =	vsel vm0, $0x7FFFFFFF, v9;
	v14, _, _ =	vpop (xrf0);
	s7 =	spop (v2sf);
	s3 =	sadd.s32 $0x80000000, s3;
	(v2sf) =	vpush v16, $0xF;
	p0 =	sgt.s32 s5, s4  }
0x153: {  	v11 =	vperm.xlane v11, v3;
	v24 =	vperm.xlane v19, v3;
	v9, _, _ =	vpop (xrf0);
	s7 =	sadd.s32 s7, s3;
	(v2sf) =	vpush v15, $0xF;
	(xrf0) =	vmax.scan.msk.u32 $0xffff, v23;
	s10 =	spop (v2sf);
	s4 =	smov.u32 @p0 s5  }
0x154: {  	v15 =	vadd.s32 s3, v10;
	v10 =	vperm.xlane v13, v3;
	v19 =	vperm.xlane v8, v3;
	p0 =	slt.s32 s12, s30;
	v8, _, _ =	vpop (xrf0);
	s3 =	spop (v2sf);
	(xrf0) =	vmin.scan.msk.u32 $0xffff, v17;
	s10 =	sxor.u32 $0x80000000, s10  }
0x155: {  	vm0 =	vlt.s32 v15, v7;
	s7 =	sadd.s32 $0x80000000, s7;
	s30 =	smov.u32 @p0 s12;
	v13 =	vld [tilespmem:s0+$0xFFFFFFE0];
	v17 =	vxor.u32 $0x80000000, v8;
	(v2sf) =	vpush v14, $0xF;
	v14, _, _ =	vpop (xrf0);
	s5 =	spop (v2sf)  }
0x156: {  	v25 =	vadd.s32 s7, v11;
	s3 =	sadd.s32 s3, s7;
	p1 =	slt.s32 s30, s10;
	v18 =	vperm.xlane v18, v3;
	(xrf0) =	vadd.scan.msk.s32 $0xffff, v24;
	v16, _, _ =	vpop (xrf0);
	(v2sf) =	vpush v14, $0xF;
	s5 =	sxor.u32 $0x80000000, s5  }
0x157: {  	vm1 =	vlt.s32 v25, v7;
	v23 =	vxor.u32 $0x80000000, v25;
	s10 =	smov.u32 @p1 s30;
	(v2sf) =	vpush v16, $0xF;
	(xrf0) =	vmax.scan.msk.u32 $0xffff, v17;
	v14, _, _ =	vpop (xrf0);
	p0 =	sgt.s32 s4, s5;
	s7 =	spop (v2sf)  }
0x158: {  	v11 =	vmovc v12;
	v24 =	vxor.u32 $0x80000000, v9;
	v17 =	vld [tilespmem:s0+$0xFFFFFFD0];
	(xrf0) =	vadd.scan.msk.s32 $0xffff, v18;
	v18 =	vsel vm1, $0xC0000000, v23;
	(v2sf) =	vpush v14, $0xF;
	s29 =	sxor.u32 $0x80000000, s7;
	s7 =	spop (v2sf);
	s5 =	smov.u32 @p0 s4  }
0x159: {  	v12 =	vsel vm0, $0x7FFFFFFF, v21;
	s3 =	sadd.s32 $0x80000000, s3;
	v21 =	vsel vm1, $0x7FFFFFFF, v22;
	v23 =	vxor.u32 $0x80000000, v15;
	(xrf0) =	vmax.scan.msk.u32 $0xffff, v24;
	v16, _, _ =	vpop (xrf0);
	s28 =	sxor.u32 $0x80000000, s7;
	p0 =	sgt.s32 s5, s29  }
0x15a: {  	v22 =	vsel vm0, $0xC0000000, v23;
	v14 =	vperm.xlane v13, v3;
	(xrf0) =	vmin.scan.msk.u32 $0xffff, v18;
	(v2sf) =	vpush v16, $0xF;
	v15, _, _ =	vpop (xrf0);
	p1 =	slt.s32 s10, s28;
	s29 =	smov.u32 @p0 s5;
	p0 =	slt.u32 s6, $0x7C  }
.Ltmp5:
0x15b: {  	(xrf0) =	vmin.scan.msk.u32 $0xffff, v22;
	s4 =	spop (v2sf);
	(v2sf) =	vpush v15, $0xF;
	s28 =	smov.u32 @p1 s10;
	(pc) =	sbr.rel @p0 .LBB2_13-.Ltmp5, $4  }
0x15c: {  	v16 =	vor.u32 s8, v4;
	s8 =	sadd.s32 $0xFFFFFFE0, s1;
	v18 =	vperm.xlane v20, v3;
	v15 =	vadd.s32 s3, v19;
	v13, _, _ =	vpop (xrf0);
	s3 =	sadd.s32 s4, s3;
	(xrf0) =	vmax.scan.msk.u32 $0xffff, v12  }
0x15d: {  	s5 =	sadd.s32 $0xFFFFFFD0, s1;
	vm1 =	vlt.s32 v15, v7;
	v20 =	vxor.u32 $0x80000000, v13;
	v17 =	vperm.xlane v17, v3;
	v19, _, _ =	vpop (xrf0);
	s3 =	sadd.s32 $0x80000000, s3;
	(xrf0) =	vmax.scan.msk.u32 $0xffff, v21  }
0x15e: {  	s4 =	smov.u32 s2;
	s2 =	smov.u32 s5;
	(xrf0) =	vmax.scan.msk.u32 $0xffff, v20;
	v12, _, _ =	vpop (xrf0);
	(v2sf) =	vpush v19, $0xF;
	v19 =	vxor.u32 $0x80000000, v15;
	v20 =	vadd.s32 s3, v18;
	s7 =	spop (v2sf)  }
0x15f: {  	s0 =	sadd.s32 $0xFFFFFFC0, s0;
	(xrf0) =	vadd.scan.msk.s32 $0xffff, v17;
	v15, _, _ =	vpop (xrf0);
	v18 =	vsel vm1, $0xC0000000, v19;
	vm0 =	vlt.s32 v20, v7;
	v17 =	vxor.u32 $0x80000000, v20;
	s30 =	sxor.u32 $0x80000000, s7;
	s31 =	spop (v2sf)  }
0x160: {  	v19 =	vld [tilespmem:s0+$0x0];
	(xrf0) =	vadd.scan.msk.s32 $0xffff, v14;
	v46, _, _ =	vpop (xrf0)  }
0x161: {  	s12 =	spop (v2sf);
	v20, _, _ =	vpop (xrf0)  }
0x162: {  	v21 =	vxor.u32 $0x80000000, v12;
	v22 =	vld [tilespmem:s0+$0xFFFFFFF0];
	(xrf0) =	vmin.scan.msk.u32 $0xffff, v18;
	s11 =	spop (v2sf);
	v47, _, _ =	vpop (xrf0)  }
0x163: {  	v16 =	vsel vm1, $0x7FFFFFFF, v16;
	v48 =	vor.u32 s4, v4;
	(v2sf) =	vpush v46, $0xF;
	(xrf0) =	vmax.scan.msk.u32 $0xffff, v21;
	s6 =	spop (v2sf);
	v49, _, _ =	vpop (xrf0)  }
0x164: {  	v51 =	vsel vm0, $0x7FFFFFFF, v48;
	(v2sf) =	vpush v20, $0xF;
	s3 =	sadd.s32 s6, s3;
	(xrf0) =	vmax.scan.msk.u32 $0xffff, v16;
	v50, _, _ =	vpop (xrf0)  }
0x165: {  	v17 =	vsel vm0, $0xC0000000, v17;
	(v2sf) =	vpush v47, $0xF;
	s7 =	spop (v2sf);
	s3 =	sadd.s32 $0x80000000, s3;
	(xrf0) =	vmax.scan.msk.u32 $0xffff, v51;
	v52 =	vperm.xlane v19, v3;
	v53, _, _ =	vpop (xrf0)  }
0x166: {  	v54 =	vperm.xlane v11, v3;
	(v2sf) =	vpush v49, $0xF;
	s4 =	sadd.s32 s7, s3;
	v11, _, _ =	vpop (xrf0);
	(xrf0) =	vmin.scan.msk.u32 $0xffff, v17  }
0x167: {  	(v2sf) =	vpush v15, $0xF;
	v56 =	vperm.xlane v22, v3;
	s4 =	sadd.s32 $0x80000000, s4;
	v55 =	vxor.u32 $0x80000000, v11;
	(xrf0) =	vadd.scan.msk.s32 $0xffff, v52  }
0x168: {  	v10 =	vadd.s32 s3, v10;
	(v2sf) =	vpush v50, $0xF;
	v57, _, _ =	vpop (xrf0);
	v58 =	vadd.s32 s4, v54;
	(xrf0) =	vmax.scan.msk.u32 $0xffff, v55  }
0x169: {  	v60 =	vld [tilespmem:s0+$0xFFFFFFD0];
	v61 =	vxor.u32 $0x80000000, v53;
	v59, _, _ =	vpop (xrf0);
	vm4 =	vlt.s32 v58, v7;
	v18 =	vxor.u32 $0x80000000, v58;
	(xrf0) =	vadd.scan.msk.s32 $0xffff, v56  }
0x16a: {  	v62 =	vld [tilespmem:s0+$0xFFFFFFE0];
	s9 =	sadd.s32 $0xFFFFFFF0, s1;
	vm5 =	vlt.s32 v10, v7;
	v10 =	vxor.u32 $0x80000000, v10;
	v63, _, _ =	vpop (xrf0);
	v18 =	vsel vm4, $0xC0000000, v18;
	(xrf0) =	vmax.scan.msk.u32 $0xffff, v61  }
0x16b: {  	v23 =	vor.u32 s1, v4;
	v25 =	vor.u32 s9, v4;
	s10 =	spop (v2sf);
	v10 =	vsel vm5, $0xC0000000, v10;
	v24, _, _ =	vpop (xrf0);
	(xrf0) =	vmin.scan.msk.u32 $0xffff, v18  }
0x16c: {  	s19 =	spop (v2sf);
	v17 =	vsel vm5, $0x7FFFFFFF, v23;
	(v2sf) =	vpush v57, $0xF;
	v26, _, _ =	vpop (xrf0);
	(xrf0) =	vmin.scan.msk.u32 $0xffff, v10;
	v10 =	vsel vm4, $0x7FFFFFFF, v25  }
0x16d: {  	v8 =	vperm.xlane v8, v3;
	s3 =	sadd.s32 s19, s4;
	(v2sf) =	vpush v59, $0xF;
	v27, _, _ =	vpop (xrf0);
	(xrf0) =	vmax.scan.msk.u32 $0xffff, v17  }
0x16e: {  	v29 =	vperm.xlane v60, v3;
	s7 =	spop (v2sf);
	s3 =	sadd.s32 $0x80000000, s3;
	(v2sf) =	vpush v63, $0xF;
	v28 =	vxor.u32 $0x80000000, v27;
	v30, _, _ =	vpop (xrf0);
	(xrf0) =	vmax.scan.msk.u32 $0xffff, v10  }
0x16f: {  	v20 =	vperm.xlane v62, v3;
	s19 =	spop (v2sf);
	v8 =	vadd.s32 s3, v8;
	(v2sf) =	vpush v24, $0xF;
	(xrf0) =	vmax.scan.msk.u32 $0xffff, v28;
	v10, _, _ =	vpop (xrf0)  }
0x170: {  	s6 =	spop (v2sf);
	vm6 =	vlt.s32 v8, v7;
	v8 =	vxor.u32 $0x80000000, v8;
	(v2sf) =	vpush v26, $0xF;
	(xrf0) =	vadd.scan.msk.s32 $0xffff, v29;
	v31, _, _ =	vpop (xrf0)  }
0x171: {  	v8 =	vsel vm6, $0xC0000000, v8;
	s20 =	spop (v2sf);
	(v2sf) =	vpush v30, $0xF;
	(xrf0) =	vadd.scan.msk.s32 $0xffff, v20;
	v33, _, _ =	vpop (xrf0)  }
0x172: {  	v32 =	vor.u32 s8, v4;
	v9 =	vperm.xlane v9, v3;
	s3 =	sadd.s32 s20, s3;
	s8 =	spop (v2sf);
	v34, _, _ =	vpop (xrf0);
	(v2sf) =	vpush v33, $0xF  }
0x173: {  	v37 =	vor.u32 s2, v4;
	s3 =	sadd.s32 $0x80000000, s3;
	s20 =	spop (v2sf);
	v35, _, _ =	vpop (xrf0);
	(v2sf) =	vpush v34, $0xF  }
0x174: {  	[dreg:$0x10] =	wrdreg s10;
	v9 =	vadd.s32 s3, v9;
	v36 =	vxor.u32 $0x80000000, v10;
	(xrf0) =	vmin.scan.msk.u32 $0xffff, v8;
	s10 =	spop (v2sf);
	(v2sf) =	vpush v35, $0xF;
	v8, _, _ =	vpop (xrf0)  }
0x175: {  	v17 =	vsel vm6, $0x7FFFFFFF, v32;
	vm7 =	vlt.s32 v9, v7;
	s4 =	spop (v2sf);
	(xrf0) =	vmax.scan.msk.u32 $0xffff, v36;
	v38, _, _ =	vpop (xrf0);
	(v2sf) =	vpush v8, $0xF  }
0x176: {  	v9 =	vxor.u32 $0x80000000, v9;
	v39 =	vsel vm7, $0x7FFFFFFF, v37;
	s21 =	spop (v2sf);
	(xrf0) =	vmax.scan.msk.u32 $0xffff, v17;
	v8, _, _ =	vpop (xrf0);
	(v2sf) =	vpush v31, $0xF  }
0x177: {  	v9 =	vsel vm7, $0xC0000000, v9;
	s2 =	sadd.s32 s21, s3;
	(xrf0) =	vmax.scan.msk.u32 $0xffff, v39;
	v40, _, _ =	vpop (xrf0)  }
0x178: {  	s22 =	spop (v2sf);
	s5 =	sadd.s32 $0x80000000, s2;
	(xrf0) =	vmin.scan.msk.u32 $0xffff, v9;
	(v2sf) =	vpush v38, $0xF;
	v9 =	vxor.u32 $0x80000000, v40  }
0x179: {  	v41 =	vperm.xlane v12, v3;
	s3 =	sadd.s32 s22, s5;
	(xrf0) =	vmax.scan.msk.u32 $0xffff, v9  }
0x17a: {  	v46 =	vxor.u32 $0x80000000, v8;
	v42, _, _ =	vpop (xrf0);
	s22 =	sadd.s32 $0x80000000, s3  }
0x17b: {  	s2 =	spop (v2sf);
	v9 =	vperm.xlane v13, v3;
	(v2sf) =	vpush v42, $0xF;
	v12 =	vadd.s32 s22, v41;
	v43, _, _ =	vpop (xrf0)  }
0x17c: {  	s23 =	spop (v2sf);
	vm9 =	vlt.s32 v12, v7;
	v12 =	vxor.u32 $0x80000000, v12;
	(v2sf) =	vpush v43, $0xF;
	v44, _, _ =	vpop (xrf0)  }
0x17d: {  	s3 =	spop (v2sf);
	v9 =	vadd.s32 s5, v9;
	v12 =	vsel vm9, $0xC0000000, v12;
	(v2sf) =	vpush v44, $0xF;
	v45, _, _ =	vpop (xrf0)  }
0x17e: {  	s24 =	sadd.s32 $0xFFFFFFC0, s1;
	s5 =	spop (v2sf);
	vm8 =	vlt.s32 v9, v7;
	v9 =	vxor.u32 $0x80000000, v9;
	(v2sf) =	vpush v45, $0xF;
	v47, _, _ =	vpop (xrf0);
	(xrf0) =	vmax.scan.msk.u32 $0xffff, v46  }
0x17f: {  	v49 =	vor.u32 s24, v4;
	s1 =	spop (v2sf);
	v9 =	vsel vm8, $0xC0000000, v9;
	(v2sf) =	vpush v47, $0xF;
	(xrf0) =	vmin.scan.msk.u32 $0xffff, v12;
	v48, _, _ =	vpop (xrf0)  }
0x180: {  	s22 =	sadd.s32 s23, s22;
	v50 =	vsel vm8, $0x7FFFFFFF, v49;
	s26 =	spop (v2sf);
	(xrf0) =	vmin.scan.msk.u32 $0xffff, v9;
	v9 =	vperm.xlane v11, v3;
	(v2sf) =	vpush v48, $0xF  }
0x181: {  	s9 =	sxor.u32 $0x80000000, s11;
	s23 =	sadd.s32 $0x80000000, s22;
	(xrf0) =	vmax.scan.msk.u32 $0xffff, v50;
	s11 =	spop (v2sf)  }
0x182: {  	s0 =	sadd.s32 $0xFFFFFFF0, s24;
	v52 =	vperm.xlane v53, v3;
	s21 =	sxor.u32 $0x80000000, s12;
	v9 =	vadd.s32 s23, v9;
	s12 =	spop (v2sf)  }
0x183: {  	v11 =	vor.u32 s0, v4;
	s0 =	sadd.s32 s26, s23;
	vm10 =	vlt.s32 v9, v7;
	v9 =	vxor.u32 $0x80000000, v9;
	s22 =	spop (v2sf)  }
0x184: {  	p0 =	sgt.s32 s29, s21;
	v11 =	vsel vm9, $0x7FFFFFFF, v11;
	s0 =	sadd.s32 $0x80000000, s0;
	v53, _, _ =	vpop (xrf0);
	v9 =	vsel vm10, $0xC0000000, v9;
	s23 =	spop (v2sf)  }
0x185: {  	v51 =	vperm.xlane v27, v3;
	v10 =	vperm.xlane v10, v3;
	s21 =	smov.u32 @p0 s29;
	s26 =	sadd.s32 $0xFFFFFFE0, s24;
	(xrf0) =	vmax.scan.msk.u32 $0xffff, v11;
	v11 =	vadd.s32 s0, v52;
	v55, _, _ =	vpop (xrf0);
	s29 =	spop (v2sf)  }
0x186: {  	v54 =	vor.u32 s26, v4;
	vm11 =	vlt.s32 v11, v7;
	v56, _, _ =	vpop (xrf0);
	(v2sf) =	vpush v55, $0xF;
	s0 =	sadd.s32 s29, s0;
	s29 =	sadd.s32 $0xFFFFFFD0, s24  }
0x187: {  	p0 =	sgt.s32 s21, s9;
	v57 =	vsel vm10, $0x7FFFFFFF, v54;
	(xrf0) =	vmin.scan.msk.u32 $0xffff, v9;
	s26 =	spop (v2sf);
	v9, _, _ =	vpop (xrf0);
	(v2sf) =	vpush v56, $0xF;
	s0 =	sadd.s32 $0x80000000, s0;
	v58 =	vor.u32 s29, v4  }
0x188: {  	s7 =	sxor.u32 $0x80000000, s7;
	s9 =	smov.u32 @p0 s21;
	v11 =	vxor.u32 $0x80000000, v11;
	(xrf0) =	vmax.scan.msk.u32 $0xffff, v57;
	(v2sf) =	vpush v9, $0xF;
	s21 =	sadd.s32 s26, s0;
	v9 =	vsel vm11, $0x7FFFFFFF, v58  }
0x189: {  	p0 =	sgt.s32 s9, s7;
	v11 =	vsel vm11, $0xC0000000, v11;
	s24 =	sadd.s32 $0xFFFFFFC0, s24;
	s21 =	sadd.s32 $0x80000000, s21;
	(xrf0) =	vmax.scan.msk.u32 $0xffff, v9;
	v9 =	vadd.s32 s0, v51  }
0x18a: {  	s7 =	smov.u32 @p0 s9;
	v59 =	vor.u32 s24, v4;
	s26 =	sxor.u32 $0x80000000, s19;
	s29 =	spop (v2sf);
	v10 =	vadd.s32 s21, v10;
	vm13 =	vlt.s32 v9, v7  }
0x18b: {  	v60, _, _ =	vpop (xrf0);
	s19 =	sadd.s32 $0xFFFFFFF0, s24;
	p0 =	sgt.s32 s7, s26;
	s0 =	spop (v2sf);
	(xrf0) =	vmin.scan.msk.u32 $0xffff, v11;
	v11 =	vperm.xlane v40, v3;
	vm12 =	vlt.s32 v10, v7;
	v10 =	vxor.u32 $0x80000000, v10  }
0x18c: {  	s26 =	smov.u32 @p0 s7;
	v9 =	vxor.u32 $0x80000000, v9;
	s7 =	spop (v2sf);
	(v2sf) =	vpush v60, $0xF;
	s0 =	sadd.s32 s0, s21;
	v10 =	vsel vm12, $0xC0000000, v10  }
0x18d: {  	s9 =	sxor.u32 $0x80000000, s10;
	v9 =	vsel vm13, $0xC0000000, v9;
	v62 =	vsel vm13, $0x7FFFFFFF, v59;
	s10 =	spop (v2sf);
	s0 =	sadd.s32 $0x80000000, s0;
	(xrf0) =	vmin.scan.msk.u32 $0xffff, v10;
	v10 =	vor.u32 s19, v4  }
0x18e: {  	p0 =	sgt.s32 s26, s9;
	v61, _, _ =	vpop (xrf0);
	(v2sf) =	vpush v53, $0xF;
	s19 =	spop (v2sf);
	(xrf0) =	vmin.scan.msk.u32 $0xffff, v9;
	v9 =	vsel vm12, $0x7FFFFFFF, v10;
	v10 =	vadd.s32 s0, v11  }
0x18f: {  	s9 =	smov.u32 @p0 s26;
	(v2sf) =	vpush v61, $0xF;
	v11, _, _ =	vpop (xrf0);
	s26 =	spop (v2sf);
	(xrf0) =	vmax.scan.msk.u32 $0xffff, v62;
	vm14 =	vlt.s32 v10, v7;
	v10 =	vxor.u32 $0x80000000, v10  }
0x190: {  	s4 =	sxor.u32 $0x80000000, s4;
	v8 =	vperm.xlane v8, v3;
	(v2sf) =	vpush v11, $0xF;
	v11, _, _ =	vpop (xrf0);
	s0 =	sadd.s32 s26, s0;
	s26 =	sadd.s32 $0xFFFFFFE0, s24  }
0x191: {  	s21 =	sadd.s32 $0xFFFFFFD0, s24;
	p0 =	sgt.s32 s9, s4;
	(xrf0) =	vmax.scan.msk.u32 $0xffff, v9;
	v9 =	vsel vm14, $0xC0000000, v10;
	(v2sf) =	vpush v11, $0xF;
	v63 =	vor.u32 s26, v4;
	s0 =	sadd.s32 $0x80000000, s0  }
0x192: {  	s3 =	sxor.u32 $0x80000000, s3;
	s4 =	smov.u32 @p0 s9;
	v10, _, _ =	vpop (xrf0);
	v8 =	vadd.s32 s0, v8;
	v11 =	vsel vm14, $0x7FFFFFFF, v63;
	(xrf0) =	vmin.scan.msk.u32 $0xffff, v9;
	v9 =	vor.u32 s21, v4  }
0x193: {  	p0 =	sgt.s32 s4, s3;
	(v2sf) =	vpush v10, $0xF;
	vm15 =	vlt.s32 v8, v7;
	v7, _, _ =	vpop (xrf0);
	(xrf0) =	vmax.scan.msk.u32 $0xffff, v11  }
0x194: {  	s3 =	smov.u32 @p0 s4;
	s0 =	sxor.u32 $0x80000000, s5;
	v10, _, _ =	vpop (xrf0);
	(v2sf) =	vpush v7, $0xF;
	v7 =	vsel vm15, $0x7FFFFFFF, v9  }
0x195: {  	p0 =	sgt.s32 s3, s0;
	v9, _, _ =	vpop (xrf0);
	(v2sf) =	vpush v10, $0xF;
	(xrf0) =	vmax.scan.msk.u32 $0xffff, v7  }
0x196: {  	s0 =	smov.u32 @p0 s3;
	s3 =	sxor.u32 $0x80000000, s22;
	(v2sf) =	vpush v9, $0xF  }
0x197: {  	p0 =	sgt.s32 s0, s3;
	v7, _, _ =	vpop (xrf0)  }
0x198: {  	s5 =	sxor.u32 $0x80000000, s23;
	s3 =	smov.u32 @p0 s0;
	(v2sf) =	vpush v7, $0xF;
	v7, _, _ =	vpop (xrf0)  }
0x199: {  	p0 =	sgt.s32 s3, s5;
	(v2sf) =	vpush v7, $0xF;
	v7, _, _ =	vpop (xrf0)  }
0x19a: {  	s4 =	spop (v2sf);
	s0 =	sxor.u32 $0x80000000, s7;
	s5 =	smov.u32 @p0 s3;
	(v2sf) =	vpush v7, $0xF  }
0x19b: {  	s7 =	spop (v2sf);
	p0 =	sgt.s32 s5, s0;
	v7, _, _ =	vpop (xrf0)  }
0x19c: {  	s23 =	spop (v2sf);
	s3 =	sxor.u32 $0x80000000, s10;
	s0 =	smov.u32 @p0 s5;
	(v2sf) =	vpush v7, $0xF  }
0x19d: {  	s24 =	spop (v2sf);
	p0 =	sgt.s32 s0, s3  }
0x19e: {  	s26 =	spop (v2sf);
	s3 =	smov.u32 @p0 s0;
	s0 =	sxor.u32 $0x80000000, s23  }
0x19f: {  	s23 =	spop (v2sf);
	p0 =	sgt.s32 s3, s0  }
0x1a0: {  	s9 =	sxor.u32 $0x80000000, s24;
	s0 =	smov.u32 @p0 s3;
	s10 =	spop (v2sf)  }
0x1a1: {  	p0 =	sgt.s32 s0, s9;
	s21 =	spop (v2sf)  }
0x1a2: {  	s9 =	smov.u32 @p0 s0;
	s0 =	sxor.u32 $0x80000000, s10;
	s22 =	spop (v2sf)  }
0x1a3: {  	p0 =	sgt.s32 s9, s0;
	s5 =	spop (v2sf)  }
0x1a4: {  	s3 =	sxor.u32 $0x80000000, s21;
	s0 =	smov.u32 @p0 s9;
	s10 =	spop (v2sf)  }
0x1a5: {  	p0 =	sgt.s32 s0, s3;
	s24 =	spop (v2sf)  }
0x1a6: {  	s3 =	smov.u32 @p0 s0;
	s0 =	sxor.u32 $0x80000000, s24  }
0x1a7: {  	s26 =	spop (v2sf);
	p0 =	sgt.s32 s3, s0  }
0x1a8: {  	s9 =	sxor.u32 $0x80000000, s26;
	s0 =	smov.u32 @p0 s3;
	s24 =	spop (v2sf)  }
0x1a9: {  	p0 =	sgt.s32 s0, s9;
	s21 =	spop (v2sf)  }
0x1aa: {  	s9 =	smov.u32 @p0 s0;
	s0 =	sxor.u32 $0x80000000, s21  }
0x1ab: {  	p0 =	sgt.s32 s9, s0;
	s26 =	spop (v2sf)  }
0x1ac: {  	s0 =	smov.u32 @p0 s9;
	s3 =	sxor.u32 $0x80000000, s26  }
0x1ad: {  	p0 =	sgt.s32 s0, s3  }
0x1ae: {  	s3 =	smov.u32 @p0 s0  }
0x1af: {  	v7 =	vmov s3;
	_ =	sdelay $0x4  }
0x1b0: {  	v7 =	vld.idx.msk [tilespmem:v7+s13+$0x0], $0xffff;
	[tilespmem:$0x19000] =	vst v1  }
0x1b1: {  	[tilespmem:$0x19010] =	vst v1  }
0x1b2: {  	[tilespmem:$0x19020] =	vst v1  }
0x1b3: {  	[tilespmem:$0x19030] =	vst v1  }
0x1b4: {  	[tilespmem:$0x19040] =	vst v1  }
0x1b5: {  	[tilespmem:$0x19050] =	vst v1  }
0x1b6: {  	[tilespmem:$0x19060] =	vst v1  }
0x1b7: {  	[tilespmem:$0x19070] =	vst v1  }
0x1b8: {  	[tilespmem:$0x19080] =	vst v1  }
0x1b9: {  	[tilespmem:$0x19090] =	vst v1  }
0x1ba: {  	[tilespmem:$0x190A0] =	vst v1  }
0x1bb: {  	[tilespmem:$0x190B0] =	vst v1  }
0x1bc: {  	[tilespmem:$0x190C0] =	vst v1  }
0x1bd: {  	[tilespmem:$0x190D0] =	vst v1  }
0x1be: {  	[tilespmem:$0x190E0] =	vst v1  }
0x1bf: {  	[tilespmem:$0x190F0] =	vst v1  }
0x1c0: {  	[tilespmem:$0x19100] =	vst v1  }
0x1c1: {  	[tilespmem:$0x19110] =	vst v1  }
0x1c2: {  	[tilespmem:$0x19120] =	vst v1  }
0x1c3: {  	[tilespmem:$0x19130] =	vst v1  }
0x1c4: {  	[tilespmem:$0x19140] =	vst v1  }
0x1c5: {  	[tilespmem:$0x19150] =	vst v1  }
0x1c6: {  	[tilespmem:$0x19160] =	vst v1  }
0x1c7: {  	s0 =	sxor.u32 $0x80000000, s31;
	[tilespmem:$0x19170] =	vst v1  }
0x1c8: {  	p0 =	slt.s32 s28, s0;
	[tilespmem:$0x19180] =	vst v1  }
0x1c9: {  	s0 =	smov.u32 @p0 s28;
	[tilespmem:$0x19190] =	vst v1  }
0x1ca: {  	s28 =	rddreg [dreg:$0x10];
	p0 =	slt.s32 s0, s30;
	[tilespmem:$0x191A0] =	vst v1  }
0x1cb: {  	s30 =	smov.u32 @p0 s0;
	s0 =	sxor.u32 $0x80000000, s28;
	[tilespmem:$0x191B0] =	vst v1  }
0x1cc: {  	p0 =	slt.s32 s30, s0;
	[tilespmem:$0x191C0] =	vst v1  }
0x1cd: {  	s6 =	sxor.u32 $0x80000000, s6;
	s0 =	smov.u32 @p0 s30;
	[tilespmem:$0x191D0] =	vst v1  }
0x1ce: {  	[tilespmem:$0x191E0] =	vst v1;
	p0 =	slt.s32 s0, s6  }
0x1cf: {  	[tilespmem:$0x191F0] =	vst v1;
	s6 =	smov.u32 @p0 s0;
	s0 =	sxor.u32 $0x80000000, s20  }
0x1d0: {  	[tilespmem:$0x19200] =	vst v1;
	p0 =	slt.s32 s6, s0  }
0x1d1: {  	[tilespmem:$0x19210] =	vst v1;
	s0 =	smov.u32 @p0 s6;
	s6 =	sxor.u32 $0x80000000, s8  }
0x1d2: {  	[tilespmem:$0x19220] =	vst v1;
	p0 =	slt.s32 s0, s6  }
0x1d3: {  	[tilespmem:$0x19230] =	vst v1;
	s6 =	smov.u32 @p0 s0;
	s0 =	sxor.u32 $0x80000000, s2  }
0x1d4: {  	v8 =	vxor.u32 $0x80000000, v8;
	[tilespmem:$0x19240] =	vst v1;
	p0 =	slt.s32 s6, s0  }
0x1d5: {  	s1 =	sxor.u32 $0x80000000, s1;
	v8 =	vsel vm15, $0xC0000000, v8;
	[tilespmem:$0x19250] =	vst v1;
	s0 =	smov.u32 @p0 s6  }
0x1d6: {  	(xrf0) =	vmin.scan.msk.u32 $0xffff, v8;
	[tilespmem:$0x19260] =	vst v1;
	p0 =	slt.s32 s0, s1  }
0x1d7: {  	[tilespmem:$0x19270] =	vst v1;
	s1 =	smov.u32 @p0 s0;
	s0 =	sxor.u32 $0x80000000, s12  }
0x1d8: {  	[tilespmem:$0x19280] =	vst v1;
	p0 =	slt.s32 s1, s0  }
0x1d9: {  	[tilespmem:$0x19290] =	vst v1;
	s2 =	sxor.u32 $0x80000000, s11;
	s0 =	smov.u32 @p0 s1  }
0x1da: {  	[tilespmem:$0x192A0] =	vst v1;
	p0 =	slt.s32 s0, s2  }
0x1db: {  	[tilespmem:$0x192B0] =	vst v1;
	s1 =	sxor.u32 $0x80000000, s29;
	s2 =	smov.u32 @p0 s0  }
0x1dc: {  	v8, _, _ =	vpop (xrf0);
	[tilespmem:$0x192C0] =	vst v1;
	p0 =	slt.s32 s2, s1  }
0x1dd: {  	(v2sf) =	vpush v8, $0xF;
	[tilespmem:$0x192D0] =	vst v1;
	s0 =	sxor.u32 $0x80000000, s19;
	s1 =	smov.u32 @p0 s2  }
0x1de: {  	[tilespmem:$0x192E0] =	vst v1;
	p0 =	slt.s32 s1, s0  }
0x1df: {  	[tilespmem:$0x192F0] =	vst v1;
	s0 =	smov.u32 @p0 s1;
	s1 =	sxor.u32 $0x80000000, s7  }
0x1e0: {  	[tilespmem:$0x19300] =	vst v1;
	p0 =	slt.s32 s0, s1  }
0x1e1: {  	[tilespmem:$0x19310] =	vst v1;
	s2 =	sxor.u32 $0x80000000, s4;
	s1 =	smov.u32 @p0 s0  }
0x1e2: {  	[tilespmem:$0x19320] =	vst v1;
	p0 =	slt.s32 s1, s2  }
0x1e3: {  	[tilespmem:$0x19330] =	vst v1;
	s0 =	sxor.u32 $0x80000000, s23;
	s2 =	smov.u32 @p0 s1  }
0x1e4: {  	[tilespmem:$0x19340] =	vst v1;
	p0 =	slt.s32 s2, s0  }
0x1e5: {  	[tilespmem:$0x19350] =	vst v1;
	s1 =	sxor.u32 $0x80000000, s22;
	s0 =	smov.u32 @p0 s2  }
0x1e6: {  	[tilespmem:$0x19360] =	vst v1;
	p0 =	slt.s32 s0, s1  }
0x1e7: {  	[tilespmem:$0x19370] =	vst v1;
	s1 =	smov.u32 @p0 s0;
	s0 =	sxor.u32 $0x80000000, s10  }
0x1e8: {  	[tilespmem:$0x19380] =	vst v1;
	p0 =	slt.s32 s1, s0  }
0x1e9: {  	[tilespmem:$0x19390] =	vst v1;
	s2 =	sxor.u32 $0x80000000, s5;
	s0 =	smov.u32 @p0 s1  }
0x1ea: {  	[tilespmem:$0x193A0] =	vst v1;
	p0 =	slt.s32 s0, s2  }
0x1eb: {  	[tilespmem:$0x193B0] =	vst v1;
	s1 =	sxor.u32 $0x80000000, s24;
	s2 =	smov.u32 @p0 s0  }
0x1ec: {  	s31 =	sshll.u32 s25, $0xB;
	[tilespmem:$0x193C0] =	vst v1;
	s30 =	spop (v2sf);
	p0 =	slt.s32 s2, s1  }
0x1ed: {  	[tilespmem:$0x193D0] =	vst v1;
	s0 =	sxor.u32 $0x80000000, s30;
	s1 =	smov.u32 @p0 s2;
	s2 =	sor.u32 s31, s3  }
0x1ee: {  	[tilespmem:$0x193E0] =	vst v1;
	p0 =	slt.s32 s1, s0;
	[dreg:$0xe] =	wrdreg s2  }
0x1ef: {  	[tilespmem:$0x193F0] =	vst v1;
	v8 =	vmov s2;
	s2 =	simm.s32 $0x20;
	s0 =	smov.u32 @p0 s1;
	s1 =	simm.s32 $0xFFFFFFFC  }
.LBB2_15:
0x1f0: {  	v9 =	vld [tilespmem:s2+$0xFFFFFFE0];
	_ =	sdelay $0x4  }
0x1f1: {  	v10 =	vshrl.u32 v9, $0xA  }
0x1f2: {  	vm0 =	veq.s32 v10, v8  }
0x1f3: {  	v9 =	vand.u32 $0x3FF, v9;
	_ =	sdelay $0x4  }
0x1f4: {  	[tilespmem:v9+s13+$0x0] =	vst.idx.add.s32.msk vm0, v2  }
0x1f5: {  	v9 =	vld [tilespmem:s2+$0xFFFFFFF0];
	_ =	sdelay $0x4  }
0x1f6: {  	v10 =	vshrl.u32 v9, $0xA  }
0x1f7: {  	vm13 =	veq.s32 v10, v8  }
0x1f8: {  	v9 =	vand.u32 $0x3FF, v9;
	_ =	sdelay $0x4  }
0x1f9: {  	[tilespmem:v9+s13+$0x0] =	vst.idx.add.s32.msk vm13, v2  }
0x1fa: {  	v9 =	vld [tilespmem:s2+$0x0];
	_ =	sdelay $0x4  }
0x1fb: {  	v10 =	vshrl.u32 v9, $0xA  }
0x1fc: {  	vm14 =	veq.s32 v10, v8  }
0x1fd: {  	v9 =	vand.u32 $0x3FF, v9;
	_ =	sdelay $0x4  }
0x1fe: {  	[tilespmem:v9+s13+$0x0] =	vst.idx.add.s32.msk vm14, v2  }
0x1ff: {  	v9 =	vld [tilespmem:s2+$0x10];
	_ =	sdelay $0x4  }
0x200: {  	v10 =	vshrl.u32 v9, $0xA  }
0x201: {  	s1 =	sadd.s32 $0x4, s1;
	vm15 =	veq.s32 v10, v8  }
0x202: {  	p0 =	slt.u32 s1, $0x4FC;
	v9 =	vand.u32 $0x3FF, v9  }
.Ltmp6:
0x203: {  	_ = 	snop;
	(pc) =	sbr.rel @p0 .LBB2_15-.Ltmp6, $2  }
0x204: {  	_ =	sdelay $0x2  }
0x205: {  	s2 =	sadd.s32 $0x40, s2;
	[tilespmem:v9+s13+$0x0] =	vst.idx.add.s32.msk vm15, v2  }
0x206: {  	s2 =	simm.s32 $0x193F0  }
0x207: {  	v8 =	vld [tilespmem:s2+$0x0];
	_ =	sdelay $0x3  }
0x208: {  	v9 =	vld [tilespmem:s2+$0xFFFFFFF0]  }
0x209: {  	v7 =	vxor.u32 $0x80000000, v7;
	v8 =	vperm.xlane v8, v3  }
0x20a: {  	(xrf0) =	vmax.scan.msk.u32 $0xffff, v7  }
0x20b: {  	(xrf0) =	vadd.scan.msk.s32 $0xffff, v8;
	_ =	sdelay $0x1  }
0x20c: {  	v9 =	vperm.xlane v9, v3  }
0x20d: {  	v8 =	vld [tilespmem:s2+$0xFFFFFFD0]  }
0x20e: {  	v10 =	vld [tilespmem:s2+$0xFFFFFFE0]  }
0x20f: {  	v7, _, _ =	vpop (xrf0)  }
0x210: {  	(xrf0) =	vadd.scan.msk.s32 $0xffff, v9;
	v9, _, _ =	vpop (xrf0)  }
0x211: {  	s5 =	simm.s32 $0x193B0;
	v11 =	vxor.u32 $0x80000000, v9  }
0x212: {  	v8 =	vperm.xlane v8, v3;
	(xrf0) =	vmax.scan.msk.u32 $0xffff, v11;
	v11 =	vld [tilespmem:s5+$0x0]  }
0x213: {  	v10 =	vperm.xlane v10, v3  }
0x214: {  	(xrf0) =	vadd.scan.msk.s32 $0xffff, v8  }
0x215: {  	(xrf0) =	vadd.scan.msk.s32 $0xffff, v10;
	_ =	sdelay $0x1  }
0x216: {  	v8, _, _ =	vpop (xrf0);
	v11 =	vperm.xlane v11, v3  }
0x217: {  	v10 =	vxor.u32 $0x80000000, v8  }
0x218: {  	(xrf0) =	vmax.scan.msk.u32 $0xffff, v10;
	v10 =	vld [tilespmem:s5+$0xFFFFFFF0];
	v12, _, _ =	vpop (xrf0)  }
0x219: {  	(v2sf) =	vpush v7, $0xF;
	v13, _, _ =	vpop (xrf0);
	(xrf0) =	vadd.scan.msk.s32 $0xffff, v11  }
0x21a: {  	v11, _, _ =	vpop (xrf0)  }
0x21b: {  	(v2sf) =	vpush v12, $0xF;
	v12 =	vxor.u32 $0x80000000, v11;
	_ =	sdelay $0x1  }
0x21c: {  	v14 =	vld [tilespmem:s5+$0xFFFFFFD0];
	v10 =	vperm.xlane v10, v3;
	(xrf0) =	vmax.scan.msk.u32 $0xffff, v12  }
0x21d: {  	v15 =	vld [tilespmem:s5+$0xFFFFFFE0];
	v12, _, _ =	vpop (xrf0)  }
0x21e: {  	(xrf0) =	vadd.scan.msk.s32 $0xffff, v10;
	v10 =	vxor.u32 $0x80000000, v13;
	v16, _, _ =	vpop (xrf0)  }
0x21f: {  	(xrf0) =	vmax.scan.msk.u32 $0xffff, v10;
	v10 =	vxor.u32 $0x80000000, v16;
	_ =	sdelay $0x1  }
0x220: {  	(v2sf) =	vpush v12, $0xF;
	v12 =	vperm.xlane v14, v3  }
0x221: {  	s6 =	simm.s32 $0x19370;
	v14 =	vperm.xlane v15, v3;
	(xrf0) =	vmax.scan.msk.u32 $0xffff, v10;
	v10, _, _ =	vpop (xrf0)  }
0x222: {  	(xrf0) =	vadd.scan.msk.s32 $0xffff, v12;
	(v2sf) =	vpush v10, $0xF;
	v10 =	vld [tilespmem:s6+$0x0]  }
0x223: {  	(xrf0) =	vadd.scan.msk.s32 $0xffff, v14;
	_ =	sdelay $0x1  }
0x224: {  	v15 =	vld [tilespmem:s6+$0xFFFFFFF0];
	v14, _, _ =	vpop (xrf0)  }
0x225: {  	s1 =	spop (v2sf);
	v17, _, _ =	vpop (xrf0)  }
0x226: {  	s1 =	sxor.u32 $0x80000000, s1;
	v19 =	vxor.u32 $0x80000000, v14;
	v18, _, _ =	vpop (xrf0);
	v10 =	vperm.xlane v10, v3  }
0x227: {  	s26 =	rddreg [dreg:$0xd];
	s0 =	ssub.s32 s1, s0;
	(xrf0) =	vmax.scan.msk.u32 $0xffff, v19;
	s3 =	spop (v2sf);
	v12, _, _ =	vpop (xrf0)  }
0x228: {  	v9 =	vperm.xlane v9, v3;
	v8 =	vperm.xlane v8, v3;
	s0 =	sadd.s32 s26, s0;
	(v2sf) =	vpush v17, $0xF;
	s3 =	sadd.s32 $0x0, s3;
	v17, _, _ =	vpop (xrf0);
	(xrf0) =	vadd.scan.msk.s32 $0xffff, v10  }
0x229: {  	[dreg:$0xf] =	wrdreg s0;
	v7 =	vmov s0;
	s0 =	simm.s32 $0x0;
	v15 =	vperm.xlane v15, v3;
	s3 =	sadd.s32 $0x80000000, s3;
	v19 =	vxor.u32 $0x80000000, v17  }
0x22a: {  	v9 =	vadd.s32 s0, v9;
	(v2sf) =	vpush v18, $0xF;
	v8 =	vadd.s32 s3, v8;
	v10 =	vld [tilespmem:s6+$0xFFFFFFD0];
	(xrf0) =	vmax.scan.msk.u32 $0xffff, v19  }
0x22b: {  	v18 =	vld [tilespmem:s6+$0xFFFFFFE0];
	vm0 =	vlt.s32 v8, v7;
	v8 =	vxor.u32 $0x80000000, v8;
	(xrf0) =	vadd.scan.msk.s32 $0xffff, v15;
	v15 =	vxor.u32 $0x80000000, v12  }
0x22c: {  	s4 =	simm.s32 $0x3F0;
	s7 =	simm.s32 $0x3E0;
	vm1 =	vlt.s32 v9, v7;
	v9 =	vxor.u32 $0x80000000, v9;
	v8 =	vsel vm0, $0xC0000000, v8;
	(xrf0) =	vmax.scan.msk.u32 $0xffff, v15  }
0x22d: {  	v9 =	vsel vm1, $0xC0000000, v9;
	v15 =	vor.u32 s4, v4;
	v19, _, _ =	vpop (xrf0);
	(xrf0) =	vmin.scan.msk.u32 $0xffff, v8;
	v8 =	vor.u32 s7, v4  }
0x22e: {  	s8 =	spop (v2sf);
	v15 =	vsel vm1, $0x7FFFFFFF, v15;
	(v2sf) =	vpush v19, $0xF;
	(xrf0) =	vmin.scan.msk.u32 $0xffff, v9;
	v9 =	vperm.xlane v11, v3;
	v19, _, _ =	vpop (xrf0)  }
0x22f: {  	s0 =	sadd.s32 s8, s3;
	v8 =	vsel vm0, $0x7FFFFFFF, v8;
	v10 =	vperm.xlane v10, v3;
	(xrf0) =	vmax.scan.msk.u32 $0xffff, v15;
	v11 =	vxor.u32 $0x80000000, v19  }
0x230: {  	s0 =	sadd.s32 $0x80000000, s0;
	(xrf0) =	vmax.scan.msk.u32 $0xffff, v8;
	v8 =	vperm.xlane v18, v3;
	s9 =	spop (v2sf)  }
0x231: {  	v13 =	vperm.xlane v13, v3;
	v15, _, _ =	vpop (xrf0);
	v9 =	vadd.s32 s0, v9;
	s1 =	sadd.s32 s9, s0  }
0x232: {  	(xrf0) =	vmax.scan.msk.u32 $0xffff, v11;
	vm0 =	vlt.s32 v9, v7;
	v9 =	vxor.u32 $0x80000000, v9;
	v11, _, _ =	vpop (xrf0);
	s1 =	sadd.s32 $0x80000000, s1  }
0x233: {  	s10 =	simm.s32 $0x3D0;
	(v2sf) =	vpush v15, $0xF;
	(xrf0) =	vadd.scan.msk.s32 $0xffff, v10;
	v9 =	vsel vm0, $0xC0000000, v9;
	v10, _, _ =	vpop (xrf0);
	v13 =	vadd.s32 s1, v13  }
0x234: {  	s11 =	simm.s32 $0x19330;
	v15 =	vperm.xlane v16, v3;
	v16 =	vor.u32 s10, v4;
	(xrf0) =	vadd.scan.msk.s32 $0xffff, v8;
	v8, _, _ =	vpop (xrf0);
	vm1 =	vlt.s32 v13, v7  }
0x235: {  	v18 =	vld [tilespmem:s11+$0x0];
	v21, _, _ =	vpop (xrf0);
	(v2sf) =	vpush v8, $0xF;
	(xrf0) =	vmin.scan.msk.u32 $0xffff, v9;
	v8 =	vxor.u32 $0x80000000, v13;
	v13 =	vsel vm0, $0x7FFFFFFF, v16  }
0x236: {  	v20 =	vxor.u32 $0x80000000, v11;
	v9, _, _ =	vpop (xrf0)  }
0x237: {  	s12 =	simm.s32 $0x3C0;
	s20 =	spop (v2sf);
	(xrf0) =	vmax.scan.msk.u32 $0xffff, v20;
	(v2sf) =	vpush v21, $0xF;
	v22, _, _ =	vpop (xrf0)  }
0x238: {  	s1 =	sadd.s32 s20, s1;
	v16 =	vor.u32 s12, v4;
	v20 =	vld [tilespmem:s11+$0xFFFFFFF0];
	(v2sf) =	vpush v9, $0xF;
	(xrf0) =	vmax.scan.msk.u32 $0xffff, v13;
	v13, _, _ =	vpop (xrf0)  }
0x239: {  	v14 =	vperm.xlane v14, v3;
	s21 =	spop (v2sf);
	s1 =	sadd.s32 $0x80000000, s1;
	v16 =	vsel vm1, $0x7FFFFFFF, v16;
	(v2sf) =	vpush v22, $0xF;
	v9, _, _ =	vpop (xrf0)  }
0x23a: {  	v18 =	vperm.xlane v18, v3;
	s2 =	sadd.s32 s21, s1;
	v24 =	vsel vm1, $0xC0000000, v8;
	(xrf0) =	vmax.scan.msk.u32 $0xffff, v16;
	(v2sf) =	vpush v10, $0xF;
	v8, _, _ =	vpop (xrf0)  }
0x23b: {  	v15 =	vadd.s32 s1, v15;
	s22 =	sadd.s32 $0x80000000, s2;
	v10 =	vperm.xlane v19, v3;
	(xrf0) =	vmin.scan.msk.u32 $0xffff, v24;
	(v2sf) =	vpush v13, $0xF;
	v13, _, _ =	vpop (xrf0)  }
0x23c: {  	(xrf0) =	vadd.scan.msk.s32 $0xffff, v18;
	v19 =	vxor.u32 $0x80000000, v8;
	(v2sf) =	vpush v13, $0xF;
	v13 =	vadd.s32 s22, v14  }
0x23d: {  	v20 =	vperm.xlane v20, v3;
	vm1 =	vlt.s32 v13, v7;
	v13 =	vxor.u32 $0x80000000, v13  }
0x23e: {  	v18, _, _ =	vpop (xrf0);
	(xrf0) =	vmax.scan.msk.u32 $0xffff, v19;
	v13 =	vsel vm1, $0xC0000000, v13  }
0x23f: {  	v16 =	vperm.xlane v17, v3;
	v17 =	vld [tilespmem:s11+$0xFFFFFFE0];
	v19 =	vxor.u32 $0x80000000, v9;
	(v2sf) =	vpush v18, $0xF;
	v14, _, _ =	vpop (xrf0);
	(xrf0) =	vadd.scan.msk.s32 $0xffff, v20  }
0x240: {  	s19 =	simm.s32 $0x3B0;
	vm0 =	vlt.s32 v15, v7;
	s23 =	spop (v2sf);
	v18 =	vld [tilespmem:s11+$0xFFFFFFD0];
	(v2sf) =	vpush v14, $0xF;
	(xrf0) =	vmax.scan.msk.u32 $0xffff, v19;
	v14 =	vxor.u32 $0x80000000, v15;
	v15, _, _ =	vpop (xrf0)  }
0x241: {  	v63 =	vor.u32 s19, v4;
	(xrf0) =	vmin.scan.msk.u32 $0xffff, v13;
	(v2sf) =	vpush v15, $0xF;
	v13, _, _ =	vpop (xrf0)  }
0x242: {  	s4 =	simm.s32 $0x3A0;
	s0 =	sadd.s32 s23, s22;
	v19 =	vsel vm0, $0x7FFFFFFF, v63;
	v20 =	vsel vm0, $0xC0000000, v14;
	s25 =	spop (v2sf);
	(v2sf) =	vpush v13, $0xF;
	v13, _, _ =	vpop (xrf0)  }
0x243: {  	s29 =	simm.s32 $0xFFFFFFFF;
	s28 =	simm.s32 $0x40000000;
	v23 =	vor.u32 s4, v4;
	s0 =	sadd.s32 $0x80000000, s0;
	(xrf0) =	vmin.scan.msk.u32 $0xffff, v20;
	v20 =	vperm.xlane v12, v3;
	v12 =	vxor.u32 $0x80000000, v13  }
0x244: {  	s24 =	simm.s32 $0x390;
	s6 =	simm.s32 $0x10;
	v15 =	vsel vm1, $0x7FFFFFFF, v23;
	v14 =	vperm.xlane v17, v3;
	v17 =	vadd.s32 s0, v16;
	s26 =	sadd.s32 s25, s0;
	(xrf0) =	vmax.scan.msk.u32 $0xffff, v19  }
0x245: {  	s4 =	simm.s32 $0x380;
	s8 =	simm.s32 $0x350;
	v16 =	vor.u32 s24, v4;
	vm1 =	vlt.s32 v17, v7;
	s3 =	sadd.s32 $0x80000000, s26;
	v18 =	vperm.xlane v18, v3;
	(xrf0) =	vmax.scan.msk.u32 $0xffff, v15;
	v19, _, _ =	vpop (xrf0)  }
0x246: {  	s1 =	simm.s32 $0x192F0;
	s2 =	simm.s32 $0x340;
	v17 =	vxor.u32 $0x80000000, v17;
	(xrf0) =	vmax.scan.msk.u32 $0xffff, v12;
	(v2sf) =	vpush v19, $0xF;
	v19 =	vadd.s32 s3, v20;
	s5 =	spop (v2sf);
	v12, _, _ =	vpop (xrf0)  }
0x247: {  	s0 =	simm.s32 $0x370;
	vm0 =	vlt.s32 v19, v7;
	s30 =	sxor.u32 $0x80000000, s5;
	s31 =	spop (v2sf);
	(xrf0) =	vadd.scan.msk.s32 $0xffff, v18;
	v18 =	vsel vm1, $0xC0000000, v17;
	v17 =	vxor.u32 $0x80000000, v19;
	v15, _, _ =	vpop (xrf0)  }
.LBB2_17:
0x248: {  	s6 =	sadd.s32 $0x4, s6;
	v19 =	vld [tilespmem:s1+$0x0];
	(xrf0) =	vadd.scan.msk.s32 $0xffff, v14;
	v14 =	vsel vm1, $0x7FFFFFFF, v16;
	v16, _, _ =	vpop (xrf0);
	s5 =	spop (v2sf);
	v20 =	vmov v9;
	s7 =	sadd.s32 $0xFFFFFFF0, s0  }
0x249: {  	v9 =	vxor.u32 $0x80000000, v12;
	s11 =	sxor.u32 $0x80000000, s31;
	v21, _, _ =	vpop (xrf0);
	(v2sf) =	vpush v16, $0xF;
	(xrf0) =	vmin.scan.msk.u32 $0xffff, v18;
	s5 =	sxor.u32 $0x80000000, s5;
	s9 =	spop (v2sf)  }
0x24a: {  	p0 =	slt.s32 s28, s11;
	s10 =	spop (v2sf)  }
0x24b: {  	(xrf0) =	vmax.scan.msk.u32 $0xffff, v9;
	v9 =	vor.u32 s4, v4;
	v16, _, _ =	vpop (xrf0);
	(v2sf) =	vpush v21, $0xF;
	s4 =	sxor.u32 $0x80000000, s9;
	p1 =	sgt.s32 s29, s5;
	s11 =	smov.u32 @p0 s28  }
0x24c: {  	v22 =	vor.u32 s7, v4;
	v21 =	vor.u32 s0, v4;
	s0 =	sadd.s32 $0xFFFFFFC0, s0;
	v18 =	vld [tilespmem:s1+$0xFFFFFFF0];
	s3 =	sadd.s32 s10, s3;
	(v2sf) =	vpush v16, $0xF;
	v16, _, _ =	vpop (xrf0);
	(xrf0) =	vmax.scan.msk.u32 $0xffff, v14;
	s5 =	smov.u32 @p1 s29  }
0x24d: {  	v17 =	vsel vm0, $0xC0000000, v17;
	v23 =	vsel vm0, $0x7FFFFFFF, v9;
	v14, _, _ =	vpop (xrf0);
	s7 =	spop (v2sf);
	s3 =	sadd.s32 $0x80000000, s3;
	(v2sf) =	vpush v16, $0xF;
	p0 =	sgt.s32 s5, s4  }
0x24e: {  	v11 =	vperm.xlane v11, v3;
	v24 =	vperm.xlane v19, v3;
	v9, _, _ =	vpop (xrf0);
	s7 =	sadd.s32 s7, s3;
	(v2sf) =	vpush v15, $0xF;
	(xrf0) =	vmax.scan.msk.u32 $0xffff, v23;
	s9 =	spop (v2sf);
	s4 =	smov.u32 @p0 s5  }
0x24f: {  	v15 =	vadd.s32 s3, v10;
	v10 =	vperm.xlane v13, v3;
	v19 =	vperm.xlane v8, v3;
	p0 =	slt.s32 s11, s30;
	v8, _, _ =	vpop (xrf0);
	s3 =	spop (v2sf);
	(xrf0) =	vmin.scan.msk.u32 $0xffff, v17;
	s9 =	sxor.u32 $0x80000000, s9  }
0x250: {  	vm0 =	vlt.s32 v15, v7;
	s7 =	sadd.s32 $0x80000000, s7;
	s30 =	smov.u32 @p0 s11;
	v13 =	vld [tilespmem:s1+$0xFFFFFFE0];
	v17 =	vxor.u32 $0x80000000, v8;
	(v2sf) =	vpush v14, $0xF;
	v14, _, _ =	vpop (xrf0);
	s5 =	spop (v2sf)  }
0x251: {  	v25 =	vadd.s32 s7, v11;
	s3 =	sadd.s32 s3, s7;
	p1 =	slt.s32 s30, s9;
	v18 =	vperm.xlane v18, v3;
	(xrf0) =	vadd.scan.msk.s32 $0xffff, v24;
	v16, _, _ =	vpop (xrf0);
	(v2sf) =	vpush v14, $0xF;
	s5 =	sxor.u32 $0x80000000, s5  }
0x252: {  	vm1 =	vlt.s32 v25, v7;
	v23 =	vxor.u32 $0x80000000, v25;
	s9 =	smov.u32 @p1 s30;
	(v2sf) =	vpush v16, $0xF;
	(xrf0) =	vmax.scan.msk.u32 $0xffff, v17;
	v14, _, _ =	vpop (xrf0);
	p0 =	sgt.s32 s4, s5;
	s7 =	spop (v2sf)  }
0x253: {  	v11 =	vmovc v12;
	v24 =	vxor.u32 $0x80000000, v9;
	v17 =	vld [tilespmem:s1+$0xFFFFFFD0];
	(xrf0) =	vadd.scan.msk.s32 $0xffff, v18;
	v18 =	vsel vm1, $0xC0000000, v23;
	(v2sf) =	vpush v14, $0xF;
	s29 =	sxor.u32 $0x80000000, s7;
	s7 =	spop (v2sf);
	s5 =	smov.u32 @p0 s4  }
0x254: {  	v12 =	vsel vm0, $0x7FFFFFFF, v21;
	s3 =	sadd.s32 $0x80000000, s3;
	v21 =	vsel vm1, $0x7FFFFFFF, v22;
	v23 =	vxor.u32 $0x80000000, v15;
	(xrf0) =	vmax.scan.msk.u32 $0xffff, v24;
	v16, _, _ =	vpop (xrf0);
	s28 =	sxor.u32 $0x80000000, s7;
	p0 =	sgt.s32 s5, s29  }
0x255: {  	v22 =	vsel vm0, $0xC0000000, v23;
	v14 =	vperm.xlane v13, v3;
	(xrf0) =	vmin.scan.msk.u32 $0xffff, v18;
	(v2sf) =	vpush v16, $0xF;
	v15, _, _ =	vpop (xrf0);
	p1 =	slt.s32 s9, s28;
	s29 =	smov.u32 @p0 s5;
	p0 =	slt.u32 s6, $0x3C  }
.Ltmp7:
0x256: {  	(xrf0) =	vmin.scan.msk.u32 $0xffff, v22;
	s4 =	spop (v2sf);
	(v2sf) =	vpush v15, $0xF;
	s28 =	smov.u32 @p1 s9;
	(pc) =	sbr.rel @p0 .LBB2_17-.Ltmp7, $4  }
0x257: {  	v16 =	vor.u32 s8, v4;
	s8 =	sadd.s32 $0xFFFFFFE0, s0;
	v18 =	vperm.xlane v20, v3;
	v15 =	vadd.s32 s3, v19;
	v13, _, _ =	vpop (xrf0);
	s3 =	sadd.s32 s4, s3;
	(xrf0) =	vmax.scan.msk.u32 $0xffff, v12  }
0x258: {  	s5 =	sadd.s32 $0xFFFFFFD0, s0;
	vm1 =	vlt.s32 v15, v7;
	v20 =	vxor.u32 $0x80000000, v13;
	v17 =	vperm.xlane v17, v3;
	v19, _, _ =	vpop (xrf0);
	s3 =	sadd.s32 $0x80000000, s3;
	(xrf0) =	vmax.scan.msk.u32 $0xffff, v21  }
0x259: {  	s4 =	smov.u32 s2;
	s2 =	smov.u32 s5;
	(xrf0) =	vmax.scan.msk.u32 $0xffff, v20;
	v12, _, _ =	vpop (xrf0);
	(v2sf) =	vpush v19, $0xF;
	v19 =	vxor.u32 $0x80000000, v15;
	v20 =	vadd.s32 s3, v18;
	s7 =	spop (v2sf)  }
0x25a: {  	s1 =	sadd.s32 $0xFFFFFFC0, s1;
	(xrf0) =	vadd.scan.msk.s32 $0xffff, v17;
	v15, _, _ =	vpop (xrf0);
	v18 =	vsel vm1, $0xC0000000, v19;
	vm0 =	vlt.s32 v20, v7;
	v17 =	vxor.u32 $0x80000000, v20;
	s30 =	sxor.u32 $0x80000000, s7;
	s31 =	spop (v2sf)  }
0x25b: {  	v19 =	vld [tilespmem:s1+$0x0];
	(xrf0) =	vadd.scan.msk.s32 $0xffff, v14;
	v29, _, _ =	vpop (xrf0)  }
0x25c: {  	s12 =	spop (v2sf);
	v20, _, _ =	vpop (xrf0)  }
0x25d: {  	v21 =	vxor.u32 $0x80000000, v12;
	v22 =	vld [tilespmem:s1+$0xFFFFFFF0];
	(xrf0) =	vmin.scan.msk.u32 $0xffff, v18;
	s11 =	spop (v2sf);
	v30, _, _ =	vpop (xrf0)  }
0x25e: {  	v16 =	vsel vm1, $0x7FFFFFFF, v16;
	v31 =	vor.u32 s4, v4;
	(v2sf) =	vpush v29, $0xF;
	(xrf0) =	vmax.scan.msk.u32 $0xffff, v21;
	s10 =	spop (v2sf);
	v32, _, _ =	vpop (xrf0)  }
0x25f: {  	v34 =	vsel vm0, $0x7FFFFFFF, v31;
	(v2sf) =	vpush v20, $0xF;
	s3 =	sadd.s32 s10, s3;
	(xrf0) =	vmax.scan.msk.u32 $0xffff, v16;
	v33, _, _ =	vpop (xrf0)  }
0x260: {  	v17 =	vsel vm0, $0xC0000000, v17;
	(v2sf) =	vpush v30, $0xF;
	s19 =	spop (v2sf);
	s3 =	sadd.s32 $0x80000000, s3;
	(xrf0) =	vmax.scan.msk.u32 $0xffff, v34;
	v35 =	vperm.xlane v19, v3;
	v36, _, _ =	vpop (xrf0)  }
0x261: {  	v37 =	vperm.xlane v11, v3;
	(v2sf) =	vpush v32, $0xF;
	s4 =	sadd.s32 s19, s3;
	v11, _, _ =	vpop (xrf0);
	(xrf0) =	vmin.scan.msk.u32 $0xffff, v17  }
0x262: {  	(v2sf) =	vpush v15, $0xF;
	v39 =	vperm.xlane v22, v3;
	s4 =	sadd.s32 $0x80000000, s4;
	v38 =	vxor.u32 $0x80000000, v11;
	(xrf0) =	vadd.scan.msk.s32 $0xffff, v35  }
0x263: {  	v10 =	vadd.s32 s3, v10;
	(v2sf) =	vpush v33, $0xF;
	v40, _, _ =	vpop (xrf0);
	v41 =	vadd.s32 s4, v37;
	(xrf0) =	vmax.scan.msk.u32 $0xffff, v38  }
0x264: {  	v43 =	vld [tilespmem:s1+$0xFFFFFFD0];
	v44 =	vxor.u32 $0x80000000, v36;
	v42, _, _ =	vpop (xrf0);
	vm0 =	vlt.s32 v41, v7;
	v18 =	vxor.u32 $0x80000000, v41;
	(xrf0) =	vadd.scan.msk.s32 $0xffff, v39  }
0x265: {  	v45 =	vld [tilespmem:s1+$0xFFFFFFE0];
	s20 =	sadd.s32 $0xFFFFFFF0, s0;
	vm1 =	vlt.s32 v10, v7;
	v10 =	vxor.u32 $0x80000000, v10;
	v46, _, _ =	vpop (xrf0);
	v18 =	vsel vm0, $0xC0000000, v18;
	(xrf0) =	vmax.scan.msk.u32 $0xffff, v44  }
0x266: {  	v47 =	vor.u32 s0, v4;
	v49 =	vor.u32 s20, v4;
	s1 =	spop (v2sf);
	v10 =	vsel vm1, $0xC0000000, v10;
	v48, _, _ =	vpop (xrf0);
	(xrf0) =	vmin.scan.msk.u32 $0xffff, v18  }
0x267: {  	s21 =	spop (v2sf);
	v17 =	vsel vm1, $0x7FFFFFFF, v47;
	(v2sf) =	vpush v40, $0xF;
	v50, _, _ =	vpop (xrf0);
	(xrf0) =	vmin.scan.msk.u32 $0xffff, v10;
	v10 =	vsel vm0, $0x7FFFFFFF, v49  }
0x268: {  	v8 =	vperm.xlane v8, v3;
	s3 =	sadd.s32 s21, s4;
	(v2sf) =	vpush v42, $0xF;
	v51, _, _ =	vpop (xrf0);
	(xrf0) =	vmax.scan.msk.u32 $0xffff, v17  }
0x269: {  	v53 =	vperm.xlane v43, v3;
	s7 =	spop (v2sf);
	s3 =	sadd.s32 $0x80000000, s3;
	(v2sf) =	vpush v46, $0xF;
	v52 =	vxor.u32 $0x80000000, v51;
	v54, _, _ =	vpop (xrf0);
	(xrf0) =	vmax.scan.msk.u32 $0xffff, v10  }
0x26a: {  	v20 =	vperm.xlane v45, v3;
	s19 =	spop (v2sf);
	v8 =	vadd.s32 s3, v8;
	(v2sf) =	vpush v48, $0xF;
	(xrf0) =	vmax.scan.msk.u32 $0xffff, v52;
	v10, _, _ =	vpop (xrf0)  }
0x26b: {  	s6 =	spop (v2sf);
	vm0 =	vlt.s32 v8, v7;
	v8 =	vxor.u32 $0x80000000, v8;
	(v2sf) =	vpush v50, $0xF;
	(xrf0) =	vadd.scan.msk.s32 $0xffff, v53;
	v55, _, _ =	vpop (xrf0)  }
0x26c: {  	s22 =	spop (v2sf);
	v8 =	vsel vm0, $0xC0000000, v8;
	(v2sf) =	vpush v54, $0xF;
	(xrf0) =	vadd.scan.msk.s32 $0xffff, v20;
	v57, _, _ =	vpop (xrf0)  }
0x26d: {  	v56 =	vor.u32 s8, v4;
	v9 =	vperm.xlane v9, v3;
	s3 =	sadd.s32 s22, s3;
	s8 =	spop (v2sf);
	v58, _, _ =	vpop (xrf0);
	(v2sf) =	vpush v57, $0xF  }
0x26e: {  	v61 =	vor.u32 s2, v4;
	s3 =	sadd.s32 $0x80000000, s3;
	s20 =	spop (v2sf);
	v59, _, _ =	vpop (xrf0);
	(v2sf) =	vpush v58, $0xF  }
0x26f: {  	v9 =	vadd.s32 s3, v9;
	v60 =	vxor.u32 $0x80000000, v10;
	(xrf0) =	vmin.scan.msk.u32 $0xffff, v8;
	s10 =	spop (v2sf);
	(v2sf) =	vpush v59, $0xF;
	v8, _, _ =	vpop (xrf0)  }
0x270: {  	v17 =	vsel vm0, $0x7FFFFFFF, v56;
	vm1 =	vlt.s32 v9, v7;
	s4 =	spop (v2sf);
	(xrf0) =	vmax.scan.msk.u32 $0xffff, v60;
	v62, _, _ =	vpop (xrf0);
	(v2sf) =	vpush v8, $0xF  }
0x271: {  	v9 =	vxor.u32 $0x80000000, v9;
	v63 =	vsel vm1, $0x7FFFFFFF, v61;
	s23 =	spop (v2sf);
	(xrf0) =	vmax.scan.msk.u32 $0xffff, v17;
	v8, _, _ =	vpop (xrf0);
	(v2sf) =	vpush v55, $0xF  }
0x272: {  	v9 =	vsel vm1, $0xC0000000, v9;
	s2 =	sadd.s32 s23, s3;
	(xrf0) =	vmax.scan.msk.u32 $0xffff, v63;
	v20, _, _ =	vpop (xrf0)  }
0x273: {  	s24 =	spop (v2sf);
	s5 =	sadd.s32 $0x80000000, s2;
	(xrf0) =	vmin.scan.msk.u32 $0xffff, v9;
	(v2sf) =	vpush v62, $0xF;
	v9 =	vxor.u32 $0x80000000, v20  }
0x274: {  	v21 =	vperm.xlane v12, v3;
	s3 =	sadd.s32 s24, s5;
	(xrf0) =	vmax.scan.msk.u32 $0xffff, v9  }
0x275: {  	v26 =	vxor.u32 $0x80000000, v8;
	v22, _, _ =	vpop (xrf0);
	s9 =	sadd.s32 $0x80000000, s3  }
0x276: {  	s2 =	spop (v2sf);
	v9 =	vperm.xlane v13, v3;
	(v2sf) =	vpush v22, $0xF;
	v12 =	vadd.s32 s9, v21;
	v23, _, _ =	vpop (xrf0)  }
0x277: {  	s21 =	spop (v2sf);
	vm0 =	vlt.s32 v12, v7;
	v12 =	vxor.u32 $0x80000000, v12;
	(v2sf) =	vpush v23, $0xF;
	v24, _, _ =	vpop (xrf0)  }
0x278: {  	s3 =	spop (v2sf);
	v9 =	vadd.s32 s5, v9;
	v12 =	vsel vm0, $0xC0000000, v12;
	(v2sf) =	vpush v24, $0xF;
	v25, _, _ =	vpop (xrf0)  }
0x279: {  	s24 =	sadd.s32 $0xFFFFFFC0, s0;
	s5 =	spop (v2sf);
	vm1 =	vlt.s32 v9, v7;
	v9 =	vxor.u32 $0x80000000, v9;
	(v2sf) =	vpush v25, $0xF;
	v27, _, _ =	vpop (xrf0);
	(xrf0) =	vmax.scan.msk.u32 $0xffff, v26  }
0x27a: {  	v29 =	vor.u32 s24, v4;
	s0 =	spop (v2sf);
	v9 =	vsel vm1, $0xC0000000, v9;
	(v2sf) =	vpush v27, $0xF;
	(xrf0) =	vmin.scan.msk.u32 $0xffff, v12;
	v28, _, _ =	vpop (xrf0)  }
0x27b: {  	s26 =	sxor.u32 $0x80000000, s11;
	s9 =	sadd.s32 s21, s9;
	v30 =	vsel vm1, $0x7FFFFFFF, v29;
	s23 =	spop (v2sf);
	(xrf0) =	vmin.scan.msk.u32 $0xffff, v9;
	v9 =	vperm.xlane v11, v3;
	(v2sf) =	vpush v28, $0xF  }
0x27c: {  	s22 =	sadd.s32 $0xFFFFFFF0, s24;
	s9 =	sadd.s32 $0x80000000, s9;
	(xrf0) =	vmax.scan.msk.u32 $0xffff, v30;
	s11 =	spop (v2sf)  }
0x27d: {  	s25 =	sxor.u32 $0x80000000, s12;
	v11 =	vor.u32 s22, v4;
	v9 =	vadd.s32 s9, v9;
	s12 =	spop (v2sf)  }
0x27e: {  	p0 =	sgt.s32 s29, s25;
	v11 =	vsel vm0, $0x7FFFFFFF, v11;
	vm0 =	vlt.s32 v9, v7;
	v9 =	vxor.u32 $0x80000000, v9;
	s22 =	spop (v2sf)  }
0x27f: {  	v32 =	vperm.xlane v36, v3;
	s21 =	sadd.s32 $0xFFFFFFE0, s24;
	s9 =	sadd.s32 s23, s9;
	v33, _, _ =	vpop (xrf0);
	v9 =	vsel vm0, $0xC0000000, v9;
	s23 =	spop (v2sf)  }
0x280: {  	s25 =	smov.u32 @p0 s29;
	v31 =	vperm.xlane v51, v3;
	v10 =	vperm.xlane v10, v3;
	v34 =	vor.u32 s21, v4;
	(xrf0) =	vmax.scan.msk.u32 $0xffff, v11;
	s9 =	sadd.s32 $0x80000000, s9;
	v35, _, _ =	vpop (xrf0);
	s29 =	spop (v2sf)  }
0x281: {  	p0 =	sgt.s32 s25, s26;
	v11 =	vadd.s32 s9, v32;
	v37 =	vsel vm0, $0x7FFFFFFF, v34;
	v36, _, _ =	vpop (xrf0);
	(v2sf) =	vpush v35, $0xF;
	s9 =	sadd.s32 s29, s9;
	s29 =	sadd.s32 $0xFFFFFFD0, s24  }
0x282: {  	s26 =	smov.u32 @p0 s25;
	vm1 =	vlt.s32 v11, v7;
	(xrf0) =	vmin.scan.msk.u32 $0xffff, v9;
	s25 =	spop (v2sf);
	v9, _, _ =	vpop (xrf0);
	(v2sf) =	vpush v36, $0xF;
	s9 =	sadd.s32 $0x80000000, s9;
	v38 =	vor.u32 s29, v4  }
0x283: {  	s7 =	sxor.u32 $0x80000000, s7;
	v11 =	vxor.u32 $0x80000000, v11;
	(xrf0) =	vmax.scan.msk.u32 $0xffff, v37;
	(v2sf) =	vpush v9, $0xF;
	s21 =	sadd.s32 s25, s9;
	v9 =	vsel vm1, $0x7FFFFFFF, v38  }
0x284: {  	p0 =	sgt.s32 s26, s7;
	v11 =	vsel vm1, $0xC0000000, v11;
	s24 =	sadd.s32 $0xFFFFFFC0, s24;
	s21 =	sadd.s32 $0x80000000, s21;
	(xrf0) =	vmax.scan.msk.u32 $0xffff, v9;
	v9 =	vadd.s32 s9, v31  }
0x285: {  	s7 =	smov.u32 @p0 s26;
	v39 =	vor.u32 s24, v4;
	s25 =	sxor.u32 $0x80000000, s19;
	s19 =	spop (v2sf);
	v10 =	vadd.s32 s21, v10;
	vm1 =	vlt.s32 v9, v7  }
0x286: {  	v40, _, _ =	vpop (xrf0);
	s29 =	sadd.s32 $0xFFFFFFF0, s24;
	p0 =	sgt.s32 s7, s25;
	s9 =	spop (v2sf);
	(xrf0) =	vmin.scan.msk.u32 $0xffff, v11;
	v11 =	vperm.xlane v20, v3;
	vm0 =	vlt.s32 v10, v7;
	v10 =	vxor.u32 $0x80000000, v10  }
0x287: {  	s25 =	smov.u32 @p0 s7;
	v9 =	vxor.u32 $0x80000000, v9;
	s7 =	spop (v2sf);
	(v2sf) =	vpush v40, $0xF;
	s9 =	sadd.s32 s9, s21;
	v10 =	vsel vm0, $0xC0000000, v10  }
0x288: {  	s26 =	sxor.u32 $0x80000000, s10;
	v9 =	vsel vm1, $0xC0000000, v9;
	v42 =	vsel vm1, $0x7FFFFFFF, v39;
	s10 =	spop (v2sf);
	s9 =	sadd.s32 $0x80000000, s9;
	(xrf0) =	vmin.scan.msk.u32 $0xffff, v10;
	v10 =	vor.u32 s29, v4  }
0x289: {  	p0 =	sgt.s32 s25, s26;
	v41, _, _ =	vpop (xrf0);
	(v2sf) =	vpush v33, $0xF;
	s29 =	spop (v2sf);
	(xrf0) =	vmin.scan.msk.u32 $0xffff, v9;
	v9 =	vsel vm0, $0x7FFFFFFF, v10;
	v10 =	vadd.s32 s9, v11  }
0x28a: {  	s26 =	smov.u32 @p0 s25;
	(v2sf) =	vpush v41, $0xF;
	v11, _, _ =	vpop (xrf0);
	s25 =	spop (v2sf);
	(xrf0) =	vmax.scan.msk.u32 $0xffff, v42;
	vm0 =	vlt.s32 v10, v7;
	v10 =	vxor.u32 $0x80000000, v10  }
0x28b: {  	s4 =	sxor.u32 $0x80000000, s4;
	v8 =	vperm.xlane v8, v3;
	(v2sf) =	vpush v11, $0xF;
	v11, _, _ =	vpop (xrf0);
	s9 =	sadd.s32 s25, s9;
	s25 =	sadd.s32 $0xFFFFFFE0, s24  }
0x28c: {  	p0 =	sgt.s32 s26, s4;
	(xrf0) =	vmax.scan.msk.u32 $0xffff, v9;
	v9 =	vsel vm0, $0xC0000000, v10;
	s24 =	sadd.s32 $0xFFFFFFD0, s24;
	(v2sf) =	vpush v11, $0xF;
	v43 =	vor.u32 s25, v4;
	s9 =	sadd.s32 $0x80000000, s9  }
0x28d: {  	s3 =	sxor.u32 $0x80000000, s3;
	s4 =	smov.u32 @p0 s26;
	v10, _, _ =	vpop (xrf0);
	v8 =	vadd.s32 s9, v8;
	v11 =	vsel vm0, $0x7FFFFFFF, v43;
	(xrf0) =	vmin.scan.msk.u32 $0xffff, v9;
	v9 =	vor.u32 s24, v4  }
0x28e: {  	p0 =	sgt.s32 s4, s3;
	(v2sf) =	vpush v10, $0xF;
	vm0 =	vlt.s32 v8, v7;
	v7, _, _ =	vpop (xrf0);
	(xrf0) =	vmax.scan.msk.u32 $0xffff, v11  }
0x28f: {  	s5 =	sxor.u32 $0x80000000, s5;
	s3 =	smov.u32 @p0 s4;
	v10, _, _ =	vpop (xrf0);
	(v2sf) =	vpush v7, $0xF;
	v7 =	vsel vm0, $0x7FFFFFFF, v9  }
0x290: {  	p0 =	sgt.s32 s3, s5;
	v9, _, _ =	vpop (xrf0);
	(v2sf) =	vpush v10, $0xF;
	(xrf0) =	vmax.scan.msk.u32 $0xffff, v7  }
0x291: {  	s5 =	smov.u32 @p0 s3;
	s3 =	sxor.u32 $0x80000000, s22;
	(v2sf) =	vpush v9, $0xF  }
0x292: {  	p0 =	sgt.s32 s5, s3;
	v7, _, _ =	vpop (xrf0)  }
0x293: {  	s4 =	sxor.u32 $0x80000000, s23;
	s3 =	smov.u32 @p0 s5;
	(v2sf) =	vpush v7, $0xF;
	v7, _, _ =	vpop (xrf0)  }
0x294: {  	p0 =	sgt.s32 s3, s4;
	(v2sf) =	vpush v7, $0xF;
	v7, _, _ =	vpop (xrf0)  }
0x295: {  	s7 =	sxor.u32 $0x80000000, s7;
	s4 =	smov.u32 @p0 s3;
	s3 =	spop (v2sf);
	(v2sf) =	vpush v7, $0xF  }
0x296: {  	s5 =	spop (v2sf);
	p0 =	sgt.s32 s4, s7;
	v7, _, _ =	vpop (xrf0)  }
0x297: {  	s9 =	sxor.u32 $0x80000000, s10;
	s7 =	smov.u32 @p0 s4;
	s25 =	spop (v2sf);
	(v2sf) =	vpush v7, $0xF  }
0x298: {  	p0 =	sgt.s32 s7, s9;
	s26 =	spop (v2sf)  }
0x299: {  	s4 =	sxor.u32 $0x80000000, s25;
	s9 =	smov.u32 @p0 s7;
	s21 =	spop (v2sf)  }
0x29a: {  	p0 =	sgt.s32 s9, s4;
	s7 =	spop (v2sf)  }
0x29b: {  	s21 =	sxor.u32 $0x80000000, s26;
	s4 =	smov.u32 @p0 s9;
	s22 =	spop (v2sf)  }
0x29c: {  	p0 =	sgt.s32 s4, s21;
	s23 =	spop (v2sf)  }
0x29d: {  	s21 =	smov.u32 @p0 s4;
	s9 =	sxor.u32 $0x80000000, s22;
	s10 =	spop (v2sf)  }
0x29e: {  	p0 =	sgt.s32 s21, s9;
	s4 =	spop (v2sf)  }
0x29f: {  	s22 =	sxor.u32 $0x80000000, s23;
	s9 =	smov.u32 @p0 s21;
	s23 =	spop (v2sf)  }
0x2a0: {  	p0 =	sgt.s32 s9, s22;
	s24 =	spop (v2sf)  }
0x2a1: {  	s22 =	smov.u32 @p0 s9;
	s9 =	sxor.u32 $0x80000000, s24  }
0x2a2: {  	s25 =	spop (v2sf);
	p0 =	sgt.s32 s22, s9  }
0x2a3: {  	s21 =	sxor.u32 $0x80000000, s25;
	s9 =	smov.u32 @p0 s22;
	s22 =	spop (v2sf)  }
0x2a4: {  	s25 =	sxor.u32 $0x80000000, s31;
	p0 =	sgt.s32 s9, s21;
	s26 =	spop (v2sf)  }
0x2a5: {  	s21 =	smov.u32 @p0 s9;
	p0 =	slt.s32 s28, s25;
	s9 =	sxor.u32 $0x80000000, s26  }
0x2a6: {  	s25 =	smov.u32 @p0 s28;
	p0 =	sgt.s32 s21, s9;
	s31 =	spop (v2sf)  }
0x2a7: {  	s9 =	smov.u32 @p0 s21;
	p0 =	slt.s32 s25, s30;
	s24 =	sxor.u32 $0x80000000, s31  }
0x2a8: {  	s1 =	sxor.u32 $0x80000000, s1;
	s30 =	smov.u32 @p0 s25;
	p0 =	sgt.s32 s9, s24  }
0x2a9: {  	s24 =	smov.u32 @p0 s9;
	p0 =	slt.s32 s30, s1  }
0x2aa: {  	s6 =	sxor.u32 $0x80000000, s6;
	s1 =	smov.u32 @p0 s30;
	v7 =	vmov s24  }
0x2ab: {  	p0 =	slt.s32 s1, s6  }
0x2ac: {  	s6 =	smov.u32 @p0 s1;
	s1 =	sxor.u32 $0x80000000, s20  }
0x2ad: {  	p0 =	slt.s32 s6, s1  }
0x2ae: {  	s1 =	smov.u32 @p0 s6;
	s6 =	sxor.u32 $0x80000000, s8  }
0x2af: {  	p0 =	slt.s32 s1, s6;
	v7 =	vld.idx.msk [tilespmem:v7+s13+$0x0], $0xffff  }
0x2b0: {  	s6 =	smov.u32 @p0 s1;
	s1 =	sxor.u32 $0x80000000, s2  }
0x2b1: {  	v8 =	vxor.u32 $0x80000000, v8;
	p0 =	slt.s32 s6, s1  }
0x2b2: {  	s0 =	sxor.u32 $0x80000000, s0;
	v8 =	vsel vm0, $0xC0000000, v8;
	s1 =	smov.u32 @p0 s6  }
0x2b3: {  	(xrf0) =	vmin.scan.msk.u32 $0xffff, v8;
	p0 =	slt.s32 s1, s0  }
0x2b4: {  	s0 =	smov.u32 @p0 s1;
	s1 =	sxor.u32 $0x80000000, s12;
	v7 =	vxor.u32 $0x80000000, v7  }
0x2b5: {  	p0 =	slt.s32 s0, s1;
	(xrf0) =	vmax.scan.msk.u32 $0xffff, v7  }
0x2b6: {  	s2 =	sxor.u32 $0x80000000, s11;
	s1 =	smov.u32 @p0 s0  }
0x2b7: {  	p0 =	slt.s32 s1, s2  }
0x2b8: {  	s0 =	sxor.u32 $0x80000000, s19;
	s2 =	smov.u32 @p0 s1  }
0x2b9: {  	[tilespmem:$0x19800] =	vst v5;
	v7, _, _ =	vpop (xrf0);
	p0 =	slt.s32 s2, s0  }
0x2ba: {  	[tilespmem:$0x19810] =	vst v5;
	s1 =	sxor.u32 $0x80000000, s29;
	(v2sf) =	vpush v7, $0xF;
	s0 =	smov.u32 @p0 s2  }
0x2bb: {  	[tilespmem:$0x19820] =	vst v5;
	p0 =	slt.s32 s0, s1;
	v7, _, _ =	vpop (xrf0)  }
0x2bc: {  	[tilespmem:$0x19830] =	vst v5;
	s1 =	smov.u32 @p0 s0;
	s0 =	sxor.u32 $0x80000000, s5;
	(v2sf) =	vpush v7, $0xF  }
0x2bd: {  	[tilespmem:$0x19840] =	vst v5;
	p0 =	slt.s32 s1, s0  }
0x2be: {  	[tilespmem:$0x19850] =	vst v5;
	s2 =	sxor.u32 $0x80000000, s3;
	s0 =	smov.u32 @p0 s1  }
0x2bf: {  	[tilespmem:$0x19860] =	vst v5;
	p0 =	slt.s32 s0, s2  }
0x2c0: {  	[tilespmem:$0x19870] =	vst v5;
	s1 =	sxor.u32 $0x80000000, s7;
	s7 =	simm.s32 $0x20;
	s2 =	smov.u32 @p0 s0  }
0x2c1: {  	v9 =	vld [tilespmem:s7+$0xFFFFFFE0];
	p0 =	slt.s32 s2, s1  }
0x2c2: {  	s8 =	rddreg [dreg:$0xe];
	s1 =	smov.u32 @p0 s2;
	s2 =	sxor.u32 $0x80000000, s10  }
0x2c3: {  	s3 =	sshll.u32 s8, $0xA;
	p0 =	slt.s32 s1, s2  }
0x2c4: {  	s3 =	sor.u32 s3, s24;
	s2 =	smov.u32 @p0 s1;
	s1 =	sxor.u32 $0x80000000, s23  }
0x2c5: {  	v8 =	vmov s3;
	p0 =	slt.s32 s2, s1  }
0x2c6: {  	s3 =	sxor.u32 $0x80000000, s4;
	vm0 =	veq.s32 v8, v9;
	s1 =	smov.u32 @p0 s2  }
0x2c7: {  	v7 =	vsel vm0, $0x1, v1;
	p0 =	slt.s32 s1, s3  }
0x2c8: {  	s2 =	sxor.u32 $0x80000000, s22;
	(xrf0) =	vadd.scan.msk.s32 $0xffff, v7;
	s3 =	smov.u32 @p0 s1  }
0x2c9: {  	s9 =	spop (v2sf);
	p0 =	slt.s32 s3, s2  }
0x2ca: {  	s1 =	sxor.u32 $0x80000000, s9;
	s2 =	smov.u32 @p0 s3  }
0x2cb: {  	p0 =	slt.s32 s2, s1;
	s10 =	spop (v2sf)  }
0x2cc: {  	vm1 =	vlt.s32 v8, v9;
	s1 =	smov.u32 @p0 s2;
	s11 =	sxor.u32 $0x80000000, s10  }
0x2cd: {  	s12 =	rddreg [dreg:$0xf];
	v7 =	vsel vm1, $0x1, v1;
	s1 =	ssub.s32 s11, s1  }
0x2ce: {  	s25 =	simm.s32 $0x0;
	(xrf0) =	vadd.scan.msk.s32 $0xffff, v7;
	v10, _, _ =	vpop (xrf0);
	s1 =	sadd.s32 s12, s1  }
0x2cf: {  	v10 =	vadd.s32 s25, v10;
	v7 =	vmov s1  }
0x2d0: {  	vm2 =	vle.s32 v10, v7  }
0x2d1: {  	v11 =	vmov s25;
	v44 =	vmpcnt.ones.xlane vm1;
	vm0 =	vmand vm0, vm2  }
0x2d2: {  	v11 =	vadd.s32 $0xFFFFFFFF, v11;
	v45 =	vmpcnt.ones.xlane vm0  }
0x2d3: {  	v11 =	vbroadcast v11, $0x0;
	v12 =	vxor.u32 $0x80000000, v44  }
0x2d4: {  	(xrf0) =	vmax.scan.msk.u32 $0xffff, v12;
	v46, _, _ =	vpop (xrf0);
	v13 =	vxor.u32 $0x80000000, v45  }
0x2d5: {  	v11 =	vadd.s32 v46, v11;
	(xrf0) =	vmax.scan.msk.u32 $0xffff, v13;
	_ =	sdelay $0x1  }
0x2d6: {  	v10 =	vadd.s32 $0xFFFFFFFF, v10;
	_ =	sdelay $0x2  }
0x2d7: {  	v48 =	vor.u32 s25, v0;
	v47, _, _ =	vpop (xrf0);
	[tilespmem:v11+s14+$0x0] =	vst.idx.msk vm1, v9  }
0x2d8: {  	(v2sf) =	vpush v47, $0xF;
	[tilespmem:v11+s15+$0x0] =	vst.idx.msk vm1, v48;
	v9, _, _ =	vpop (xrf0)  }
0x2d9: {  	[tilespmem:v10+s16+$0x0] =	vst.idx.msk vm0, v48;
	(v2sf) =	vpush v9, $0xF  }
0x2da: {  	v9 =	vld [tilespmem:s7+$0xFFFFFFF0];
	_ =	sdelay $0x4  }
0x2db: {  	vm0 =	vlt.s32 v8, v9  }
0x2dc: {  	v10 =	vmpcnt.ones.xlane vm0  }
0x2dd: {  	v11 =	vsel vm0, $0x1, v1  }
0x2de: {  	vm1 =	veq.s32 v8, v9;
	(xrf0) =	vadd.scan.msk.s32 $0xffff, v11;
	v10 =	vxor.u32 $0x80000000, v10  }
0x2df: {  	(xrf0) =	vmax.scan.msk.u32 $0xffff, v10;
	v10 =	vsel vm1, $0x1, v1  }
0x2e0: {  	(xrf0) =	vadd.scan.msk.s32 $0xffff, v10;
	_ =	sdelay $0x2  }
0x2e1: {  	s19 =	spop (v2sf)  }
0x2e2: {  	v10, _, _ =	vpop (xrf0);
	s20 =	spop (v2sf)  }
0x2e3: {  	v11, _, _ =	vpop (xrf0);
	s2 =	sadd.s32 $0x0, s20  }
0x2e4: {  	v49, _, _ =	vpop (xrf0);
	s2 =	sadd.s32 $0x80000000, s2  }
0x2e5: {  	s1 =	sadd.s32 $0x0, s19;
	v12 =	vadd.s32 s2, v49  }
0x2e6: {  	s1 =	sadd.s32 $0x80000000, s1;
	vm2 =	vle.s32 v12, v7  }
0x2e7: {  	v50 =	vmov s1;
	vm1 =	vmand vm1, vm2  }
0x2e8: {  	v13 =	vadd.s32 $0xFFFFFFFF, v50;
	v51 =	vmpcnt.ones.xlane vm1  }
0x2e9: {  	v13 =	vbroadcast v13, $0x0  }
0x2ea: {  	v14 =	vxor.u32 $0x80000000, v51  }
0x2eb: {  	v10 =	vadd.s32 v10, v13;
	(xrf0) =	vmax.scan.msk.u32 $0xffff, v14;
	_ =	sdelay $0x1  }
0x2ec: {  	v12 =	vadd.s32 $0xFFFFFFFF, v12;
	_ =	sdelay $0x1  }
0x2ed: {  	s21 =	simm.s32 $0x10  }
0x2ee: {  	v52 =	vor.u32 s21, v0;
	[tilespmem:v10+s14+$0x0] =	vst.idx.msk vm0, v9  }
0x2ef: {  	(v2sf) =	vpush v11, $0xF;
	[tilespmem:v10+s15+$0x0] =	vst.idx.msk vm0, v52;
	v9, _, _ =	vpop (xrf0)  }
0x2f0: {  	[tilespmem:v12+s16+$0x0] =	vst.idx.msk vm1, v52;
	(v2sf) =	vpush v9, $0xF  }
0x2f1: {  	v9 =	vld [tilespmem:s7+$0x0];
	_ =	sdelay $0x4  }
0x2f2: {  	vm0 =	vlt.s32 v8, v9  }
0x2f3: {  	v10 =	vmpcnt.ones.xlane vm0  }
0x2f4: {  	v11 =	vsel vm0, $0x1, v1  }
0x2f5: {  	vm1 =	veq.s32 v8, v9;
	(xrf0) =	vadd.scan.msk.s32 $0xffff, v11;
	v10 =	vxor.u32 $0x80000000, v10  }
0x2f6: {  	(xrf0) =	vmax.scan.msk.u32 $0xffff, v10;
	v10 =	vsel vm1, $0x1, v1  }
0x2f7: {  	(xrf0) =	vadd.scan.msk.s32 $0xffff, v10;
	_ =	sdelay $0x2  }
0x2f8: {  	s22 =	spop (v2sf)  }
0x2f9: {  	v10, _, _ =	vpop (xrf0);
	s23 =	spop (v2sf)  }
0x2fa: {  	v11, _, _ =	vpop (xrf0);
	s2 =	sadd.s32 s23, s2  }
0x2fb: {  	v53, _, _ =	vpop (xrf0);
	s2 =	sadd.s32 $0x80000000, s2  }
0x2fc: {  	s1 =	sadd.s32 s22, s1;
	v12 =	vadd.s32 s2, v53  }
0x2fd: {  	s1 =	sadd.s32 $0x80000000, s1;
	vm2 =	vle.s32 v12, v7  }
0x2fe: {  	v54 =	vmov s1;
	vm1 =	vmand vm1, vm2  }
0x2ff: {  	v13 =	vadd.s32 $0xFFFFFFFF, v54;
	v55 =	vmpcnt.ones.xlane vm1  }
0x300: {  	v13 =	vbroadcast v13, $0x0  }
0x301: {  	v14 =	vxor.u32 $0x80000000, v55  }
0x302: {  	v10 =	vadd.s32 v10, v13;
	(xrf0) =	vmax.scan.msk.u32 $0xffff, v14;
	_ =	sdelay $0x1  }
0x303: {  	v12 =	vadd.s32 $0xFFFFFFFF, v12;
	_ =	sdelay $0x1  }
0x304: {  	s24 =	simm.s32 $0x20  }
0x305: {  	v56 =	vor.u32 s24, v0;
	[tilespmem:v10+s14+$0x0] =	vst.idx.msk vm0, v9  }
0x306: {  	(v2sf) =	vpush v11, $0xF;
	[tilespmem:v10+s15+$0x0] =	vst.idx.msk vm0, v56;
	v9, _, _ =	vpop (xrf0)  }
0x307: {  	[tilespmem:v12+s16+$0x0] =	vst.idx.msk vm1, v56;
	(v2sf) =	vpush v9, $0xF  }
0x308: {  	v9 =	vld [tilespmem:s7+$0x10];
	_ =	sdelay $0x4  }
0x309: {  	vm0 =	vlt.s32 v8, v9  }
0x30a: {  	v10 =	vmpcnt.ones.xlane vm0  }
0x30b: {  	v11 =	vsel vm0, $0x1, v1  }
0x30c: {  	vm1 =	veq.s32 v8, v9;
	(xrf0) =	vadd.scan.msk.s32 $0xffff, v11;
	v10 =	vxor.u32 $0x80000000, v10  }
0x30d: {  	(xrf0) =	vmax.scan.msk.u32 $0xffff, v10;
	v10 =	vsel vm1, $0x1, v1  }
0x30e: {  	(xrf0) =	vadd.scan.msk.s32 $0xffff, v10;
	_ =	sdelay $0x2  }
0x30f: {  	s26 =	spop (v2sf)  }
0x310: {  	v10, _, _ =	vpop (xrf0);
	s28 =	spop (v2sf)  }
0x311: {  	v11, _, _ =	vpop (xrf0);
	s2 =	sadd.s32 s28, s2  }
0x312: {  	v57, _, _ =	vpop (xrf0);
	s2 =	sadd.s32 $0x80000000, s2  }
0x313: {  	v12 =	vadd.s32 s2, v57  }
0x314: {  	vm2 =	vle.s32 v12, v7  }
0x315: {  	vm1 =	vmand vm1, vm2  }
0x316: {  	v58 =	vmpcnt.ones.xlane vm1  }
0x317: {  	s0 =	sadd.s32 s26, s1  }
0x318: {  	s0 =	sadd.s32 $0x80000000, s0;
	v13 =	vxor.u32 $0x80000000, v58  }
0x319: {  	v59 =	vmov s0;
	(xrf0) =	vmax.scan.msk.u32 $0xffff, v13  }
0x31a: {  	v13 =	vadd.s32 $0xFFFFFFFF, v59  }
0x31b: {  	(v2sf) =	vpush v11, $0xF;
	v11 =	vbroadcast v13, $0x0;
	_ =	sdelay $0x2  }
0x31c: {  	v10 =	vadd.s32 v10, v11  }
0x31d: {  	v11, _, _ =	vpop (xrf0)  }
0x31e: {  	(v2sf) =	vpush v11, $0xF;
	v11 =	vadd.s32 $0xFFFFFFFF, v12;
	_ =	sdelay $0x1  }
0x31f: {  	s29 =	simm.s32 $0x30  }
0x320: {  	v60 =	vor.u32 s29, v0;
	[tilespmem:v10+s14+$0x0] =	vst.idx.msk vm0, v9  }
0x321: {  	[tilespmem:v10+s15+$0x0] =	vst.idx.msk vm0, v60  }
0x322: {  	s26 =	simm.s32 $0x60;
	[tilespmem:v11+s16+$0x0] =	vst.idx.msk vm1, v60  }
0x323: {  	v9 =	vld [tilespmem:s26+$0xFFFFFFE0];
	_ =	sdelay $0x4  }
0x324: {  	vm0 =	vlt.s32 v8, v9;
	vm1 =	veq.s32 v8, v9  }
0x325: {  	v10 =	vmpcnt.ones.xlane vm0;
	v11 =	vsel vm1, $0x1, v1  }
0x326: {  	s30 =	spop (v2sf);
	v62 =	vsel vm0, $0x1, v1;
	(xrf0) =	vadd.scan.msk.s32 $0xffff, v11  }
0x327: {  	s0 =	sadd.s32 s30, s0;
	v63 =	vxor.u32 $0x80000000, v10;
	(xrf0) =	vadd.scan.msk.s32 $0xffff, v62  }
0x328: {  	s1 =	sadd.s32 $0x80000000, s0;
	(xrf0) =	vmax.scan.msk.u32 $0xffff, v63  }
0x329: {  	v61 =	vmov s1  }
0x32a: {  	v11 =	vadd.s32 $0xFFFFFFFF, v61;
	s31 =	spop (v2sf)  }
0x32b: {  	s0 =	simm.s32 $0x4;
	v10 =	vbroadcast v11, $0x0;
	s2 =	sadd.s32 s31, s2  }
.LBB2_19:
0x32c: {  	s0 =	sadd.s32 $0x4, s0;
	v11, _, _ =	vpop (xrf0);
	s2 =	sadd.s32 $0x80000000, s2;
	s25 =	sadd.s32 $0x40, s25  }
0x32d: {  	p0 =	slt.u32 s0, $0x4FC;
	v11 =	vadd.s32 s2, v11;
	v12, _, _ =	vpop (xrf0)  }
0x32e: {  	v10 =	vadd.s32 v12, v10;
	vm2 =	vle.s32 v11, v7;
	v12, _, _ =	vpop (xrf0)  }
0x32f: {  	vm1 =	vmand vm1, vm2;
	(v2sf) =	vpush v12, $0xF  }
0x330: {  	v11 =	vadd.s32 $0xFFFFFFFF, v11;
	v12 =	vmpcnt.ones.xlane vm1;
	_ =	sdelay $0x1  }
0x331: {  	v12 =	vxor.u32 $0x80000000, v12  }
0x332: {  	v13 =	vor.u32 s25, v0;
	[tilespmem:v10+s14+$0x0] =	vst.idx.msk vm0, v9;
	(xrf0) =	vmax.scan.msk.u32 $0xffff, v12  }
0x333: {  	[tilespmem:v10+s15+$0x0] =	vst.idx.msk vm0, v13  }
0x334: {  	[tilespmem:v11+s16+$0x0] =	vst.idx.msk vm1, v13  }
0x335: {  	v9 =	vld [tilespmem:s26+$0xFFFFFFF0];
	_ =	sdelay $0x2  }
0x336: {  	v10, _, _ =	vpop (xrf0)  }
0x337: {  	(v2sf) =	vpush v10, $0xF;
	_ =	sdelay $0x1  }
0x338: {  	vm0 =	vlt.s32 v8, v9  }
0x339: {  	v10 =	vsel vm0, $0x1, v1;
	v11 =	vmpcnt.ones.xlane vm0  }
0x33a: {  	s3 =	spop (v2sf);
	(xrf0) =	vadd.scan.msk.s32 $0xffff, v10  }
0x33b: {  	v10 =	vxor.u32 $0x80000000, v11;
	s1 =	sadd.s32 s3, s1  }
0x33c: {  	s3 =	sadd.s32 $0x80000000, s1;
	(xrf0) =	vmax.scan.msk.u32 $0xffff, v10  }
0x33d: {  	v10 =	vmov s3  }
0x33e: {  	v10 =	vadd.s32 $0xFFFFFFFF, v10  }
0x33f: {  	vm1 =	veq.s32 v8, v9;
	v10 =	vbroadcast v10, $0x0  }
0x340: {  	v13 =	vsel vm1, $0x1, v1;
	v12, _, _ =	vpop (xrf0)  }
0x341: {  	v10 =	vadd.s32 v12, v10;
	(xrf0) =	vadd.scan.msk.s32 $0xffff, v13  }
0x342: {  	v11, _, _ =	vpop (xrf0)  }
0x343: {  	(v2sf) =	vpush v11, $0xF;
	_ =	sdelay $0x1  }
0x344: {  	s1 =	sadd.s32 $0x10, s25;
	s4 =	spop (v2sf)  }
0x345: {  	v11 =	vor.u32 s1, v0;
	s2 =	sadd.s32 s4, s2;
	[tilespmem:v10+s14+$0x0] =	vst.idx.msk vm0, v9  }
0x346: {  	s1 =	sadd.s32 $0x80000000, s2;
	[tilespmem:v10+s15+$0x0] =	vst.idx.msk vm0, v11;
	v9, _, _ =	vpop (xrf0)  }
0x347: {  	v9 =	vadd.s32 s1, v9  }
0x348: {  	vm0 =	vle.s32 v9, v7  }
0x349: {  	vm0 =	vmand vm1, vm0  }
0x34a: {  	v9 =	vadd.s32 $0xFFFFFFFF, v9;
	v10 =	vmpcnt.ones.xlane vm0;
	_ =	sdelay $0x1  }
0x34b: {  	v10 =	vxor.u32 $0x80000000, v10  }
0x34c: {  	(xrf0) =	vmax.scan.msk.u32 $0xffff, v10;
	_ =	sdelay $0x1  }
0x34d: {  	[tilespmem:v9+s16+$0x0] =	vst.idx.msk vm0, v11  }
0x34e: {  	v9 =	vld [tilespmem:s26+$0x0]  }
0x34f: {  	s2 =	spop (v2sf)  }
0x350: {  	s2 =	sadd.s32 s2, s3  }
0x351: {  	v10, _, _ =	vpop (xrf0)  }
0x352: {  	(v2sf) =	vpush v10, $0xF  }
0x353: {  	vm0 =	vlt.s32 v8, v9  }
0x354: {  	v10 =	vsel vm0, $0x1, v1;
	v11 =	vmpcnt.ones.xlane vm0  }
0x355: {  	(xrf0) =	vadd.scan.msk.s32 $0xffff, v10  }
0x356: {  	v10 =	vxor.u32 $0x80000000, v11  }
0x357: {  	s2 =	sadd.s32 $0x80000000, s2;
	(xrf0) =	vmax.scan.msk.u32 $0xffff, v10  }
0x358: {  	v10 =	vmov s2  }
0x359: {  	v10 =	vadd.s32 $0xFFFFFFFF, v10  }
0x35a: {  	v10 =	vbroadcast v10, $0x0  }
0x35b: {  	vm1 =	veq.s32 v8, v9;
	v11, _, _ =	vpop (xrf0)  }
0x35c: {  	v10 =	vadd.s32 v11, v10;
	v11 =	vsel vm1, $0x1, v1  }
0x35d: {  	v12, _, _ =	vpop (xrf0);
	(xrf0) =	vadd.scan.msk.s32 $0xffff, v11  }
0x35e: {  	(v2sf) =	vpush v12, $0xF;
	_ =	sdelay $0x1  }
0x35f: {  	s3 =	sadd.s32 $0x20, s25  }
0x360: {  	v11 =	vor.u32 s3, v0;
	[tilespmem:v10+s14+$0x0] =	vst.idx.msk vm0, v9;
	s3 =	spop (v2sf)  }
0x361: {  	s1 =	sadd.s32 s3, s1;
	[tilespmem:v10+s15+$0x0] =	vst.idx.msk vm0, v11  }
0x362: {  	s1 =	sadd.s32 $0x80000000, s1;
	v9, _, _ =	vpop (xrf0)  }
0x363: {  	v9 =	vadd.s32 s1, v9  }
0x364: {  	vm0 =	vle.s32 v9, v7  }
0x365: {  	vm0 =	vmand vm1, vm0  }
0x366: {  	v9 =	vadd.s32 $0xFFFFFFFF, v9;
	v10 =	vmpcnt.ones.xlane vm0;
	_ =	sdelay $0x1  }
0x367: {  	v10 =	vxor.u32 $0x80000000, v10  }
0x368: {  	(xrf0) =	vmax.scan.msk.u32 $0xffff, v10;
	_ =	sdelay $0x1  }
0x369: {  	[tilespmem:v9+s16+$0x0] =	vst.idx.msk vm0, v11  }
0x36a: {  	v9 =	vld [tilespmem:s26+$0x10];
	s3 =	spop (v2sf)  }
0x36b: {  	s2 =	sadd.s32 s3, s2  }
0x36c: {  	s2 =	sadd.s32 $0x80000000, s2  }
0x36d: {  	v10 =	vmov s2;
	v11, _, _ =	vpop (xrf0)  }
0x36e: {  	v10 =	vadd.s32 $0xFFFFFFFF, v10;
	(v2sf) =	vpush v11, $0xF  }
0x36f: {  	vm0 =	vlt.s32 v8, v9  }
0x370: {  	v11 =	vsel vm0, $0x1, v1;
	v12 =	vmpcnt.ones.xlane vm0  }
0x371: {  	(xrf0) =	vadd.scan.msk.s32 $0xffff, v11  }
0x372: {  	v11 =	vxor.u32 $0x80000000, v12  }
0x373: {  	(xrf0) =	vmax.scan.msk.u32 $0xffff, v11;
	_ =	sdelay $0x2  }
0x374: {  	v10 =	vbroadcast v10, $0x0  }
0x375: {  	vm1 =	veq.s32 v8, v9;
	v11, _, _ =	vpop (xrf0)  }
0x376: {  	v10 =	vadd.s32 v11, v10;
	v11 =	vsel vm1, $0x1, v1  }
0x377: {  	v12, _, _ =	vpop (xrf0);
	(xrf0) =	vadd.scan.msk.s32 $0xffff, v11  }
0x378: {  	(v2sf) =	vpush v12, $0xF;
	_ =	sdelay $0x1  }
0x379: {  	s3 =	sadd.s32 $0x30, s25  }
0x37a: {  	v11 =	vor.u32 s3, v0;
	[tilespmem:v10+s14+$0x0] =	vst.idx.msk vm0, v9;
	s3 =	spop (v2sf)  }
0x37b: {  	s1 =	sadd.s32 s3, s1;
	[tilespmem:v10+s15+$0x0] =	vst.idx.msk vm0, v11  }
0x37c: {  	s3 =	sadd.s32 $0x80000000, s1;
	v9, _, _ =	vpop (xrf0)  }
0x37d: {  	v9 =	vadd.s32 s3, v9  }
0x37e: {  	vm0 =	vle.s32 v9, v7  }
0x37f: {  	vm0 =	vmand vm1, vm0  }
0x380: {  	v9 =	vadd.s32 $0xFFFFFFFF, v9;
	v10 =	vmpcnt.ones.xlane vm0;
	_ =	sdelay $0x1  }
0x381: {  	v10 =	vxor.u32 $0x80000000, v10  }
0x382: {  	(xrf0) =	vmax.scan.msk.u32 $0xffff, v10;
	_ =	sdelay $0x1  }
0x383: {  	[tilespmem:v9+s16+$0x0] =	vst.idx.msk vm0, v11  }
0x384: {  	s1 =	spop (v2sf)  }
0x385: {  	s1 =	sadd.s32 s1, s2  }
0x386: {  	s1 =	sadd.s32 $0x80000000, s1  }
0x387: {  	v9 =	vmov s1;
	v10, _, _ =	vpop (xrf0)  }
0x388: {  	v9 =	vadd.s32 $0xFFFFFFFF, v9;
	(v2sf) =	vpush v10, $0xF  }
0x389: {  	v10 =	vbroadcast v9, $0x0;
	_ =	sdelay $0x1  }
0x38a: {  	s26 =	sadd.s32 $0x40, s26  }
0x38b: {  	v9 =	vld [tilespmem:s26+$0xFFFFFFE0];
	_ =	sdelay $0x4  }
0x38c: {  	vm0 =	vlt.s32 v8, v9;
	vm1 =	veq.s32 v8, v9  }
0x38d: {  	v11 =	vsel vm0, $0x1, v1;
	v12 =	vmpcnt.ones.xlane vm0;
	v13 =	vsel vm1, $0x1, v1  }
0x38e: {  	(xrf0) =	vadd.scan.msk.s32 $0xffff, v13  }
.Ltmp8:
0x38f: {  	v12 =	vxor.u32 $0x80000000, v12;
	(xrf0) =	vadd.scan.msk.s32 $0xffff, v11;
	(pc) =	sbr.rel @p0 .LBB2_19-.Ltmp8, $3  }
0x390: {  	(xrf0) =	vmax.scan.msk.u32 $0xffff, v12;
	_ =	sdelay $0x1  }
0x391: {  	s2 =	spop (v2sf)  }
0x392: {  	s2 =	sadd.s32 s2, s3  }
0x393: {  	v11, _, _ =	vpop (xrf0);
	s3 =	sadd.s32 $0x80000000, s2  }
0x394: {  	v11 =	vadd.s32 s3, v11  }
0x395: {  	vm2 =	vle.s32 v11, v7  }
0x396: {  	vm1 =	vmand vm1, vm2  }
0x397: {  	v12 =	vmpcnt.ones.xlane vm1;
	_ =	sdelay $0x1  }
0x398: {  	v13, _, _ =	vpop (xrf0);
	v12 =	vxor.u32 $0x80000000, v12  }
0x399: {  	v10 =	vadd.s32 v13, v10;
	(xrf0) =	vmax.scan.msk.u32 $0xffff, v12;
	_ =	sdelay $0x1  }
0x39a: {  	v11 =	vadd.s32 $0xFFFFFFFF, v11;
	_ =	sdelay $0x1  }
0x39b: {  	s0 =	sadd.s32 $0x40, s25  }
0x39c: {  	v53 =	vor.u32 s0, v0;
	v52, _, _ =	vpop (xrf0);
	[tilespmem:v10+s14+$0x0] =	vst.idx.msk vm0, v9  }
0x39d: {  	(v2sf) =	vpush v52, $0xF;
	[tilespmem:v10+s15+$0x0] =	vst.idx.msk vm0, v53;
	v9, _, _ =	vpop (xrf0)  }
0x39e: {  	[tilespmem:v11+s16+$0x0] =	vst.idx.msk vm1, v53;
	(v2sf) =	vpush v9, $0xF  }
0x39f: {  	v9 =	vld [tilespmem:s26+$0xFFFFFFF0];
	_ =	sdelay $0x4  }
0x3a0: {  	vm0 =	vlt.s32 v8, v9  }
0x3a1: {  	v10 =	vmpcnt.ones.xlane vm0  }
0x3a2: {  	v11 =	vsel vm0, $0x1, v1  }
0x3a3: {  	vm1 =	veq.s32 v8, v9;
	(xrf0) =	vadd.scan.msk.s32 $0xffff, v11;
	v10 =	vxor.u32 $0x80000000, v10  }
0x3a4: {  	(xrf0) =	vmax.scan.msk.u32 $0xffff, v10;
	v10 =	vsel vm1, $0x1, v1  }
0x3a5: {  	(xrf0) =	vadd.scan.msk.s32 $0xffff, v10;
	_ =	sdelay $0x2  }
0x3a6: {  	s21 =	spop (v2sf)  }
0x3a7: {  	v10, _, _ =	vpop (xrf0);
	s4 =	spop (v2sf)  }
0x3a8: {  	v11, _, _ =	vpop (xrf0);
	s3 =	sadd.s32 s4, s3  }
0x3a9: {  	v54, _, _ =	vpop (xrf0);
	s4 =	sadd.s32 $0x80000000, s3  }
0x3aa: {  	s22 =	sadd.s32 s21, s1;
	v12 =	vadd.s32 s4, v54  }
0x3ab: {  	s5 =	sadd.s32 $0x80000000, s22;
	vm2 =	vle.s32 v12, v7  }
0x3ac: {  	v55 =	vmov s5;
	vm1 =	vmand vm1, vm2  }
0x3ad: {  	v13 =	vadd.s32 $0xFFFFFFFF, v55;
	v14 =	vmpcnt.ones.xlane vm1  }
0x3ae: {  	v13 =	vbroadcast v13, $0x0  }
0x3af: {  	v14 =	vxor.u32 $0x80000000, v14  }
0x3b0: {  	v10 =	vadd.s32 v10, v13;
	(xrf0) =	vmax.scan.msk.u32 $0xffff, v14;
	_ =	sdelay $0x1  }
0x3b1: {  	v12 =	vadd.s32 $0xFFFFFFFF, v12;
	_ =	sdelay $0x1  }
0x3b2: {  	s23 =	sadd.s32 $0x10, s0  }
0x3b3: {  	v56 =	vor.u32 s23, v0;
	[tilespmem:v10+s14+$0x0] =	vst.idx.msk vm0, v9  }
0x3b4: {  	(v2sf) =	vpush v11, $0xF;
	[tilespmem:v10+s15+$0x0] =	vst.idx.msk vm0, v56;
	v9, _, _ =	vpop (xrf0)  }
0x3b5: {  	[tilespmem:v12+s16+$0x0] =	vst.idx.msk vm1, v56;
	(v2sf) =	vpush v9, $0xF  }
0x3b6: {  	v9 =	vld [tilespmem:s26+$0x0];
	_ =	sdelay $0x4  }
0x3b7: {  	vm0 =	vlt.s32 v8, v9  }
0x3b8: {  	v10 =	vmpcnt.ones.xlane vm0  }
0x3b9: {  	v11 =	vsel vm0, $0x1, v1  }
0x3ba: {  	vm1 =	veq.s32 v8, v9;
	(xrf0) =	vadd.scan.msk.s32 $0xffff, v11;
	v10 =	vxor.u32 $0x80000000, v10  }
0x3bb: {  	(xrf0) =	vmax.scan.msk.u32 $0xffff, v10;
	v10 =	vsel vm1, $0x1, v1  }
0x3bc: {  	(xrf0) =	vadd.scan.msk.s32 $0xffff, v10;
	_ =	sdelay $0x2  }
0x3bd: {  	s24 =	spop (v2sf)  }
0x3be: {  	v10, _, _ =	vpop (xrf0);
	s6 =	spop (v2sf)  }
0x3bf: {  	v11, _, _ =	vpop (xrf0);
	s4 =	sadd.s32 s6, s4  }
0x3c0: {  	v57, _, _ =	vpop (xrf0);
	s4 =	sadd.s32 $0x80000000, s4  }
0x3c1: {  	s5 =	sadd.s32 s24, s5;
	v12 =	vadd.s32 s4, v57  }
0x3c2: {  	s5 =	sadd.s32 $0x80000000, s5;
	vm2 =	vle.s32 v12, v7  }
0x3c3: {  	v58 =	vmov s5;
	vm1 =	vmand vm1, vm2  }
0x3c4: {  	v13 =	vadd.s32 $0xFFFFFFFF, v58;
	v59 =	vmpcnt.ones.xlane vm1  }
0x3c5: {  	v13 =	vbroadcast v13, $0x0  }
0x3c6: {  	v14 =	vxor.u32 $0x80000000, v59  }
0x3c7: {  	v10 =	vadd.s32 v10, v13;
	(xrf0) =	vmax.scan.msk.u32 $0xffff, v14;
	_ =	sdelay $0x1  }
0x3c8: {  	v12 =	vadd.s32 $0xFFFFFFFF, v12;
	_ =	sdelay $0x1  }
0x3c9: {  	s25 =	sadd.s32 $0x20, s0  }
0x3ca: {  	v60 =	vor.u32 s25, v0;
	[tilespmem:v10+s14+$0x0] =	vst.idx.msk vm0, v9  }
0x3cb: {  	(v2sf) =	vpush v11, $0xF;
	[tilespmem:v10+s15+$0x0] =	vst.idx.msk vm0, v60;
	v9, _, _ =	vpop (xrf0)  }
0x3cc: {  	[tilespmem:v12+s16+$0x0] =	vst.idx.msk vm1, v60;
	(v2sf) =	vpush v9, $0xF  }
0x3cd: {  	v9 =	vld [tilespmem:s26+$0x10];
	_ =	sdelay $0x4  }
0x3ce: {  	vm0 =	vlt.s32 v8, v9  }
0x3cf: {  	v10 =	vmpcnt.ones.xlane vm0  }
0x3d0: {  	v11 =	vsel vm0, $0x1, v1  }
0x3d1: {  	vm1 =	veq.s32 v8, v9;
	(xrf0) =	vadd.scan.msk.s32 $0xffff, v11;
	v10 =	vxor.u32 $0x80000000, v10  }
0x3d2: {  	(xrf0) =	vmax.scan.msk.u32 $0xffff, v10;
	v10 =	vsel vm1, $0x1, v1  }
0x3d3: {  	(xrf0) =	vadd.scan.msk.s32 $0xffff, v10;
	_ =	sdelay $0x2  }
0x3d4: {  	s28 =	spop (v2sf)  }
0x3d5: {  	v10, _, _ =	vpop (xrf0);
	s7 =	spop (v2sf)  }
0x3d6: {  	v11, _, _ =	vpop (xrf0);
	s4 =	sadd.s32 s7, s4  }
0x3d7: {  	v61, _, _ =	vpop (xrf0);
	s4 =	sadd.s32 $0x80000000, s4  }
0x3d8: {  	v12 =	vadd.s32 s4, v61  }
0x3d9: {  	vm2 =	vle.s32 v12, v7  }
0x3da: {  	vm1 =	vmand vm1, vm2  }
0x3db: {  	v62 =	vmpcnt.ones.xlane vm1;
	_ =	sdelay $0x1  }
0x3dc: {  	v13 =	vxor.u32 $0x80000000, v62  }
0x3dd: {  	(xrf0) =	vmax.scan.msk.u32 $0xffff, v13;
	_ =	sdelay $0x1  }
0x3de: {  	(v2sf) =	vpush v11, $0xF;
	_ =	sdelay $0x3  }
0x3df: {  	v11, _, _ =	vpop (xrf0)  }
0x3e0: {  	(v2sf) =	vpush v11, $0xF;
	_ =	sdelay $0x1  }
0x3e1: {  	s29 =	sadd.s32 s28, s5  }
0x3e2: {  	s4 =	sadd.s32 $0x80000000, s29  }
0x3e3: {  	v11 =	vmov s4  }
0x3e4: {  	v11 =	vadd.s32 $0xFFFFFFFF, v11  }
0x3e5: {  	v11 =	vbroadcast v11, $0x0;
	_ =	sdelay $0x1  }
0x3e6: {  	v10 =	vadd.s32 v10, v11;
	_ =	sdelay $0x1  }
0x3e7: {  	s30 =	spop (v2sf);
	v11 =	vadd.s32 $0xFFFFFFFF, v12  }
0x3e8: {  	s4 =	sadd.s32 s30, s28  }
0x3e9: {  	s0 =	sadd.s32 $0x30, s0;
	s2 =	sadd.s32 s21, s4  }
0x3ea: {  	v63 =	vor.u32 s0, v0;
	s0 =	simm.s32 $0x0;
	s2 =	sadd.s32 s24, s2;
	[tilespmem:v10+s14+$0x0] =	vst.idx.msk vm0, v9  }
0x3eb: {  	s3 =	simm.s32 $0x10;
	s1 =	sadd.s32 s1, s2;
	v9 =	vor.u32 s0, v0;
	[tilespmem:v10+s15+$0x0] =	vst.idx.msk vm0, v63  }
0x3ec: {  	v8 =	vbroadcast v8, $0x0;
	s2 =	simm.s32 $0x19900;
	s4 =	sadd.s32 $0x0, s1;
	vm0 =	vlt.s32 v9, v7;
	[tilespmem:v11+s16+$0x0] =	vst.idx.msk vm1, v63;
	s31 =	spop (v2sf)  }
.LBB2_21:
0x3ed: {  	p0 =	sne.s32 s3, $0x60;
	v9 =	vld [tilespmem:s2+$0x0];
	v10 =	vadd.s32 s4, v0;
	_ =	sdelay $0x1  }
.Ltmp9:
0x3ee: {  	(pc) =	sbr.rel @p0 .LBB2_21-.Ltmp9, $3  }
0x3ef: {  	_ =	sdelay $0x1  }
0x3f0: {  	v11 =	vor.u32 s3, v0;
	[tilespmem:v10+s15+$0x0] =	vst.idx.msk vm0, v9  }
0x3f1: {  	s4 =	sadd.s32 s3, s1;
	s3 =	sadd.s32 $0x10, s3;
	s2 =	sadd.s32 $0x10, s2;
	[tilespmem:v10+s14+$0x0] =	vst.idx.msk vm0, v8;
	vm0 =	vlt.s32 v11, v7  }
0x3f2: {  	v7 =	vld [tilespmem:s2+$0x0];
	v9 =	vadd.s32 s4, v0;
	_ =	sdelay $0x4  }
0x3f3: {  	[tilespmem:v9+s15+$0x0] =	vst.idx.msk vm0, v7  }
0x3f4: {  	[tilespmem:v9+s14+$0x0] =	vst.idx.msk vm0, v8  }
0x3f5: {  	v17 =	vld [tilespmem:$0x19800]  }
0x3f6: {  	v16 =	vld [tilespmem:$0x19810]  }
0x3f7: {  	v15 =	vld [tilespmem:$0x19820]  }
0x3f8: {  	s1 =	simm.s32 $0x1;
	s6 =	simm.s32 $0x0;
	v14 =	vld [tilespmem:$0x19830]  }
.LBB2_23:
0x3f9: {  	p0 =	sne.s32 s1, $0x63;
	v10 =	vld [tilespmem:$0x19840]  }
0x3fa: {  	v11 =	vld [tilespmem:$0x19850]  }
0x3fb: {  	v7 =	vmax.f32 v17, v16;
	v12 =	vld [tilespmem:$0x19860]  }
0x3fc: {  	v7 =	vmax.f32 v7, v15  }
0x3fd: {  	v7 =	vmax.f32 v7, v14  }
0x3fe: {  	v7 =	vmax.f32 v7, v10  }
0x3ff: {  	v7 =	vmax.f32 v7, v11  }
0x400: {  	v7 =	vmax.f32 v7, v12  }
0x401: {  	(xrf0) =	vmax.scan.msk.f32 $0xffff, v7;
	_ =	sdelay $0x5  }
0x402: {  	v7, _, _ =	vpop (xrf0)  }
0x403: {  	v13 =	vbroadcast v7, $0xF;
	_ =	sdelay $0x1  }
0x404: {  	vm0 =	veq.f32 v17, v13  }
0x405: {  	v7 =	vor.u32 $0x80000010, v0;
	v8 =	vnsel vm0, $0xC0000000, v4;
	vm0 =	veq.f32 v16, v13  }
0x406: {  	v9 =	vnsel vm0, $0xC0000000, v7;
	(xrf0) =	vmin.scan.msk.u32 $0xffff, v8  }
0x407: {  	vm0 =	veq.f32 v15, v13;
	v8 =	vor.u32 $0x80000020, v0;
	(xrf0) =	vmin.scan.msk.u32 $0xffff, v9  }
0x408: {  	v15 =	vnsel vm0, $0xC0000000, v8  }
0x409: {  	vm0 =	veq.f32 v14, v13;
	v9 =	vor.u32 $0x80000030, v0;
	(xrf0) =	vmin.scan.msk.u32 $0xffff, v15  }
0x40a: {  	v14 =	vnsel vm0, $0xC0000000, v9  }
0x40b: {  	vm0 =	veq.f32 v10, v13;
	v10 =	vor.u32 $0x80000040, v0;
	(xrf0) =	vmin.scan.msk.u32 $0xffff, v14  }
0x40c: {  	v14 =	vnsel vm0, $0xC0000000, v10;
	v15, _, _ =	vpop (xrf0)  }
0x40d: {  	vm0 =	veq.f32 v11, v13;
	v11 =	vor.u32 $0x80000050, v0;
	(v2sf) =	vpush v15, $0xF;
	v15, _, _ =	vpop (xrf0);
	(xrf0) =	vmin.scan.msk.u32 $0xffff, v14  }
0x40e: {  	v14 =	vnsel vm0, $0xC0000000, v11;
	(v2sf) =	vpush v15, $0xF  }
0x40f: {  	vm0 =	veq.f32 v12, v13;
	v12 =	vor.u32 $0x80000060, v0;
	v15, _, _ =	vpop (xrf0);
	(xrf0) =	vmin.scan.msk.u32 $0xffff, v14  }
0x410: {  	v14 =	vnsel vm0, $0xC0000000, v12;
	(v2sf) =	vpush v15, $0xF  }
0x411: {  	v15, _, _ =	vpop (xrf0);
	(xrf0) =	vmin.scan.msk.u32 $0xffff, v14  }
0x412: {  	(v2sf) =	vpush v15, $0xF  }
0x413: {  	v14, _, _ =	vpop (xrf0)  }
0x414: {  	(v2sf) =	vpush v14, $0xF  }
0x415: {  	v14, _, _ =	vpop (xrf0)  }
0x416: {  	(v2sf) =	vpush v14, $0xF  }
0x417: {  	v14, _, _ =	vpop (xrf0)  }
0x418: {  	(v2sf) =	vpush v14, $0xF;
	_ =	sdelay $0x3  }
0x419: {  	s2 =	spop (v2sf)  }
0x41a: {  	s3 =	spop (v2sf)  }
0x41b: {  	s2 =	sxor.u32 $0x80000000, s2;
	s3 =	sxor.u32 $0x80000000, s3  }
0x41c: {  	p1 =	slt.s32 s2, s3;
	s4 =	spop (v2sf)  }
0x41d: {  	s3 =	smov.u32 @p1 s2;
	s2 =	sxor.u32 $0x80000000, s4  }
0x41e: {  	p1 =	slt.s32 s3, s2;
	s4 =	spop (v2sf)  }
0x41f: {  	s2 =	smov.u32 @p1 s3;
	s3 =	sxor.u32 $0x80000000, s4  }
0x420: {  	p1 =	slt.s32 s2, s3;
	s4 =	spop (v2sf)  }
0x421: {  	s3 =	smov.u32 @p1 s2;
	s2 =	sxor.u32 $0x80000000, s4  }
0x422: {  	p1 =	slt.s32 s3, s2;
	s4 =	spop (v2sf)  }
0x423: {  	s2 =	smov.u32 @p1 s3;
	s3 =	sxor.u32 $0x80000000, s4  }
0x424: {  	p1 =	slt.s32 s2, s3;
	s4 =	spop (v2sf)  }
0x425: {  	s3 =	smov.u32 @p1 s2;
	s2 =	sxor.u32 $0x80000000, s4  }
0x426: {  	p1 =	slt.s32 s3, s2  }
0x427: {  	s2 =	smov.u32 @p1 s3  }
0x428: {  	p1 =	slt.s32 s2, $0x40000000  }
0x429: {  	s2 =	simm.s32 @!p1 $0x40000000  }
0x42a: {  	v14 =	vmov s2;
	_ =	sdelay $0x4  }
0x42b: {  	v15 =	vld.idx.msk [tilespmem:v14+s15+$0x0], $0xffff;
	_ =	sdelay $0x5  }
0x42c: {  	v15 =	vxor.u32 $0x80000000, v15  }
0x42d: {  	(xrf0) =	vmax.scan.msk.u32 $0xffff, v15;
	_ =	sdelay $0x5  }
0x42e: {  	v15, _, _ =	vpop (xrf0)  }
0x42f: {  	(v2sf) =	vpush v15, $0xF;
	_ =	sdelay $0xb  }
0x430: {  	v15 =	vmov s0;
	s0 =	smov.u32 s1;
	_ =	sdelay $0x2  }
0x431: {  	v13 =	vadd.f32 $0.0e+00, v13;
	s2 =	spop (v2sf)  }
0x432: {  	s2 =	sxor.u32 $0x80000000, s2  }
0x433: {  	[tilespmem:v15+s17+$0x0] =	vst.idx.msk $0x1, v13;
	v13 =	vmov s2  }
0x434: {  	[tilespmem:v15+s18+$0x0] =	vst.idx.msk $0x1, v13  }
.Ltmp10:
0x435: {  	[tilespmem:v14+s14+$0x0] =	vst.idx.msk $0x1, v5;
	(pc) =	sbr.rel @p0 .LBB2_23-.Ltmp10, $4  }
0x436: {  	v17 =	vld [tilespmem:$0x19800]  }
0x437: {  	v16 =	vld [tilespmem:$0x19810]  }
0x438: {  	v15 =	vld [tilespmem:$0x19820]  }
0x439: {  	s1 =	sadd.s32 $0x1, s1;
	v14 =	vld [tilespmem:$0x19830]  }
0x43a: {  	v13 =	vld [tilespmem:$0x19840]  }
0x43b: {  	v18 =	vld [tilespmem:$0x19850]  }
0x43c: {  	v20 =	vld [tilespmem:$0x19860];
	v19 =	vmax.f32 v17, v16  }
0x43d: {  	v19 =	vmax.f32 v19, v15  }
0x43e: {  	v19 =	vmax.f32 v19, v14  }
0x43f: {  	v19 =	vmax.f32 v19, v13  }
0x440: {  	v19 =	vmax.f32 v19, v18  }
0x441: {  	v19 =	vmax.f32 v19, v20  }
0x442: {  	(xrf0) =	vmax.scan.msk.f32 $0xffff, v19;
	_ =	sdelay $0x5  }
0x443: {  	v19, _, _ =	vpop (xrf0)  }
0x444: {  	v19 =	vbroadcast v19, $0xF;
	_ =	sdelay $0x1  }
0x445: {  	vm0 =	veq.f32 v17, v19  }
0x446: {  	vm10 =	veq.f32 v16, v19;
	v17 =	vnsel vm0, $0xC0000000, v4  }
0x447: {  	v7 =	vnsel vm10, $0xC0000000, v7;
	(xrf0) =	vmin.scan.msk.u32 $0xffff, v17  }
0x448: {  	vm11 =	veq.f32 v15, v19;
	(xrf0) =	vmin.scan.msk.u32 $0xffff, v7  }
0x449: {  	v7 =	vnsel vm11, $0xC0000000, v8  }
0x44a: {  	vm12 =	veq.f32 v14, v19;
	(xrf0) =	vmin.scan.msk.u32 $0xffff, v7  }
0x44b: {  	v7 =	vnsel vm12, $0xC0000000, v9  }
0x44c: {  	vm13 =	veq.f32 v13, v19;
	(xrf0) =	vmin.scan.msk.u32 $0xffff, v7  }
0x44d: {  	v7 =	vnsel vm13, $0xC0000000, v10;
	v8, _, _ =	vpop (xrf0)  }
0x44e: {  	vm14 =	veq.f32 v18, v19;
	(xrf0) =	vmin.scan.msk.u32 $0xffff, v7;
	(v2sf) =	vpush v8, $0xF;
	v8, _, _ =	vpop (xrf0)  }
0x44f: {  	v7 =	vnsel vm14, $0xC0000000, v11;
	(v2sf) =	vpush v8, $0xF  }
0x450: {  	vm15 =	veq.f32 v20, v19;
	(xrf0) =	vmin.scan.msk.u32 $0xffff, v7;
	v8, _, _ =	vpop (xrf0)  }
0x451: {  	v7 =	vnsel vm15, $0xC0000000, v12;
	(v2sf) =	vpush v8, $0xF  }
0x452: {  	(xrf0) =	vmin.scan.msk.u32 $0xffff, v7;
	v8, _, _ =	vpop (xrf0)  }
0x453: {  	(v2sf) =	vpush v8, $0xF  }
0x454: {  	v7, _, _ =	vpop (xrf0)  }
0x455: {  	(v2sf) =	vpush v7, $0xF  }
0x456: {  	v7, _, _ =	vpop (xrf0)  }
0x457: {  	(v2sf) =	vpush v7, $0xF  }
0x458: {  	v7, _, _ =	vpop (xrf0)  }
0x459: {  	(v2sf) =	vpush v7, $0xF;
	_ =	sdelay $0x3  }
0x45a: {  	s1 =	spop (v2sf)  }
0x45b: {  	s2 =	spop (v2sf)  }
0x45c: {  	s1 =	sxor.u32 $0x80000000, s1;
	s2 =	sxor.u32 $0x80000000, s2  }
0x45d: {  	s3 =	spop (v2sf);
	p0 =	slt.s32 s1, s2  }
0x45e: {  	s2 =	smov.u32 @p0 s1;
	s1 =	sxor.u32 $0x80000000, s3  }
0x45f: {  	s12 =	spop (v2sf);
	p0 =	slt.s32 s2, s1  }
0x460: {  	s1 =	smov.u32 @p0 s2;
	s2 =	sxor.u32 $0x80000000, s12  }
0x461: {  	s19 =	spop (v2sf);
	p0 =	slt.s32 s1, s2  }
0x462: {  	s2 =	smov.u32 @p0 s1;
	s1 =	sxor.u32 $0x80000000, s19  }
0x463: {  	s20 =	spop (v2sf);
	p0 =	slt.s32 s2, s1  }
0x464: {  	s1 =	smov.u32 @p0 s2;
	s2 =	sxor.u32 $0x80000000, s20  }
0x465: {  	s21 =	spop (v2sf);
	p0 =	slt.s32 s1, s2  }
0x466: {  	s2 =	smov.u32 @p0 s1;
	s1 =	sxor.u32 $0x80000000, s21  }
0x467: {  	p0 =	slt.s32 s2, s1  }
0x468: {  	s1 =	smov.u32 @p0 s2  }
0x469: {  	p0 =	slt.s32 s1, $0x40000000  }
0x46a: {  	s1 =	simm.s32 @!p0 $0x40000000  }
0x46b: {  	v7 =	vmov s1;
	_ =	sdelay $0x4  }
0x46c: {  	v8 =	vld.idx.msk [tilespmem:v7+s15+$0x0], $0xffff;
	_ =	sdelay $0x4  }
0x46d: {  	v8 =	vxor.u32 $0x80000000, v8  }
0x46e: {  	(xrf0) =	vmax.scan.msk.u32 $0xffff, v8;
	_ =	sdelay $0x5  }
0x46f: {  	v8, _, _ =	vpop (xrf0)  }
0x470: {  	(v2sf) =	vpush v8, $0xF;
	_ =	sdelay $0xb  }
0x471: {  	v8 =	vmov s0;
	_ =	sdelay $0x2  }
0x472: {  	v48 =	vadd.s32 $0x64, v0;
	v47 =	vadd.f32 $0.0e+00, v19;
	s22 =	spop (v2sf)  }
0x473: {  	s0 =	sxor.u32 $0x80000000, s22  }
0x474: {  	[tilespmem:v8+s17+$0x0] =	vst.idx.msk $0x1, v47;
	v49 =	vmov s0  }
0x475: {  	[tilespmem:v8+s18+$0x0] =	vst.idx.msk $0x1, v49  }
0x476: {  	[tilespmem:v7+s14+$0x0] =	vst.idx.msk $0x1, v5  }
0x477: {  	[tilespmem:v48+s17+$0x0] =	vst.idx.msk $0xfff, v6  }
0x478: {  	[tilespmem:v48+s18+$0x0] =	vst.idx.msk $0xfff, v1  }
0x479: {  	v7 =	vld [tilespmem:$0x19A00];
	_ =	sdelay $0x4  }
0x47a: {  	v8 =	vshll.u32 v7, $0x2  }
0x47b: {  	v7 =	vand.u32 $0x7F, v7;
	v8 =	vand.u32 $0xFFFFFE00, v8  }
0x47c: {  	v7 =	vor.u32 v7, v8;
	_ =	sdelay $0x3  }
0x47d: {  	s23 =	simm.s32 $0x5000  }
0x47e: {  	v8 =	vld.idx.msk [tilespmem:v7+s23+$0x0], $0xffff  }
0x47f: {  	v50 =	vor.u32 $0x80, v7;
	_ =	sdelay $0x3  }
0x480: {  	[tilespmem:$0x19A80] =	vst v8  }
0x481: {  	v8 =	vld.idx.msk [tilespmem:v50+s23+$0x0], $0xffff  }
0x482: {  	v51 =	vor.u32 $0x100, v7;
	_ =	sdelay $0x3  }
0x483: {  	v52 =	vld [tilespmem:$0x19A10];
	[tilespmem:$0x19B00] =	vst v8  }
0x484: {  	v8 =	vld.idx.msk [tilespmem:v51+s23+$0x0], $0xffff  }
0x485: {  	v7 =	vor.u32 $0x180, v7;
	_ =	sdelay $0x3  }
0x486: {  	[tilespmem:$0x19B80] =	vst v8;
	v8 =	vshll.u32 v52, $0x2  }
0x487: {  	v9 =	vand.u32 $0x7F, v52;
	v7 =	vld.idx.msk [tilespmem:v7+s23+$0x0], $0xffff;
	v8 =	vand.u32 $0xFFFFFE00, v8  }
0x488: {  	v8 =	vor.u32 v9, v8;
	_ =	sdelay $0x3  }
0x489: {  	[tilespmem:$0x19C00] =	vst v7  }
0x48a: {  	v7 =	vld.idx.msk [tilespmem:v8+s23+$0x0], $0xffff  }
0x48b: {  	v9 =	vor.u32 $0x80, v8;
	_ =	sdelay $0x3  }
0x48c: {  	[tilespmem:$0x19A90] =	vst v7  }
0x48d: {  	v7 =	vld.idx.msk [tilespmem:v9+s23+$0x0], $0xffff  }
0x48e: {  	v53 =	vor.u32 $0x100, v8;
	_ =	sdelay $0x3  }
0x48f: {  	v54 =	vld [tilespmem:$0x19A20];
	[tilespmem:$0x19B10] =	vst v7  }
0x490: {  	v7 =	vld.idx.msk [tilespmem:v53+s23+$0x0], $0xffff  }
0x491: {  	v8 =	vor.u32 $0x180, v8;
	_ =	sdelay $0x3  }
0x492: {  	[tilespmem:$0x19B90] =	vst v7;
	v7 =	vshll.u32 v54, $0x2  }
0x493: {  	v9 =	vand.u32 $0x7F, v54;
	v8 =	vld.idx.msk [tilespmem:v8+s23+$0x0], $0xffff;
	v7 =	vand.u32 $0xFFFFFE00, v7  }
0x494: {  	v7 =	vor.u32 v9, v7;
	_ =	sdelay $0x3  }
0x495: {  	[tilespmem:$0x19C10] =	vst v8  }
0x496: {  	v8 =	vld.idx.msk [tilespmem:v7+s23+$0x0], $0xffff  }
0x497: {  	v9 =	vor.u32 $0x80, v7;
	_ =	sdelay $0x3  }
0x498: {  	[tilespmem:$0x19AA0] =	vst v8  }
0x499: {  	v8 =	vld.idx.msk [tilespmem:v9+s23+$0x0], $0xffff  }
0x49a: {  	v55 =	vor.u32 $0x100, v7;
	_ =	sdelay $0x3  }
0x49b: {  	v56 =	vld [tilespmem:$0x19A30];
	[tilespmem:$0x19B20] =	vst v8  }
0x49c: {  	v8 =	vld.idx.msk [tilespmem:v55+s23+$0x0], $0xffff  }
0x49d: {  	v7 =	vor.u32 $0x180, v7;
	_ =	sdelay $0x3  }
0x49e: {  	[tilespmem:$0x19BA0] =	vst v8;
	v8 =	vshll.u32 v56, $0x2  }
0x49f: {  	v9 =	vand.u32 $0x7F, v56;
	v7 =	vld.idx.msk [tilespmem:v7+s23+$0x0], $0xffff;
	v8 =	vand.u32 $0xFFFFFE00, v8  }
0x4a0: {  	v8 =	vor.u32 v9, v8;
	_ =	sdelay $0x3  }
0x4a1: {  	[tilespmem:$0x19C20] =	vst v7  }
0x4a2: {  	v7 =	vld.idx.msk [tilespmem:v8+s23+$0x0], $0xffff  }
0x4a3: {  	v9 =	vor.u32 $0x80, v8;
	_ =	sdelay $0x3  }
0x4a4: {  	[tilespmem:$0x19AB0] =	vst v7  }
0x4a5: {  	v7 =	vld.idx.msk [tilespmem:v9+s23+$0x0], $0xffff  }
0x4a6: {  	v57 =	vor.u32 $0x100, v8;
	_ =	sdelay $0x3  }
0x4a7: {  	v58 =	vld [tilespmem:$0x19A40];
	[tilespmem:$0x19B30] =	vst v7  }
0x4a8: {  	v7 =	vld.idx.msk [tilespmem:v57+s23+$0x0], $0xffff  }
0x4a9: {  	v8 =	vor.u32 $0x180, v8;
	_ =	sdelay $0x3  }
0x4aa: {  	[tilespmem:$0x19BB0] =	vst v7;
	v7 =	vshll.u32 v58, $0x2  }
0x4ab: {  	v9 =	vand.u32 $0x7F, v58;
	v8 =	vld.idx.msk [tilespmem:v8+s23+$0x0], $0xffff;
	v7 =	vand.u32 $0xFFFFFE00, v7  }
0x4ac: {  	v7 =	vor.u32 v9, v7;
	_ =	sdelay $0x3  }
0x4ad: {  	[tilespmem:$0x19C30] =	vst v8  }
0x4ae: {  	v8 =	vld.idx.msk [tilespmem:v7+s23+$0x0], $0xffff  }
0x4af: {  	v9 =	vor.u32 $0x80, v7;
	_ =	sdelay $0x3  }
0x4b0: {  	[tilespmem:$0x19AC0] =	vst v8  }
0x4b1: {  	v8 =	vld.idx.msk [tilespmem:v9+s23+$0x0], $0xffff  }
0x4b2: {  	v59 =	vor.u32 $0x100, v7;
	_ =	sdelay $0x3  }
0x4b3: {  	v60 =	vld [tilespmem:$0x19A50];
	[tilespmem:$0x19B40] =	vst v8  }
0x4b4: {  	v8 =	vld.idx.msk [tilespmem:v59+s23+$0x0], $0xffff  }
0x4b5: {  	v7 =	vor.u32 $0x180, v7;
	_ =	sdelay $0x3  }
0x4b6: {  	[tilespmem:$0x19BC0] =	vst v8;
	v8 =	vshll.u32 v60, $0x2  }
0x4b7: {  	v9 =	vand.u32 $0x7F, v60;
	v7 =	vld.idx.msk [tilespmem:v7+s23+$0x0], $0xffff;
	v8 =	vand.u32 $0xFFFFFE00, v8  }
0x4b8: {  	v8 =	vor.u32 v9, v8;
	_ =	sdelay $0x3  }
0x4b9: {  	[tilespmem:$0x19C40] =	vst v7  }
0x4ba: {  	v7 =	vld.idx.msk [tilespmem:v8+s23+$0x0], $0xffff  }
0x4bb: {  	v9 =	vor.u32 $0x80, v8;
	_ =	sdelay $0x3  }
0x4bc: {  	[tilespmem:$0x19AD0] =	vst v7  }
0x4bd: {  	v7 =	vld.idx.msk [tilespmem:v9+s23+$0x0], $0xffff  }
0x4be: {  	v61 =	vor.u32 $0x100, v8;
	_ =	sdelay $0x3  }
0x4bf: {  	v62 =	vld [tilespmem:$0x19A60];
	[tilespmem:$0x19B50] =	vst v7  }
0x4c0: {  	v7 =	vld.idx.msk [tilespmem:v61+s23+$0x0], $0xffff  }
0x4c1: {  	v8 =	vor.u32 $0x180, v8;
	_ =	sdelay $0x3  }
0x4c2: {  	[tilespmem:$0x19BD0] =	vst v7;
	v7 =	vshll.u32 v62, $0x2  }
0x4c3: {  	v9 =	vand.u32 $0x7F, v62;
	v8 =	vld.idx.msk [tilespmem:v8+s23+$0x0], $0xffff;
	v7 =	vand.u32 $0xFFFFFE00, v7  }
0x4c4: {  	v7 =	vor.u32 v9, v7;
	_ =	sdelay $0x3  }
0x4c5: {  	[tilespmem:$0x19C50] =	vst v8  }
0x4c6: {  	v8 =	vld.idx.msk [tilespmem:v7+s23+$0x0], $0xffff  }
0x4c7: {  	v9 =	vor.u32 $0x80, v7;
	_ =	sdelay $0x3  }
0x4c8: {  	[tilespmem:$0x19AE0] =	vst v8  }
0x4c9: {  	v8 =	vld.idx.msk [tilespmem:v9+s23+$0x0], $0xffff  }
0x4ca: {  	v63 =	vor.u32 $0x100, v7;
	_ =	sdelay $0x3  }
0x4cb: {  	[tilespmem:$0x19B60] =	vst v8  }
0x4cc: {  	v8 =	vld.idx.msk [tilespmem:v63+s23+$0x0], $0xffff  }
0x4cd: {  	v7 =	vor.u32 $0x180, v7;
	_ =	sdelay $0x3  }
0x4ce: {  	[tilespmem:$0x19BE0] =	vst v8  }
0x4cf: {  	v7 =	vld.idx.msk [tilespmem:v7+s23+$0x0], $0xffff  }
0x4d0: {  	s24 =	rddreg [dreg:$0xb]  }
0x4d1: {  	s25 =	rddreg [dreg:$0xc];
	s0 =	sshll.u32 s24, $0xA  }
0x4d2: {  	s0 =	sor.u32 s25, s0  }
0x4d3: {  	s26 =	rddreg [dreg:$0x4];
	s0 =	sshrl.u32 s0, $0x3  }
0x4d4: {  	s3 =	simm.s32 $0x1;
	s0 =	sadd.s32 s26, s0;
	[tilespmem:$0x19C60] =	vst v7  }
0x4d5: {  	[hbm4b:s0+s6] =	stream.linear.scatter [tilespmem:s17], [sflag:$0x1], $0x80, $0x38;
	[tilespmem:$0x19C80] =	vst v63  }
0x4d6: {  	_ =	swait.ge [sflag:s3], $0x80  }
0x4d7: {  	s28 =	rddreg [dreg:$0xa];
	[sflag:s3] =	ssyncset.done $0x0  }
0x4d8: {  	s0 =	sshll.u32 s28, $0x6;
	[sflag:s3] =	ssyncadd.s32 $0xFFFFFF80  }
0x4d9: {  	s0 =	sand.u32 $0x1FFFFFC0, s0;
	s29 =	rddreg [dreg:$0x1]  }
0x4da: {  	s30 =	simm.s32 $0x19A80;
	s0 =	sadd.s32 s29, s0  }
0x4db: {  	[hbm4b:s0+s6] =	stream.linear.scatter [tilespmem:s30], [sflag:$0x1], $0x200, $0x38;
	[tilespmem:$0x19C80] =	vst v63  }
0x4dc: {  	_ =	swait.ge [sflag:s3], $0x200  }
0x4dd: {  	s31 =	rddreg [dreg:$0x9]  }
0x4de: {  	s1 =	sadd.s32 $0x1, s31  }
0x4df: {  	p0 =	sne.s32 s1, $0x14  }
.Ltmp11:
0x4e0: {  	_ = 	snop;
	(pc) =	sbr.rel @p0 .LBB2_2-.Ltmp11, $3  }
0x4e1: {  	_ =	sdelay $0x1  }
0x4e2: {  	[sflag:s3] =	ssyncset.done $0x0  }
0x4e3: {  	s2 =	simm.s32 $0x5000;
	[sflag:s3] =	ssyncadd.s32 $0xFFFFFE00  }
0x4e4: {  	s1 =	rddreg [dreg:$0x8]  }
0x4e5: {  	s0 =	rddreg [dreg:$0x7];
	s1 =	sadd.s32 $0x1, s1  }
0x4e6: {  	p0 =	sne.s32 s1, s0  }
.Ltmp12:
0x4e7: {  	_ = 	snop;
	(pc) =	sbr.rel @p0 .LBB2_1-.Ltmp12, $1  }
0x4e8: {  	_ =	sdelay $0x3  }
0x4e9: {  	_ =	sfence.sel $0x180000  }
0x4ea: {  	[bflag:$0x0] =	sbarrier.arrive $0xFFFF  }
0x4eb: {  	_ =	strace $0x90000047  }
0x4ec: {  	s0 =	stileid.u32;
	[bflag:$0x2] =	sbarrier.arrive $0xFFFF  }
0x4ed: {  	p0 =	sne.s32 s0, $0x0;
	s0 =	rddreg [dreg:$0x2]  }
0x4ee: {  	s0 =	sadd.s32 @!p0 $0x100000, s0  }
0x4ef: {  	[sflag:s0] =	ssyncadd.tile.s32 @!p0 $0x1;
	_ =	shalt  }
.Lfunc_end2:
_tile_overlayer_lowered:
.L_overlay_start_2:
0x4f0: {  	(tag) =	ssettag $0x2  }
0x4f1: {  	s0 =	rddreg [dreg:$0x0];
	s2 =	stileid.u32  }
0x4f2: {  	s1 =	rddreg [dreg:$0x1];
	p0 =	sne.s32 s2, $0x0  }
0x4f3: {  	s3 =	rddreg [dreg:$0x2];
	[bflag:$0x3] =	sbarrier.arrive $0xFFFF;
	s2 =	simm.s32 @!p0 $0x1C01  }
0x4f4: {  	[timem:s3], [sflag:s2] =	dma.local @!p0 [hbm:s0], s1  }
0x4f5: {  	s0 =	simm.s32 @!p0 $0x1  }
0x4f6: {  	_ =	swait.ge @!p0 [sflag:s0], s1  }
0x4f7: {  	s1 =	ssub.s32 @!p0 $0x0, s1;
	[sflag:s0] =	ssyncset.done @!p0 $0x0  }
0x4f8: {  	[sflag:s0] =	ssyncadd.s32 @!p0 s1  }
0x4f9: {  	[bflag:$0x3] =	sbarrier.arrive $0xFFFF  }
0x4fa: {  	_ =	shalt  }

</sc_bundles>
